<compile_context>
chip_gen: v7x
topology: tpu7x:2x2x1
jax: 0.10.2.dev20260603
libtpu: 0.0.44.dev20260713+nightly
codegen_flags: <defaults>
</compile_context>

<pallas_src>
import jax
import jax.numpy as jnp
from jax import lax
from jax.experimental import pallas as pl
from jax.experimental.pallas import tpu as pltpu
from jax.experimental.pallas import tpu_sc as plsc

N = 10000
E = 160000
HIDDEN = 256
HEADS = 8
HEAD_DIM = HIDDEN // HEADS
HH = HEADS // 2
HC = HEAD_DIM * HH

NUM_TILES = 16
SUB = 64
EP = ((E + NUM_TILES * 4 * SUB - 1) // (NUM_TILES * 4 * SUB)) * (NUM_TILES * 4 * SUB)
EDGES_PER_TILE = EP // NUM_TILES
NSUB = EDGES_PER_TILE // SUB
NQUAD = NSUB // 4
PAD_ROW = N
NPAD = 10240
ROWS_PER_TILE = NPAD // NUM_TILES



def _proj_body(h_ref, w_ref, b_ref, out_ref):
    out_ref[0] = (
        jnp.dot(h_ref[...], w_ref[0], preferred_element_type=jnp.float32)
        + b_ref[0, 0:1, :]
    ).astype(jnp.bfloat16)


def _project(h, w6, b6):
    blk = 400
    grid = (N // blk, 6)
    return pl.pallas_call(
        _proj_body,
        grid=grid,
        in_specs=[
            pl.BlockSpec((blk, HIDDEN), lambda i, j: (i, 0)),
            pl.BlockSpec((1, HIDDEN, HC), lambda i, j: (j, 0, 0)),
            pl.BlockSpec((1, 8, HC), lambda i, j: (j, 0, 0)),
        ],
        out_specs=pl.BlockSpec((1, blk, HC), lambda i, j: (j, i, 0)),
        out_shape=jax.ShapeDtypeStruct((6, N, HC), jnp.bfloat16),
    )(h, w6, b6)



def _sc_body(qkv, rowp, colp, evp, out_e_hbm, out_o_hbm, ex_hbm,
             s_sh, out_e_sh, out_o_sh,
             rowb0, rowb1, rowb2, rowb3,
             colb0, colb1, colb2, colb3,
             evb0, evb1, evb2, evb3,
             qix0, qix1, gix0, gix1,
             gbuf0, gbuf1,
             wve0, wve1, wvo0, wvo1,
             ex0, ex1, sc0, sc1,
             semi, semq0, semq1, semk0, semk1,
             semx0, semx1, sems0, sems1):
    c = lax.axis_index("c")
    s = lax.axis_index("s")
    tb = s * EDGES_PER_TILE

    rowb = (rowb0, rowb1, rowb2, rowb3)
    colb = (colb0, colb1, colb2, colb3)
    evb = (evb0, evb1, evb2, evb3)
    qix = (qix0, qix1)
    gix = (gix0, gix1)
    gbuf = (gbuf0, gbuf1)
    wve = (wve0, wve1)
    wvo = (wvo0, wvo1)
    ex2 = (ex0, ex1)
    sc2 = (sc0, sc1)
    semq = (semq0, semq1)
    semk = (semk0, semk1)
    semx = (semx0, semx1)
    sems = (sems0, sems1)

    lane = lax.iota(jnp.int32, 16)
    rot8 = lane ^ 8
    rot4 = lane ^ 4
    zeros16 = jnp.zeros((16,), jnp.float32)

    def _zero_wv(i, _):
        for j in range(64 // 16):
            wve0[i, pl.ds(j * 16, 16)] = zeros16
        return 0
    lax.fori_loop(0, SUB, _zero_wv, 0)

    def _zero_ex(i, _):
        ex0[i, :] = zeros16
        return 0
    lax.fori_loop(0, SUB, _zero_ex, 0)

    for z in range(ROWS_PER_TILE // SUB):
        zb = s * ROWS_PER_TILE + z * SUB
        pltpu.sync_copy(wve0, out_e_sh.at[pl.ds(zb, SUB)])
        pltpu.sync_copy(wve0, out_o_sh.at[pl.ds(zb, SUB)])
        pltpu.sync_copy(ex0, s_sh.at[pl.ds(zb, SUB)])
    plsc.subcore_barrier()

    qoff = c * N
    koff = (2 + c) * N
    voff = (4 + c) * N
    exbase = c * EP + tb

    def _mkix(dst, src, off):
        def body(j, _):
            dst[pl.ds(j * 16, 16)] = src[pl.ds(j * 16, 16)] + off
            return 0
        lax.fori_loop(0, SUB // 16, body, 0)

    def _mkix2(dst, src_a, off_a, src_b, off_b):
        def body(j, _):
            dst[pl.ds(j * 16, 16)] = src_a[pl.ds(j * 16, 16)] + off_a
            dst[pl.ds(SUB + j * 16, 16)] = src_b[pl.ds(j * 16, 16)] + off_b
            return 0
        lax.fori_loop(0, SUB // 16, body, 0)

    def _load_idx_sync(slot, i):
        base = tb + i * SUB
        pltpu.sync_copy(rowp.at[pl.ds(base, SUB)], rowb[slot])
        pltpu.sync_copy(colp.at[pl.ds(base, SUB)], colb[slot])
        pltpu.sync_copy(evp.at[pl.ds(base, SUB)], evb[slot])

    def _issue_idx(slot, i, with_ev):
        base = tb + i * SUB
        pltpu.async_copy(rowp.at[pl.ds(base, SUB)], rowb[slot], semi)
        pltpu.async_copy(colp.at[pl.ds(base, SUB)], colb[slot], semi)
        if with_ev:
            pltpu.async_copy(evp.at[pl.ds(base, SUB)], evb[slot], semi)

    def _wait_idx(with_ev):
        n = 3 if with_ev else 2
        for _ in range(n):
            pltpu.make_async_copy(rowp.at[pl.ds(0, SUB)], rowb0, semi).wait()

    LIM_B = [(NSUB - 2 - q) // 4 + 1 for q in range(4)]
    LIM_C = [(NSUB - 3 - q) // 4 + 1 for q in range(4)]

    def _when_lim(m, lim):
        if lim >= NQUAD:
            return pl.when(m >= 0)
        return pl.when(m < lim)

    def _pass_a_step(m, q):
        i = 4 * m + q
        p = q % 2
        slot_i = q
        slot_n = (q + 1) % 4

        def _drain():
            pltpu.make_async_copy(ex2[p], ex_hbm.at[pl.ds(exbase, SUB)],
                                  semx[p]).wait()
            pltpu.make_async_copy(ex2[p], s_sh.at[pl.ds(0, SUB)],
                                  sems[p]).wait()
        if q < 2:
            pl.when(m > 0)(_drain)
        else:
            _drain()

        @_when_lim(m, LIM_B[q])
        def _():
            _wait_idx(True)
            _mkix2(gix[1 - p], rowb[slot_n], qoff, colb[slot_n], koff)
            pltpu.async_copy(qkv.at[gix[1 - p]], gbuf[1 - p], semq[1 - p])

        @_when_lim(m, LIM_C[q])
        def _():
            _issue_idx((q + 2) % 4, i + 2, True)

        pltpu.make_async_copy(qkv.at[gix[p]], gbuf[p], semq[p]).wait()

        exd = ex2[p]
        qrp = gbuf[p]
        evd = evb[slot_i]

        def _edge(ed, _):
            acc = zeros16
            for t in range(HC // 32):
                u0q, u1q = plsc.unpack(qrp[ed, pl.ds(t * 32, 32)],
                                       format=plsc.PackFormat.INTERLEAVED)
                u0k, u1k = plsc.unpack(qrp[SUB + ed, pl.ds(t * 32, 32)],
                                       format=plsc.PackFormat.INTERLEAVED)
                acc = acc + u0q * u0k + u1q * u1k
            acc = acc + acc.at[rot8].get(mode="promise_in_bounds")
            acc = acc + acc.at[rot4].get(mode="promise_in_bounds")
            grp = evd[pl.ds((ed // 16) * 16, 16)]
            ev = grp.at[jnp.full((16,), ed % 16, jnp.int32)].get(
                mode="promise_in_bounds")
            exd[ed, :] = jnp.exp(acc * ev)
            return 0
        lax.fori_loop(0, SUB, _edge, 0)

        pltpu.async_copy(ex2[p], s_sh.at[rowb[slot_i]], sems[p], add=True)
        pltpu.async_copy(ex2[p], ex_hbm.at[pl.ds(exbase + i * SUB, SUB)],
                         semx[p])
        return 0

    _load_idx_sync(0, 0)
    _mkix2(gix[0], rowb[0], qoff, colb[0], koff)
    pltpu.async_copy(qkv.at[gix[0]], gbuf[0], semq[0])
    _issue_idx(1, 1, True)

    def _quad_a(m, _):
        for q in range(4):
            _pass_a_step(m, q)
        return 0
    lax.fori_loop(0, NQUAD, _quad_a, 0)

    for p in range(2):
        pltpu.make_async_copy(ex2[p], ex_hbm.at[pl.ds(exbase, SUB)],
                              semx[p]).wait()
        pltpu.make_async_copy(ex2[p], s_sh.at[pl.ds(0, SUB)], sems[p]).wait()

    plsc.subcore_barrier()

    def _pass_b_step(m, q):
        i = 4 * m + q
        p = q % 2
        slot_i = q
        slot_n = (q + 1) % 4

        def _drain():
            pltpu.make_async_copy(wve[p], out_e_sh.at[pl.ds(0, SUB)],
                                  sems[p]).wait()
            pltpu.make_async_copy(wvo[p], out_o_sh.at[pl.ds(0, SUB)],
                                  sems[p]).wait()
        if q < 2:
            pl.when(m > 0)(_drain)
        else:
            _drain()

        @_when_lim(m, LIM_B[q])
        def _():
            _wait_idx(False)
            _mkix(qix[1 - p], colb[slot_n], voff)
            pltpu.async_copy(qkv.at[qix[1 - p]],
                             gbuf[1 - p].at[pl.ds(0, SUB)], semq[1 - p])
            pltpu.async_copy(s_sh.at[rowb[slot_n]], sc2[1 - p], semk[1 - p])
            pltpu.async_copy(ex_hbm.at[pl.ds(exbase + (i + 1) * SUB, SUB)],
                             ex2[1 - p], semx[1 - p])

        @_when_lim(m, LIM_C[q])
        def _():
            _issue_idx((q + 2) % 4, i + 2, False)

        pltpu.make_async_copy(qkv.at[qix[p]],
                              gbuf[p].at[pl.ds(0, SUB)], semq[p]).wait()
        pltpu.make_async_copy(s_sh.at[rowb[slot_i]], sc2[p], semk[p]).wait()
        pltpu.make_async_copy(ex_hbm.at[pl.ds(0, SUB)], ex2[p], semx[p]).wait()

        vrp = gbuf[p]
        wep = wve[p]
        wop = wvo[p]
        exd = ex2[p]
        scd = sc2[p]

        def _edge(ed, _):
            w = exd[ed, :] / scd[ed, :]
            for t in range(HC // 32):
                u0, u1 = plsc.unpack(vrp[ed, pl.ds(t * 32, 32)],
                                     format=plsc.PackFormat.INTERLEAVED)
                wep[ed, pl.ds(t * 16, 16)] = w * u0
                wop[ed, pl.ds(t * 16, 16)] = w * u1
            return 0
        lax.fori_loop(0, SUB, _edge, 0)

        pltpu.async_copy(wve[p], out_e_sh.at[rowb[slot_i]], sems[p], add=True)
        pltpu.async_copy(wvo[p], out_o_sh.at[rowb[slot_i]], sems[p], add=True)
        return 0

    _load_idx_sync(0, 0)
    _mkix(qix[0], colb[0], voff)
    pltpu.async_copy(qkv.at[qix[0]], gbuf[0].at[pl.ds(0, SUB)], semq[0])
    pltpu.async_copy(s_sh.at[rowb[0]], sc2[0], semk[0])
    pltpu.async_copy(ex_hbm.at[pl.ds(exbase, SUB)], ex2[0], semx[0])
    _issue_idx(1, 1, False)

    def _quad_b(m, _):
        for q in range(4):
            _pass_b_step(m, q)
        return 0
    lax.fori_loop(0, NQUAD, _quad_b, 0)

    for p in range(2):
        pltpu.make_async_copy(wve[p], out_e_sh.at[pl.ds(0, SUB)],
                              sems[p]).wait()
        pltpu.make_async_copy(wvo[p], out_o_sh.at[pl.ds(0, SUB)],
                              sems[p]).wait()

    plsc.subcore_barrier()

    for z in range(ROWS_PER_TILE // SUB):
        zb = s * ROWS_PER_TILE + z * SUB
        pltpu.sync_copy(out_e_sh.at[pl.ds(zb, SUB)],
                        out_e_hbm.at[pl.ds(c * NPAD + zb, SUB)])
        pltpu.sync_copy(out_o_sh.at[pl.ds(zb, SUB)],
                        out_o_hbm.at[pl.ds(c * NPAD + zb, SUB)])


def _sparse_attention(qkv_flat, rowp, colp, evp):
    mesh = plsc.VectorSubcoreMesh(core_axis_name="c", subcore_axis_name="s")
    fn = pl.kernel(
        _sc_body,
        out_type=[
            jax.ShapeDtypeStruct((2 * NPAD, HC // 2), jnp.float32),
            jax.ShapeDtypeStruct((2 * NPAD, HC // 2), jnp.float32),
            jax.ShapeDtypeStruct((2 * EP, 16), jnp.float32),
        ],
        mesh=mesh,
        compiler_params=pltpu.CompilerParams(use_tc_tiling_on_sc=False,
                                             needs_layout_passes=False),
        scratch_types=[
            pltpu.VMEM_SHARED((NPAD, 16), jnp.float32),
            pltpu.VMEM_SHARED((NPAD, HC // 2), jnp.float32),
            pltpu.VMEM_SHARED((NPAD, HC // 2), jnp.float32),
            pltpu.VMEM((SUB,), jnp.int32),
            pltpu.VMEM((SUB,), jnp.int32),
            pltpu.VMEM((SUB,), jnp.int32),
            pltpu.VMEM((SUB,), jnp.int32),
            pltpu.VMEM((SUB,), jnp.int32),
            pltpu.VMEM((SUB,), jnp.int32),
            pltpu.VMEM((SUB,), jnp.int32),
            pltpu.VMEM((SUB,), jnp.int32),
            pltpu.VMEM((SUB,), jnp.float32),
            pltpu.VMEM((SUB,), jnp.float32),
            pltpu.VMEM((SUB,), jnp.float32),
            pltpu.VMEM((SUB,), jnp.float32),
            pltpu.VMEM((SUB,), jnp.int32),
            pltpu.VMEM((SUB,), jnp.int32),
            pltpu.VMEM((2 * SUB,), jnp.int32),
            pltpu.VMEM((2 * SUB,), jnp.int32),
            pltpu.VMEM((2 * SUB, HC), jnp.bfloat16),
            pltpu.VMEM((2 * SUB, HC), jnp.bfloat16),
            pltpu.VMEM((SUB, HC // 2), jnp.float32),
            pltpu.VMEM((SUB, HC // 2), jnp.float32),
            pltpu.VMEM((SUB, HC // 2), jnp.float32),
            pltpu.VMEM((SUB, HC // 2), jnp.float32),
            pltpu.VMEM((SUB, 16), jnp.float32),
            pltpu.VMEM((SUB, 16), jnp.float32),
            pltpu.VMEM((SUB, 16), jnp.float32),
            pltpu.VMEM((SUB, 16), jnp.float32),
            pltpu.SemaphoreType.DMA,
            pltpu.SemaphoreType.DMA,
            pltpu.SemaphoreType.DMA,
            pltpu.SemaphoreType.DMA,
            pltpu.SemaphoreType.DMA,
            pltpu.SemaphoreType.DMA,
            pltpu.SemaphoreType.DMA,
            pltpu.SemaphoreType.DMA,
            pltpu.SemaphoreType.DMA,
        ],
    )
    out_e, out_o, _ex = fn(qkv_flat, rowp, colp, evp)
    return out_e, out_o



def kernel(h, edge_index, edge_val, Wq, bq, Wk, bk, Wv, bv):
    scaling = HEAD_DIM ** (-0.5)

    pp = jnp.arange(HC, dtype=jnp.int32)
    hp = (pp // 2) % HH
    dp = 2 * (pp // 8) + (pp % 2)
    col_a = dp * HEADS + hp
    col_b = col_a + HH

    wq_s = Wq * scaling
    bq_s = bq * scaling
    w6 = jnp.stack([
        wq_s[col_a].T, wq_s[col_b].T,
        Wk[col_a].T, Wk[col_b].T,
        Wv[col_a].T, Wv[col_b].T,
    ])
    b6 = jnp.stack([
        bq_s[col_a], bq_s[col_b],
        bk[col_a], bk[col_b],
        bv[col_a], bv[col_b],
    ])
    b6 = jnp.broadcast_to(b6[:, None, :], (6, 8, HC))

    qkv = _project(h, w6, b6)
    qkv_flat = qkv.reshape(6 * N, HC)

    row = edge_index[0]
    col = edge_index[1]
    pad = EP - E
    rowp = jnp.concatenate([row, jnp.full((pad,), PAD_ROW, jnp.int32)])
    colp = jnp.concatenate([col, jnp.zeros((pad,), jnp.int32)])
    evp = jnp.concatenate([edge_val, jnp.zeros((pad,), jnp.float32)])

    out_e, out_o = _sparse_attention(qkv_flat, rowp, colp, evp)

    both = jnp.concatenate(
        [out_e[:N], out_o[:N], out_e[NPAD:NPAD + N], out_o[NPAD:NPAD + N]],
        axis=1)
    p = jnp.arange(HIDDEN, dtype=jnp.int32)
    hh = p % HEADS
    dd = p // HEADS
    inv = ((hh >= HH) * 2 + dd % 2) * (HC // 2) + (dd // 2) * HH + hh % HH
    return both[:, inv]

# --- scband reference (transcript-rebuilt; emitter-appended) ---
"""Pipeline reference for scband-sparse-mha-23785528886210 (READ-ONLY COPY).

The authoritative reference and input builder live on the scoring server;
editing this copy changes nothing except your own understanding.
"""

import jax, jax.numpy as jnp
import numpy as np

N = 10000
E = 160000
HIDDEN = 256
HEADS = 8
HEAD_DIM = HIDDEN // HEADS


def setup_inputs(seed: int = 0) -> dict:
    key = jax.random.key(seed)
    ks = jax.random.split(key, 10)
    h = jax.random.normal(ks[0], (N, HIDDEN), dtype=jnp.float32)
    edge_index = jax.random.randint(ks[1], (2, E), 0, N, dtype=jnp.int32)
    edge_val = jax.random.uniform(ks[2], (E,), dtype=jnp.float32)
    Wq = jax.random.normal(ks[3], (HIDDEN, HIDDEN), dtype=jnp.float32) * 0.02
    bq = jnp.zeros((HIDDEN,), dtype=jnp.float32)
    Wk = jax.random.normal(ks[4], (HIDDEN, HIDDEN), dtype=jnp.float32) * 0.02
    bk = jnp.zeros((HIDDEN,), dtype=jnp.float32)
    Wv = jax.random.normal(ks[5], (HIDDEN, HIDDEN), dtype=jnp.float32) * 0.02
    bv = jnp.zeros((HIDDEN,), dtype=jnp.float32)
    return {"h": h, "edge_index": edge_index, "edge_val": edge_val,
            "Wq": Wq, "bq": bq, "Wk": Wk, "bk": bk, "Wv": Wv, "bv": bv}


def reference(h, edge_index, edge_val, Wq, bq, Wk, bk, Wv, bv):
    # SparseMHA: sddmm(A, q, k^T) -> sparse softmax per row -> spmm(attn, v)
    Nn = h.shape[0]
    scaling = HEAD_DIM ** (-0.5)
    q = (h @ Wq.T + bq).reshape(Nn, HEAD_DIM, HEADS) * scaling
    k = (h @ Wk.T + bk).reshape(Nn, HEAD_DIM, HEADS)
    v = (h @ Wv.T + bv).reshape(Nn, HEAD_DIM, HEADS)
    row = edge_index[0]
    col = edge_index[1]
    # bsddmm: A.val * (q @ k^T) evaluated only at edge positions, per head
    logits = jnp.einsum('edh,edh->eh', q[row], k[col]) * edge_val[:, None]
    # sparse row-wise softmax (segment softmax over destination rows)
    m = jax.ops.segment_max(logits, row, num_segments=Nn)
    m = jnp.where(jnp.isfinite(m), m, 0.0)
    ex = jnp.exp(logits - m[row])
    s = jax.ops.segment_sum(ex, row, num_segments=Nn)
    attn = ex / jnp.maximum(s[row], 1e-20)
    # bspmm: out[r] = sum_{e: row[e]==r} attn[e] * v[col[e]]
    weighted = attn[:, None, :] * v[col]
    out = jax.ops.segment_sum(weighted, row, num_segments=Nn)
    return out.reshape(Nn, -1)

if __name__ == "__main__":
    import jax
    _d = setup_inputs()
    print(jax.jit(kernel)(*tuple(_d.values())))

</pallas_src>

<mosaic_0001>
#map = affine_map<(d0, d1) -> (0, 0)>
#map1 = affine_map<(d0, d1) -> (0)>
module attributes {stable_mosaic.version = 14 : i64} {
  func.func @_sc_body(%arg0: i32, %arg1: i32, %arg2: memref<60000x128xbf16, #tpu.memory_space<hbm>>, %arg3: memref<163840xi32, #tpu.memory_space<hbm>>, %arg4: memref<163840xi32, #tpu.memory_space<hbm>>, %arg5: memref<163840xf32, #tpu.memory_space<hbm>>, %arg6: memref<20480x64xf32, #tpu.memory_space<hbm>>, %arg7: memref<20480x64xf32, #tpu.memory_space<hbm>>, %arg8: memref<327680x16xf32, #tpu.memory_space<hbm>>, %arg9: memref<10240x16xf32, #tpu.memory_space<vmem_shared>>, %arg10: memref<10240x64xf32, #tpu.memory_space<vmem_shared>>, %arg11: memref<10240x64xf32, #tpu.memory_space<vmem_shared>>, %arg12: memref<64xi32, #tpu.memory_space<vmem>>, %arg13: memref<64xi32, #tpu.memory_space<vmem>>, %arg14: memref<64xi32, #tpu.memory_space<vmem>>, %arg15: memref<64xi32, #tpu.memory_space<vmem>>, %arg16: memref<64xi32, #tpu.memory_space<vmem>>, %arg17: memref<64xi32, #tpu.memory_space<vmem>>, %arg18: memref<64xi32, #tpu.memory_space<vmem>>, %arg19: memref<64xi32, #tpu.memory_space<vmem>>, %arg20: memref<64xf32, #tpu.memory_space<vmem>>, %arg21: memref<64xf32, #tpu.memory_space<vmem>>, %arg22: memref<64xf32, #tpu.memory_space<vmem>>, %arg23: memref<64xf32, #tpu.memory_space<vmem>>, %arg24: memref<64xi32, #tpu.memory_space<vmem>>, %arg25: memref<64xi32, #tpu.memory_space<vmem>>, %arg26: memref<128xi32, #tpu.memory_space<vmem>>, %arg27: memref<128xi32, #tpu.memory_space<vmem>>, %arg28: memref<128x128xbf16, #tpu.memory_space<vmem>>, %arg29: memref<128x128xbf16, #tpu.memory_space<vmem>>, %arg30: memref<64x64xf32, #tpu.memory_space<vmem>>, %arg31: memref<64x64xf32, #tpu.memory_space<vmem>>, %arg32: memref<64x64xf32, #tpu.memory_space<vmem>>, %arg33: memref<64x64xf32, #tpu.memory_space<vmem>>, %arg34: memref<64x16xf32, #tpu.memory_space<vmem>>, %arg35: memref<64x16xf32, #tpu.memory_space<vmem>>, %arg36: memref<64x16xf32, #tpu.memory_space<vmem>>, %arg37: memref<64x16xf32, #tpu.memory_space<vmem>>, %arg38: memref<!tpu.dma_semaphore, #tpu.memory_space<semaphore_mem>>, %arg39: memref<!tpu.dma_semaphore, #tpu.memory_space<semaphore_mem>>, %arg40: memref<!tpu.dma_semaphore, #tpu.memory_space<semaphore_mem>>, %arg41: memref<!tpu.dma_semaphore, #tpu.memory_space<semaphore_mem>>, %arg42: memref<!tpu.dma_semaphore, #tpu.memory_space<semaphore_mem>>, %arg43: memref<!tpu.dma_semaphore, #tpu.memory_space<semaphore_mem>>, %arg44: memref<!tpu.dma_semaphore, #tpu.memory_space<semaphore_mem>>, %arg45: memref<!tpu.dma_semaphore, #tpu.memory_space<semaphore_mem>>, %arg46: memref<!tpu.dma_semaphore, #tpu.memory_space<semaphore_mem>>) attributes {dimension_semantics = [#tpu.dimension_semantics<core_parallel>, #tpu.dimension_semantics<subcore_parallel>], iteration_bounds = array<i64: 2, 16>, scalar_prefetch = 0 : i64, scratch_operands = 38 : i64, tpu.core_type = #tpu.core_type<sc_vector_subcore>, window_params = [{transform_indices = #map}, {transform_indices = #map1}, {transform_indices = #map1}, {transform_indices = #map1}, {transform_indices = #map}, {transform_indices = #map}, {transform_indices = #map}]} {
    %mul3A = arith.constant 10240 : i32
    %mul3A_0 = arith.muli %arg1, %mul3A : i32
    %iota3A = tpu.iota {dimensions = array<i32: 0>} : vector<16xi32>
    %xor3A = arith.constant 8 : i32
    %xor3A_1 = vector.broadcast %xor3A : i32 to vector<16xi32>
    %xor3A_2 = arith.xori %iota3A, %xor3A_1 : vector<16xi32>
    %xor3A_3 = arith.constant 4 : i32
    %xor3A_4 = vector.broadcast %xor3A_3 : i32 to vector<16xi32>
    %xor3A_5 = arith.xori %iota3A, %xor3A_4 : vector<16xi32>
    %broadcast_in_dim3A = arith.constant 0.000000e+00 : f32
    %broadcast_in_dim3A_6 = vector.broadcast %broadcast_in_dim3A : f32 to vector<16xf32>
    %scan3A = arith.constant 0 : i32
    %scan3A_7 = arith.constant 0 : i32
    %scan3A_8 = arith.constant 64 : i32
    %scan3A_9 = arith.addi %scan3A_7, %scan3A_8 : i32
    %scan3A_10 = arith.constant 1 : i32
    %scan3A_11 = scf.for %scan3A_278 = %scan3A_7 to %scan3A_9 step %scan3A_10 iter_args(%scan3A_279 = %scan3A) -> (i32)  : i32 {
      %swap3A = arith.index_cast %scan3A_278 : i32 to index
      %swap3A_280 = arith.constant 0 : index
      %swap3A_281 = tpu.vector_load %arg30[%swap3A, %swap3A_280] {strides = array<i32>} : memref<64x64xf32, #tpu.memory_space<vmem>>, vector<16xf32>,
      tpu.vector_store %arg30[%swap3A, %swap3A_280], %broadcast_in_dim3A_6 {strides = array<i32>} : memref<64x64xf32, #tpu.memory_space<vmem>>, vector<16xf32>,
      %swap3A_282 = arith.index_cast %scan3A_278 : i32 to index
      %swap3A_283 = arith.constant 16 : index
      %swap3A_284 = tpu.vector_load %arg30[%swap3A_282, %swap3A_283] {strides = array<i32>} : memref<64x64xf32, #tpu.memory_space<vmem>>, vector<16xf32>,
      tpu.vector_store %arg30[%swap3A_282, %swap3A_283], %broadcast_in_dim3A_6 {strides = array<i32>} : memref<64x64xf32, #tpu.memory_space<vmem>>, vector<16xf32>,
      %swap3A_285 = arith.index_cast %scan3A_278 : i32 to index
      %swap3A_286 = arith.constant 32 : index
      %swap3A_287 = tpu.vector_load %arg30[%swap3A_285, %swap3A_286] {strides = array<i32>} : memref<64x64xf32, #tpu.memory_space<vmem>>, vector<16xf32>,
      tpu.vector_store %arg30[%swap3A_285, %swap3A_286], %broadcast_in_dim3A_6 {strides = array<i32>} : memref<64x64xf32, #tpu.memory_space<vmem>>, vector<16xf32>,
      %swap3A_288 = arith.index_cast %scan3A_278 : i32 to index
      %swap3A_289 = arith.constant 48 : index
      %swap3A_290 = tpu.vector_load %arg30[%swap3A_288, %swap3A_289] {strides = array<i32>} : memref<64x64xf32, #tpu.memory_space<vmem>>, vector<16xf32>,
      tpu.vector_store %arg30[%swap3A_288, %swap3A_289], %broadcast_in_dim3A_6 {strides = array<i32>} : memref<64x64xf32, #tpu.memory_space<vmem>>, vector<16xf32>,
      %scan3A_291 = arith.constant 0 : i32
      scf.yield %scan3A_291 : i32
    }
    %scan3A_12 = arith.constant 64 : i32
    %scan3A_13 = arith.constant 0 : i32
    %scan3A_14 = arith.constant 0 : i32
    %scan3A_15 = arith.constant 64 : i32
    %scan3A_16 = arith.addi %scan3A_14, %scan3A_15 : i32
    %scan3A_17 = arith.constant 1 : i32
    %scan3A_18 = scf.for %scan3A_278 = %scan3A_14 to %scan3A_16 step %scan3A_17 iter_args(%scan3A_279 = %scan3A_13) -> (i32)  : i32 {
      %swap3A = arith.index_cast %scan3A_278 : i32 to index
      %swap3A_280 = arith.constant 0 : index
      %swap3A_281 = tpu.vector_load %arg34[%swap3A, %swap3A_280] {strides = array<i32>} : memref<64x16xf32, #tpu.memory_space<vmem>>, vector<16xf32>,
      tpu.vector_store %arg34[%swap3A, %swap3A_280], %broadcast_in_dim3A_6 {strides = array<i32>} : memref<64x16xf32, #tpu.memory_space<vmem>>, vector<16xf32>,
      %scan3A_282 = arith.constant 0 : i32
      scf.yield %scan3A_282 : i32
    }
    %scan3A_19 = arith.constant 64 : i32
    %mul3A_20 = arith.constant 640 : i32
    %mul3A_21 = arith.muli %arg1, %mul3A_20 : i32
    %add3A = arith.constant 0 : i32
    %add3A_22 = arith.addi %mul3A_21, %add3A : i32
    "tpu.region"() ({
      %run_scoped3A = tpu.sem_alloc : memref<!tpu.dma_semaphore, #tpu.memory_space<semaphore_mem>>
      %dma_start3A_278 = arith.constant 0 : i32
      %dma_start3A_279 = tpu.memref_slice %arg10[%add3A_22, %dma_start3A_278] : memref<10240x64xf32, #tpu.memory_space<vmem_shared>> -> memref<64x64xf32, #tpu.memory_space<vmem_shared>>
      %dma_start3A_280 = arith.constant 0 : i32
      %dma_start3A_281 = tpu.memref_slice %arg10[%add3A_22, %dma_start3A_280] : memref<10240x64xf32, #tpu.memory_space<vmem_shared>> -> memref<64x64xf32, #tpu.memory_space<vmem_shared>>
      tpu.enqueue_dma source(%arg30 : memref<64x64xf32, #tpu.memory_space<vmem>>) target(%dma_start3A_281 : memref<64x64xf32, #tpu.memory_space<vmem_shared>>) target_semaphore(%run_scoped3A : memref<!tpu.dma_semaphore, #tpu.memory_space<semaphore_mem>>)
      %dma_wait3A_282 = arith.constant 0 : i32
      %dma_wait3A_283 = tpu.memref_slice %arg10[%add3A_22, %dma_wait3A_282] : memref<10240x64xf32, #tpu.memory_space<vmem_shared>> -> memref<64x64xf32, #tpu.memory_space<vmem_shared>>
      %dma_wait3A_284 = arith.constant 0 : i32
      %dma_wait3A_285 = tpu.memref_slice %arg10[%add3A_22, %dma_wait3A_284] : memref<10240x64xf32, #tpu.memory_space<vmem_shared>> -> memref<64x64xf32, #tpu.memory_space<vmem_shared>>
      tpu.wait_dma2 semaphore(%run_scoped3A : memref<!tpu.dma_semaphore, #tpu.memory_space<semaphore_mem>>) src(%arg30 : memref<64x64xf32, #tpu.memory_space<vmem>>) dst(%dma_wait3A_285 : memref<64x64xf32, #tpu.memory_space<vmem_shared>>)
      tpu.yield
    }) : () -> ()
    "tpu.region"() ({
      %run_scoped3A = tpu.sem_alloc : memref<!tpu.dma_semaphore, #tpu.memory_space<semaphore_mem>>
      %dma_start3A_278 = arith.constant 0 : i32
      %dma_start3A_279 = tpu.memref_slice %arg11[%add3A_22, %dma_start3A_278] : memref<10240x64xf32, #tpu.memory_space<vmem_shared>> -> memref<64x64xf32, #tpu.memory_space<vmem_shared>>
      %dma_start3A_280 = arith.constant 0 : i32
      %dma_start3A_281 = tpu.memref_slice %arg11[%add3A_22, %dma_start3A_280] : memref<10240x64xf32, #tpu.memory_space<vmem_shared>> -> memref<64x64xf32, #tpu.memory_space<vmem_shared>>
      tpu.enqueue_dma source(%arg30 : memref<64x64xf32, #tpu.memory_space<vmem>>) target(%dma_start3A_281 : memref<64x64xf32, #tpu.memory_space<vmem_shared>>) target_semaphore(%run_scoped3A : memref<!tpu.dma_semaphore, #tpu.memory_space<semaphore_mem>>)
      %dma_wait3A_282 = arith.constant 0 : i32
      %dma_wait3A_283 = tpu.memref_slice %arg11[%add3A_22, %dma_wait3A_282] : memref<10240x64xf32, #tpu.memory_space<vmem_shared>> -> memref<64x64xf32, #tpu.memory_space<vmem_shared>>
      %dma_wait3A_284 = arith.constant 0 : i32
      %dma_wait3A_285 = tpu.memref_slice %arg11[%add3A_22, %dma_wait3A_284] : memref<10240x64xf32, #tpu.memory_space<vmem_shared>> -> memref<64x64xf32, #tpu.memory_space<vmem_shared>>
      tpu.wait_dma2 semaphore(%run_scoped3A : memref<!tpu.dma_semaphore, #tpu.memory_space<semaphore_mem>>) src(%arg30 : memref<64x64xf32, #tpu.memory_space<vmem>>) dst(%dma_wait3A_285 : memref<64x64xf32, #tpu.memory_space<vmem_shared>>)
      tpu.yield
    }) : () -> ()
    "tpu.region"() ({
      %run_scoped3A = tpu.sem_alloc : memref<!tpu.dma_semaphore, #tpu.memory_space<semaphore_mem>>
      %dma_start3A_278 = arith.constant 0 : i32
      %dma_start3A_279 = tpu.memref_slice %arg9[%add3A_22, %dma_start3A_278] : memref<10240x16xf32, #tpu.memory_space<vmem_shared>> -> memref<64x16xf32, #tpu.memory_space<vmem_shared>>
      %dma_start3A_280 = arith.constant 0 : i32
      %dma_start3A_281 = tpu.memref_slice %arg9[%add3A_22, %dma_start3A_280] : memref<10240x16xf32, #tpu.memory_space<vmem_shared>> -> memref<64x16xf32, #tpu.memory_space<vmem_shared>>
      tpu.enqueue_dma source(%arg34 : memref<64x16xf32, #tpu.memory_space<vmem>>) target(%dma_start3A_281 : memref<64x16xf32, #tpu.memory_space<vmem_shared>>) target_semaphore(%run_scoped3A : memref<!tpu.dma_semaphore, #tpu.memory_space<semaphore_mem>>)
      %dma_wait3A_282 = arith.constant 0 : i32
      %dma_wait3A_283 = tpu.memref_slice %arg9[%add3A_22, %dma_wait3A_282] : memref<10240x16xf32, #tpu.memory_space<vmem_shared>> -> memref<64x16xf32, #tpu.memory_space<vmem_shared>>
      %dma_wait3A_284 = arith.constant 0 : i32
      %dma_wait3A_285 = tpu.memref_slice %arg9[%add3A_22, %dma_wait3A_284] : memref<10240x16xf32, #tpu.memory_space<vmem_shared>> -> memref<64x16xf32, #tpu.memory_space<vmem_shared>>
      tpu.wait_dma2 semaphore(%run_scoped3A : memref<!tpu.dma_semaphore, #tpu.memory_space<semaphore_mem>>) src(%arg34 : memref<64x16xf32, #tpu.memory_space<vmem>>) dst(%dma_wait3A_285 : memref<64x16xf32, #tpu.memory_space<vmem_shared>>)
      tpu.yield
    }) : () -> ()
    %mul3A_23 = arith.constant 640 : i32
    %mul3A_24 = arith.muli %arg1, %mul3A_23 : i32
    %add3A_25 = arith.constant 64 : i32
    %add3A_26 = arith.addi %mul3A_24, %add3A_25 : i32
    "tpu.region"() ({
      %run_scoped3A = tpu.sem_alloc : memref<!tpu.dma_semaphore, #tpu.memory_space<semaphore_mem>>
      %dma_start3A_278 = arith.constant 0 : i32
      %dma_start3A_279 = tpu.memref_slice %arg10[%add3A_26, %dma_start3A_278] : memref<10240x64xf32, #tpu.memory_space<vmem_shared>> -> memref<64x64xf32, #tpu.memory_space<vmem_shared>>
      %dma_start3A_280 = arith.constant 0 : i32
      %dma_start3A_281 = tpu.memref_slice %arg10[%add3A_26, %dma_start3A_280] : memref<10240x64xf32, #tpu.memory_space<vmem_shared>> -> memref<64x64xf32, #tpu.memory_space<vmem_shared>>
      tpu.enqueue_dma source(%arg30 : memref<64x64xf32, #tpu.memory_space<vmem>>) target(%dma_start3A_281 : memref<64x64xf32, #tpu.memory_space<vmem_shared>>) target_semaphore(%run_scoped3A : memref<!tpu.dma_semaphore, #tpu.memory_space<semaphore_mem>>)
      %dma_wait3A_282 = arith.constant 0 : i32
      %dma_wait3A_283 = tpu.memref_slice %arg10[%add3A_26, %dma_wait3A_282] : memref<10240x64xf32, #tpu.memory_space<vmem_shared>> -> memref<64x64xf32, #tpu.memory_space<vmem_shared>>
      %dma_wait3A_284 = arith.constant 0 : i32
      %dma_wait3A_285 = tpu.memref_slice %arg10[%add3A_26, %dma_wait3A_284] : memref<10240x64xf32, #tpu.memory_space<vmem_shared>> -> memref<64x64xf32, #tpu.memory_space<vmem_shared>>
      tpu.wait_dma2 semaphore(%run_scoped3A : memref<!tpu.dma_semaphore, #tpu.memory_space<semaphore_mem>>) src(%arg30 : memref<64x64xf32, #tpu.memory_space<vmem>>) dst(%dma_wait3A_285 : memref<64x64xf32, #tpu.memory_space<vmem_shared>>)
      tpu.yield
    }) : () -> ()
    "tpu.region"() ({
      %run_scoped3A = tpu.sem_alloc : memref<!tpu.dma_semaphore, #tpu.memory_space<semaphore_mem>>
      %dma_start3A_278 = arith.constant 0 : i32
      %dma_start3A_279 = tpu.memref_slice %arg11[%add3A_26, %dma_start3A_278] : memref<10240x64xf32, #tpu.memory_space<vmem_shared>> -> memref<64x64xf32, #tpu.memory_space<vmem_shared>>
      %dma_start3A_280 = arith.constant 0 : i32
      %dma_start3A_281 = tpu.memref_slice %arg11[%add3A_26, %dma_start3A_280] : memref<10240x64xf32, #tpu.memory_space<vmem_shared>> -> memref<64x64xf32, #tpu.memory_space<vmem_shared>>
      tpu.enqueue_dma source(%arg30 : memref<64x64xf32, #tpu.memory_space<vmem>>) target(%dma_start3A_281 : memref<64x64xf32, #tpu.memory_space<vmem_shared>>) target_semaphore(%run_scoped3A : memref<!tpu.dma_semaphore, #tpu.memory_space<semaphore_mem>>)
      %dma_wait3A_282 = arith.constant 0 : i32
      %dma_wait3A_283 = tpu.memref_slice %arg11[%add3A_26, %dma_wait3A_282] : memref<10240x64xf32, #tpu.memory_space<vmem_shared>> -> memref<64x64xf32, #tpu.memory_space<vmem_shared>>
      %dma_wait3A_284 = arith.constant 0 : i32
      %dma_wait3A_285 = tpu.memref_slice %arg11[%add3A_26, %dma_wait3A_284] : memref<10240x64xf32, #tpu.memory_space<vmem_shared>> -> memref<64x64xf32, #tpu.memory_space<vmem_shared>>
      tpu.wait_dma2 semaphore(%run_scoped3A : memref<!tpu.dma_semaphore, #tpu.memory_space<semaphore_mem>>) src(%arg30 : memref<64x64xf32, #tpu.memory_space<vmem>>) dst(%dma_wait3A_285 : memref<64x64xf32, #tpu.memory_space<vmem_shared>>)
      tpu.yield
    }) : () -> ()
    "tpu.region"() ({
      %run_scoped3A = tpu.sem_alloc : memref<!tpu.dma_semaphore, #tpu.memory_space<semaphore_mem>>
      %dma_start3A_278 = arith.constant 0 : i32
      %dma_start3A_279 = tpu.memref_slice %arg9[%add3A_26, %dma_start3A_278] : memref<10240x16xf32, #tpu.memory_space<vmem_shared>> -> memref<64x16xf32, #tpu.memory_space<vmem_shared>>
      %dma_start3A_280 = arith.constant 0 : i32
      %dma_start3A_281 = tpu.memref_slice %arg9[%add3A_26, %dma_start3A_280] : memref<10240x16xf32, #tpu.memory_space<vmem_shared>> -> memref<64x16xf32, #tpu.memory_space<vmem_shared>>
      tpu.enqueue_dma source(%arg34 : memref<64x16xf32, #tpu.memory_space<vmem>>) target(%dma_start3A_281 : memref<64x16xf32, #tpu.memory_space<vmem_shared>>) target_semaphore(%run_scoped3A : memref<!tpu.dma_semaphore, #tpu.memory_space<semaphore_mem>>)
      %dma_wait3A_282 = arith.constant 0 : i32
      %dma_wait3A_283 = tpu.memref_slice %arg9[%add3A_26, %dma_wait3A_282] : memref<10240x16xf32, #tpu.memory_space<vmem_shared>> -> memref<64x16xf32, #tpu.memory_space<vmem_shared>>
      %dma_wait3A_284 = arith.constant 0 : i32
      %dma_wait3A_285 = tpu.memref_slice %arg9[%add3A_26, %dma_wait3A_284] : memref<10240x16xf32, #tpu.memory_space<vmem_shared>> -> memref<64x16xf32, #tpu.memory_space<vmem_shared>>
      tpu.wait_dma2 semaphore(%run_scoped3A : memref<!tpu.dma_semaphore, #tpu.memory_space<semaphore_mem>>) src(%arg34 : memref<64x16xf32, #tpu.memory_space<vmem>>) dst(%dma_wait3A_285 : memref<64x16xf32, #tpu.memory_space<vmem_shared>>)
      tpu.yield
    }) : () -> ()
    %mul3A_27 = arith.constant 640 : i32
    %mul3A_28 = arith.muli %arg1, %mul3A_27 : i32
    %add3A_29 = arith.constant 128 : i32
    %add3A_30 = arith.addi %mul3A_28, %add3A_29 : i32
    "tpu.region"() ({
      %run_scoped3A = tpu.sem_alloc : memref<!tpu.dma_semaphore, #tpu.memory_space<semaphore_mem>>
      %dma_start3A_278 = arith.constant 0 : i32
      %dma_start3A_279 = tpu.memref_slice %arg10[%add3A_30, %dma_start3A_278] : memref<10240x64xf32, #tpu.memory_space<vmem_shared>> -> memref<64x64xf32, #tpu.memory_space<vmem_shared>>
      %dma_start3A_280 = arith.constant 0 : i32
      %dma_start3A_281 = tpu.memref_slice %arg10[%add3A_30, %dma_start3A_280] : memref<10240x64xf32, #tpu.memory_space<vmem_shared>> -> memref<64x64xf32, #tpu.memory_space<vmem_shared>>
      tpu.enqueue_dma source(%arg30 : memref<64x64xf32, #tpu.memory_space<vmem>>) target(%dma_start3A_281 : memref<64x64xf32, #tpu.memory_space<vmem_shared>>) target_semaphore(%run_scoped3A : memref<!tpu.dma_semaphore, #tpu.memory_space<semaphore_mem>>)
      %dma_wait3A_282 = arith.constant 0 : i32
      %dma_wait3A_283 = tpu.memref_slice %arg10[%add3A_30, %dma_wait3A_282] : memref<10240x64xf32, #tpu.memory_space<vmem_shared>> -> memref<64x64xf32, #tpu.memory_space<vmem_shared>>
      %dma_wait3A_284 = arith.constant 0 : i32
      %dma_wait3A_285 = tpu.memref_slice %arg10[%add3A_30, %dma_wait3A_284] : memref<10240x64xf32, #tpu.memory_space<vmem_shared>> -> memref<64x64xf32, #tpu.memory_space<vmem_shared>>
      tpu.wait_dma2 semaphore(%run_scoped3A : memref<!tpu.dma_semaphore, #tpu.memory_space<semaphore_mem>>) src(%arg30 : memref<64x64xf32, #tpu.memory_space<vmem>>) dst(%dma_wait3A_285 : memref<64x64xf32, #tpu.memory_space<vmem_shared>>)
      tpu.yield
    }) : () -> ()
    "tpu.region"() ({
      %run_scoped3A = tpu.sem_alloc : memref<!tpu.dma_semaphore, #tpu.memory_space<semaphore_mem>>
      %dma_start3A_278 = arith.constant 0 : i32
      %dma_start3A_279 = tpu.memref_slice %arg11[%add3A_30, %dma_start3A_278] : memref<10240x64xf32, #tpu.memory_space<vmem_shared>> -> memref<64x64xf32, #tpu.memory_space<vmem_shared>>
      %dma_start3A_280 = arith.constant 0 : i32
      %dma_start3A_281 = tpu.memref_slice %arg11[%add3A_30, %dma_start3A_280] : memref<10240x64xf32, #tpu.memory_space<vmem_shared>> -> memref<64x64xf32, #tpu.memory_space<vmem_shared>>
      tpu.enqueue_dma source(%arg30 : memref<64x64xf32, #tpu.memory_space<vmem>>) target(%dma_start3A_281 : memref<64x64xf32, #tpu.memory_space<vmem_shared>>) target_semaphore(%run_scoped3A : memref<!tpu.dma_semaphore, #tpu.memory_space<semaphore_mem>>)
      %dma_wait3A_282 = arith.constant 0 : i32
      %dma_wait3A_283 = tpu.memref_slice %arg11[%add3A_30, %dma_wait3A_282] : memref<10240x64xf32, #tpu.memory_space<vmem_shared>> -> memref<64x64xf32, #tpu.memory_space<vmem_shared>>
      %dma_wait3A_284 = arith.constant 0 : i32
      %dma_wait3A_285 = tpu.memref_slice %arg11[%add3A_30, %dma_wait3A_284] : memref<10240x64xf32, #tpu.memory_space<vmem_shared>> -> memref<64x64xf32, #tpu.memory_space<vmem_shared>>
      tpu.wait_dma2 semaphore(%run_scoped3A : memref<!tpu.dma_semaphore, #tpu.memory_space<semaphore_mem>>) src(%arg30 : memref<64x64xf32, #tpu.memory_space<vmem>>) dst(%dma_wait3A_285 : memref<64x64xf32, #tpu.memory_space<vmem_shared>>)
      tpu.yield
    }) : () -> ()
    "tpu.region"() ({
      %run_scoped3A = tpu.sem_alloc : memref<!tpu.dma_semaphore, #tpu.memory_space<semaphore_mem>>
      %dma_start3A_278 = arith.constant 0 : i32
      %dma_start3A_279 = tpu.memref_slice %arg9[%add3A_30, %dma_start3A_278] : memref<10240x16xf32, #tpu.memory_space<vmem_shared>> -> memref<64x16xf32, #tpu.memory_space<vmem_shared>>
      %dma_start3A_280 = arith.constant 0 : i32
      %dma_start3A_281 = tpu.memref_slice %arg9[%add3A_30, %dma_start3A_280] : memref<10240x16xf32, #tpu.memory_space<vmem_shared>> -> memref<64x16xf32, #tpu.memory_space<vmem_shared>>
      tpu.enqueue_dma source(%arg34 : memref<64x16xf32, #tpu.memory_space<vmem>>) target(%dma_start3A_281 : memref<64x16xf32, #tpu.memory_space<vmem_shared>>) target_semaphore(%run_scoped3A : memref<!tpu.dma_semaphore, #tpu.memory_space<semaphore_mem>>)
      %dma_wait3A_282 = arith.constant 0 : i32
      %dma_wait3A_283 = tpu.memref_slice %arg9[%add3A_30, %dma_wait3A_282] : memref<10240x16xf32, #tpu.memory_space<vmem_shared>> -> memref<64x16xf32, #tpu.memory_space<vmem_shared>>
      %dma_wait3A_284 = arith.constant 0 : i32
      %dma_wait3A_285 = tpu.memref_slice %arg9[%add3A_30, %dma_wait3A_284] : memref<10240x16xf32, #tpu.memory_space<vmem_shared>> -> memref<64x16xf32, #tpu.memory_space<vmem_shared>>
      tpu.wait_dma2 semaphore(%run_scoped3A : memref<!tpu.dma_semaphore, #tpu.memory_space<semaphore_mem>>) src(%arg34 : memref<64x16xf32, #tpu.memory_space<vmem>>) dst(%dma_wait3A_285 : memref<64x16xf32, #tpu.memory_space<vmem_shared>>)
      tpu.yield
    }) : () -> ()
    %mul3A_31 = arith.constant 640 : i32
    %mul3A_32 = arith.muli %arg1, %mul3A_31 : i32
    %add3A_33 = arith.constant 192 : i32
    %add3A_34 = arith.addi %mul3A_32, %add3A_33 : i32
    "tpu.region"() ({
      %run_scoped3A = tpu.sem_alloc : memref<!tpu.dma_semaphore, #tpu.memory_space<semaphore_mem>>
      %dma_start3A_278 = arith.constant 0 : i32
      %dma_start3A_279 = tpu.memref_slice %arg10[%add3A_34, %dma_start3A_278] : memref<10240x64xf32, #tpu.memory_space<vmem_shared>> -> memref<64x64xf32, #tpu.memory_space<vmem_shared>>
      %dma_start3A_280 = arith.constant 0 : i32
      %dma_start3A_281 = tpu.memref_slice %arg10[%add3A_34, %dma_start3A_280] : memref<10240x64xf32, #tpu.memory_space<vmem_shared>> -> memref<64x64xf32, #tpu.memory_space<vmem_shared>>
      tpu.enqueue_dma source(%arg30 : memref<64x64xf32, #tpu.memory_space<vmem>>) target(%dma_start3A_281 : memref<64x64xf32, #tpu.memory_space<vmem_shared>>) target_semaphore(%run_scoped3A : memref<!tpu.dma_semaphore, #tpu.memory_space<semaphore_mem>>)
      %dma_wait3A_282 = arith.constant 0 : i32
      %dma_wait3A_283 = tpu.memref_slice %arg10[%add3A_34, %dma_wait3A_282] : memref<10240x64xf32, #tpu.memory_space<vmem_shared>> -> memref<64x64xf32, #tpu.memory_space<vmem_shared>>
      %dma_wait3A_284 = arith.constant 0 : i32
      %dma_wait3A_285 = tpu.memref_slice %arg10[%add3A_34, %dma_wait3A_284] : memref<10240x64xf32, #tpu.memory_space<vmem_shared>> -> memref<64x64xf32, #tpu.memory_space<vmem_shared>>
      tpu.wait_dma2 semaphore(%run_scoped3A : memref<!tpu.dma_semaphore, #tpu.memory_space<semaphore_mem>>) src(%arg30 : memref<64x64xf32, #tpu.memory_space<vmem>>) dst(%dma_wait3A_285 : memref<64x64xf32, #tpu.memory_space<vmem_shared>>)
      tpu.yield
    }) : () -> ()
    "tpu.region"() ({
      %run_scoped3A = tpu.sem_alloc : memref<!tpu.dma_semaphore, #tpu.memory_space<semaphore_mem>>
      %dma_start3A_278 = arith.constant 0 : i32
      %dma_start3A_279 = tpu.memref_slice %arg11[%add3A_34, %dma_start3A_278] : memref<10240x64xf32, #tpu.memory_space<vmem_shared>> -> memref<64x64xf32, #tpu.memory_space<vmem_shared>>
      %dma_start3A_280 = arith.constant 0 : i32
      %dma_start3A_281 = tpu.memref_slice %arg11[%add3A_34, %dma_start3A_280] : memref<10240x64xf32, #tpu.memory_space<vmem_shared>> -> memref<64x64xf32, #tpu.memory_space<vmem_shared>>
      tpu.enqueue_dma source(%arg30 : memref<64x64xf32, #tpu.memory_space<vmem>>) target(%dma_start3A_281 : memref<64x64xf32, #tpu.memory_space<vmem_shared>>) target_semaphore(%run_scoped3A : memref<!tpu.dma_semaphore, #tpu.memory_space<semaphore_mem>>)
      %dma_wait3A_282 = arith.constant 0 : i32
      %dma_wait3A_283 = tpu.memref_slice %arg11[%add3A_34, %dma_wait3A_282] : memref<10240x64xf32, #tpu.memory_space<vmem_shared>> -> memref<64x64xf32, #tpu.memory_space<vmem_shared>>
      %dma_wait3A_284 = arith.constant 0 : i32
      %dma_wait3A_285 = tpu.memref_slice %arg11[%add3A_34, %dma_wait3A_284] : memref<10240x64xf32, #tpu.memory_space<vmem_shared>> -> memref<64x64xf32, #tpu.memory_space<vmem_shared>>
      tpu.wait_dma2 semaphore(%run_scoped3A : memref<!tpu.dma_semaphore, #tpu.memory_space<semaphore_mem>>) src(%arg30 : memref<64x64xf32, #tpu.memory_space<vmem>>) dst(%dma_wait3A_285 : memref<64x64xf32, #tpu.memory_space<vmem_shared>>)
      tpu.yield
    }) : () -> ()
    "tpu.region"() ({
      %run_scoped3A = tpu.sem_alloc : memref<!tpu.dma_semaphore, #tpu.memory_space<semaphore_mem>>
      %dma_start3A_278 = arith.constant 0 : i32
      %dma_start3A_279 = tpu.memref_slice %arg9[%add3A_34, %dma_start3A_278] : memref<10240x16xf32, #tpu.memory_space<vmem_shared>> -> memref<64x16xf32, #tpu.memory_space<vmem_shared>>
      %dma_start3A_280 = arith.constant 0 : i32
      %dma_start3A_281 = tpu.memref_slice %arg9[%add3A_34, %dma_start3A_280] : memref<10240x16xf32, #tpu.memory_space<vmem_shared>> -> memref<64x16xf32, #tpu.memory_space<vmem_shared>>
      tpu.enqueue_dma source(%arg34 : memref<64x16xf32, #tpu.memory_space<vmem>>) target(%dma_start3A_281 : memref<64x16xf32, #tpu.memory_space<vmem_shared>>) target_semaphore(%run_scoped3A : memref<!tpu.dma_semaphore, #tpu.memory_space<semaphore_mem>>)
      %dma_wait3A_282 = arith.constant 0 : i32
      %dma_wait3A_283 = tpu.memref_slice %arg9[%add3A_34, %dma_wait3A_282] : memref<10240x16xf32, #tpu.memory_space<vmem_shared>> -> memref<64x16xf32, #tpu.memory_space<vmem_shared>>
      %dma_wait3A_284 = arith.constant 0 : i32
      %dma_wait3A_285 = tpu.memref_slice %arg9[%add3A_34, %dma_wait3A_284] : memref<10240x16xf32, #tpu.memory_space<vmem_shared>> -> memref<64x16xf32, #tpu.memory_space<vmem_shared>>
      tpu.wait_dma2 semaphore(%run_scoped3A : memref<!tpu.dma_semaphore, #tpu.memory_space<semaphore_mem>>) src(%arg34 : memref<64x16xf32, #tpu.memory_space<vmem>>) dst(%dma_wait3A_285 : memref<64x16xf32, #tpu.memory_space<vmem_shared>>)
      tpu.yield
    }) : () -> ()
    %mul3A_35 = arith.constant 640 : i32
    %mul3A_36 = arith.muli %arg1, %mul3A_35 : i32
    %add3A_37 = arith.constant 256 : i32
    %add3A_38 = arith.addi %mul3A_36, %add3A_37 : i32
    "tpu.region"() ({
      %run_scoped3A = tpu.sem_alloc : memref<!tpu.dma_semaphore, #tpu.memory_space<semaphore_mem>>
      %dma_start3A_278 = arith.constant 0 : i32
      %dma_start3A_279 = tpu.memref_slice %arg10[%add3A_38, %dma_start3A_278] : memref<10240x64xf32, #tpu.memory_space<vmem_shared>> -> memref<64x64xf32, #tpu.memory_space<vmem_shared>>
      %dma_start3A_280 = arith.constant 0 : i32
      %dma_start3A_281 = tpu.memref_slice %arg10[%add3A_38, %dma_start3A_280] : memref<10240x64xf32, #tpu.memory_space<vmem_shared>> -> memref<64x64xf32, #tpu.memory_space<vmem_shared>>
      tpu.enqueue_dma source(%arg30 : memref<64x64xf32, #tpu.memory_space<vmem>>) target(%dma_start3A_281 : memref<64x64xf32, #tpu.memory_space<vmem_shared>>) target_semaphore(%run_scoped3A : memref<!tpu.dma_semaphore, #tpu.memory_space<semaphore_mem>>)
      %dma_wait3A_282 = arith.constant 0 : i32
      %dma_wait3A_283 = tpu.memref_slice %arg10[%add3A_38, %dma_wait3A_282] : memref<10240x64xf32, #tpu.memory_space<vmem_shared>> -> memref<64x64xf32, #tpu.memory_space<vmem_shared>>
      %dma_wait3A_284 = arith.constant 0 : i32
      %dma_wait3A_285 = tpu.memref_slice %arg10[%add3A_38, %dma_wait3A_284] : memref<10240x64xf32, #tpu.memory_space<vmem_shared>> -> memref<64x64xf32, #tpu.memory_space<vmem_shared>>
      tpu.wait_dma2 semaphore(%run_scoped3A : memref<!tpu.dma_semaphore, #tpu.memory_space<semaphore_mem>>) src(%arg30 : memref<64x64xf32, #tpu.memory_space<vmem>>) dst(%dma_wait3A_285 : memref<64x64xf32, #tpu.memory_space<vmem_shared>>)
      tpu.yield
    }) : () -> ()
    "tpu.region"() ({
      %run_scoped3A = tpu.sem_alloc : memref<!tpu.dma_semaphore, #tpu.memory_space<semaphore_mem>>
      %dma_start3A_278 = arith.constant 0 : i32
      %dma_start3A_279 = tpu.memref_slice %arg11[%add3A_38, %dma_start3A_278] : memref<10240x64xf32, #tpu.memory_space<vmem_shared>> -> memref<64x64xf32, #tpu.memory_space<vmem_shared>>
      %dma_start3A_280 = arith.constant 0 : i32
      %dma_start3A_281 = tpu.memref_slice %arg11[%add3A_38, %dma_start3A_280] : memref<10240x64xf32, #tpu.memory_space<vmem_shared>> -> memref<64x64xf32, #tpu.memory_space<vmem_shared>>
      tpu.enqueue_dma source(%arg30 : memref<64x64xf32, #tpu.memory_space<vmem>>) target(%dma_start3A_281 : memref<64x64xf32, #tpu.memory_space<vmem_shared>>) target_semaphore(%run_scoped3A : memref<!tpu.dma_semaphore, #tpu.memory_space<semaphore_mem>>)
      %dma_wait3A_282 = arith.constant 0 : i32
      %dma_wait3A_283 = tpu.memref_slice %arg11[%add3A_38, %dma_wait3A_282] : memref<10240x64xf32, #tpu.memory_space<vmem_shared>> -> memref<64x64xf32, #tpu.memory_space<vmem_shared>>
      %dma_wait3A_284 = arith.constant 0 : i32
      %dma_wait3A_285 = tpu.memref_slice %arg11[%add3A_38, %dma_wait3A_284] : memref<10240x64xf32, #tpu.memory_space<vmem_shared>> -> memref<64x64xf32, #tpu.memory_space<vmem_shared>>
      tpu.wait_dma2 semaphore(%run_scoped3A : memref<!tpu.dma_semaphore, #tpu.memory_space<semaphore_mem>>) src(%arg30 : memref<64x64xf32, #tpu.memory_space<vmem>>) dst(%dma_wait3A_285 : memref<64x64xf32, #tpu.memory_space<vmem_shared>>)
      tpu.yield
    }) : () -> ()
    "tpu.region"() ({
      %run_scoped3A = tpu.sem_alloc : memref<!tpu.dma_semaphore, #tpu.memory_space<semaphore_mem>>
      %dma_start3A_278 = arith.constant 0 : i32
      %dma_start3A_279 = tpu.memref_slice %arg9[%add3A_38, %dma_start3A_278] : memref<10240x16xf32, #tpu.memory_space<vmem_shared>> -> memref<64x16xf32, #tpu.memory_space<vmem_shared>>
      %dma_start3A_280 = arith.constant 0 : i32
      %dma_start3A_281 = tpu.memref_slice %arg9[%add3A_38, %dma_start3A_280] : memref<10240x16xf32, #tpu.memory_space<vmem_shared>> -> memref<64x16xf32, #tpu.memory_space<vmem_shared>>
      tpu.enqueue_dma source(%arg34 : memref<64x16xf32, #tpu.memory_space<vmem>>) target(%dma_start3A_281 : memref<64x16xf32, #tpu.memory_space<vmem_shared>>) target_semaphore(%run_scoped3A : memref<!tpu.dma_semaphore, #tpu.memory_space<semaphore_mem>>)
      %dma_wait3A_282 = arith.constant 0 : i32
      %dma_wait3A_283 = tpu.memref_slice %arg9[%add3A_38, %dma_wait3A_282] : memref<10240x16xf32, #tpu.memory_space<vmem_shared>> -> memref<64x16xf32, #tpu.memory_space<vmem_shared>>
      %dma_wait3A_284 = arith.constant 0 : i32
      %dma_wait3A_285 = tpu.memref_slice %arg9[%add3A_38, %dma_wait3A_284] : memref<10240x16xf32, #tpu.memory_space<vmem_shared>> -> memref<64x16xf32, #tpu.memory_space<vmem_shared>>
      tpu.wait_dma2 semaphore(%run_scoped3A : memref<!tpu.dma_semaphore, #tpu.memory_space<semaphore_mem>>) src(%arg34 : memref<64x16xf32, #tpu.memory_space<vmem>>) dst(%dma_wait3A_285 : memref<64x16xf32, #tpu.memory_space<vmem_shared>>)
      tpu.yield
    }) : () -> ()
    %mul3A_39 = arith.constant 640 : i32
    %mul3A_40 = arith.muli %arg1, %mul3A_39 : i32
    %add3A_41 = arith.constant 320 : i32
    %add3A_42 = arith.addi %mul3A_40, %add3A_41 : i32
    "tpu.region"() ({
      %run_scoped3A = tpu.sem_alloc : memref<!tpu.dma_semaphore, #tpu.memory_space<semaphore_mem>>
      %dma_start3A_278 = arith.constant 0 : i32
      %dma_start3A_279 = tpu.memref_slice %arg10[%add3A_42, %dma_start3A_278] : memref<10240x64xf32, #tpu.memory_space<vmem_shared>> -> memref<64x64xf32, #tpu.memory_space<vmem_shared>>
      %dma_start3A_280 = arith.constant 0 : i32
      %dma_start3A_281 = tpu.memref_slice %arg10[%add3A_42, %dma_start3A_280] : memref<10240x64xf32, #tpu.memory_space<vmem_shared>> -> memref<64x64xf32, #tpu.memory_space<vmem_shared>>
      tpu.enqueue_dma source(%arg30 : memref<64x64xf32, #tpu.memory_space<vmem>>) target(%dma_start3A_281 : memref<64x64xf32, #tpu.memory_space<vmem_shared>>) target_semaphore(%run_scoped3A : memref<!tpu.dma_semaphore, #tpu.memory_space<semaphore_mem>>)
      %dma_wait3A_282 = arith.constant 0 : i32
      %dma_wait3A_283 = tpu.memref_slice %arg10[%add3A_42, %dma_wait3A_282] : memref<10240x64xf32, #tpu.memory_space<vmem_shared>> -> memref<64x64xf32, #tpu.memory_space<vmem_shared>>
      %dma_wait3A_284 = arith.constant 0 : i32
      %dma_wait3A_285 = tpu.memref_slice %arg10[%add3A_42, %dma_wait3A_284] : memref<10240x64xf32, #tpu.memory_space<vmem_shared>> -> memref<64x64xf32, #tpu.memory_space<vmem_shared>>
      tpu.wait_dma2 semaphore(%run_scoped3A : memref<!tpu.dma_semaphore, #tpu.memory_space<semaphore_mem>>) src(%arg30 : memref<64x64xf32, #tpu.memory_space<vmem>>) dst(%dma_wait3A_285 : memref<64x64xf32, #tpu.memory_space<vmem_shared>>)
      tpu.yield
    }) : () -> ()
    "tpu.region"() ({
      %run_scoped3A = tpu.sem_alloc : memref<!tpu.dma_semaphore, #tpu.memory_space<semaphore_mem>>
      %dma_start3A_278 = arith.constant 0 : i32
      %dma_start3A_279 = tpu.memref_slice %arg11[%add3A_42, %dma_start3A_278] : memref<10240x64xf32, #tpu.memory_space<vmem_shared>> -> memref<64x64xf32, #tpu.memory_space<vmem_shared>>
      %dma_start3A_280 = arith.constant 0 : i32
      %dma_start3A_281 = tpu.memref_slice %arg11[%add3A_42, %dma_start3A_280] : memref<10240x64xf32, #tpu.memory_space<vmem_shared>> -> memref<64x64xf32, #tpu.memory_space<vmem_shared>>
      tpu.enqueue_dma source(%arg30 : memref<64x64xf32, #tpu.memory_space<vmem>>) target(%dma_start3A_281 : memref<64x64xf32, #tpu.memory_space<vmem_shared>>) target_semaphore(%run_scoped3A : memref<!tpu.dma_semaphore, #tpu.memory_space<semaphore_mem>>)
      %dma_wait3A_282 = arith.constant 0 : i32
      %dma_wait3A_283 = tpu.memref_slice %arg11[%add3A_42, %dma_wait3A_282] : memref<10240x64xf32, #tpu.memory_space<vmem_shared>> -> memref<64x64xf32, #tpu.memory_space<vmem_shared>>
      %dma_wait3A_284 = arith.constant 0 : i32
      %dma_wait3A_285 = tpu.memref_slice %arg11[%add3A_42, %dma_wait3A_284] : memref<10240x64xf32, #tpu.memory_space<vmem_shared>> -> memref<64x64xf32, #tpu.memory_space<vmem_shared>>
      tpu.wait_dma2 semaphore(%run_scoped3A : memref<!tpu.dma_semaphore, #tpu.memory_space<semaphore_mem>>) src(%arg30 : memref<64x64xf32, #tpu.memory_space<vmem>>) dst(%dma_wait3A_285 : memref<64x64xf32, #tpu.memory_space<vmem_shared>>)
      tpu.yield
    }) : () -> ()
    "tpu.region"() ({
      %run_scoped3A = tpu.sem_alloc : memref<!tpu.dma_semaphore, #tpu.memory_space<semaphore_mem>>
      %dma_start3A_278 = arith.constant 0 : i32
      %dma_start3A_279 = tpu.memref_slice %arg9[%add3A_42, %dma_start3A_278] : memref<10240x16xf32, #tpu.memory_space<vmem_shared>> -> memref<64x16xf32, #tpu.memory_space<vmem_shared>>
      %dma_start3A_280 = arith.constant 0 : i32
      %dma_start3A_281 = tpu.memref_slice %arg9[%add3A_42, %dma_start3A_280] : memref<10240x16xf32, #tpu.memory_space<vmem_shared>> -> memref<64x16xf32, #tpu.memory_space<vmem_shared>>
      tpu.enqueue_dma source(%arg34 : memref<64x16xf32, #tpu.memory_space<vmem>>) target(%dma_start3A_281 : memref<64x16xf32, #tpu.memory_space<vmem_shared>>) target_semaphore(%run_scoped3A : memref<!tpu.dma_semaphore, #tpu.memory_space<semaphore_mem>>)
      %dma_wait3A_282 = arith.constant 0 : i32
      %dma_wait3A_283 = tpu.memref_slice %arg9[%add3A_42, %dma_wait3A_282] : memref<10240x16xf32, #tpu.memory_space<vmem_shared>> -> memref<64x16xf32, #tpu.memory_space<vmem_shared>>
      %dma_wait3A_284 = arith.constant 0 : i32
      %dma_wait3A_285 = tpu.memref_slice %arg9[%add3A_42, %dma_wait3A_284] : memref<10240x16xf32, #tpu.memory_space<vmem_shared>> -> memref<64x16xf32, #tpu.memory_space<vmem_shared>>
      tpu.wait_dma2 semaphore(%run_scoped3A : memref<!tpu.dma_semaphore, #tpu.memory_space<semaphore_mem>>) src(%arg34 : memref<64x16xf32, #tpu.memory_space<vmem>>) dst(%dma_wait3A_285 : memref<64x16xf32, #tpu.memory_space<vmem_shared>>)
      tpu.yield
    }) : () -> ()
    %mul3A_43 = arith.constant 640 : i32
    %mul3A_44 = arith.muli %arg1, %mul3A_43 : i32
    %add3A_45 = arith.constant 384 : i32
    %add3A_46 = arith.addi %mul3A_44, %add3A_45 : i32
    "tpu.region"() ({
      %run_scoped3A = tpu.sem_alloc : memref<!tpu.dma_semaphore, #tpu.memory_space<semaphore_mem>>
      %dma_start3A_278 = arith.constant 0 : i32
      %dma_start3A_279 = tpu.memref_slice %arg10[%add3A_46, %dma_start3A_278] : memref<10240x64xf32, #tpu.memory_space<vmem_shared>> -> memref<64x64xf32, #tpu.memory_space<vmem_shared>>
      %dma_start3A_280 = arith.constant 0 : i32
      %dma_start3A_281 = tpu.memref_slice %arg10[%add3A_46, %dma_start3A_280] : memref<10240x64xf32, #tpu.memory_space<vmem_shared>> -> memref<64x64xf32, #tpu.memory_space<vmem_shared>>
      tpu.enqueue_dma source(%arg30 : memref<64x64xf32, #tpu.memory_space<vmem>>) target(%dma_start3A_281 : memref<64x64xf32, #tpu.memory_space<vmem_shared>>) target_semaphore(%run_scoped3A : memref<!tpu.dma_semaphore, #tpu.memory_space<semaphore_mem>>)
      %dma_wait3A_282 = arith.constant 0 : i32
      %dma_wait3A_283 = tpu.memref_slice %arg10[%add3A_46, %dma_wait3A_282] : memref<10240x64xf32, #tpu.memory_space<vmem_shared>> -> memref<64x64xf32, #tpu.memory_space<vmem_shared>>
      %dma_wait3A_284 = arith.constant 0 : i32
      %dma_wait3A_285 = tpu.memref_slice %arg10[%add3A_46, %dma_wait3A_284] : memref<10240x64xf32, #tpu.memory_space<vmem_shared>> -> memref<64x64xf32, #tpu.memory_space<vmem_shared>>
      tpu.wait_dma2 semaphore(%run_scoped3A : memref<!tpu.dma_semaphore, #tpu.memory_space<semaphore_mem>>) src(%arg30 : memref<64x64xf32, #tpu.memory_space<vmem>>) dst(%dma_wait3A_285 : memref<64x64xf32, #tpu.memory_space<vmem_shared>>)
      tpu.yield
    }) : () -> ()
    "tpu.region"() ({
      %run_scoped3A = tpu.sem_alloc : memref<!tpu.dma_semaphore, #tpu.memory_space<semaphore_mem>>
      %dma_start3A_278 = arith.constant 0 : i32
      %dma_start3A_279 = tpu.memref_slice %arg11[%add3A_46, %dma_start3A_278] : memref<10240x64xf32, #tpu.memory_space<vmem_shared>> -> memref<64x64xf32, #tpu.memory_space<vmem_shared>>
      %dma_start3A_280 = arith.constant 0 : i32
      %dma_start3A_281 = tpu.memref_slice %arg11[%add3A_46, %dma_start3A_280] : memref<10240x64xf32, #tpu.memory_space<vmem_shared>> -> memref<64x64xf32, #tpu.memory_space<vmem_shared>>
      tpu.enqueue_dma source(%arg30 : memref<64x64xf32, #tpu.memory_space<vmem>>) target(%dma_start3A_281 : memref<64x64xf32, #tpu.memory_space<vmem_shared>>) target_semaphore(%run_scoped3A : memref<!tpu.dma_semaphore, #tpu.memory_space<semaphore_mem>>)
      %dma_wait3A_282 = arith.constant 0 : i32
      %dma_wait3A_283 = tpu.memref_slice %arg11[%add3A_46, %dma_wait3A_282] : memref<10240x64xf32, #tpu.memory_space<vmem_shared>> -> memref<64x64xf32, #tpu.memory_space<vmem_shared>>
      %dma_wait3A_284 = arith.constant 0 : i32
      %dma_wait3A_285 = tpu.memref_slice %arg11[%add3A_46, %dma_wait3A_284] : memref<10240x64xf32, #tpu.memory_space<vmem_shared>> -> memref<64x64xf32, #tpu.memory_space<vmem_shared>>
      tpu.wait_dma2 semaphore(%run_scoped3A : memref<!tpu.dma_semaphore, #tpu.memory_space<semaphore_mem>>) src(%arg30 : memref<64x64xf32, #tpu.memory_space<vmem>>) dst(%dma_wait3A_285 : memref<64x64xf32, #tpu.memory_space<vmem_shared>>)
      tpu.yield
    }) : () -> ()
    "tpu.region"() ({
      %run_scoped3A = tpu.sem_alloc : memref<!tpu.dma_semaphore, #tpu.memory_space<semaphore_mem>>
      %dma_start3A_278 = arith.constant 0 : i32
      %dma_start3A_279 = tpu.memref_slice %arg9[%add3A_46, %dma_start3A_278] : memref<10240x16xf32, #tpu.memory_space<vmem_shared>> -> memref<64x16xf32, #tpu.memory_space<vmem_shared>>
      %dma_start3A_280 = arith.constant 0 : i32
      %dma_start3A_281 = tpu.memref_slice %arg9[%add3A_46, %dma_start3A_280] : memref<10240x16xf32, #tpu.memory_space<vmem_shared>> -> memref<64x16xf32, #tpu.memory_space<vmem_shared>>
      tpu.enqueue_dma source(%arg34 : memref<64x16xf32, #tpu.memory_space<vmem>>) target(%dma_start3A_281 : memref<64x16xf32, #tpu.memory_space<vmem_shared>>) target_semaphore(%run_scoped3A : memref<!tpu.dma_semaphore, #tpu.memory_space<semaphore_mem>>)
      %dma_wait3A_282 = arith.constant 0 : i32
      %dma_wait3A_283 = tpu.memref_slice %arg9[%add3A_46, %dma_wait3A_282] : memref<10240x16xf32, #tpu.memory_space<vmem_shared>> -> memref<64x16xf32, #tpu.memory_space<vmem_shared>>
      %dma_wait3A_284 = arith.constant 0 : i32
      %dma_wait3A_285 = tpu.memref_slice %arg9[%add3A_46, %dma_wait3A_284] : memref<10240x16xf32, #tpu.memory_space<vmem_shared>> -> memref<64x16xf32, #tpu.memory_space<vmem_shared>>
      tpu.wait_dma2 semaphore(%run_scoped3A : memref<!tpu.dma_semaphore, #tpu.memory_space<semaphore_mem>>) src(%arg34 : memref<64x16xf32, #tpu.memory_space<vmem>>) dst(%dma_wait3A_285 : memref<64x16xf32, #tpu.memory_space<vmem_shared>>)
      tpu.yield
    }) : () -> ()
    %mul3A_47 = arith.constant 640 : i32
    %mul3A_48 = arith.muli %arg1, %mul3A_47 : i32
    %add3A_49 = arith.constant 448 : i32
    %add3A_50 = arith.addi %mul3A_48, %add3A_49 : i32
    "tpu.region"() ({
      %run_scoped3A = tpu.sem_alloc : memref<!tpu.dma_semaphore, #tpu.memory_space<semaphore_mem>>
      %dma_start3A_278 = arith.constant 0 : i32
      %dma_start3A_279 = tpu.memref_slice %arg10[%add3A_50, %dma_start3A_278] : memref<10240x64xf32, #tpu.memory_space<vmem_shared>> -> memref<64x64xf32, #tpu.memory_space<vmem_shared>>
      %dma_start3A_280 = arith.constant 0 : i32
      %dma_start3A_281 = tpu.memref_slice %arg10[%add3A_50, %dma_start3A_280] : memref<10240x64xf32, #tpu.memory_space<vmem_shared>> -> memref<64x64xf32, #tpu.memory_space<vmem_shared>>
      tpu.enqueue_dma source(%arg30 : memref<64x64xf32, #tpu.memory_space<vmem>>) target(%dma_start3A_281 : memref<64x64xf32, #tpu.memory_space<vmem_shared>>) target_semaphore(%run_scoped3A : memref<!tpu.dma_semaphore, #tpu.memory_space<semaphore_mem>>)
      %dma_wait3A_282 = arith.constant 0 : i32
      %dma_wait3A_283 = tpu.memref_slice %arg10[%add3A_50, %dma_wait3A_282] : memref<10240x64xf32, #tpu.memory_space<vmem_shared>> -> memref<64x64xf32, #tpu.memory_space<vmem_shared>>
      %dma_wait3A_284 = arith.constant 0 : i32
      %dma_wait3A_285 = tpu.memref_slice %arg10[%add3A_50, %dma_wait3A_284] : memref<10240x64xf32, #tpu.memory_space<vmem_shared>> -> memref<64x64xf32, #tpu.memory_space<vmem_shared>>
      tpu.wait_dma2 semaphore(%run_scoped3A : memref<!tpu.dma_semaphore, #tpu.memory_space<semaphore_mem>>) src(%arg30 : memref<64x64xf32, #tpu.memory_space<vmem>>) dst(%dma_wait3A_285 : memref<64x64xf32, #tpu.memory_space<vmem_shared>>)
      tpu.yield
    }) : () -> ()
    "tpu.region"() ({
      %run_scoped3A = tpu.sem_alloc : memref<!tpu.dma_semaphore, #tpu.memory_space<semaphore_mem>>
      %dma_start3A_278 = arith.constant 0 : i32
      %dma_start3A_279 = tpu.memref_slice %arg11[%add3A_50, %dma_start3A_278] : memref<10240x64xf32, #tpu.memory_space<vmem_shared>> -> memref<64x64xf32, #tpu.memory_space<vmem_shared>>
      %dma_start3A_280 = arith.constant 0 : i32
      %dma_start3A_281 = tpu.memref_slice %arg11[%add3A_50, %dma_start3A_280] : memref<10240x64xf32, #tpu.memory_space<vmem_shared>> -> memref<64x64xf32, #tpu.memory_space<vmem_shared>>
      tpu.enqueue_dma source(%arg30 : memref<64x64xf32, #tpu.memory_space<vmem>>) target(%dma_start3A_281 : memref<64x64xf32, #tpu.memory_space<vmem_shared>>) target_semaphore(%run_scoped3A : memref<!tpu.dma_semaphore, #tpu.memory_space<semaphore_mem>>)
      %dma_wait3A_282 = arith.constant 0 : i32
      %dma_wait3A_283 = tpu.memref_slice %arg11[%add3A_50, %dma_wait3A_282] : memref<10240x64xf32, #tpu.memory_space<vmem_shared>> -> memref<64x64xf32, #tpu.memory_space<vmem_shared>>
      %dma_wait3A_284 = arith.constant 0 : i32
      %dma_wait3A_285 = tpu.memref_slice %arg11[%add3A_50, %dma_wait3A_284] : memref<10240x64xf32, #tpu.memory_space<vmem_shared>> -> memref<64x64xf32, #tpu.memory_space<vmem_shared>>
      tpu.wait_dma2 semaphore(%run_scoped3A : memref<!tpu.dma_semaphore, #tpu.memory_space<semaphore_mem>>) src(%arg30 : memref<64x64xf32, #tpu.memory_space<vmem>>) dst(%dma_wait3A_285 : memref<64x64xf32, #tpu.memory_space<vmem_shared>>)
      tpu.yield
    }) : () -> ()
    "tpu.region"() ({
      %run_scoped3A = tpu.sem_alloc : memref<!tpu.dma_semaphore, #tpu.memory_space<semaphore_mem>>
      %dma_start3A_278 = arith.constant 0 : i32
      %dma_start3A_279 = tpu.memref_slice %arg9[%add3A_50, %dma_start3A_278] : memref<10240x16xf32, #tpu.memory_space<vmem_shared>> -> memref<64x16xf32, #tpu.memory_space<vmem_shared>>
      %dma_start3A_280 = arith.constant 0 : i32
      %dma_start3A_281 = tpu.memref_slice %arg9[%add3A_50, %dma_start3A_280] : memref<10240x16xf32, #tpu.memory_space<vmem_shared>> -> memref<64x16xf32, #tpu.memory_space<vmem_shared>>
      tpu.enqueue_dma source(%arg34 : memref<64x16xf32, #tpu.memory_space<vmem>>) target(%dma_start3A_281 : memref<64x16xf32, #tpu.memory_space<vmem_shared>>) target_semaphore(%run_scoped3A : memref<!tpu.dma_semaphore, #tpu.memory_space<semaphore_mem>>)
      %dma_wait3A_282 = arith.constant 0 : i32
      %dma_wait3A_283 = tpu.memref_slice %arg9[%add3A_50, %dma_wait3A_282] : memref<10240x16xf32, #tpu.memory_space<vmem_shared>> -> memref<64x16xf32, #tpu.memory_space<vmem_shared>>
      %dma_wait3A_284 = arith.constant 0 : i32
      %dma_wait3A_285 = tpu.memref_slice %arg9[%add3A_50, %dma_wait3A_284] : memref<10240x16xf32, #tpu.memory_space<vmem_shared>> -> memref<64x16xf32, #tpu.memory_space<vmem_shared>>
      tpu.wait_dma2 semaphore(%run_scoped3A : memref<!tpu.dma_semaphore, #tpu.memory_space<semaphore_mem>>) src(%arg34 : memref<64x16xf32, #tpu.memory_space<vmem>>) dst(%dma_wait3A_285 : memref<64x16xf32, #tpu.memory_space<vmem_shared>>)
      tpu.yield
    }) : () -> ()
    %mul3A_51 = arith.constant 640 : i32
    %mul3A_52 = arith.muli %arg1, %mul3A_51 : i32
    %add3A_53 = arith.constant 512 : i32
    %add3A_54 = arith.addi %mul3A_52, %add3A_53 : i32
    "tpu.region"() ({
      %run_scoped3A = tpu.sem_alloc : memref<!tpu.dma_semaphore, #tpu.memory_space<semaphore_mem>>
      %dma_start3A_278 = arith.constant 0 : i32
      %dma_start3A_279 = tpu.memref_slice %arg10[%add3A_54, %dma_start3A_278] : memref<10240x64xf32, #tpu.memory_space<vmem_shared>> -> memref<64x64xf32, #tpu.memory_space<vmem_shared>>
      %dma_start3A_280 = arith.constant 0 : i32
      %dma_start3A_281 = tpu.memref_slice %arg10[%add3A_54, %dma_start3A_280] : memref<10240x64xf32, #tpu.memory_space<vmem_shared>> -> memref<64x64xf32, #tpu.memory_space<vmem_shared>>
      tpu.enqueue_dma source(%arg30 : memref<64x64xf32, #tpu.memory_space<vmem>>) target(%dma_start3A_281 : memref<64x64xf32, #tpu.memory_space<vmem_shared>>) target_semaphore(%run_scoped3A : memref<!tpu.dma_semaphore, #tpu.memory_space<semaphore_mem>>)
      %dma_wait3A_282 = arith.constant 0 : i32
      %dma_wait3A_283 = tpu.memref_slice %arg10[%add3A_54, %dma_wait3A_282] : memref<10240x64xf32, #tpu.memory_space<vmem_shared>> -> memref<64x64xf32, #tpu.memory_space<vmem_shared>>
      %dma_wait3A_284 = arith.constant 0 : i32
      %dma_wait3A_285 = tpu.memref_slice %arg10[%add3A_54, %dma_wait3A_284] : memref<10240x64xf32, #tpu.memory_space<vmem_shared>> -> memref<64x64xf32, #tpu.memory_space<vmem_shared>>
      tpu.wait_dma2 semaphore(%run_scoped3A : memref<!tpu.dma_semaphore, #tpu.memory_space<semaphore_mem>>) src(%arg30 : memref<64x64xf32, #tpu.memory_space<vmem>>) dst(%dma_wait3A_285 : memref<64x64xf32, #tpu.memory_space<vmem_shared>>)
      tpu.yield
    }) : () -> ()
    "tpu.region"() ({
      %run_scoped3A = tpu.sem_alloc : memref<!tpu.dma_semaphore, #tpu.memory_space<semaphore_mem>>
      %dma_start3A_278 = arith.constant 0 : i32
      %dma_start3A_279 = tpu.memref_slice %arg11[%add3A_54, %dma_start3A_278] : memref<10240x64xf32, #tpu.memory_space<vmem_shared>> -> memref<64x64xf32, #tpu.memory_space<vmem_shared>>
      %dma_start3A_280 = arith.constant 0 : i32
      %dma_start3A_281 = tpu.memref_slice %arg11[%add3A_54, %dma_start3A_280] : memref<10240x64xf32, #tpu.memory_space<vmem_shared>> -> memref<64x64xf32, #tpu.memory_space<vmem_shared>>
      tpu.enqueue_dma source(%arg30 : memref<64x64xf32, #tpu.memory_space<vmem>>) target(%dma_start3A_281 : memref<64x64xf32, #tpu.memory_space<vmem_shared>>) target_semaphore(%run_scoped3A : memref<!tpu.dma_semaphore, #tpu.memory_space<semaphore_mem>>)
      %dma_wait3A_282 = arith.constant 0 : i32
      %dma_wait3A_283 = tpu.memref_slice %arg11[%add3A_54, %dma_wait3A_282] : memref<10240x64xf32, #tpu.memory_space<vmem_shared>> -> memref<64x64xf32, #tpu.memory_space<vmem_shared>>
      %dma_wait3A_284 = arith.constant 0 : i32
      %dma_wait3A_285 = tpu.memref_slice %arg11[%add3A_54, %dma_wait3A_284] : memref<10240x64xf32, #tpu.memory_space<vmem_shared>> -> memref<64x64xf32, #tpu.memory_space<vmem_shared>>
      tpu.wait_dma2 semaphore(%run_scoped3A : memref<!tpu.dma_semaphore, #tpu.memory_space<semaphore_mem>>) src(%arg30 : memref<64x64xf32, #tpu.memory_space<vmem>>) dst(%dma_wait3A_285 : memref<64x64xf32, #tpu.memory_space<vmem_shared>>)
      tpu.yield
    }) : () -> ()
    "tpu.region"() ({
      %run_scoped3A = tpu.sem_alloc : memref<!tpu.dma_semaphore, #tpu.memory_space<semaphore_mem>>
      %dma_start3A_278 = arith.constant 0 : i32
      %dma_start3A_279 = tpu.memref_slice %arg9[%add3A_54, %dma_start3A_278] : memref<10240x16xf32, #tpu.memory_space<vmem_shared>> -> memref<64x16xf32, #tpu.memory_space<vmem_shared>>
      %dma_start3A_280 = arith.constant 0 : i32
      %dma_start3A_281 = tpu.memref_slice %arg9[%add3A_54, %dma_start3A_280] : memref<10240x16xf32, #tpu.memory_space<vmem_shared>> -> memref<64x16xf32, #tpu.memory_space<vmem_shared>>
      tpu.enqueue_dma source(%arg34 : memref<64x16xf32, #tpu.memory_space<vmem>>) target(%dma_start3A_281 : memref<64x16xf32, #tpu.memory_space<vmem_shared>>) target_semaphore(%run_scoped3A : memref<!tpu.dma_semaphore, #tpu.memory_space<semaphore_mem>>)
      %dma_wait3A_282 = arith.constant 0 : i32
      %dma_wait3A_283 = tpu.memref_slice %arg9[%add3A_54, %dma_wait3A_282] : memref<10240x16xf32, #tpu.memory_space<vmem_shared>> -> memref<64x16xf32, #tpu.memory_space<vmem_shared>>
      %dma_wait3A_284 = arith.constant 0 : i32
      %dma_wait3A_285 = tpu.memref_slice %arg9[%add3A_54, %dma_wait3A_284] : memref<10240x16xf32, #tpu.memory_space<vmem_shared>> -> memref<64x16xf32, #tpu.memory_space<vmem_shared>>
      tpu.wait_dma2 semaphore(%run_scoped3A : memref<!tpu.dma_semaphore, #tpu.memory_space<semaphore_mem>>) src(%arg34 : memref<64x16xf32, #tpu.memory_space<vmem>>) dst(%dma_wait3A_285 : memref<64x16xf32, #tpu.memory_space<vmem_shared>>)
      tpu.yield
    }) : () -> ()
    %mul3A_55 = arith.constant 640 : i32
    %mul3A_56 = arith.muli %arg1, %mul3A_55 : i32
    %add3A_57 = arith.constant 576 : i32
    %add3A_58 = arith.addi %mul3A_56, %add3A_57 : i32
    "tpu.region"() ({
      %run_scoped3A = tpu.sem_alloc : memref<!tpu.dma_semaphore, #tpu.memory_space<semaphore_mem>>
      %dma_start3A_278 = arith.constant 0 : i32
      %dma_start3A_279 = tpu.memref_slice %arg10[%add3A_58, %dma_start3A_278] : memref<10240x64xf32, #tpu.memory_space<vmem_shared>> -> memref<64x64xf32, #tpu.memory_space<vmem_shared>>
      %dma_start3A_280 = arith.constant 0 : i32
      %dma_start3A_281 = tpu.memref_slice %arg10[%add3A_58, %dma_start3A_280] : memref<10240x64xf32, #tpu.memory_space<vmem_shared>> -> memref<64x64xf32, #tpu.memory_space<vmem_shared>>
      tpu.enqueue_dma source(%arg30 : memref<64x64xf32, #tpu.memory_space<vmem>>) target(%dma_start3A_281 : memref<64x64xf32, #tpu.memory_space<vmem_shared>>) target_semaphore(%run_scoped3A : memref<!tpu.dma_semaphore, #tpu.memory_space<semaphore_mem>>)
      %dma_wait3A_282 = arith.constant 0 : i32
      %dma_wait3A_283 = tpu.memref_slice %arg10[%add3A_58, %dma_wait3A_282] : memref<10240x64xf32, #tpu.memory_space<vmem_shared>> -> memref<64x64xf32, #tpu.memory_space<vmem_shared>>
      %dma_wait3A_284 = arith.constant 0 : i32
      %dma_wait3A_285 = tpu.memref_slice %arg10[%add3A_58, %dma_wait3A_284] : memref<10240x64xf32, #tpu.memory_space<vmem_shared>> -> memref<64x64xf32, #tpu.memory_space<vmem_shared>>
      tpu.wait_dma2 semaphore(%run_scoped3A : memref<!tpu.dma_semaphore, #tpu.memory_space<semaphore_mem>>) src(%arg30 : memref<64x64xf32, #tpu.memory_space<vmem>>) dst(%dma_wait3A_285 : memref<64x64xf32, #tpu.memory_space<vmem_shared>>)
      tpu.yield
    }) : () -> ()
    "tpu.region"() ({
      %run_scoped3A = tpu.sem_alloc : memref<!tpu.dma_semaphore, #tpu.memory_space<semaphore_mem>>
      %dma_start3A_278 = arith.constant 0 : i32
      %dma_start3A_279 = tpu.memref_slice %arg11[%add3A_58, %dma_start3A_278] : memref<10240x64xf32, #tpu.memory_space<vmem_shared>> -> memref<64x64xf32, #tpu.memory_space<vmem_shared>>
      %dma_start3A_280 = arith.constant 0 : i32
      %dma_start3A_281 = tpu.memref_slice %arg11[%add3A_58, %dma_start3A_280] : memref<10240x64xf32, #tpu.memory_space<vmem_shared>> -> memref<64x64xf32, #tpu.memory_space<vmem_shared>>
      tpu.enqueue_dma source(%arg30 : memref<64x64xf32, #tpu.memory_space<vmem>>) target(%dma_start3A_281 : memref<64x64xf32, #tpu.memory_space<vmem_shared>>) target_semaphore(%run_scoped3A : memref<!tpu.dma_semaphore, #tpu.memory_space<semaphore_mem>>)
      %dma_wait3A_282 = arith.constant 0 : i32
      %dma_wait3A_283 = tpu.memref_slice %arg11[%add3A_58, %dma_wait3A_282] : memref<10240x64xf32, #tpu.memory_space<vmem_shared>> -> memref<64x64xf32, #tpu.memory_space<vmem_shared>>
      %dma_wait3A_284 = arith.constant 0 : i32
      %dma_wait3A_285 = tpu.memref_slice %arg11[%add3A_58, %dma_wait3A_284] : memref<10240x64xf32, #tpu.memory_space<vmem_shared>> -> memref<64x64xf32, #tpu.memory_space<vmem_shared>>
      tpu.wait_dma2 semaphore(%run_scoped3A : memref<!tpu.dma_semaphore, #tpu.memory_space<semaphore_mem>>) src(%arg30 : memref<64x64xf32, #tpu.memory_space<vmem>>) dst(%dma_wait3A_285 : memref<64x64xf32, #tpu.memory_space<vmem_shared>>)
      tpu.yield
    }) : () -> ()
    "tpu.region"() ({
      %run_scoped3A = tpu.sem_alloc : memref<!tpu.dma_semaphore, #tpu.memory_space<semaphore_mem>>
      %dma_start3A_278 = arith.constant 0 : i32
      %dma_start3A_279 = tpu.memref_slice %arg9[%add3A_58, %dma_start3A_278] : memref<10240x16xf32, #tpu.memory_space<vmem_shared>> -> memref<64x16xf32, #tpu.memory_space<vmem_shared>>
      %dma_start3A_280 = arith.constant 0 : i32
      %dma_start3A_281 = tpu.memref_slice %arg9[%add3A_58, %dma_start3A_280] : memref<10240x16xf32, #tpu.memory_space<vmem_shared>> -> memref<64x16xf32, #tpu.memory_space<vmem_shared>>
      tpu.enqueue_dma source(%arg34 : memref<64x16xf32, #tpu.memory_space<vmem>>) target(%dma_start3A_281 : memref<64x16xf32, #tpu.memory_space<vmem_shared>>) target_semaphore(%run_scoped3A : memref<!tpu.dma_semaphore, #tpu.memory_space<semaphore_mem>>)
      %dma_wait3A_282 = arith.constant 0 : i32
      %dma_wait3A_283 = tpu.memref_slice %arg9[%add3A_58, %dma_wait3A_282] : memref<10240x16xf32, #tpu.memory_space<vmem_shared>> -> memref<64x16xf32, #tpu.memory_space<vmem_shared>>
      %dma_wait3A_284 = arith.constant 0 : i32
      %dma_wait3A_285 = tpu.memref_slice %arg9[%add3A_58, %dma_wait3A_284] : memref<10240x16xf32, #tpu.memory_space<vmem_shared>> -> memref<64x16xf32, #tpu.memory_space<vmem_shared>>
      tpu.wait_dma2 semaphore(%run_scoped3A : memref<!tpu.dma_semaphore, #tpu.memory_space<semaphore_mem>>) src(%arg34 : memref<64x16xf32, #tpu.memory_space<vmem>>) dst(%dma_wait3A_285 : memref<64x16xf32, #tpu.memory_space<vmem_shared>>)
      tpu.yield
    }) : () -> ()
    %barrier3A = arith.constant 0 : index
    tpu.barrier barrier_id(%barrier3A)
    %mul3A_59 = arith.constant 10000 : i32
    %mul3A_60 = arith.muli %arg0, %mul3A_59 : i32
    %add3A_61 = arith.constant 2 : i32
    %add3A_62 = arith.addi %add3A_61, %arg0 : i32
    %mul3A_63 = arith.constant 10000 : i32
    %mul3A_64 = arith.muli %add3A_62, %mul3A_63 : i32
    %add3A_65 = arith.constant 4 : i32
    %add3A_66 = arith.addi %add3A_65, %arg0 : i32
    %mul3A_67 = arith.constant 10000 : i32
    %mul3A_68 = arith.muli %add3A_66, %mul3A_67 : i32
    %mul3A_69 = arith.constant 163840 : i32
    %mul3A_70 = arith.muli %arg0, %mul3A_69 : i32
    %add3A_71 = arith.addi %mul3A_70, %mul3A_0 : i32
    %add3A_72 = arith.constant 0 : i32
    %add3A_73 = arith.addi %mul3A_0, %add3A_72 : i32
    "tpu.region"() ({
      %run_scoped3A = tpu.sem_alloc : memref<!tpu.dma_semaphore, #tpu.memory_space<semaphore_mem>>
      %dma_start3A_278 = tpu.memref_slice %arg3[%add3A_73] : memref<163840xi32, #tpu.memory_space<hbm>> -> memref<64xi32, #tpu.memory_space<hbm>>
      %dma_start3A_279 = tpu.memref_slice %arg3[%add3A_73] : memref<163840xi32, #tpu.memory_space<hbm>> -> memref<64xi32, #tpu.memory_space<hbm>>
      tpu.enqueue_dma source(%dma_start3A_279 : memref<64xi32, #tpu.memory_space<hbm>>) target(%arg12 : memref<64xi32, #tpu.memory_space<vmem>>) target_semaphore(%run_scoped3A : memref<!tpu.dma_semaphore, #tpu.memory_space<semaphore_mem>>)
      %dma_wait3A_280 = tpu.memref_slice %arg3[%add3A_73] : memref<163840xi32, #tpu.memory_space<hbm>> -> memref<64xi32, #tpu.memory_space<hbm>>
      %dma_wait3A_281 = tpu.memref_slice %arg3[%add3A_73] : memref<163840xi32, #tpu.memory_space<hbm>> -> memref<64xi32, #tpu.memory_space<hbm>>
      tpu.wait_dma2 semaphore(%run_scoped3A : memref<!tpu.dma_semaphore, #tpu.memory_space<semaphore_mem>>) src(%dma_wait3A_281 : memref<64xi32, #tpu.memory_space<hbm>>) dst(%arg12 : memref<64xi32, #tpu.memory_space<vmem>>)
      tpu.yield
    }) : () -> ()
    "tpu.region"() ({
      %run_scoped3A = tpu.sem_alloc : memref<!tpu.dma_semaphore, #tpu.memory_space<semaphore_mem>>
      %dma_start3A_278 = tpu.memref_slice %arg4[%add3A_73] : memref<163840xi32, #tpu.memory_space<hbm>> -> memref<64xi32, #tpu.memory_space<hbm>>
      %dma_start3A_279 = tpu.memref_slice %arg4[%add3A_73] : memref<163840xi32, #tpu.memory_space<hbm>> -> memref<64xi32, #tpu.memory_space<hbm>>
      tpu.enqueue_dma source(%dma_start3A_279 : memref<64xi32, #tpu.memory_space<hbm>>) target(%arg16 : memref<64xi32, #tpu.memory_space<vmem>>) target_semaphore(%run_scoped3A : memref<!tpu.dma_semaphore, #tpu.memory_space<semaphore_mem>>)
      %dma_wait3A_280 = tpu.memref_slice %arg4[%add3A_73] : memref<163840xi32, #tpu.memory_space<hbm>> -> memref<64xi32, #tpu.memory_space<hbm>>
      %dma_wait3A_281 = tpu.memref_slice %arg4[%add3A_73] : memref<163840xi32, #tpu.memory_space<hbm>> -> memref<64xi32, #tpu.memory_space<hbm>>
      tpu.wait_dma2 semaphore(%run_scoped3A : memref<!tpu.dma_semaphore, #tpu.memory_space<semaphore_mem>>) src(%dma_wait3A_281 : memref<64xi32, #tpu.memory_space<hbm>>) dst(%arg16 : memref<64xi32, #tpu.memory_space<vmem>>)
      tpu.yield
    }) : () -> ()
    "tpu.region"() ({
      %run_scoped3A = tpu.sem_alloc : memref<!tpu.dma_semaphore, #tpu.memory_space<semaphore_mem>>
      %dma_start3A_278 = tpu.memref_slice %arg5[%add3A_73] : memref<163840xf32, #tpu.memory_space<hbm>> -> memref<64xf32, #tpu.memory_space<hbm>>
      %dma_start3A_279 = tpu.memref_slice %arg5[%add3A_73] : memref<163840xf32, #tpu.memory_space<hbm>> -> memref<64xf32, #tpu.memory_space<hbm>>
      tpu.enqueue_dma source(%dma_start3A_279 : memref<64xf32, #tpu.memory_space<hbm>>) target(%arg20 : memref<64xf32, #tpu.memory_space<vmem>>) target_semaphore(%run_scoped3A : memref<!tpu.dma_semaphore, #tpu.memory_space<semaphore_mem>>)
      %dma_wait3A_280 = tpu.memref_slice %arg5[%add3A_73] : memref<163840xf32, #tpu.memory_space<hbm>> -> memref<64xf32, #tpu.memory_space<hbm>>
      %dma_wait3A_281 = tpu.memref_slice %arg5[%add3A_73] : memref<163840xf32, #tpu.memory_space<hbm>> -> memref<64xf32, #tpu.memory_space<hbm>>
      tpu.wait_dma2 semaphore(%run_scoped3A : memref<!tpu.dma_semaphore, #tpu.memory_space<semaphore_mem>>) src(%dma_wait3A_281 : memref<64xf32, #tpu.memory_space<hbm>>) dst(%arg20 : memref<64xf32, #tpu.memory_space<vmem>>)
      tpu.yield
    }) : () -> ()
    %scan3A_74 = arith.constant 0 : i32
    %scan3A_75 = arith.constant 0 : i32
    %scan3A_76 = arith.constant 4 : i32
    %scan3A_77 = arith.addi %scan3A_75, %scan3A_76 : i32
    %scan3A_78 = arith.constant 1 : i32
    %scan3A_79 = scf.for %scan3A_278 = %scan3A_75 to %scan3A_77 step %scan3A_78 iter_args(%scan3A_279 = %scan3A_74) -> (i32)  : i32 {
      %mul3A_280 = arith.constant 16 : i32
      %mul3A_281 = arith.muli %scan3A_278, %mul3A_280 : i32
      %get3A = arith.index_cast %mul3A_281 : i32 to index
      %get3A_282 = tpu.vector_load %arg12[%get3A] {strides = array<i32>} : memref<64xi32, #tpu.memory_space<vmem>>, vector<16xi32>,
      %add3A_283 = vector.broadcast %mul3A_60 : i32 to vector<16xi32>
      %add3A_284 = arith.addi %get3A_282, %add3A_283 : vector<16xi32>
      %mul3A_285 = arith.constant 16 : i32
      %mul3A_286 = arith.muli %scan3A_278, %mul3A_285 : i32
      %swap3A = arith.index_cast %mul3A_286 : i32 to index
      %swap3A_287 = tpu.vector_load %arg26[%swap3A] {strides = array<i32>} : memref<128xi32, #tpu.memory_space<vmem>>, vector<16xi32>,
      tpu.vector_store %arg26[%swap3A], %add3A_284 {strides = array<i32>} : memref<128xi32, #tpu.memory_space<vmem>>, vector<16xi32>,
      %mul3A_288 = arith.constant 16 : i32
      %mul3A_289 = arith.muli %scan3A_278, %mul3A_288 : i32
      %get3A_290 = arith.index_cast %mul3A_289 : i32 to index
      %get3A_291 = tpu.vector_load %arg16[%get3A_290] {strides = array<i32>} : memref<64xi32, #tpu.memory_space<vmem>>, vector<16xi32>,
      %add3A_292 = vector.broadcast %mul3A_64 : i32 to vector<16xi32>
      %add3A_293 = arith.addi %get3A_291, %add3A_292 : vector<16xi32>
      %mul3A_294 = arith.constant 16 : i32
      %mul3A_295 = arith.muli %scan3A_278, %mul3A_294 : i32
      %add3A_296 = arith.constant 64 : i32
      %add3A_297 = arith.addi %add3A_296, %mul3A_295 : i32
      %swap3A_298 = arith.index_cast %add3A_297 : i32 to index
      %swap3A_299 = tpu.vector_load %arg26[%swap3A_298] {strides = array<i32>} : memref<128xi32, #tpu.memory_space<vmem>>, vector<16xi32>,
      tpu.vector_store %arg26[%swap3A_298], %add3A_293 {strides = array<i32>} : memref<128xi32, #tpu.memory_space<vmem>>, vector<16xi32>,
      %scan3A_300 = arith.constant 0 : i32
      scf.yield %scan3A_300 : i32
    }
    %scan3A_80 = arith.constant 4 : i32
    %dma_start3A = arith.constant 0 : i32
    %dma_start3A_81 = arith.constant 0 : i32
    %dma_start3A_82 = tpu.memref_slice %arg2[%dma_start3A, %dma_start3A_81] : memref<60000x128xbf16, #tpu.memory_space<hbm>> -> memref<60000x128xbf16, #tpu.memory_space<hbm>>
    tpu.enqueue_indirect_dma source(%dma_start3A_82 : memref<60000x128xbf16, #tpu.memory_space<hbm>>) target(%arg28 : memref<128x128xbf16, #tpu.memory_space<vmem>>) offsets(%arg26 : memref<128xi32, #tpu.memory_space<vmem>>) semaphore(%arg39 : memref<!tpu.dma_semaphore, #tpu.memory_space<semaphore_mem>>)
    %add3A_83 = arith.constant 64 : i32
    %add3A_84 = arith.addi %mul3A_0, %add3A_83 : i32
    %dma_start3A_85 = tpu.memref_slice %arg3[%add3A_84] : memref<163840xi32, #tpu.memory_space<hbm>> -> memref<64xi32, #tpu.memory_space<hbm>>
    %dma_start3A_86 = tpu.memref_slice %arg3[%add3A_84] : memref<163840xi32, #tpu.memory_space<hbm>> -> memref<64xi32, #tpu.memory_space<hbm>>
    tpu.enqueue_dma source(%dma_start3A_86 : memref<64xi32, #tpu.memory_space<hbm>>) target(%arg13 : memref<64xi32, #tpu.memory_space<vmem>>) target_semaphore(%arg38 : memref<!tpu.dma_semaphore, #tpu.memory_space<semaphore_mem>>)
    %dma_start3A_87 = tpu.memref_slice %arg4[%add3A_84] : memref<163840xi32, #tpu.memory_space<hbm>> -> memref<64xi32, #tpu.memory_space<hbm>>
    %dma_start3A_88 = tpu.memref_slice %arg4[%add3A_84] : memref<163840xi32, #tpu.memory_space<hbm>> -> memref<64xi32, #tpu.memory_space<hbm>>
    tpu.enqueue_dma source(%dma_start3A_88 : memref<64xi32, #tpu.memory_space<hbm>>) target(%arg17 : memref<64xi32, #tpu.memory_space<vmem>>) target_semaphore(%arg38 : memref<!tpu.dma_semaphore, #tpu.memory_space<semaphore_mem>>)
    %dma_start3A_89 = tpu.memref_slice %arg5[%add3A_84] : memref<163840xf32, #tpu.memory_space<hbm>> -> memref<64xf32, #tpu.memory_space<hbm>>
    %dma_start3A_90 = tpu.memref_slice %arg5[%add3A_84] : memref<163840xf32, #tpu.memory_space<hbm>> -> memref<64xf32, #tpu.memory_space<hbm>>
    tpu.enqueue_dma source(%dma_start3A_90 : memref<64xf32, #tpu.memory_space<hbm>>) target(%arg21 : memref<64xf32, #tpu.memory_space<vmem>>) target_semaphore(%arg38 : memref<!tpu.dma_semaphore, #tpu.memory_space<semaphore_mem>>)
    %scan3A_91 = arith.constant 0 : i32
    %scan3A_92 = arith.constant 0 : i32
    %scan3A_93 = arith.constant 40 : i32
    %scan3A_94 = arith.addi %scan3A_92, %scan3A_93 : i32
    %scan3A_95 = arith.constant 1 : i32
    %scan3A_96 = scf.for %scan3A_278 = %scan3A_92 to %scan3A_94 step %scan3A_95 iter_args(%scan3A_279 = %scan3A_91) -> (i32)  : i32 {
      %mul3A_280 = arith.constant 4 : i32
      %mul3A_281 = arith.muli %mul3A_280, %scan3A_278 : i32
      %add3A_282 = arith.constant 0 : i32
      %add3A_283 = arith.addi %mul3A_281, %add3A_282 : i32
      %gt3A = arith.constant 0 : i32
      %gt3A_284 = arith.cmpi sgt, %scan3A_278, %gt3A : i32
      %convert_element_type3A = arith.extui %gt3A_284 : i1 to i32
      %cond3A = arith.constant 0 : i32
      %cond3A_285 = arith.cmpi ne, %convert_element_type3A, %cond3A : i32
      scf.if %cond3A_285 {
        %dma_wait3A_442 = arith.constant 0 : i32
        %dma_wait3A_443 = tpu.memref_slice %arg8[%add3A_71, %dma_wait3A_442] : memref<327680x16xf32, #tpu.memory_space<hbm>> -> memref<64x16xf32, #tpu.memory_space<hbm>>
        %dma_wait3A_444 = arith.constant 0 : i32
        %dma_wait3A_445 = tpu.memref_slice %arg8[%add3A_71, %dma_wait3A_444] : memref<327680x16xf32, #tpu.memory_space<hbm>> -> memref<64x16xf32, #tpu.memory_space<hbm>>
        tpu.wait_dma2 semaphore(%arg43 : memref<!tpu.dma_semaphore, #tpu.memory_space<semaphore_mem>>) src(%arg34 : memref<64x16xf32, #tpu.memory_space<vmem>>) dst(%dma_wait3A_445 : memref<64x16xf32, #tpu.memory_space<hbm>>)
        %dma_wait3A_446 = arith.constant 0 : i32
        %dma_wait3A_447 = arith.constant 0 : i32
        %dma_wait3A_448 = tpu.memref_slice %arg9[%dma_wait3A_446, %dma_wait3A_447] : memref<10240x16xf32, #tpu.memory_space<vmem_shared>> -> memref<64x16xf32, #tpu.memory_space<vmem_shared>>
        %dma_wait3A_449 = arith.constant 0 : i32
        %dma_wait3A_450 = arith.constant 0 : i32
        %dma_wait3A_451 = tpu.memref_slice %arg9[%dma_wait3A_449, %dma_wait3A_450] : memref<10240x16xf32, #tpu.memory_space<vmem_shared>> -> memref<64x16xf32, #tpu.memory_space<vmem_shared>>
        tpu.wait_dma2 semaphore(%arg45 : memref<!tpu.dma_semaphore, #tpu.memory_space<semaphore_mem>>) src(%arg34 : memref<64x16xf32, #tpu.memory_space<vmem>>) dst(%dma_wait3A_451 : memref<64x16xf32, #tpu.memory_space<vmem_shared>>)
      } else {
      }
      %ge3A = arith.constant 0 : i32
      %ge3A_286 = arith.cmpi sge, %scan3A_278, %ge3A : i32
      %convert_element_type3A_287 = arith.extui %ge3A_286 : i1 to i32
      %cond3A_288 = arith.constant 0 : i32
      %cond3A_289 = arith.cmpi ne, %convert_element_type3A_287, %cond3A_288 : i32
      scf.if %cond3A_289 {
        %dma_wait3A_442 = arith.constant 0 : i32
        %dma_wait3A_443 = tpu.memref_slice %arg3[%dma_wait3A_442] : memref<163840xi32, #tpu.memory_space<hbm>> -> memref<64xi32, #tpu.memory_space<hbm>>
        %dma_wait3A_444 = arith.constant 0 : i32
        %dma_wait3A_445 = tpu.memref_slice %arg3[%dma_wait3A_444] : memref<163840xi32, #tpu.memory_space<hbm>> -> memref<64xi32, #tpu.memory_space<hbm>>
        tpu.wait_dma2 semaphore(%arg38 : memref<!tpu.dma_semaphore, #tpu.memory_space<semaphore_mem>>) src(%dma_wait3A_445 : memref<64xi32, #tpu.memory_space<hbm>>) dst(%arg12 : memref<64xi32, #tpu.memory_space<vmem>>)
        %dma_wait3A_446 = arith.constant 0 : i32
        %dma_wait3A_447 = tpu.memref_slice %arg3[%dma_wait3A_446] : memref<163840xi32, #tpu.memory_space<hbm>> -> memref<64xi32, #tpu.memory_space<hbm>>
        %dma_wait3A_448 = arith.constant 0 : i32
        %dma_wait3A_449 = tpu.memref_slice %arg3[%dma_wait3A_448] : memref<163840xi32, #tpu.memory_space<hbm>> -> memref<64xi32, #tpu.memory_space<hbm>>
        tpu.wait_dma2 semaphore(%arg38 : memref<!tpu.dma_semaphore, #tpu.memory_space<semaphore_mem>>) src(%dma_wait3A_449 : memref<64xi32, #tpu.memory_space<hbm>>) dst(%arg12 : memref<64xi32, #tpu.memory_space<vmem>>)
        %dma_wait3A_450 = arith.constant 0 : i32
        %dma_wait3A_451 = tpu.memref_slice %arg3[%dma_wait3A_450] : memref<163840xi32, #tpu.memory_space<hbm>> -> memref<64xi32, #tpu.memory_space<hbm>>
        %dma_wait3A_452 = arith.constant 0 : i32
        %dma_wait3A_453 = tpu.memref_slice %arg3[%dma_wait3A_452] : memref<163840xi32, #tpu.memory_space<hbm>> -> memref<64xi32, #tpu.memory_space<hbm>>
        tpu.wait_dma2 semaphore(%arg38 : memref<!tpu.dma_semaphore, #tpu.memory_space<semaphore_mem>>) src(%dma_wait3A_453 : memref<64xi32, #tpu.memory_space<hbm>>) dst(%arg12 : memref<64xi32, #tpu.memory_space<vmem>>)
        %scan3A_454 = arith.constant 0 : i32
        %scan3A_455 = arith.constant 0 : i32
        %scan3A_456 = arith.constant 4 : i32
        %scan3A_457 = arith.addi %scan3A_455, %scan3A_456 : i32
        %scan3A_458 = arith.constant 1 : i32
        %scan3A_459 = scf.for %scan3A_464 = %scan3A_455 to %scan3A_457 step %scan3A_458 iter_args(%scan3A_465 = %scan3A_454) -> (i32)  : i32 {
          %mul3A_466 = arith.constant 16 : i32
          %mul3A_467 = arith.muli %scan3A_464, %mul3A_466 : i32
          %get3A = arith.index_cast %mul3A_467 : i32 to index
          %get3A_468 = tpu.vector_load %arg13[%get3A] {strides = array<i32>} : memref<64xi32, #tpu.memory_space<vmem>>, vector<16xi32>,
          %add3A_469 = vector.broadcast %mul3A_60 : i32 to vector<16xi32>
          %add3A_470 = arith.addi %get3A_468, %add3A_469 : vector<16xi32>
          %mul3A_471 = arith.constant 16 : i32
          %mul3A_472 = arith.muli %scan3A_464, %mul3A_471 : i32
          %swap3A = arith.index_cast %mul3A_472 : i32 to index
          %swap3A_473 = tpu.vector_load %arg27[%swap3A] {strides = array<i32>} : memref<128xi32, #tpu.memory_space<vmem>>, vector<16xi32>,
          tpu.vector_store %arg27[%swap3A], %add3A_470 {strides = array<i32>} : memref<128xi32, #tpu.memory_space<vmem>>, vector<16xi32>,
          %mul3A_474 = arith.constant 16 : i32
          %mul3A_475 = arith.muli %scan3A_464, %mul3A_474 : i32
          %get3A_476 = arith.index_cast %mul3A_475 : i32 to index
          %get3A_477 = tpu.vector_load %arg17[%get3A_476] {strides = array<i32>} : memref<64xi32, #tpu.memory_space<vmem>>, vector<16xi32>,
          %add3A_478 = vector.broadcast %mul3A_64 : i32 to vector<16xi32>
          %add3A_479 = arith.addi %get3A_477, %add3A_478 : vector<16xi32>
          %mul3A_480 = arith.constant 16 : i32
          %mul3A_481 = arith.muli %scan3A_464, %mul3A_480 : i32
          %add3A_482 = arith.constant 64 : i32
          %add3A_483 = arith.addi %add3A_482, %mul3A_481 : i32
          %swap3A_484 = arith.index_cast %add3A_483 : i32 to index
          %swap3A_485 = tpu.vector_load %arg27[%swap3A_484] {strides = array<i32>} : memref<128xi32, #tpu.memory_space<vmem>>, vector<16xi32>,
          tpu.vector_store %arg27[%swap3A_484], %add3A_479 {strides = array<i32>} : memref<128xi32, #tpu.memory_space<vmem>>, vector<16xi32>,
          %scan3A_486 = arith.constant 0 : i32
          scf.yield %scan3A_486 : i32
        }
        %scan3A_460 = arith.constant 4 : i32
        %dma_start3A_461 = arith.constant 0 : i32
        %dma_start3A_462 = arith.constant 0 : i32
        %dma_start3A_463 = tpu.memref_slice %arg2[%dma_start3A_461, %dma_start3A_462] : memref<60000x128xbf16, #tpu.memory_space<hbm>> -> memref<60000x128xbf16, #tpu.memory_space<hbm>>
        tpu.enqueue_indirect_dma source(%dma_start3A_463 : memref<60000x128xbf16, #tpu.memory_space<hbm>>) target(%arg29 : memref<128x128xbf16, #tpu.memory_space<vmem>>) offsets(%arg27 : memref<128xi32, #tpu.memory_space<vmem>>) semaphore(%arg40 : memref<!tpu.dma_semaphore, #tpu.memory_space<semaphore_mem>>)
      } else {
      }
      %ge3A_290 = arith.constant 0 : i32
      %ge3A_291 = arith.cmpi sge, %scan3A_278, %ge3A_290 : i32
      %convert_element_type3A_292 = arith.extui %ge3A_291 : i1 to i32
      %cond3A_293 = arith.constant 0 : i32
      %cond3A_294 = arith.cmpi ne, %convert_element_type3A_292, %cond3A_293 : i32
      scf.if %cond3A_294 {
        %add3A_442 = arith.constant 2 : i32
        %add3A_443 = arith.addi %add3A_283, %add3A_442 : i32
        %mul3A_444 = arith.constant 64 : i32
        %mul3A_445 = arith.muli %add3A_443, %mul3A_444 : i32
        %add3A_446 = arith.addi %mul3A_0, %mul3A_445 : i32
        %dma_start3A_447 = tpu.memref_slice %arg3[%add3A_446] : memref<163840xi32, #tpu.memory_space<hbm>> -> memref<64xi32, #tpu.memory_space<hbm>>
        %dma_start3A_448 = tpu.memref_slice %arg3[%add3A_446] : memref<163840xi32, #tpu.memory_space<hbm>> -> memref<64xi32, #tpu.memory_space<hbm>>
        tpu.enqueue_dma source(%dma_start3A_448 : memref<64xi32, #tpu.memory_space<hbm>>) target(%arg14 : memref<64xi32, #tpu.memory_space<vmem>>) target_semaphore(%arg38 : memref<!tpu.dma_semaphore, #tpu.memory_space<semaphore_mem>>)
        %dma_start3A_449 = tpu.memref_slice %arg4[%add3A_446] : memref<163840xi32, #tpu.memory_space<hbm>> -> memref<64xi32, #tpu.memory_space<hbm>>
        %dma_start3A_450 = tpu.memref_slice %arg4[%add3A_446] : memref<163840xi32, #tpu.memory_space<hbm>> -> memref<64xi32, #tpu.memory_space<hbm>>
        tpu.enqueue_dma source(%dma_start3A_450 : memref<64xi32, #tpu.memory_space<hbm>>) target(%arg18 : memref<64xi32, #tpu.memory_space<vmem>>) target_semaphore(%arg38 : memref<!tpu.dma_semaphore, #tpu.memory_space<semaphore_mem>>)
        %dma_start3A_451 = tpu.memref_slice %arg5[%add3A_446] : memref<163840xf32, #tpu.memory_space<hbm>> -> memref<64xf32, #tpu.memory_space<hbm>>
        %dma_start3A_452 = tpu.memref_slice %arg5[%add3A_446] : memref<163840xf32, #tpu.memory_space<hbm>> -> memref<64xf32, #tpu.memory_space<hbm>>
        tpu.enqueue_dma source(%dma_start3A_452 : memref<64xf32, #tpu.memory_space<hbm>>) target(%arg22 : memref<64xf32, #tpu.memory_space<vmem>>) target_semaphore(%arg38 : memref<!tpu.dma_semaphore, #tpu.memory_space<semaphore_mem>>)
      } else {
      }
      %dma_wait3A_295 = arith.constant 0 : i32
      %dma_wait3A_296 = arith.constant 0 : i32
      %dma_wait3A_297 = tpu.memref_slice %arg2[%dma_wait3A_295, %dma_wait3A_296] : memref<60000x128xbf16, #tpu.memory_space<hbm>> -> memref<60000x128xbf16, #tpu.memory_space<hbm>>
      tpu.wait_indirect_dma semaphore(%arg39 : memref<!tpu.dma_semaphore, #tpu.memory_space<semaphore_mem>>) src(%dma_wait3A_297 : memref<60000x128xbf16, #tpu.memory_space<hbm>>) dst(%arg28 : memref<128x128xbf16, #tpu.memory_space<vmem>>)
      %scan3A_298 = arith.constant 0 : i32
      %scan3A_299 = arith.constant 0 : i32
      %scan3A_300 = arith.constant 64 : i32
      %scan3A_301 = arith.addi %scan3A_299, %scan3A_300 : i32
      %scan3A_302 = arith.constant 1 : i32
      %scan3A_303 = scf.for %scan3A_442 = %scan3A_299 to %scan3A_301 step %scan3A_302 iter_args(%scan3A_443 = %scan3A_298) -> (i32)  : i32 {
        %get3A = arith.index_cast %scan3A_442 : i32 to index
        %get3A_444 = arith.constant 0 : index
        %get3A_445 = tpu.vector_load %arg28[%get3A, %get3A_444] {strides = array<i32>} : memref<128x128xbf16, #tpu.memory_space<vmem>>, vector<32xbf16>,
        %unpack3A = tpu.unpack_subelements %get3A_445, 0 {pack_format = #tpu.pack_format<interleaved>} : vector<32xbf16> -> vector<16xf32>
        %unpack3A_446 = tpu.unpack_subelements %get3A_445, 1 {pack_format = #tpu.pack_format<interleaved>} : vector<32xbf16> -> vector<16xf32>
        %add3A_447 = arith.constant 64 : i32
        %add3A_448 = arith.addi %add3A_447, %scan3A_442 : i32
        %get3A_449 = arith.index_cast %add3A_448 : i32 to index
        %get3A_450 = arith.constant 0 : index
        %get3A_451 = tpu.vector_load %arg28[%get3A_449, %get3A_450] {strides = array<i32>} : memref<128x128xbf16, #tpu.memory_space<vmem>>, vector<32xbf16>,
        %unpack3A_452 = tpu.unpack_subelements %get3A_451, 0 {pack_format = #tpu.pack_format<interleaved>} : vector<32xbf16> -> vector<16xf32>
        %unpack3A_453 = tpu.unpack_subelements %get3A_451, 1 {pack_format = #tpu.pack_format<interleaved>} : vector<32xbf16> -> vector<16xf32>
        %mul3A_454 = arith.mulf %unpack3A, %unpack3A_452 : vector<16xf32>
        %add3A_455 = arith.addf %broadcast_in_dim3A_6, %mul3A_454 : vector<16xf32>
        %mul3A_456 = arith.mulf %unpack3A_446, %unpack3A_453 : vector<16xf32>
        %add3A_457 = arith.addf %add3A_455, %mul3A_456 : vector<16xf32>
        %get3A_458 = arith.index_cast %scan3A_442 : i32 to index
        %get3A_459 = arith.constant 32 : index
        %get3A_460 = tpu.vector_load %arg28[%get3A_458, %get3A_459] {strides = array<i32>} : memref<128x128xbf16, #tpu.memory_space<vmem>>, vector<32xbf16>,
        %unpack3A_461 = tpu.unpack_subelements %get3A_460, 0 {pack_format = #tpu.pack_format<interleaved>} : vector<32xbf16> -> vector<16xf32>
        %unpack3A_462 = tpu.unpack_subelements %get3A_460, 1 {pack_format = #tpu.pack_format<interleaved>} : vector<32xbf16> -> vector<16xf32>
        %add3A_463 = arith.constant 64 : i32
        %add3A_464 = arith.addi %add3A_463, %scan3A_442 : i32
        %get3A_465 = arith.index_cast %add3A_464 : i32 to index
        %get3A_466 = arith.constant 32 : index
        %get3A_467 = tpu.vector_load %arg28[%get3A_465, %get3A_466] {strides = array<i32>} : memref<128x128xbf16, #tpu.memory_space<vmem>>, vector<32xbf16>,
        %unpack3A_468 = tpu.unpack_subelements %get3A_467, 0 {pack_format = #tpu.pack_format<interleaved>} : vector<32xbf16> -> vector<16xf32>
        %unpack3A_469 = tpu.unpack_subelements %get3A_467, 1 {pack_format = #tpu.pack_format<interleaved>} : vector<32xbf16> -> vector<16xf32>
        %mul3A_470 = arith.mulf %unpack3A_461, %unpack3A_468 : vector<16xf32>
        %add3A_471 = arith.addf %add3A_457, %mul3A_470 : vector<16xf32>
        %mul3A_472 = arith.mulf %unpack3A_462, %unpack3A_469 : vector<16xf32>
        %add3A_473 = arith.addf %add3A_471, %mul3A_472 : vector<16xf32>
        %get3A_474 = arith.index_cast %scan3A_442 : i32 to index
        %get3A_475 = arith.constant 64 : index
        %get3A_476 = tpu.vector_load %arg28[%get3A_474, %get3A_475] {strides = array<i32>} : memref<128x128xbf16, #tpu.memory_space<vmem>>, vector<32xbf16>,
        %unpack3A_477 = tpu.unpack_subelements %get3A_476, 0 {pack_format = #tpu.pack_format<interleaved>} : vector<32xbf16> -> vector<16xf32>
        %unpack3A_478 = tpu.unpack_subelements %get3A_476, 1 {pack_format = #tpu.pack_format<interleaved>} : vector<32xbf16> -> vector<16xf32>
        %add3A_479 = arith.constant 64 : i32
        %add3A_480 = arith.addi %add3A_479, %scan3A_442 : i32
        %get3A_481 = arith.index_cast %add3A_480 : i32 to index
        %get3A_482 = arith.constant 64 : index
        %get3A_483 = tpu.vector_load %arg28[%get3A_481, %get3A_482] {strides = array<i32>} : memref<128x128xbf16, #tpu.memory_space<vmem>>, vector<32xbf16>,
        %unpack3A_484 = tpu.unpack_subelements %get3A_483, 0 {pack_format = #tpu.pack_format<interleaved>} : vector<32xbf16> -> vector<16xf32>
        %unpack3A_485 = tpu.unpack_subelements %get3A_483, 1 {pack_format = #tpu.pack_format<interleaved>} : vector<32xbf16> -> vector<16xf32>
        %mul3A_486 = arith.mulf %unpack3A_477, %unpack3A_484 : vector<16xf32>
        %add3A_487 = arith.addf %add3A_473, %mul3A_486 : vector<16xf32>
        %mul3A_488 = arith.mulf %unpack3A_478, %unpack3A_485 : vector<16xf32>
        %add3A_489 = arith.addf %add3A_487, %mul3A_488 : vector<16xf32>
        %get3A_490 = arith.index_cast %scan3A_442 : i32 to index
        %get3A_491 = arith.constant 96 : index
        %get3A_492 = tpu.vector_load %arg28[%get3A_490, %get3A_491] {strides = array<i32>} : memref<128x128xbf16, #tpu.memory_space<vmem>>, vector<32xbf16>,
        %unpack3A_493 = tpu.unpack_subelements %get3A_492, 0 {pack_format = #tpu.pack_format<interleaved>} : vector<32xbf16> -> vector<16xf32>
        %unpack3A_494 = tpu.unpack_subelements %get3A_492, 1 {pack_format = #tpu.pack_format<interleaved>} : vector<32xbf16> -> vector<16xf32>
        %add3A_495 = arith.constant 64 : i32
        %add3A_496 = arith.addi %add3A_495, %scan3A_442 : i32
        %get3A_497 = arith.index_cast %add3A_496 : i32 to index
        %get3A_498 = arith.constant 96 : index
        %get3A_499 = tpu.vector_load %arg28[%get3A_497, %get3A_498] {strides = array<i32>} : memref<128x128xbf16, #tpu.memory_space<vmem>>, vector<32xbf16>,
        %unpack3A_500 = tpu.unpack_subelements %get3A_499, 0 {pack_format = #tpu.pack_format<interleaved>} : vector<32xbf16> -> vector<16xf32>
        %unpack3A_501 = tpu.unpack_subelements %get3A_499, 1 {pack_format = #tpu.pack_format<interleaved>} : vector<32xbf16> -> vector<16xf32>
        %mul3A_502 = arith.mulf %unpack3A_493, %unpack3A_500 : vector<16xf32>
        %add3A_503 = arith.addf %add3A_489, %mul3A_502 : vector<16xf32>
        %mul3A_504 = arith.mulf %unpack3A_494, %unpack3A_501 : vector<16xf32>
        %add3A_505 = arith.addf %add3A_503, %mul3A_504 : vector<16xf32>
        %lt3A_506 = arith.constant 0 : i32
        %lt3A_507 = vector.broadcast %lt3A_506 : i32 to vector<16xi32>
        %lt3A_508 = arith.cmpi slt, %xor3A_2, %lt3A_507 : vector<16xi32>
        %add3A_509 = arith.constant 16 : i32
        %add3A_510 = vector.broadcast %add3A_509 : i32 to vector<16xi32>
        %add3A_511 = arith.addi %xor3A_2, %add3A_510 : vector<16xi32>
        %select_n3A = arith.select %lt3A_508, %add3A_511, %xor3A_2 : vector<16xi1>, vector<16xi32>
        %broadcast_in_dim3A_512 = vector.shape_cast %select_n3A : vector<16xi32> to vector<16x1xi32>
        %gather3A = vector.shape_cast %broadcast_in_dim3A_512 : vector<16x1xi32> to vector<16xi32>
        %gather3A_513 = tpu.dynamic_gather %add3A_505[%gather3A] in [0] : vector<16xf32>, vector<16xi32> -> vector<16xf32>
        %add3A_514 = arith.addf %add3A_505, %gather3A_513 : vector<16xf32>
        %lt3A_515 = arith.constant 0 : i32
        %lt3A_516 = vector.broadcast %lt3A_515 : i32 to vector<16xi32>
        %lt3A_517 = arith.cmpi slt, %xor3A_5, %lt3A_516 : vector<16xi32>
        %add3A_518 = arith.constant 16 : i32
        %add3A_519 = vector.broadcast %add3A_518 : i32 to vector<16xi32>
        %add3A_520 = arith.addi %xor3A_5, %add3A_519 : vector<16xi32>
        %select_n3A_521 = arith.select %lt3A_517, %add3A_520, %xor3A_5 : vector<16xi1>, vector<16xi32>
        %broadcast_in_dim3A_522 = vector.shape_cast %select_n3A_521 : vector<16xi32> to vector<16x1xi32>
        %gather3A_523 = vector.shape_cast %broadcast_in_dim3A_522 : vector<16x1xi32> to vector<16xi32>
        %gather3A_524 = tpu.dynamic_gather %add3A_514[%gather3A_523] in [0] : vector<16xf32>, vector<16xi32> -> vector<16xf32>
        %add3A_525 = arith.addf %add3A_514, %gather3A_524 : vector<16xf32>
        %jit3A = arith.constant 16 : i32
        %div3A = arith.divsi %scan3A_442, %jit3A : i32
        %sign3A = arith.constant 0 : i32
        %sign3A_526 = arith.cmpi sgt, %scan3A_442, %sign3A : i32
        %sign3A_527 = arith.extui %sign3A_526 : i1 to i32
        %sign3A_528 = arith.constant 0 : i32
        %sign3A_529 = arith.cmpi slt, %scan3A_442, %sign3A_528 : i32
        %sign3A_530 = arith.extui %sign3A_529 : i1 to i32
        %sign3A_531 = arith.subi %sign3A_527, %sign3A_530 : i32
        %sign3A_532 = arith.constant 0 : i32
        %sign3A_533 = arith.cmpi sgt, %jit3A, %sign3A_532 : i32
        %sign3A_534 = arith.extui %sign3A_533 : i1 to i32
        %sign3A_535 = arith.constant 0 : i32
        %sign3A_536 = arith.cmpi slt, %jit3A, %sign3A_535 : i32
        %sign3A_537 = arith.extui %sign3A_536 : i1 to i32
        %sign3A_538 = arith.subi %sign3A_534, %sign3A_537 : i32
        %ne3A = arith.cmpi ne, %sign3A_531, %sign3A_538 : i32
        %rem3A = arith.remsi %scan3A_442, %jit3A : i32
        %ne3A_539 = arith.constant 0 : i32
        %ne3A_540 = arith.cmpi ne, %rem3A, %ne3A_539 : i32
        %and3A = arith.andi %ne3A, %ne3A_540 : i1
        %sub3A = arith.constant 1 : i32
        %sub3A_541 = arith.subi %div3A, %sub3A : i32
        %select_n3A_542 = arith.select %and3A, %sub3A_541, %div3A : i32
        %mul3A_543 = arith.constant 16 : i32
        %mul3A_544 = arith.muli %select_n3A_542, %mul3A_543 : i32
        %get3A_545 = arith.index_cast %mul3A_544 : i32 to index
        %get3A_546 = tpu.vector_load %arg20[%get3A_545] {strides = array<i32>} : memref<64xf32, #tpu.memory_space<vmem>>, vector<16xf32>,
        %jit3A_547 = arith.constant 16 : i32
        %eq3A = arith.constant 0 : i32
        %eq3A_548 = arith.cmpi eq, %jit3A_547, %eq3A : i32
        %jit3A_549 = arith.constant 1 : i32
        %select_n3A_550 = arith.select %eq3A_548, %jit3A_549, %jit3A_547 : i32
        %rem3A_551 = arith.remsi %scan3A_442, %select_n3A_550 : i32
        %ne3A_552 = arith.constant 0 : i32
        %ne3A_553 = arith.cmpi ne, %rem3A_551, %ne3A_552 : i32
        %lt3A_554 = arith.constant 0 : i32
        %lt3A_555 = arith.cmpi slt, %rem3A_551, %lt3A_554 : i32
        %lt3A_556 = arith.constant 0 : i32
        %lt3A_557 = arith.cmpi slt, %select_n3A_550, %lt3A_556 : i32
        %ne3A_558 = arith.xori %lt3A_555, %lt3A_557 : i1
        %and3A_559 = arith.andi %ne3A_558, %ne3A_553 : i1
        %add3A_560 = arith.addi %rem3A_551, %select_n3A_550 : i32
        %select_n3A_561 = arith.select %and3A_559, %add3A_560, %rem3A_551 : i32
        %broadcast_in_dim3A_562 = vector.broadcast %select_n3A_561 : i32 to vector<16xi32>
        %lt3A_563 = arith.constant 0 : i32
        %lt3A_564 = vector.broadcast %lt3A_563 : i32 to vector<16xi32>
        %lt3A_565 = arith.cmpi slt, %broadcast_in_dim3A_562, %lt3A_564 : vector<16xi32>
        %add3A_566 = arith.constant 16 : i32
        %add3A_567 = vector.broadcast %add3A_566 : i32 to vector<16xi32>
        %add3A_568 = arith.addi %broadcast_in_dim3A_562, %add3A_567 : vector<16xi32>
        %select_n3A_569 = arith.select %lt3A_565, %add3A_568, %broadcast_in_dim3A_562 : vector<16xi1>, vector<16xi32>
        %broadcast_in_dim3A_570 = vector.shape_cast %select_n3A_569 : vector<16xi32> to vector<16x1xi32>
        %gather3A_571 = vector.shape_cast %broadcast_in_dim3A_570 : vector<16x1xi32> to vector<16xi32>
        %gather3A_572 = tpu.dynamic_gather %get3A_546[%gather3A_571] in [0] : vector<16xf32>, vector<16xi32> -> vector<16xf32>
        %mul3A_573 = arith.mulf %add3A_525, %gather3A_572 : vector<16xf32>
        %exp3A = math.exp %mul3A_573 : vector<16xf32>
        %swap3A = arith.index_cast %scan3A_442 : i32 to index
        %swap3A_574 = arith.constant 0 : index
        %swap3A_575 = tpu.vector_load %arg34[%swap3A, %swap3A_574] {strides = array<i32>} : memref<64x16xf32, #tpu.memory_space<vmem>>, vector<16xf32>,
        tpu.vector_store %arg34[%swap3A, %swap3A_574], %exp3A {strides = array<i32>} : memref<64x16xf32, #tpu.memory_space<vmem>>, vector<16xf32>,
        %scan3A_576 = arith.constant 0 : i32
        scf.yield %scan3A_576 : i32
      }
      %scan3A_304 = arith.constant 64 : i32
      %dma_start3A_305 = arith.constant 0 : i32
      %dma_start3A_306 = arith.constant 0 : i32
      %dma_start3A_307 = tpu.memref_slice %arg9[%dma_start3A_305, %dma_start3A_306] : memref<10240x16xf32, #tpu.memory_space<vmem_shared>> -> memref<10240x16xf32, #tpu.memory_space<vmem_shared>>
      tpu.enqueue_indirect_dma source(%arg34 : memref<64x16xf32, #tpu.memory_space<vmem>>) target(%dma_start3A_307 : memref<10240x16xf32, #tpu.memory_space<vmem_shared>>) offsets(%arg12 : memref<64xi32, #tpu.memory_space<vmem>>) semaphore(%arg45 : memref<!tpu.dma_semaphore, #tpu.memory_space<semaphore_mem>>) {add = true}
      %mul3A_308 = arith.constant 64 : i32
      %mul3A_309 = arith.muli %add3A_283, %mul3A_308 : i32
      %add3A_310 = arith.addi %add3A_71, %mul3A_309 : i32
      %dma_start3A_311 = arith.constant 0 : i32
      %dma_start3A_312 = tpu.memref_slice %arg8[%add3A_310, %dma_start3A_311] : memref<327680x16xf32, #tpu.memory_space<hbm>> -> memref<64x16xf32, #tpu.memory_space<hbm>>
      %dma_start3A_313 = arith.constant 0 : i32
      %dma_start3A_314 = tpu.memref_slice %arg8[%add3A_310, %dma_start3A_313] : memref<327680x16xf32, #tpu.memory_space<hbm>> -> memref<64x16xf32, #tpu.memory_space<hbm>>
      tpu.enqueue_dma source(%arg34 : memref<64x16xf32, #tpu.memory_space<vmem>>) target(%dma_start3A_314 : memref<64x16xf32, #tpu.memory_space<hbm>>) target_semaphore(%arg43 : memref<!tpu.dma_semaphore, #tpu.memory_space<semaphore_mem>>)
      %mul3A_315 = arith.constant 4 : i32
      %mul3A_316 = arith.muli %mul3A_315, %scan3A_278 : i32
      %add3A_317 = arith.constant 1 : i32
      %add3A_318 = arith.addi %mul3A_316, %add3A_317 : i32
      %gt3A_319 = arith.constant 0 : i32
      %gt3A_320 = arith.cmpi sgt, %scan3A_278, %gt3A_319 : i32
      %convert_element_type3A_321 = arith.extui %gt3A_320 : i1 to i32
      %cond3A_322 = arith.constant 0 : i32
      %cond3A_323 = arith.cmpi ne, %convert_element_type3A_321, %cond3A_322 : i32
      scf.if %cond3A_323 {
        %dma_wait3A_442 = arith.constant 0 : i32
        %dma_wait3A_443 = tpu.memref_slice %arg8[%add3A_71, %dma_wait3A_442] : memref<327680x16xf32, #tpu.memory_space<hbm>> -> memref<64x16xf32, #tpu.memory_space<hbm>>
        %dma_wait3A_444 = arith.constant 0 : i32
        %dma_wait3A_445 = tpu.memref_slice %arg8[%add3A_71, %dma_wait3A_444] : memref<327680x16xf32, #tpu.memory_space<hbm>> -> memref<64x16xf32, #tpu.memory_space<hbm>>
        tpu.wait_dma2 semaphore(%arg44 : memref<!tpu.dma_semaphore, #tpu.memory_space<semaphore_mem>>) src(%arg35 : memref<64x16xf32, #tpu.memory_space<vmem>>) dst(%dma_wait3A_445 : memref<64x16xf32, #tpu.memory_space<hbm>>)
        %dma_wait3A_446 = arith.constant 0 : i32
        %dma_wait3A_447 = arith.constant 0 : i32
        %dma_wait3A_448 = tpu.memref_slice %arg9[%dma_wait3A_446, %dma_wait3A_447] : memref<10240x16xf32, #tpu.memory_space<vmem_shared>> -> memref<64x16xf32, #tpu.memory_space<vmem_shared>>
        %dma_wait3A_449 = arith.constant 0 : i32
        %dma_wait3A_450 = arith.constant 0 : i32
        %dma_wait3A_451 = tpu.memref_slice %arg9[%dma_wait3A_449, %dma_wait3A_450] : memref<10240x16xf32, #tpu.memory_space<vmem_shared>> -> memref<64x16xf32, #tpu.memory_space<vmem_shared>>
        tpu.wait_dma2 semaphore(%arg46 : memref<!tpu.dma_semaphore, #tpu.memory_space<semaphore_mem>>) src(%arg35 : memref<64x16xf32, #tpu.memory_space<vmem>>) dst(%dma_wait3A_451 : memref<64x16xf32, #tpu.memory_space<vmem_shared>>)
      } else {
      }
      %ge3A_324 = arith.constant 0 : i32
      %ge3A_325 = arith.cmpi sge, %scan3A_278, %ge3A_324 : i32
      %convert_element_type3A_326 = arith.extui %ge3A_325 : i1 to i32
      %cond3A_327 = arith.constant 0 : i32
      %cond3A_328 = arith.cmpi ne, %convert_element_type3A_326, %cond3A_327 : i32
      scf.if %cond3A_328 {
        %dma_wait3A_442 = arith.constant 0 : i32
        %dma_wait3A_443 = tpu.memref_slice %arg3[%dma_wait3A_442] : memref<163840xi32, #tpu.memory_space<hbm>> -> memref<64xi32, #tpu.memory_space<hbm>>
        %dma_wait3A_444 = arith.constant 0 : i32
        %dma_wait3A_445 = tpu.memref_slice %arg3[%dma_wait3A_444] : memref<163840xi32, #tpu.memory_space<hbm>> -> memref<64xi32, #tpu.memory_space<hbm>>
        tpu.wait_dma2 semaphore(%arg38 : memref<!tpu.dma_semaphore, #tpu.memory_space<semaphore_mem>>) src(%dma_wait3A_445 : memref<64xi32, #tpu.memory_space<hbm>>) dst(%arg12 : memref<64xi32, #tpu.memory_space<vmem>>)
        %dma_wait3A_446 = arith.constant 0 : i32
        %dma_wait3A_447 = tpu.memref_slice %arg3[%dma_wait3A_446] : memref<163840xi32, #tpu.memory_space<hbm>> -> memref<64xi32, #tpu.memory_space<hbm>>
        %dma_wait3A_448 = arith.constant 0 : i32
        %dma_wait3A_449 = tpu.memref_slice %arg3[%dma_wait3A_448] : memref<163840xi32, #tpu.memory_space<hbm>> -> memref<64xi32, #tpu.memory_space<hbm>>
        tpu.wait_dma2 semaphore(%arg38 : memref<!tpu.dma_semaphore, #tpu.memory_space<semaphore_mem>>) src(%dma_wait3A_449 : memref<64xi32, #tpu.memory_space<hbm>>) dst(%arg12 : memref<64xi32, #tpu.memory_space<vmem>>)
        %dma_wait3A_450 = arith.constant 0 : i32
        %dma_wait3A_451 = tpu.memref_slice %arg3[%dma_wait3A_450] : memref<163840xi32, #tpu.memory_space<hbm>> -> memref<64xi32, #tpu.memory_space<hbm>>
        %dma_wait3A_452 = arith.constant 0 : i32
        %dma_wait3A_453 = tpu.memref_slice %arg3[%dma_wait3A_452] : memref<163840xi32, #tpu.memory_space<hbm>> -> memref<64xi32, #tpu.memory_space<hbm>>
        tpu.wait_dma2 semaphore(%arg38 : memref<!tpu.dma_semaphore, #tpu.memory_space<semaphore_mem>>) src(%dma_wait3A_453 : memref<64xi32, #tpu.memory_space<hbm>>) dst(%arg12 : memref<64xi32, #tpu.memory_space<vmem>>)
        %scan3A_454 = arith.constant 0 : i32
        %scan3A_455 = arith.constant 0 : i32
        %scan3A_456 = arith.constant 4 : i32
        %scan3A_457 = arith.addi %scan3A_455, %scan3A_456 : i32
        %scan3A_458 = arith.constant 1 : i32
        %scan3A_459 = scf.for %scan3A_464 = %scan3A_455 to %scan3A_457 step %scan3A_458 iter_args(%scan3A_465 = %scan3A_454) -> (i32)  : i32 {
          %mul3A_466 = arith.constant 16 : i32
          %mul3A_467 = arith.muli %scan3A_464, %mul3A_466 : i32
          %get3A = arith.index_cast %mul3A_467 : i32 to index
          %get3A_468 = tpu.vector_load %arg14[%get3A] {strides = array<i32>} : memref<64xi32, #tpu.memory_space<vmem>>, vector<16xi32>,
          %add3A_469 = vector.broadcast %mul3A_60 : i32 to vector<16xi32>
          %add3A_470 = arith.addi %get3A_468, %add3A_469 : vector<16xi32>
          %mul3A_471 = arith.constant 16 : i32
          %mul3A_472 = arith.muli %scan3A_464, %mul3A_471 : i32
          %swap3A = arith.index_cast %mul3A_472 : i32 to index
          %swap3A_473 = tpu.vector_load %arg26[%swap3A] {strides = array<i32>} : memref<128xi32, #tpu.memory_space<vmem>>, vector<16xi32>,
          tpu.vector_store %arg26[%swap3A], %add3A_470 {strides = array<i32>} : memref<128xi32, #tpu.memory_space<vmem>>, vector<16xi32>,
          %mul3A_474 = arith.constant 16 : i32
          %mul3A_475 = arith.muli %scan3A_464, %mul3A_474 : i32
          %get3A_476 = arith.index_cast %mul3A_475 : i32 to index
          %get3A_477 = tpu.vector_load %arg18[%get3A_476] {strides = array<i32>} : memref<64xi32, #tpu.memory_space<vmem>>, vector<16xi32>,
          %add3A_478 = vector.broadcast %mul3A_64 : i32 to vector<16xi32>
          %add3A_479 = arith.addi %get3A_477, %add3A_478 : vector<16xi32>
          %mul3A_480 = arith.constant 16 : i32
          %mul3A_481 = arith.muli %scan3A_464, %mul3A_480 : i32
          %add3A_482 = arith.constant 64 : i32
          %add3A_483 = arith.addi %add3A_482, %mul3A_481 : i32
          %swap3A_484 = arith.index_cast %add3A_483 : i32 to index
          %swap3A_485 = tpu.vector_load %arg26[%swap3A_484] {strides = array<i32>} : memref<128xi32, #tpu.memory_space<vmem>>, vector<16xi32>,
          tpu.vector_store %arg26[%swap3A_484], %add3A_479 {strides = array<i32>} : memref<128xi32, #tpu.memory_space<vmem>>, vector<16xi32>,
          %scan3A_486 = arith.constant 0 : i32
          scf.yield %scan3A_486 : i32
        }
        %scan3A_460 = arith.constant 4 : i32
        %dma_start3A_461 = arith.constant 0 : i32
        %dma_start3A_462 = arith.constant 0 : i32
        %dma_start3A_463 = tpu.memref_slice %arg2[%dma_start3A_461, %dma_start3A_462] : memref<60000x128xbf16, #tpu.memory_space<hbm>> -> memref<60000x128xbf16, #tpu.memory_space<hbm>>
        tpu.enqueue_indirect_dma source(%dma_start3A_463 : memref<60000x128xbf16, #tpu.memory_space<hbm>>) target(%arg28 : memref<128x128xbf16, #tpu.memory_space<vmem>>) offsets(%arg26 : memref<128xi32, #tpu.memory_space<vmem>>) semaphore(%arg39 : memref<!tpu.dma_semaphore, #tpu.memory_space<semaphore_mem>>)
      } else {
      }
      %ge3A_329 = arith.constant 0 : i32
      %ge3A_330 = arith.cmpi sge, %scan3A_278, %ge3A_329 : i32
      %convert_element_type3A_331 = arith.extui %ge3A_330 : i1 to i32
      %cond3A_332 = arith.constant 0 : i32
      %cond3A_333 = arith.cmpi ne, %convert_element_type3A_331, %cond3A_332 : i32
      scf.if %cond3A_333 {
        %add3A_442 = arith.constant 2 : i32
        %add3A_443 = arith.addi %add3A_318, %add3A_442 : i32
        %mul3A_444 = arith.constant 64 : i32
        %mul3A_445 = arith.muli %add3A_443, %mul3A_444 : i32
        %add3A_446 = arith.addi %mul3A_0, %mul3A_445 : i32
        %dma_start3A_447 = tpu.memref_slice %arg3[%add3A_446] : memref<163840xi32, #tpu.memory_space<hbm>> -> memref<64xi32, #tpu.memory_space<hbm>>
        %dma_start3A_448 = tpu.memref_slice %arg3[%add3A_446] : memref<163840xi32, #tpu.memory_space<hbm>> -> memref<64xi32, #tpu.memory_space<hbm>>
        tpu.enqueue_dma source(%dma_start3A_448 : memref<64xi32, #tpu.memory_space<hbm>>) target(%arg15 : memref<64xi32, #tpu.memory_space<vmem>>) target_semaphore(%arg38 : memref<!tpu.dma_semaphore, #tpu.memory_space<semaphore_mem>>)
        %dma_start3A_449 = tpu.memref_slice %arg4[%add3A_446] : memref<163840xi32, #tpu.memory_space<hbm>> -> memref<64xi32, #tpu.memory_space<hbm>>
        %dma_start3A_450 = tpu.memref_slice %arg4[%add3A_446] : memref<163840xi32, #tpu.memory_space<hbm>> -> memref<64xi32, #tpu.memory_space<hbm>>
        tpu.enqueue_dma source(%dma_start3A_450 : memref<64xi32, #tpu.memory_space<hbm>>) target(%arg19 : memref<64xi32, #tpu.memory_space<vmem>>) target_semaphore(%arg38 : memref<!tpu.dma_semaphore, #tpu.memory_space<semaphore_mem>>)
        %dma_start3A_451 = tpu.memref_slice %arg5[%add3A_446] : memref<163840xf32, #tpu.memory_space<hbm>> -> memref<64xf32, #tpu.memory_space<hbm>>
        %dma_start3A_452 = tpu.memref_slice %arg5[%add3A_446] : memref<163840xf32, #tpu.memory_space<hbm>> -> memref<64xf32, #tpu.memory_space<hbm>>
        tpu.enqueue_dma source(%dma_start3A_452 : memref<64xf32, #tpu.memory_space<hbm>>) target(%arg23 : memref<64xf32, #tpu.memory_space<vmem>>) target_semaphore(%arg38 : memref<!tpu.dma_semaphore, #tpu.memory_space<semaphore_mem>>)
      } else {
      }
      %dma_wait3A_334 = arith.constant 0 : i32
      %dma_wait3A_335 = arith.constant 0 : i32
      %dma_wait3A_336 = tpu.memref_slice %arg2[%dma_wait3A_334, %dma_wait3A_335] : memref<60000x128xbf16, #tpu.memory_space<hbm>> -> memref<60000x128xbf16, #tpu.memory_space<hbm>>
      tpu.wait_indirect_dma semaphore(%arg40 : memref<!tpu.dma_semaphore, #tpu.memory_space<semaphore_mem>>) src(%dma_wait3A_336 : memref<60000x128xbf16, #tpu.memory_space<hbm>>) dst(%arg29 : memref<128x128xbf16, #tpu.memory_space<vmem>>)
      %scan3A_337 = arith.constant 0 : i32
      %scan3A_338 = arith.constant 0 : i32
      %scan3A_339 = arith.constant 64 : i32
      %scan3A_340 = arith.addi %scan3A_338, %scan3A_339 : i32
      %scan3A_341 = arith.constant 1 : i32
      %scan3A_342 = scf.for %scan3A_442 = %scan3A_338 to %scan3A_340 step %scan3A_341 iter_args(%scan3A_443 = %scan3A_337) -> (i32)  : i32 {
        %get3A = arith.index_cast %scan3A_442 : i32 to index
        %get3A_444 = arith.constant 0 : index
        %get3A_445 = tpu.vector_load %arg29[%get3A, %get3A_444] {strides = array<i32>} : memref<128x128xbf16, #tpu.memory_space<vmem>>, vector<32xbf16>,
        %unpack3A = tpu.unpack_subelements %get3A_445, 0 {pack_format = #tpu.pack_format<interleaved>} : vector<32xbf16> -> vector<16xf32>
        %unpack3A_446 = tpu.unpack_subelements %get3A_445, 1 {pack_format = #tpu.pack_format<interleaved>} : vector<32xbf16> -> vector<16xf32>
        %add3A_447 = arith.constant 64 : i32
        %add3A_448 = arith.addi %add3A_447, %scan3A_442 : i32
        %get3A_449 = arith.index_cast %add3A_448 : i32 to index
        %get3A_450 = arith.constant 0 : index
        %get3A_451 = tpu.vector_load %arg29[%get3A_449, %get3A_450] {strides = array<i32>} : memref<128x128xbf16, #tpu.memory_space<vmem>>, vector<32xbf16>,
        %unpack3A_452 = tpu.unpack_subelements %get3A_451, 0 {pack_format = #tpu.pack_format<interleaved>} : vector<32xbf16> -> vector<16xf32>
        %unpack3A_453 = tpu.unpack_subelements %get3A_451, 1 {pack_format = #tpu.pack_format<interleaved>} : vector<32xbf16> -> vector<16xf32>
        %mul3A_454 = arith.mulf %unpack3A, %unpack3A_452 : vector<16xf32>
        %add3A_455 = arith.addf %broadcast_in_dim3A_6, %mul3A_454 : vector<16xf32>
        %mul3A_456 = arith.mulf %unpack3A_446, %unpack3A_453 : vector<16xf32>
        %add3A_457 = arith.addf %add3A_455, %mul3A_456 : vector<16xf32>
        %get3A_458 = arith.index_cast %scan3A_442 : i32 to index
        %get3A_459 = arith.constant 32 : index
        %get3A_460 = tpu.vector_load %arg29[%get3A_458, %get3A_459] {strides = array<i32>} : memref<128x128xbf16, #tpu.memory_space<vmem>>, vector<32xbf16>,
        %unpack3A_461 = tpu.unpack_subelements %get3A_460, 0 {pack_format = #tpu.pack_format<interleaved>} : vector<32xbf16> -> vector<16xf32>
        %unpack3A_462 = tpu.unpack_subelements %get3A_460, 1 {pack_format = #tpu.pack_format<interleaved>} : vector<32xbf16> -> vector<16xf32>
        %add3A_463 = arith.constant 64 : i32
        %add3A_464 = arith.addi %add3A_463, %scan3A_442 : i32
        %get3A_465 = arith.index_cast %add3A_464 : i32 to index
        %get3A_466 = arith.constant 32 : index
        %get3A_467 = tpu.vector_load %arg29[%get3A_465, %get3A_466] {strides = array<i32>} : memref<128x128xbf16, #tpu.memory_space<vmem>>, vector<32xbf16>,
        %unpack3A_468 = tpu.unpack_subelements %get3A_467, 0 {pack_format = #tpu.pack_format<interleaved>} : vector<32xbf16> -> vector<16xf32>
        %unpack3A_469 = tpu.unpack_subelements %get3A_467, 1 {pack_format = #tpu.pack_format<interleaved>} : vector<32xbf16> -> vector<16xf32>
        %mul3A_470 = arith.mulf %unpack3A_461, %unpack3A_468 : vector<16xf32>
        %add3A_471 = arith.addf %add3A_457, %mul3A_470 : vector<16xf32>
        %mul3A_472 = arith.mulf %unpack3A_462, %unpack3A_469 : vector<16xf32>
        %add3A_473 = arith.addf %add3A_471, %mul3A_472 : vector<16xf32>
        %get3A_474 = arith.index_cast %scan3A_442 : i32 to index
        %get3A_475 = arith.constant 64 : index
        %get3A_476 = tpu.vector_load %arg29[%get3A_474, %get3A_475] {strides = array<i32>} : memref<128x128xbf16, #tpu.memory_space<vmem>>, vector<32xbf16>,
        %unpack3A_477 = tpu.unpack_subelements %get3A_476, 0 {pack_format = #tpu.pack_format<interleaved>} : vector<32xbf16> -> vector<16xf32>
        %unpack3A_478 = tpu.unpack_subelements %get3A_476, 1 {pack_format = #tpu.pack_format<interleaved>} : vector<32xbf16> -> vector<16xf32>
        %add3A_479 = arith.constant 64 : i32
        %add3A_480 = arith.addi %add3A_479, %scan3A_442 : i32
        %get3A_481 = arith.index_cast %add3A_480 : i32 to index
        %get3A_482 = arith.constant 64 : index
        %get3A_483 = tpu.vector_load %arg29[%get3A_481, %get3A_482] {strides = array<i32>} : memref<128x128xbf16, #tpu.memory_space<vmem>>, vector<32xbf16>,
        %unpack3A_484 = tpu.unpack_subelements %get3A_483, 0 {pack_format = #tpu.pack_format<interleaved>} : vector<32xbf16> -> vector<16xf32>
        %unpack3A_485 = tpu.unpack_subelements %get3A_483, 1 {pack_format = #tpu.pack_format<interleaved>} : vector<32xbf16> -> vector<16xf32>
        %mul3A_486 = arith.mulf %unpack3A_477, %unpack3A_484 : vector<16xf32>
        %add3A_487 = arith.addf %add3A_473, %mul3A_486 : vector<16xf32>
        %mul3A_488 = arith.mulf %unpack3A_478, %unpack3A_485 : vector<16xf32>
        %add3A_489 = arith.addf %add3A_487, %mul3A_488 : vector<16xf32>
        %get3A_490 = arith.index_cast %scan3A_442 : i32 to index
        %get3A_491 = arith.constant 96 : index
        %get3A_492 = tpu.vector_load %arg29[%get3A_490, %get3A_491] {strides = array<i32>} : memref<128x128xbf16, #tpu.memory_space<vmem>>, vector<32xbf16>,
        %unpack3A_493 = tpu.unpack_subelements %get3A_492, 0 {pack_format = #tpu.pack_format<interleaved>} : vector<32xbf16> -> vector<16xf32>
        %unpack3A_494 = tpu.unpack_subelements %get3A_492, 1 {pack_format = #tpu.pack_format<interleaved>} : vector<32xbf16> -> vector<16xf32>
        %add3A_495 = arith.constant 64 : i32
        %add3A_496 = arith.addi %add3A_495, %scan3A_442 : i32
        %get3A_497 = arith.index_cast %add3A_496 : i32 to index
        %get3A_498 = arith.constant 96 : index
        %get3A_499 = tpu.vector_load %arg29[%get3A_497, %get3A_498] {strides = array<i32>} : memref<128x128xbf16, #tpu.memory_space<vmem>>, vector<32xbf16>,
        %unpack3A_500 = tpu.unpack_subelements %get3A_499, 0 {pack_format = #tpu.pack_format<interleaved>} : vector<32xbf16> -> vector<16xf32>
        %unpack3A_501 = tpu.unpack_subelements %get3A_499, 1 {pack_format = #tpu.pack_format<interleaved>} : vector<32xbf16> -> vector<16xf32>
        %mul3A_502 = arith.mulf %unpack3A_493, %unpack3A_500 : vector<16xf32>
        %add3A_503 = arith.addf %add3A_489, %mul3A_502 : vector<16xf32>
        %mul3A_504 = arith.mulf %unpack3A_494, %unpack3A_501 : vector<16xf32>
        %add3A_505 = arith.addf %add3A_503, %mul3A_504 : vector<16xf32>
        %lt3A_506 = arith.constant 0 : i32
        %lt3A_507 = vector.broadcast %lt3A_506 : i32 to vector<16xi32>
        %lt3A_508 = arith.cmpi slt, %xor3A_2, %lt3A_507 : vector<16xi32>
        %add3A_509 = arith.constant 16 : i32
        %add3A_510 = vector.broadcast %add3A_509 : i32 to vector<16xi32>
        %add3A_511 = arith.addi %xor3A_2, %add3A_510 : vector<16xi32>
        %select_n3A = arith.select %lt3A_508, %add3A_511, %xor3A_2 : vector<16xi1>, vector<16xi32>
        %broadcast_in_dim3A_512 = vector.shape_cast %select_n3A : vector<16xi32> to vector<16x1xi32>
        %gather3A = vector.shape_cast %broadcast_in_dim3A_512 : vector<16x1xi32> to vector<16xi32>
        %gather3A_513 = tpu.dynamic_gather %add3A_505[%gather3A] in [0] : vector<16xf32>, vector<16xi32> -> vector<16xf32>
        %add3A_514 = arith.addf %add3A_505, %gather3A_513 : vector<16xf32>
        %lt3A_515 = arith.constant 0 : i32
        %lt3A_516 = vector.broadcast %lt3A_515 : i32 to vector<16xi32>
        %lt3A_517 = arith.cmpi slt, %xor3A_5, %lt3A_516 : vector<16xi32>
        %add3A_518 = arith.constant 16 : i32
        %add3A_519 = vector.broadcast %add3A_518 : i32 to vector<16xi32>
        %add3A_520 = arith.addi %xor3A_5, %add3A_519 : vector<16xi32>
        %select_n3A_521 = arith.select %lt3A_517, %add3A_520, %xor3A_5 : vector<16xi1>, vector<16xi32>
        %broadcast_in_dim3A_522 = vector.shape_cast %select_n3A_521 : vector<16xi32> to vector<16x1xi32>
        %gather3A_523 = vector.shape_cast %broadcast_in_dim3A_522 : vector<16x1xi32> to vector<16xi32>
        %gather3A_524 = tpu.dynamic_gather %add3A_514[%gather3A_523] in [0] : vector<16xf32>, vector<16xi32> -> vector<16xf32>
        %add3A_525 = arith.addf %add3A_514, %gather3A_524 : vector<16xf32>
        %jit3A = arith.constant 16 : i32
        %div3A = arith.divsi %scan3A_442, %jit3A : i32
        %sign3A = arith.constant 0 : i32
        %sign3A_526 = arith.cmpi sgt, %scan3A_442, %sign3A : i32
        %sign3A_527 = arith.extui %sign3A_526 : i1 to i32
        %sign3A_528 = arith.constant 0 : i32
        %sign3A_529 = arith.cmpi slt, %scan3A_442, %sign3A_528 : i32
        %sign3A_530 = arith.extui %sign3A_529 : i1 to i32
        %sign3A_531 = arith.subi %sign3A_527, %sign3A_530 : i32
        %sign3A_532 = arith.constant 0 : i32
        %sign3A_533 = arith.cmpi sgt, %jit3A, %sign3A_532 : i32
        %sign3A_534 = arith.extui %sign3A_533 : i1 to i32
        %sign3A_535 = arith.constant 0 : i32
        %sign3A_536 = arith.cmpi slt, %jit3A, %sign3A_535 : i32
        %sign3A_537 = arith.extui %sign3A_536 : i1 to i32
        %sign3A_538 = arith.subi %sign3A_534, %sign3A_537 : i32
        %ne3A = arith.cmpi ne, %sign3A_531, %sign3A_538 : i32
        %rem3A = arith.remsi %scan3A_442, %jit3A : i32
        %ne3A_539 = arith.constant 0 : i32
        %ne3A_540 = arith.cmpi ne, %rem3A, %ne3A_539 : i32
        %and3A = arith.andi %ne3A, %ne3A_540 : i1
        %sub3A = arith.constant 1 : i32
        %sub3A_541 = arith.subi %div3A, %sub3A : i32
        %select_n3A_542 = arith.select %and3A, %sub3A_541, %div3A : i32
        %mul3A_543 = arith.constant 16 : i32
        %mul3A_544 = arith.muli %select_n3A_542, %mul3A_543 : i32
        %get3A_545 = arith.index_cast %mul3A_544 : i32 to index
        %get3A_546 = tpu.vector_load %arg21[%get3A_545] {strides = array<i32>} : memref<64xf32, #tpu.memory_space<vmem>>, vector<16xf32>,
        %jit3A_547 = arith.constant 16 : i32
        %eq3A = arith.constant 0 : i32
        %eq3A_548 = arith.cmpi eq, %jit3A_547, %eq3A : i32
        %jit3A_549 = arith.constant 1 : i32
        %select_n3A_550 = arith.select %eq3A_548, %jit3A_549, %jit3A_547 : i32
        %rem3A_551 = arith.remsi %scan3A_442, %select_n3A_550 : i32
        %ne3A_552 = arith.constant 0 : i32
        %ne3A_553 = arith.cmpi ne, %rem3A_551, %ne3A_552 : i32
        %lt3A_554 = arith.constant 0 : i32
        %lt3A_555 = arith.cmpi slt, %rem3A_551, %lt3A_554 : i32
        %lt3A_556 = arith.constant 0 : i32
        %lt3A_557 = arith.cmpi slt, %select_n3A_550, %lt3A_556 : i32
        %ne3A_558 = arith.xori %lt3A_555, %lt3A_557 : i1
        %and3A_559 = arith.andi %ne3A_558, %ne3A_553 : i1
        %add3A_560 = arith.addi %rem3A_551, %select_n3A_550 : i32
        %select_n3A_561 = arith.select %and3A_559, %add3A_560, %rem3A_551 : i32
        %broadcast_in_dim3A_562 = vector.broadcast %select_n3A_561 : i32 to vector<16xi32>
        %lt3A_563 = arith.constant 0 : i32
        %lt3A_564 = vector.broadcast %lt3A_563 : i32 to vector<16xi32>
        %lt3A_565 = arith.cmpi slt, %broadcast_in_dim3A_562, %lt3A_564 : vector<16xi32>
        %add3A_566 = arith.constant 16 : i32
        %add3A_567 = vector.broadcast %add3A_566 : i32 to vector<16xi32>
        %add3A_568 = arith.addi %broadcast_in_dim3A_562, %add3A_567 : vector<16xi32>
        %select_n3A_569 = arith.select %lt3A_565, %add3A_568, %broadcast_in_dim3A_562 : vector<16xi1>, vector<16xi32>
        %broadcast_in_dim3A_570 = vector.shape_cast %select_n3A_569 : vector<16xi32> to vector<16x1xi32>
        %gather3A_571 = vector.shape_cast %broadcast_in_dim3A_570 : vector<16x1xi32> to vector<16xi32>
        %gather3A_572 = tpu.dynamic_gather %get3A_546[%gather3A_571] in [0] : vector<16xf32>, vector<16xi32> -> vector<16xf32>
        %mul3A_573 = arith.mulf %add3A_525, %gather3A_572 : vector<16xf32>
        %exp3A = math.exp %mul3A_573 : vector<16xf32>
        %swap3A = arith.index_cast %scan3A_442 : i32 to index
        %swap3A_574 = arith.constant 0 : index
        %swap3A_575 = tpu.vector_load %arg35[%swap3A, %swap3A_574] {strides = array<i32>} : memref<64x16xf32, #tpu.memory_space<vmem>>, vector<16xf32>,
        tpu.vector_store %arg35[%swap3A, %swap3A_574], %exp3A {strides = array<i32>} : memref<64x16xf32, #tpu.memory_space<vmem>>, vector<16xf32>,
        %scan3A_576 = arith.constant 0 : i32
        scf.yield %scan3A_576 : i32
      }
      %scan3A_343 = arith.constant 64 : i32
      %dma_start3A_344 = arith.constant 0 : i32
      %dma_start3A_345 = arith.constant 0 : i32
      %dma_start3A_346 = tpu.memref_slice %arg9[%dma_start3A_344, %dma_start3A_345] : memref<10240x16xf32, #tpu.memory_space<vmem_shared>> -> memref<10240x16xf32, #tpu.memory_space<vmem_shared>>
      tpu.enqueue_indirect_dma source(%arg35 : memref<64x16xf32, #tpu.memory_space<vmem>>) target(%dma_start3A_346 : memref<10240x16xf32, #tpu.memory_space<vmem_shared>>) offsets(%arg13 : memref<64xi32, #tpu.memory_space<vmem>>) semaphore(%arg46 : memref<!tpu.dma_semaphore, #tpu.memory_space<semaphore_mem>>) {add = true}
      %mul3A_347 = arith.constant 64 : i32
      %mul3A_348 = arith.muli %add3A_318, %mul3A_347 : i32
      %add3A_349 = arith.addi %add3A_71, %mul3A_348 : i32
      %dma_start3A_350 = arith.constant 0 : i32
      %dma_start3A_351 = tpu.memref_slice %arg8[%add3A_349, %dma_start3A_350] : memref<327680x16xf32, #tpu.memory_space<hbm>> -> memref<64x16xf32, #tpu.memory_space<hbm>>
      %dma_start3A_352 = arith.constant 0 : i32
      %dma_start3A_353 = tpu.memref_slice %arg8[%add3A_349, %dma_start3A_352] : memref<327680x16xf32, #tpu.memory_space<hbm>> -> memref<64x16xf32, #tpu.memory_space<hbm>>
      tpu.enqueue_dma source(%arg35 : memref<64x16xf32, #tpu.memory_space<vmem>>) target(%dma_start3A_353 : memref<64x16xf32, #tpu.memory_space<hbm>>) target_semaphore(%arg44 : memref<!tpu.dma_semaphore, #tpu.memory_space<semaphore_mem>>)
      %mul3A_354 = arith.constant 4 : i32
      %mul3A_355 = arith.muli %mul3A_354, %scan3A_278 : i32
      %add3A_356 = arith.constant 2 : i32
      %add3A_357 = arith.addi %mul3A_355, %add3A_356 : i32
      %dma_wait3A_358 = arith.constant 0 : i32
      %dma_wait3A_359 = tpu.memref_slice %arg8[%add3A_71, %dma_wait3A_358] : memref<327680x16xf32, #tpu.memory_space<hbm>> -> memref<64x16xf32, #tpu.memory_space<hbm>>
      %dma_wait3A_360 = arith.constant 0 : i32
      %dma_wait3A_361 = tpu.memref_slice %arg8[%add3A_71, %dma_wait3A_360] : memref<327680x16xf32, #tpu.memory_space<hbm>> -> memref<64x16xf32, #tpu.memory_space<hbm>>
      tpu.wait_dma2 semaphore(%arg43 : memref<!tpu.dma_semaphore, #tpu.memory_space<semaphore_mem>>) src(%arg34 : memref<64x16xf32, #tpu.memory_space<vmem>>) dst(%dma_wait3A_361 : memref<64x16xf32, #tpu.memory_space<hbm>>)
      %dma_wait3A_362 = arith.constant 0 : i32
      %dma_wait3A_363 = arith.constant 0 : i32
      %dma_wait3A_364 = tpu.memref_slice %arg9[%dma_wait3A_362, %dma_wait3A_363] : memref<10240x16xf32, #tpu.memory_space<vmem_shared>> -> memref<64x16xf32, #tpu.memory_space<vmem_shared>>
      %dma_wait3A_365 = arith.constant 0 : i32
      %dma_wait3A_366 = arith.constant 0 : i32
      %dma_wait3A_367 = tpu.memref_slice %arg9[%dma_wait3A_365, %dma_wait3A_366] : memref<10240x16xf32, #tpu.memory_space<vmem_shared>> -> memref<64x16xf32, #tpu.memory_space<vmem_shared>>
      tpu.wait_dma2 semaphore(%arg45 : memref<!tpu.dma_semaphore, #tpu.memory_space<semaphore_mem>>) src(%arg34 : memref<64x16xf32, #tpu.memory_space<vmem>>) dst(%dma_wait3A_367 : memref<64x16xf32, #tpu.memory_space<vmem_shared>>)
      %ge3A_368 = arith.constant 0 : i32
      %ge3A_369 = arith.cmpi sge, %scan3A_278, %ge3A_368 : i32
      %convert_element_type3A_370 = arith.extui %ge3A_369 : i1 to i32
      %cond3A_371 = arith.constant 0 : i32
      %cond3A_372 = arith.cmpi ne, %convert_element_type3A_370, %cond3A_371 : i32
      scf.if %cond3A_372 {
        %dma_wait3A_442 = arith.constant 0 : i32
        %dma_wait3A_443 = tpu.memref_slice %arg3[%dma_wait3A_442] : memref<163840xi32, #tpu.memory_space<hbm>> -> memref<64xi32, #tpu.memory_space<hbm>>
        %dma_wait3A_444 = arith.constant 0 : i32
        %dma_wait3A_445 = tpu.memref_slice %arg3[%dma_wait3A_444] : memref<163840xi32, #tpu.memory_space<hbm>> -> memref<64xi32, #tpu.memory_space<hbm>>
        tpu.wait_dma2 semaphore(%arg38 : memref<!tpu.dma_semaphore, #tpu.memory_space<semaphore_mem>>) src(%dma_wait3A_445 : memref<64xi32, #tpu.memory_space<hbm>>) dst(%arg12 : memref<64xi32, #tpu.memory_space<vmem>>)
        %dma_wait3A_446 = arith.constant 0 : i32
        %dma_wait3A_447 = tpu.memref_slice %arg3[%dma_wait3A_446] : memref<163840xi32, #tpu.memory_space<hbm>> -> memref<64xi32, #tpu.memory_space<hbm>>
        %dma_wait3A_448 = arith.constant 0 : i32
        %dma_wait3A_449 = tpu.memref_slice %arg3[%dma_wait3A_448] : memref<163840xi32, #tpu.memory_space<hbm>> -> memref<64xi32, #tpu.memory_space<hbm>>
        tpu.wait_dma2 semaphore(%arg38 : memref<!tpu.dma_semaphore, #tpu.memory_space<semaphore_mem>>) src(%dma_wait3A_449 : memref<64xi32, #tpu.memory_space<hbm>>) dst(%arg12 : memref<64xi32, #tpu.memory_space<vmem>>)
        %dma_wait3A_450 = arith.constant 0 : i32
        %dma_wait3A_451 = tpu.memref_slice %arg3[%dma_wait3A_450] : memref<163840xi32, #tpu.memory_space<hbm>> -> memref<64xi32, #tpu.memory_space<hbm>>
        %dma_wait3A_452 = arith.constant 0 : i32
        %dma_wait3A_453 = tpu.memref_slice %arg3[%dma_wait3A_452] : memref<163840xi32, #tpu.memory_space<hbm>> -> memref<64xi32, #tpu.memory_space<hbm>>
        tpu.wait_dma2 semaphore(%arg38 : memref<!tpu.dma_semaphore, #tpu.memory_space<semaphore_mem>>) src(%dma_wait3A_453 : memref<64xi32, #tpu.memory_space<hbm>>) dst(%arg12 : memref<64xi32, #tpu.memory_space<vmem>>)
        %scan3A_454 = arith.constant 0 : i32
        %scan3A_455 = arith.constant 0 : i32
        %scan3A_456 = arith.constant 4 : i32
        %scan3A_457 = arith.addi %scan3A_455, %scan3A_456 : i32
        %scan3A_458 = arith.constant 1 : i32
        %scan3A_459 = scf.for %scan3A_464 = %scan3A_455 to %scan3A_457 step %scan3A_458 iter_args(%scan3A_465 = %scan3A_454) -> (i32)  : i32 {
          %mul3A_466 = arith.constant 16 : i32
          %mul3A_467 = arith.muli %scan3A_464, %mul3A_466 : i32
          %get3A = arith.index_cast %mul3A_467 : i32 to index
          %get3A_468 = tpu.vector_load %arg15[%get3A] {strides = array<i32>} : memref<64xi32, #tpu.memory_space<vmem>>, vector<16xi32>,
          %add3A_469 = vector.broadcast %mul3A_60 : i32 to vector<16xi32>
          %add3A_470 = arith.addi %get3A_468, %add3A_469 : vector<16xi32>
          %mul3A_471 = arith.constant 16 : i32
          %mul3A_472 = arith.muli %scan3A_464, %mul3A_471 : i32
          %swap3A = arith.index_cast %mul3A_472 : i32 to index
          %swap3A_473 = tpu.vector_load %arg27[%swap3A] {strides = array<i32>} : memref<128xi32, #tpu.memory_space<vmem>>, vector<16xi32>,
          tpu.vector_store %arg27[%swap3A], %add3A_470 {strides = array<i32>} : memref<128xi32, #tpu.memory_space<vmem>>, vector<16xi32>,
          %mul3A_474 = arith.constant 16 : i32
          %mul3A_475 = arith.muli %scan3A_464, %mul3A_474 : i32
          %get3A_476 = arith.index_cast %mul3A_475 : i32 to index
          %get3A_477 = tpu.vector_load %arg19[%get3A_476] {strides = array<i32>} : memref<64xi32, #tpu.memory_space<vmem>>, vector<16xi32>,
          %add3A_478 = vector.broadcast %mul3A_64 : i32 to vector<16xi32>
          %add3A_479 = arith.addi %get3A_477, %add3A_478 : vector<16xi32>
          %mul3A_480 = arith.constant 16 : i32
          %mul3A_481 = arith.muli %scan3A_464, %mul3A_480 : i32
          %add3A_482 = arith.constant 64 : i32
          %add3A_483 = arith.addi %add3A_482, %mul3A_481 : i32
          %swap3A_484 = arith.index_cast %add3A_483 : i32 to index
          %swap3A_485 = tpu.vector_load %arg27[%swap3A_484] {strides = array<i32>} : memref<128xi32, #tpu.memory_space<vmem>>, vector<16xi32>,
          tpu.vector_store %arg27[%swap3A_484], %add3A_479 {strides = array<i32>} : memref<128xi32, #tpu.memory_space<vmem>>, vector<16xi32>,
          %scan3A_486 = arith.constant 0 : i32
          scf.yield %scan3A_486 : i32
        }
        %scan3A_460 = arith.constant 4 : i32
        %dma_start3A_461 = arith.constant 0 : i32
        %dma_start3A_462 = arith.constant 0 : i32
        %dma_start3A_463 = tpu.memref_slice %arg2[%dma_start3A_461, %dma_start3A_462] : memref<60000x128xbf16, #tpu.memory_space<hbm>> -> memref<60000x128xbf16, #tpu.memory_space<hbm>>
        tpu.enqueue_indirect_dma source(%dma_start3A_463 : memref<60000x128xbf16, #tpu.memory_space<hbm>>) target(%arg29 : memref<128x128xbf16, #tpu.memory_space<vmem>>) offsets(%arg27 : memref<128xi32, #tpu.memory_space<vmem>>) semaphore(%arg40 : memref<!tpu.dma_semaphore, #tpu.memory_space<semaphore_mem>>)
      } else {
      }
      %lt3A = arith.constant 39 : i32
      %lt3A_373 = arith.cmpi slt, %scan3A_278, %lt3A : i32
      %convert_element_type3A_374 = arith.extui %lt3A_373 : i1 to i32
      %cond3A_375 = arith.constant 0 : i32
      %cond3A_376 = arith.cmpi ne, %convert_element_type3A_374, %cond3A_375 : i32
      scf.if %cond3A_376 {
        %add3A_442 = arith.constant 2 : i32
        %add3A_443 = arith.addi %add3A_357, %add3A_442 : i32
        %mul3A_444 = arith.constant 64 : i32
        %mul3A_445 = arith.muli %add3A_443, %mul3A_444 : i32
        %add3A_446 = arith.addi %mul3A_0, %mul3A_445 : i32
        %dma_start3A_447 = tpu.memref_slice %arg3[%add3A_446] : memref<163840xi32, #tpu.memory_space<hbm>> -> memref<64xi32, #tpu.memory_space<hbm>>
        %dma_start3A_448 = tpu.memref_slice %arg3[%add3A_446] : memref<163840xi32, #tpu.memory_space<hbm>> -> memref<64xi32, #tpu.memory_space<hbm>>
        tpu.enqueue_dma source(%dma_start3A_448 : memref<64xi32, #tpu.memory_space<hbm>>) target(%arg12 : memref<64xi32, #tpu.memory_space<vmem>>) target_semaphore(%arg38 : memref<!tpu.dma_semaphore, #tpu.memory_space<semaphore_mem>>)
        %dma_start3A_449 = tpu.memref_slice %arg4[%add3A_446] : memref<163840xi32, #tpu.memory_space<hbm>> -> memref<64xi32, #tpu.memory_space<hbm>>
        %dma_start3A_450 = tpu.memref_slice %arg4[%add3A_446] : memref<163840xi32, #tpu.memory_space<hbm>> -> memref<64xi32, #tpu.memory_space<hbm>>
        tpu.enqueue_dma source(%dma_start3A_450 : memref<64xi32, #tpu.memory_space<hbm>>) target(%arg16 : memref<64xi32, #tpu.memory_space<vmem>>) target_semaphore(%arg38 : memref<!tpu.dma_semaphore, #tpu.memory_space<semaphore_mem>>)
        %dma_start3A_451 = tpu.memref_slice %arg5[%add3A_446] : memref<163840xf32, #tpu.memory_space<hbm>> -> memref<64xf32, #tpu.memory_space<hbm>>
        %dma_start3A_452 = tpu.memref_slice %arg5[%add3A_446] : memref<163840xf32, #tpu.memory_space<hbm>> -> memref<64xf32, #tpu.memory_space<hbm>>
        tpu.enqueue_dma source(%dma_start3A_452 : memref<64xf32, #tpu.memory_space<hbm>>) target(%arg20 : memref<64xf32, #tpu.memory_space<vmem>>) target_semaphore(%arg38 : memref<!tpu.dma_semaphore, #tpu.memory_space<semaphore_mem>>)
      } else {
      }
      %dma_wait3A_377 = arith.constant 0 : i32
      %dma_wait3A_378 = arith.constant 0 : i32
      %dma_wait3A_379 = tpu.memref_slice %arg2[%dma_wait3A_377, %dma_wait3A_378] : memref<60000x128xbf16, #tpu.memory_space<hbm>> -> memref<60000x128xbf16, #tpu.memory_space<hbm>>
      tpu.wait_indirect_dma semaphore(%arg39 : memref<!tpu.dma_semaphore, #tpu.memory_space<semaphore_mem>>) src(%dma_wait3A_379 : memref<60000x128xbf16, #tpu.memory_space<hbm>>) dst(%arg28 : memref<128x128xbf16, #tpu.memory_space<vmem>>)
      %scan3A_380 = arith.constant 0 : i32
      %scan3A_381 = arith.constant 0 : i32
      %scan3A_382 = arith.constant 64 : i32
      %scan3A_383 = arith.addi %scan3A_381, %scan3A_382 : i32
      %scan3A_384 = arith.constant 1 : i32
      %scan3A_385 = scf.for %scan3A_442 = %scan3A_381 to %scan3A_383 step %scan3A_384 iter_args(%scan3A_443 = %scan3A_380) -> (i32)  : i32 {
        %get3A = arith.index_cast %scan3A_442 : i32 to index
        %get3A_444 = arith.constant 0 : index
        %get3A_445 = tpu.vector_load %arg28[%get3A, %get3A_444] {strides = array<i32>} : memref<128x128xbf16, #tpu.memory_space<vmem>>, vector<32xbf16>,
        %unpack3A = tpu.unpack_subelements %get3A_445, 0 {pack_format = #tpu.pack_format<interleaved>} : vector<32xbf16> -> vector<16xf32>
        %unpack3A_446 = tpu.unpack_subelements %get3A_445, 1 {pack_format = #tpu.pack_format<interleaved>} : vector<32xbf16> -> vector<16xf32>
        %add3A_447 = arith.constant 64 : i32
        %add3A_448 = arith.addi %add3A_447, %scan3A_442 : i32
        %get3A_449 = arith.index_cast %add3A_448 : i32 to index
        %get3A_450 = arith.constant 0 : index
        %get3A_451 = tpu.vector_load %arg28[%get3A_449, %get3A_450] {strides = array<i32>} : memref<128x128xbf16, #tpu.memory_space<vmem>>, vector<32xbf16>,
        %unpack3A_452 = tpu.unpack_subelements %get3A_451, 0 {pack_format = #tpu.pack_format<interleaved>} : vector<32xbf16> -> vector<16xf32>
        %unpack3A_453 = tpu.unpack_subelements %get3A_451, 1 {pack_format = #tpu.pack_format<interleaved>} : vector<32xbf16> -> vector<16xf32>
        %mul3A_454 = arith.mulf %unpack3A, %unpack3A_452 : vector<16xf32>
        %add3A_455 = arith.addf %broadcast_in_dim3A_6, %mul3A_454 : vector<16xf32>
        %mul3A_456 = arith.mulf %unpack3A_446, %unpack3A_453 : vector<16xf32>
        %add3A_457 = arith.addf %add3A_455, %mul3A_456 : vector<16xf32>
        %get3A_458 = arith.index_cast %scan3A_442 : i32 to index
        %get3A_459 = arith.constant 32 : index
        %get3A_460 = tpu.vector_load %arg28[%get3A_458, %get3A_459] {strides = array<i32>} : memref<128x128xbf16, #tpu.memory_space<vmem>>, vector<32xbf16>,
        %unpack3A_461 = tpu.unpack_subelements %get3A_460, 0 {pack_format = #tpu.pack_format<interleaved>} : vector<32xbf16> -> vector<16xf32>
        %unpack3A_462 = tpu.unpack_subelements %get3A_460, 1 {pack_format = #tpu.pack_format<interleaved>} : vector<32xbf16> -> vector<16xf32>
        %add3A_463 = arith.constant 64 : i32
        %add3A_464 = arith.addi %add3A_463, %scan3A_442 : i32
        %get3A_465 = arith.index_cast %add3A_464 : i32 to index
        %get3A_466 = arith.constant 32 : index
        %get3A_467 = tpu.vector_load %arg28[%get3A_465, %get3A_466] {strides = array<i32>} : memref<128x128xbf16, #tpu.memory_space<vmem>>, vector<32xbf16>,
        %unpack3A_468 = tpu.unpack_subelements %get3A_467, 0 {pack_format = #tpu.pack_format<interleaved>} : vector<32xbf16> -> vector<16xf32>
        %unpack3A_469 = tpu.unpack_subelements %get3A_467, 1 {pack_format = #tpu.pack_format<interleaved>} : vector<32xbf16> -> vector<16xf32>
        %mul3A_470 = arith.mulf %unpack3A_461, %unpack3A_468 : vector<16xf32>
        %add3A_471 = arith.addf %add3A_457, %mul3A_470 : vector<16xf32>
        %mul3A_472 = arith.mulf %unpack3A_462, %unpack3A_469 : vector<16xf32>
        %add3A_473 = arith.addf %add3A_471, %mul3A_472 : vector<16xf32>
        %get3A_474 = arith.index_cast %scan3A_442 : i32 to index
        %get3A_475 = arith.constant 64 : index
        %get3A_476 = tpu.vector_load %arg28[%get3A_474, %get3A_475] {strides = array<i32>} : memref<128x128xbf16, #tpu.memory_space<vmem>>, vector<32xbf16>,
        %unpack3A_477 = tpu.unpack_subelements %get3A_476, 0 {pack_format = #tpu.pack_format<interleaved>} : vector<32xbf16> -> vector<16xf32>
        %unpack3A_478 = tpu.unpack_subelements %get3A_476, 1 {pack_format = #tpu.pack_format<interleaved>} : vector<32xbf16> -> vector<16xf32>
        %add3A_479 = arith.constant 64 : i32
        %add3A_480 = arith.addi %add3A_479, %scan3A_442 : i32
        %get3A_481 = arith.index_cast %add3A_480 : i32 to index
        %get3A_482 = arith.constant 64 : index
        %get3A_483 = tpu.vector_load %arg28[%get3A_481, %get3A_482] {strides = array<i32>} : memref<128x128xbf16, #tpu.memory_space<vmem>>, vector<32xbf16>,
        %unpack3A_484 = tpu.unpack_subelements %get3A_483, 0 {pack_format = #tpu.pack_format<interleaved>} : vector<32xbf16> -> vector<16xf32>
        %unpack3A_485 = tpu.unpack_subelements %get3A_483, 1 {pack_format = #tpu.pack_format<interleaved>} : vector<32xbf16> -> vector<16xf32>
        %mul3A_486 = arith.mulf %unpack3A_477, %unpack3A_484 : vector<16xf32>
        %add3A_487 = arith.addf %add3A_473, %mul3A_486 : vector<16xf32>
        %mul3A_488 = arith.mulf %unpack3A_478, %unpack3A_485 : vector<16xf32>
        %add3A_489 = arith.addf %add3A_487, %mul3A_488 : vector<16xf32>
        %get3A_490 = arith.index_cast %scan3A_442 : i32 to index
        %get3A_491 = arith.constant 96 : index
        %get3A_492 = tpu.vector_load %arg28[%get3A_490, %get3A_491] {strides = array<i32>} : memref<128x128xbf16, #tpu.memory_space<vmem>>, vector<32xbf16>,
        %unpack3A_493 = tpu.unpack_subelements %get3A_492, 0 {pack_format = #tpu.pack_format<interleaved>} : vector<32xbf16> -> vector<16xf32>
        %unpack3A_494 = tpu.unpack_subelements %get3A_492, 1 {pack_format = #tpu.pack_format<interleaved>} : vector<32xbf16> -> vector<16xf32>
        %add3A_495 = arith.constant 64 : i32
        %add3A_496 = arith.addi %add3A_495, %scan3A_442 : i32
        %get3A_497 = arith.index_cast %add3A_496 : i32 to index
        %get3A_498 = arith.constant 96 : index
        %get3A_499 = tpu.vector_load %arg28[%get3A_497, %get3A_498] {strides = array<i32>} : memref<128x128xbf16, #tpu.memory_space<vmem>>, vector<32xbf16>,
        %unpack3A_500 = tpu.unpack_subelements %get3A_499, 0 {pack_format = #tpu.pack_format<interleaved>} : vector<32xbf16> -> vector<16xf32>
        %unpack3A_501 = tpu.unpack_subelements %get3A_499, 1 {pack_format = #tpu.pack_format<interleaved>} : vector<32xbf16> -> vector<16xf32>
        %mul3A_502 = arith.mulf %unpack3A_493, %unpack3A_500 : vector<16xf32>
        %add3A_503 = arith.addf %add3A_489, %mul3A_502 : vector<16xf32>
        %mul3A_504 = arith.mulf %unpack3A_494, %unpack3A_501 : vector<16xf32>
        %add3A_505 = arith.addf %add3A_503, %mul3A_504 : vector<16xf32>
        %lt3A_506 = arith.constant 0 : i32
        %lt3A_507 = vector.broadcast %lt3A_506 : i32 to vector<16xi32>
        %lt3A_508 = arith.cmpi slt, %xor3A_2, %lt3A_507 : vector<16xi32>
        %add3A_509 = arith.constant 16 : i32
        %add3A_510 = vector.broadcast %add3A_509 : i32 to vector<16xi32>
        %add3A_511 = arith.addi %xor3A_2, %add3A_510 : vector<16xi32>
        %select_n3A = arith.select %lt3A_508, %add3A_511, %xor3A_2 : vector<16xi1>, vector<16xi32>
        %broadcast_in_dim3A_512 = vector.shape_cast %select_n3A : vector<16xi32> to vector<16x1xi32>
        %gather3A = vector.shape_cast %broadcast_in_dim3A_512 : vector<16x1xi32> to vector<16xi32>
        %gather3A_513 = tpu.dynamic_gather %add3A_505[%gather3A] in [0] : vector<16xf32>, vector<16xi32> -> vector<16xf32>
        %add3A_514 = arith.addf %add3A_505, %gather3A_513 : vector<16xf32>
        %lt3A_515 = arith.constant 0 : i32
        %lt3A_516 = vector.broadcast %lt3A_515 : i32 to vector<16xi32>
        %lt3A_517 = arith.cmpi slt, %xor3A_5, %lt3A_516 : vector<16xi32>
        %add3A_518 = arith.constant 16 : i32
        %add3A_519 = vector.broadcast %add3A_518 : i32 to vector<16xi32>
        %add3A_520 = arith.addi %xor3A_5, %add3A_519 : vector<16xi32>
        %select_n3A_521 = arith.select %lt3A_517, %add3A_520, %xor3A_5 : vector<16xi1>, vector<16xi32>
        %broadcast_in_dim3A_522 = vector.shape_cast %select_n3A_521 : vector<16xi32> to vector<16x1xi32>
        %gather3A_523 = vector.shape_cast %broadcast_in_dim3A_522 : vector<16x1xi32> to vector<16xi32>
        %gather3A_524 = tpu.dynamic_gather %add3A_514[%gather3A_523] in [0] : vector<16xf32>, vector<16xi32> -> vector<16xf32>
        %add3A_525 = arith.addf %add3A_514, %gather3A_524 : vector<16xf32>
        %jit3A = arith.constant 16 : i32
        %div3A = arith.divsi %scan3A_442, %jit3A : i32
        %sign3A = arith.constant 0 : i32
        %sign3A_526 = arith.cmpi sgt, %scan3A_442, %sign3A : i32
        %sign3A_527 = arith.extui %sign3A_526 : i1 to i32
        %sign3A_528 = arith.constant 0 : i32
        %sign3A_529 = arith.cmpi slt, %scan3A_442, %sign3A_528 : i32
        %sign3A_530 = arith.extui %sign3A_529 : i1 to i32
        %sign3A_531 = arith.subi %sign3A_527, %sign3A_530 : i32
        %sign3A_532 = arith.constant 0 : i32
        %sign3A_533 = arith.cmpi sgt, %jit3A, %sign3A_532 : i32
        %sign3A_534 = arith.extui %sign3A_533 : i1 to i32
        %sign3A_535 = arith.constant 0 : i32
        %sign3A_536 = arith.cmpi slt, %jit3A, %sign3A_535 : i32
        %sign3A_537 = arith.extui %sign3A_536 : i1 to i32
        %sign3A_538 = arith.subi %sign3A_534, %sign3A_537 : i32
        %ne3A = arith.cmpi ne, %sign3A_531, %sign3A_538 : i32
        %rem3A = arith.remsi %scan3A_442, %jit3A : i32
        %ne3A_539 = arith.constant 0 : i32
        %ne3A_540 = arith.cmpi ne, %rem3A, %ne3A_539 : i32
        %and3A = arith.andi %ne3A, %ne3A_540 : i1
        %sub3A = arith.constant 1 : i32
        %sub3A_541 = arith.subi %div3A, %sub3A : i32
        %select_n3A_542 = arith.select %and3A, %sub3A_541, %div3A : i32
        %mul3A_543 = arith.constant 16 : i32
        %mul3A_544 = arith.muli %select_n3A_542, %mul3A_543 : i32
        %get3A_545 = arith.index_cast %mul3A_544 : i32 to index
        %get3A_546 = tpu.vector_load %arg22[%get3A_545] {strides = array<i32>} : memref<64xf32, #tpu.memory_space<vmem>>, vector<16xf32>,
        %jit3A_547 = arith.constant 16 : i32
        %eq3A = arith.constant 0 : i32
        %eq3A_548 = arith.cmpi eq, %jit3A_547, %eq3A : i32
        %jit3A_549 = arith.constant 1 : i32
        %select_n3A_550 = arith.select %eq3A_548, %jit3A_549, %jit3A_547 : i32
        %rem3A_551 = arith.remsi %scan3A_442, %select_n3A_550 : i32
        %ne3A_552 = arith.constant 0 : i32
        %ne3A_553 = arith.cmpi ne, %rem3A_551, %ne3A_552 : i32
        %lt3A_554 = arith.constant 0 : i32
        %lt3A_555 = arith.cmpi slt, %rem3A_551, %lt3A_554 : i32
        %lt3A_556 = arith.constant 0 : i32
        %lt3A_557 = arith.cmpi slt, %select_n3A_550, %lt3A_556 : i32
        %ne3A_558 = arith.xori %lt3A_555, %lt3A_557 : i1
        %and3A_559 = arith.andi %ne3A_558, %ne3A_553 : i1
        %add3A_560 = arith.addi %rem3A_551, %select_n3A_550 : i32
        %select_n3A_561 = arith.select %and3A_559, %add3A_560, %rem3A_551 : i32
        %broadcast_in_dim3A_562 = vector.broadcast %select_n3A_561 : i32 to vector<16xi32>
        %lt3A_563 = arith.constant 0 : i32
        %lt3A_564 = vector.broadcast %lt3A_563 : i32 to vector<16xi32>
        %lt3A_565 = arith.cmpi slt, %broadcast_in_dim3A_562, %lt3A_564 : vector<16xi32>
        %add3A_566 = arith.constant 16 : i32
        %add3A_567 = vector.broadcast %add3A_566 : i32 to vector<16xi32>
        %add3A_568 = arith.addi %broadcast_in_dim3A_562, %add3A_567 : vector<16xi32>
        %select_n3A_569 = arith.select %lt3A_565, %add3A_568, %broadcast_in_dim3A_562 : vector<16xi1>, vector<16xi32>
        %broadcast_in_dim3A_570 = vector.shape_cast %select_n3A_569 : vector<16xi32> to vector<16x1xi32>
        %gather3A_571 = vector.shape_cast %broadcast_in_dim3A_570 : vector<16x1xi32> to vector<16xi32>
        %gather3A_572 = tpu.dynamic_gather %get3A_546[%gather3A_571] in [0] : vector<16xf32>, vector<16xi32> -> vector<16xf32>
        %mul3A_573 = arith.mulf %add3A_525, %gather3A_572 : vector<16xf32>
        %exp3A = math.exp %mul3A_573 : vector<16xf32>
        %swap3A = arith.index_cast %scan3A_442 : i32 to index
        %swap3A_574 = arith.constant 0 : index
        %swap3A_575 = tpu.vector_load %arg34[%swap3A, %swap3A_574] {strides = array<i32>} : memref<64x16xf32, #tpu.memory_space<vmem>>, vector<16xf32>,
        tpu.vector_store %arg34[%swap3A, %swap3A_574], %exp3A {strides = array<i32>} : memref<64x16xf32, #tpu.memory_space<vmem>>, vector<16xf32>,
        %scan3A_576 = arith.constant 0 : i32
        scf.yield %scan3A_576 : i32
      }
      %scan3A_386 = arith.constant 64 : i32
      %dma_start3A_387 = arith.constant 0 : i32
      %dma_start3A_388 = arith.constant 0 : i32
      %dma_start3A_389 = tpu.memref_slice %arg9[%dma_start3A_387, %dma_start3A_388] : memref<10240x16xf32, #tpu.memory_space<vmem_shared>> -> memref<10240x16xf32, #tpu.memory_space<vmem_shared>>
      tpu.enqueue_indirect_dma source(%arg34 : memref<64x16xf32, #tpu.memory_space<vmem>>) target(%dma_start3A_389 : memref<10240x16xf32, #tpu.memory_space<vmem_shared>>) offsets(%arg14 : memref<64xi32, #tpu.memory_space<vmem>>) semaphore(%arg45 : memref<!tpu.dma_semaphore, #tpu.memory_space<semaphore_mem>>) {add = true}
      %mul3A_390 = arith.constant 64 : i32
      %mul3A_391 = arith.muli %add3A_357, %mul3A_390 : i32
      %add3A_392 = arith.addi %add3A_71, %mul3A_391 : i32
      %dma_start3A_393 = arith.constant 0 : i32
      %dma_start3A_394 = tpu.memref_slice %arg8[%add3A_392, %dma_start3A_393] : memref<327680x16xf32, #tpu.memory_space<hbm>> -> memref<64x16xf32, #tpu.memory_space<hbm>>
      %dma_start3A_395 = arith.constant 0 : i32
      %dma_start3A_396 = tpu.memref_slice %arg8[%add3A_392, %dma_start3A_395] : memref<327680x16xf32, #tpu.memory_space<hbm>> -> memref<64x16xf32, #tpu.memory_space<hbm>>
      tpu.enqueue_dma source(%arg34 : memref<64x16xf32, #tpu.memory_space<vmem>>) target(%dma_start3A_396 : memref<64x16xf32, #tpu.memory_space<hbm>>) target_semaphore(%arg43 : memref<!tpu.dma_semaphore, #tpu.memory_space<semaphore_mem>>)
      %mul3A_397 = arith.constant 4 : i32
      %mul3A_398 = arith.muli %mul3A_397, %scan3A_278 : i32
      %add3A_399 = arith.constant 3 : i32
      %add3A_400 = arith.addi %mul3A_398, %add3A_399 : i32
      %dma_wait3A_401 = arith.constant 0 : i32
      %dma_wait3A_402 = tpu.memref_slice %arg8[%add3A_71, %dma_wait3A_401] : memref<327680x16xf32, #tpu.memory_space<hbm>> -> memref<64x16xf32, #tpu.memory_space<hbm>>
      %dma_wait3A_403 = arith.constant 0 : i32
      %dma_wait3A_404 = tpu.memref_slice %arg8[%add3A_71, %dma_wait3A_403] : memref<327680x16xf32, #tpu.memory_space<hbm>> -> memref<64x16xf32, #tpu.memory_space<hbm>>
      tpu.wait_dma2 semaphore(%arg44 : memref<!tpu.dma_semaphore, #tpu.memory_space<semaphore_mem>>) src(%arg35 : memref<64x16xf32, #tpu.memory_space<vmem>>) dst(%dma_wait3A_404 : memref<64x16xf32, #tpu.memory_space<hbm>>)
      %dma_wait3A_405 = arith.constant 0 : i32
      %dma_wait3A_406 = arith.constant 0 : i32
      %dma_wait3A_407 = tpu.memref_slice %arg9[%dma_wait3A_405, %dma_wait3A_406] : memref<10240x16xf32, #tpu.memory_space<vmem_shared>> -> memref<64x16xf32, #tpu.memory_space<vmem_shared>>
      %dma_wait3A_408 = arith.constant 0 : i32
      %dma_wait3A_409 = arith.constant 0 : i32
      %dma_wait3A_410 = tpu.memref_slice %arg9[%dma_wait3A_408, %dma_wait3A_409] : memref<10240x16xf32, #tpu.memory_space<vmem_shared>> -> memref<64x16xf32, #tpu.memory_space<vmem_shared>>
      tpu.wait_dma2 semaphore(%arg46 : memref<!tpu.dma_semaphore, #tpu.memory_space<semaphore_mem>>) src(%arg35 : memref<64x16xf32, #tpu.memory_space<vmem>>) dst(%dma_wait3A_410 : memref<64x16xf32, #tpu.memory_space<vmem_shared>>)
      %lt3A_411 = arith.constant 39 : i32
      %lt3A_412 = arith.cmpi slt, %scan3A_278, %lt3A_411 : i32
      %convert_element_type3A_413 = arith.extui %lt3A_412 : i1 to i32
      %cond3A_414 = arith.constant 0 : i32
      %cond3A_415 = arith.cmpi ne, %convert_element_type3A_413, %cond3A_414 : i32
      scf.if %cond3A_415 {
        %dma_wait3A_442 = arith.constant 0 : i32
        %dma_wait3A_443 = tpu.memref_slice %arg3[%dma_wait3A_442] : memref<163840xi32, #tpu.memory_space<hbm>> -> memref<64xi32, #tpu.memory_space<hbm>>
        %dma_wait3A_444 = arith.constant 0 : i32
        %dma_wait3A_445 = tpu.memref_slice %arg3[%dma_wait3A_444] : memref<163840xi32, #tpu.memory_space<hbm>> -> memref<64xi32, #tpu.memory_space<hbm>>
        tpu.wait_dma2 semaphore(%arg38 : memref<!tpu.dma_semaphore, #tpu.memory_space<semaphore_mem>>) src(%dma_wait3A_445 : memref<64xi32, #tpu.memory_space<hbm>>) dst(%arg12 : memref<64xi32, #tpu.memory_space<vmem>>)
        %dma_wait3A_446 = arith.constant 0 : i32
        %dma_wait3A_447 = tpu.memref_slice %arg3[%dma_wait3A_446] : memref<163840xi32, #tpu.memory_space<hbm>> -> memref<64xi32, #tpu.memory_space<hbm>>
        %dma_wait3A_448 = arith.constant 0 : i32
        %dma_wait3A_449 = tpu.memref_slice %arg3[%dma_wait3A_448] : memref<163840xi32, #tpu.memory_space<hbm>> -> memref<64xi32, #tpu.memory_space<hbm>>
        tpu.wait_dma2 semaphore(%arg38 : memref<!tpu.dma_semaphore, #tpu.memory_space<semaphore_mem>>) src(%dma_wait3A_449 : memref<64xi32, #tpu.memory_space<hbm>>) dst(%arg12 : memref<64xi32, #tpu.memory_space<vmem>>)
        %dma_wait3A_450 = arith.constant 0 : i32
        %dma_wait3A_451 = tpu.memref_slice %arg3[%dma_wait3A_450] : memref<163840xi32, #tpu.memory_space<hbm>> -> memref<64xi32, #tpu.memory_space<hbm>>
        %dma_wait3A_452 = arith.constant 0 : i32
        %dma_wait3A_453 = tpu.memref_slice %arg3[%dma_wait3A_452] : memref<163840xi32, #tpu.memory_space<hbm>> -> memref<64xi32, #tpu.memory_space<hbm>>
        tpu.wait_dma2 semaphore(%arg38 : memref<!tpu.dma_semaphore, #tpu.memory_space<semaphore_mem>>) src(%dma_wait3A_453 : memref<64xi32, #tpu.memory_space<hbm>>) dst(%arg12 : memref<64xi32, #tpu.memory_space<vmem>>)
        %scan3A_454 = arith.constant 0 : i32
        %scan3A_455 = arith.constant 0 : i32
        %scan3A_456 = arith.constant 4 : i32
        %scan3A_457 = arith.addi %scan3A_455, %scan3A_456 : i32
        %scan3A_458 = arith.constant 1 : i32
        %scan3A_459 = scf.for %scan3A_464 = %scan3A_455 to %scan3A_457 step %scan3A_458 iter_args(%scan3A_465 = %scan3A_454) -> (i32)  : i32 {
          %mul3A_466 = arith.constant 16 : i32
          %mul3A_467 = arith.muli %scan3A_464, %mul3A_466 : i32
          %get3A = arith.index_cast %mul3A_467 : i32 to index
          %get3A_468 = tpu.vector_load %arg12[%get3A] {strides = array<i32>} : memref<64xi32, #tpu.memory_space<vmem>>, vector<16xi32>,
          %add3A_469 = vector.broadcast %mul3A_60 : i32 to vector<16xi32>
          %add3A_470 = arith.addi %get3A_468, %add3A_469 : vector<16xi32>
          %mul3A_471 = arith.constant 16 : i32
          %mul3A_472 = arith.muli %scan3A_464, %mul3A_471 : i32
          %swap3A = arith.index_cast %mul3A_472 : i32 to index
          %swap3A_473 = tpu.vector_load %arg26[%swap3A] {strides = array<i32>} : memref<128xi32, #tpu.memory_space<vmem>>, vector<16xi32>,
          tpu.vector_store %arg26[%swap3A], %add3A_470 {strides = array<i32>} : memref<128xi32, #tpu.memory_space<vmem>>, vector<16xi32>,
          %mul3A_474 = arith.constant 16 : i32
          %mul3A_475 = arith.muli %scan3A_464, %mul3A_474 : i32
          %get3A_476 = arith.index_cast %mul3A_475 : i32 to index
          %get3A_477 = tpu.vector_load %arg16[%get3A_476] {strides = array<i32>} : memref<64xi32, #tpu.memory_space<vmem>>, vector<16xi32>,
          %add3A_478 = vector.broadcast %mul3A_64 : i32 to vector<16xi32>
          %add3A_479 = arith.addi %get3A_477, %add3A_478 : vector<16xi32>
          %mul3A_480 = arith.constant 16 : i32
          %mul3A_481 = arith.muli %scan3A_464, %mul3A_480 : i32
          %add3A_482 = arith.constant 64 : i32
          %add3A_483 = arith.addi %add3A_482, %mul3A_481 : i32
          %swap3A_484 = arith.index_cast %add3A_483 : i32 to index
          %swap3A_485 = tpu.vector_load %arg26[%swap3A_484] {strides = array<i32>} : memref<128xi32, #tpu.memory_space<vmem>>, vector<16xi32>,
          tpu.vector_store %arg26[%swap3A_484], %add3A_479 {strides = array<i32>} : memref<128xi32, #tpu.memory_space<vmem>>, vector<16xi32>,
          %scan3A_486 = arith.constant 0 : i32
          scf.yield %scan3A_486 : i32
        }
        %scan3A_460 = arith.constant 4 : i32
        %dma_start3A_461 = arith.constant 0 : i32
        %dma_start3A_462 = arith.constant 0 : i32
        %dma_start3A_463 = tpu.memref_slice %arg2[%dma_start3A_461, %dma_start3A_462] : memref<60000x128xbf16, #tpu.memory_space<hbm>> -> memref<60000x128xbf16, #tpu.memory_space<hbm>>
        tpu.enqueue_indirect_dma source(%dma_start3A_463 : memref<60000x128xbf16, #tpu.memory_space<hbm>>) target(%arg28 : memref<128x128xbf16, #tpu.memory_space<vmem>>) offsets(%arg26 : memref<128xi32, #tpu.memory_space<vmem>>) semaphore(%arg39 : memref<!tpu.dma_semaphore, #tpu.memory_space<semaphore_mem>>)
      } else {
      }
      %lt3A_416 = arith.constant 39 : i32
      %lt3A_417 = arith.cmpi slt, %scan3A_278, %lt3A_416 : i32
      %convert_element_type3A_418 = arith.extui %lt3A_417 : i1 to i32
      %cond3A_419 = arith.constant 0 : i32
      %cond3A_420 = arith.cmpi ne, %convert_element_type3A_418, %cond3A_419 : i32
      scf.if %cond3A_420 {
        %add3A_442 = arith.constant 2 : i32
        %add3A_443 = arith.addi %add3A_400, %add3A_442 : i32
        %mul3A_444 = arith.constant 64 : i32
        %mul3A_445 = arith.muli %add3A_443, %mul3A_444 : i32
        %add3A_446 = arith.addi %mul3A_0, %mul3A_445 : i32
        %dma_start3A_447 = tpu.memref_slice %arg3[%add3A_446] : memref<163840xi32, #tpu.memory_space<hbm>> -> memref<64xi32, #tpu.memory_space<hbm>>
        %dma_start3A_448 = tpu.memref_slice %arg3[%add3A_446] : memref<163840xi32, #tpu.memory_space<hbm>> -> memref<64xi32, #tpu.memory_space<hbm>>
        tpu.enqueue_dma source(%dma_start3A_448 : memref<64xi32, #tpu.memory_space<hbm>>) target(%arg13 : memref<64xi32, #tpu.memory_space<vmem>>) target_semaphore(%arg38 : memref<!tpu.dma_semaphore, #tpu.memory_space<semaphore_mem>>)
        %dma_start3A_449 = tpu.memref_slice %arg4[%add3A_446] : memref<163840xi32, #tpu.memory_space<hbm>> -> memref<64xi32, #tpu.memory_space<hbm>>
        %dma_start3A_450 = tpu.memref_slice %arg4[%add3A_446] : memref<163840xi32, #tpu.memory_space<hbm>> -> memref<64xi32, #tpu.memory_space<hbm>>
        tpu.enqueue_dma source(%dma_start3A_450 : memref<64xi32, #tpu.memory_space<hbm>>) target(%arg17 : memref<64xi32, #tpu.memory_space<vmem>>) target_semaphore(%arg38 : memref<!tpu.dma_semaphore, #tpu.memory_space<semaphore_mem>>)
        %dma_start3A_451 = tpu.memref_slice %arg5[%add3A_446] : memref<163840xf32, #tpu.memory_space<hbm>> -> memref<64xf32, #tpu.memory_space<hbm>>
        %dma_start3A_452 = tpu.memref_slice %arg5[%add3A_446] : memref<163840xf32, #tpu.memory_space<hbm>> -> memref<64xf32, #tpu.memory_space<hbm>>
        tpu.enqueue_dma source(%dma_start3A_452 : memref<64xf32, #tpu.memory_space<hbm>>) target(%arg21 : memref<64xf32, #tpu.memory_space<vmem>>) target_semaphore(%arg38 : memref<!tpu.dma_semaphore, #tpu.memory_space<semaphore_mem>>)
      } else {
      }
      %dma_wait3A_421 = arith.constant 0 : i32
      %dma_wait3A_422 = arith.constant 0 : i32
      %dma_wait3A_423 = tpu.memref_slice %arg2[%dma_wait3A_421, %dma_wait3A_422] : memref<60000x128xbf16, #tpu.memory_space<hbm>> -> memref<60000x128xbf16, #tpu.memory_space<hbm>>
      tpu.wait_indirect_dma semaphore(%arg40 : memref<!tpu.dma_semaphore, #tpu.memory_space<semaphore_mem>>) src(%dma_wait3A_423 : memref<60000x128xbf16, #tpu.memory_space<hbm>>) dst(%arg29 : memref<128x128xbf16, #tpu.memory_space<vmem>>)
      %scan3A_424 = arith.constant 0 : i32
      %scan3A_425 = arith.constant 0 : i32
      %scan3A_426 = arith.constant 64 : i32
      %scan3A_427 = arith.addi %scan3A_425, %scan3A_426 : i32
      %scan3A_428 = arith.constant 1 : i32
      %scan3A_429 = scf.for %scan3A_442 = %scan3A_425 to %scan3A_427 step %scan3A_428 iter_args(%scan3A_443 = %scan3A_424) -> (i32)  : i32 {
        %get3A = arith.index_cast %scan3A_442 : i32 to index
        %get3A_444 = arith.constant 0 : index
        %get3A_445 = tpu.vector_load %arg29[%get3A, %get3A_444] {strides = array<i32>} : memref<128x128xbf16, #tpu.memory_space<vmem>>, vector<32xbf16>,
        %unpack3A = tpu.unpack_subelements %get3A_445, 0 {pack_format = #tpu.pack_format<interleaved>} : vector<32xbf16> -> vector<16xf32>
        %unpack3A_446 = tpu.unpack_subelements %get3A_445, 1 {pack_format = #tpu.pack_format<interleaved>} : vector<32xbf16> -> vector<16xf32>
        %add3A_447 = arith.constant 64 : i32
        %add3A_448 = arith.addi %add3A_447, %scan3A_442 : i32
        %get3A_449 = arith.index_cast %add3A_448 : i32 to index
        %get3A_450 = arith.constant 0 : index
        %get3A_451 = tpu.vector_load %arg29[%get3A_449, %get3A_450] {strides = array<i32>} : memref<128x128xbf16, #tpu.memory_space<vmem>>, vector<32xbf16>,
        %unpack3A_452 = tpu.unpack_subelements %get3A_451, 0 {pack_format = #tpu.pack_format<interleaved>} : vector<32xbf16> -> vector<16xf32>
        %unpack3A_453 = tpu.unpack_subelements %get3A_451, 1 {pack_format = #tpu.pack_format<interleaved>} : vector<32xbf16> -> vector<16xf32>
        %mul3A_454 = arith.mulf %unpack3A, %unpack3A_452 : vector<16xf32>
        %add3A_455 = arith.addf %broadcast_in_dim3A_6, %mul3A_454 : vector<16xf32>
        %mul3A_456 = arith.mulf %unpack3A_446, %unpack3A_453 : vector<16xf32>
        %add3A_457 = arith.addf %add3A_455, %mul3A_456 : vector<16xf32>
        %get3A_458 = arith.index_cast %scan3A_442 : i32 to index
        %get3A_459 = arith.constant 32 : index
        %get3A_460 = tpu.vector_load %arg29[%get3A_458, %get3A_459] {strides = array<i32>} : memref<128x128xbf16, #tpu.memory_space<vmem>>, vector<32xbf16>,
        %unpack3A_461 = tpu.unpack_subelements %get3A_460, 0 {pack_format = #tpu.pack_format<interleaved>} : vector<32xbf16> -> vector<16xf32>
        %unpack3A_462 = tpu.unpack_subelements %get3A_460, 1 {pack_format = #tpu.pack_format<interleaved>} : vector<32xbf16> -> vector<16xf32>
        %add3A_463 = arith.constant 64 : i32
        %add3A_464 = arith.addi %add3A_463, %scan3A_442 : i32
        %get3A_465 = arith.index_cast %add3A_464 : i32 to index
        %get3A_466 = arith.constant 32 : index
        %get3A_467 = tpu.vector_load %arg29[%get3A_465, %get3A_466] {strides = array<i32>} : memref<128x128xbf16, #tpu.memory_space<vmem>>, vector<32xbf16>,
        %unpack3A_468 = tpu.unpack_subelements %get3A_467, 0 {pack_format = #tpu.pack_format<interleaved>} : vector<32xbf16> -> vector<16xf32>
        %unpack3A_469 = tpu.unpack_subelements %get3A_467, 1 {pack_format = #tpu.pack_format<interleaved>} : vector<32xbf16> -> vector<16xf32>
        %mul3A_470 = arith.mulf %unpack3A_461, %unpack3A_468 : vector<16xf32>
        %add3A_471 = arith.addf %add3A_457, %mul3A_470 : vector<16xf32>
        %mul3A_472 = arith.mulf %unpack3A_462, %unpack3A_469 : vector<16xf32>
        %add3A_473 = arith.addf %add3A_471, %mul3A_472 : vector<16xf32>
        %get3A_474 = arith.index_cast %scan3A_442 : i32 to index
        %get3A_475 = arith.constant 64 : index
        %get3A_476 = tpu.vector_load %arg29[%get3A_474, %get3A_475] {strides = array<i32>} : memref<128x128xbf16, #tpu.memory_space<vmem>>, vector<32xbf16>,
        %unpack3A_477 = tpu.unpack_subelements %get3A_476, 0 {pack_format = #tpu.pack_format<interleaved>} : vector<32xbf16> -> vector<16xf32>
        %unpack3A_478 = tpu.unpack_subelements %get3A_476, 1 {pack_format = #tpu.pack_format<interleaved>} : vector<32xbf16> -> vector<16xf32>
        %add3A_479 = arith.constant 64 : i32
        %add3A_480 = arith.addi %add3A_479, %scan3A_442 : i32
        %get3A_481 = arith.index_cast %add3A_480 : i32 to index
        %get3A_482 = arith.constant 64 : index
        %get3A_483 = tpu.vector_load %arg29[%get3A_481, %get3A_482] {strides = array<i32>} : memref<128x128xbf16, #tpu.memory_space<vmem>>, vector<32xbf16>,
        %unpack3A_484 = tpu.unpack_subelements %get3A_483, 0 {pack_format = #tpu.pack_format<interleaved>} : vector<32xbf16> -> vector<16xf32>
        %unpack3A_485 = tpu.unpack_subelements %get3A_483, 1 {pack_format = #tpu.pack_format<interleaved>} : vector<32xbf16> -> vector<16xf32>
        %mul3A_486 = arith.mulf %unpack3A_477, %unpack3A_484 : vector<16xf32>
        %add3A_487 = arith.addf %add3A_473, %mul3A_486 : vector<16xf32>
        %mul3A_488 = arith.mulf %unpack3A_478, %unpack3A_485 : vector<16xf32>
        %add3A_489 = arith.addf %add3A_487, %mul3A_488 : vector<16xf32>
        %get3A_490 = arith.index_cast %scan3A_442 : i32 to index
        %get3A_491 = arith.constant 96 : index
        %get3A_492 = tpu.vector_load %arg29[%get3A_490, %get3A_491] {strides = array<i32>} : memref<128x128xbf16, #tpu.memory_space<vmem>>, vector<32xbf16>,
        %unpack3A_493 = tpu.unpack_subelements %get3A_492, 0 {pack_format = #tpu.pack_format<interleaved>} : vector<32xbf16> -> vector<16xf32>
        %unpack3A_494 = tpu.unpack_subelements %get3A_492, 1 {pack_format = #tpu.pack_format<interleaved>} : vector<32xbf16> -> vector<16xf32>
        %add3A_495 = arith.constant 64 : i32
        %add3A_496 = arith.addi %add3A_495, %scan3A_442 : i32
        %get3A_497 = arith.index_cast %add3A_496 : i32 to index
        %get3A_498 = arith.constant 96 : index
        %get3A_499 = tpu.vector_load %arg29[%get3A_497, %get3A_498] {strides = array<i32>} : memref<128x128xbf16, #tpu.memory_space<vmem>>, vector<32xbf16>,
        %unpack3A_500 = tpu.unpack_subelements %get3A_499, 0 {pack_format = #tpu.pack_format<interleaved>} : vector<32xbf16> -> vector<16xf32>
        %unpack3A_501 = tpu.unpack_subelements %get3A_499, 1 {pack_format = #tpu.pack_format<interleaved>} : vector<32xbf16> -> vector<16xf32>
        %mul3A_502 = arith.mulf %unpack3A_493, %unpack3A_500 : vector<16xf32>
        %add3A_503 = arith.addf %add3A_489, %mul3A_502 : vector<16xf32>
        %mul3A_504 = arith.mulf %unpack3A_494, %unpack3A_501 : vector<16xf32>
        %add3A_505 = arith.addf %add3A_503, %mul3A_504 : vector<16xf32>
        %lt3A_506 = arith.constant 0 : i32
        %lt3A_507 = vector.broadcast %lt3A_506 : i32 to vector<16xi32>
        %lt3A_508 = arith.cmpi slt, %xor3A_2, %lt3A_507 : vector<16xi32>
        %add3A_509 = arith.constant 16 : i32
        %add3A_510 = vector.broadcast %add3A_509 : i32 to vector<16xi32>
        %add3A_511 = arith.addi %xor3A_2, %add3A_510 : vector<16xi32>
        %select_n3A = arith.select %lt3A_508, %add3A_511, %xor3A_2 : vector<16xi1>, vector<16xi32>
        %broadcast_in_dim3A_512 = vector.shape_cast %select_n3A : vector<16xi32> to vector<16x1xi32>
        %gather3A = vector.shape_cast %broadcast_in_dim3A_512 : vector<16x1xi32> to vector<16xi32>
        %gather3A_513 = tpu.dynamic_gather %add3A_505[%gather3A] in [0] : vector<16xf32>, vector<16xi32> -> vector<16xf32>
        %add3A_514 = arith.addf %add3A_505, %gather3A_513 : vector<16xf32>
        %lt3A_515 = arith.constant 0 : i32
        %lt3A_516 = vector.broadcast %lt3A_515 : i32 to vector<16xi32>
        %lt3A_517 = arith.cmpi slt, %xor3A_5, %lt3A_516 : vector<16xi32>
        %add3A_518 = arith.constant 16 : i32
        %add3A_519 = vector.broadcast %add3A_518 : i32 to vector<16xi32>
        %add3A_520 = arith.addi %xor3A_5, %add3A_519 : vector<16xi32>
        %select_n3A_521 = arith.select %lt3A_517, %add3A_520, %xor3A_5 : vector<16xi1>, vector<16xi32>
        %broadcast_in_dim3A_522 = vector.shape_cast %select_n3A_521 : vector<16xi32> to vector<16x1xi32>
        %gather3A_523 = vector.shape_cast %broadcast_in_dim3A_522 : vector<16x1xi32> to vector<16xi32>
        %gather3A_524 = tpu.dynamic_gather %add3A_514[%gather3A_523] in [0] : vector<16xf32>, vector<16xi32> -> vector<16xf32>
        %add3A_525 = arith.addf %add3A_514, %gather3A_524 : vector<16xf32>
        %jit3A = arith.constant 16 : i32
        %div3A = arith.divsi %scan3A_442, %jit3A : i32
        %sign3A = arith.constant 0 : i32
        %sign3A_526 = arith.cmpi sgt, %scan3A_442, %sign3A : i32
        %sign3A_527 = arith.extui %sign3A_526 : i1 to i32
        %sign3A_528 = arith.constant 0 : i32
        %sign3A_529 = arith.cmpi slt, %scan3A_442, %sign3A_528 : i32
        %sign3A_530 = arith.extui %sign3A_529 : i1 to i32
        %sign3A_531 = arith.subi %sign3A_527, %sign3A_530 : i32
        %sign3A_532 = arith.constant 0 : i32
        %sign3A_533 = arith.cmpi sgt, %jit3A, %sign3A_532 : i32
        %sign3A_534 = arith.extui %sign3A_533 : i1 to i32
        %sign3A_535 = arith.constant 0 : i32
        %sign3A_536 = arith.cmpi slt, %jit3A, %sign3A_535 : i32
        %sign3A_537 = arith.extui %sign3A_536 : i1 to i32
        %sign3A_538 = arith.subi %sign3A_534, %sign3A_537 : i32
        %ne3A = arith.cmpi ne, %sign3A_531, %sign3A_538 : i32
        %rem3A = arith.remsi %scan3A_442, %jit3A : i32
        %ne3A_539 = arith.constant 0 : i32
        %ne3A_540 = arith.cmpi ne, %rem3A, %ne3A_539 : i32
        %and3A = arith.andi %ne3A, %ne3A_540 : i1
        %sub3A = arith.constant 1 : i32
        %sub3A_541 = arith.subi %div3A, %sub3A : i32
        %select_n3A_542 = arith.select %and3A, %sub3A_541, %div3A : i32
        %mul3A_543 = arith.constant 16 : i32
        %mul3A_544 = arith.muli %select_n3A_542, %mul3A_543 : i32
        %get3A_545 = arith.index_cast %mul3A_544 : i32 to index
        %get3A_546 = tpu.vector_load %arg23[%get3A_545] {strides = array<i32>} : memref<64xf32, #tpu.memory_space<vmem>>, vector<16xf32>,
        %jit3A_547 = arith.constant 16 : i32
        %eq3A = arith.constant 0 : i32
        %eq3A_548 = arith.cmpi eq, %jit3A_547, %eq3A : i32
        %jit3A_549 = arith.constant 1 : i32
        %select_n3A_550 = arith.select %eq3A_548, %jit3A_549, %jit3A_547 : i32
        %rem3A_551 = arith.remsi %scan3A_442, %select_n3A_550 : i32
        %ne3A_552 = arith.constant 0 : i32
        %ne3A_553 = arith.cmpi ne, %rem3A_551, %ne3A_552 : i32
        %lt3A_554 = arith.constant 0 : i32
        %lt3A_555 = arith.cmpi slt, %rem3A_551, %lt3A_554 : i32
        %lt3A_556 = arith.constant 0 : i32
        %lt3A_557 = arith.cmpi slt, %select_n3A_550, %lt3A_556 : i32
        %ne3A_558 = arith.xori %lt3A_555, %lt3A_557 : i1
        %and3A_559 = arith.andi %ne3A_558, %ne3A_553 : i1
        %add3A_560 = arith.addi %rem3A_551, %select_n3A_550 : i32
        %select_n3A_561 = arith.select %and3A_559, %add3A_560, %rem3A_551 : i32
        %broadcast_in_dim3A_562 = vector.broadcast %select_n3A_561 : i32 to vector<16xi32>
        %lt3A_563 = arith.constant 0 : i32
        %lt3A_564 = vector.broadcast %lt3A_563 : i32 to vector<16xi32>
        %lt3A_565 = arith.cmpi slt, %broadcast_in_dim3A_562, %lt3A_564 : vector<16xi32>
        %add3A_566 = arith.constant 16 : i32
        %add3A_567 = vector.broadcast %add3A_566 : i32 to vector<16xi32>
        %add3A_568 = arith.addi %broadcast_in_dim3A_562, %add3A_567 : vector<16xi32>
        %select_n3A_569 = arith.select %lt3A_565, %add3A_568, %broadcast_in_dim3A_562 : vector<16xi1>, vector<16xi32>
        %broadcast_in_dim3A_570 = vector.shape_cast %select_n3A_569 : vector<16xi32> to vector<16x1xi32>
        %gather3A_571 = vector.shape_cast %broadcast_in_dim3A_570 : vector<16x1xi32> to vector<16xi32>
        %gather3A_572 = tpu.dynamic_gather %get3A_546[%gather3A_571] in [0] : vector<16xf32>, vector<16xi32> -> vector<16xf32>
        %mul3A_573 = arith.mulf %add3A_525, %gather3A_572 : vector<16xf32>
        %exp3A = math.exp %mul3A_573 : vector<16xf32>
        %swap3A = arith.index_cast %scan3A_442 : i32 to index
        %swap3A_574 = arith.constant 0 : index
        %swap3A_575 = tpu.vector_load %arg35[%swap3A, %swap3A_574] {strides = array<i32>} : memref<64x16xf32, #tpu.memory_space<vmem>>, vector<16xf32>,
        tpu.vector_store %arg35[%swap3A, %swap3A_574], %exp3A {strides = array<i32>} : memref<64x16xf32, #tpu.memory_space<vmem>>, vector<16xf32>,
        %scan3A_576 = arith.constant 0 : i32
        scf.yield %scan3A_576 : i32
      }
      %scan3A_430 = arith.constant 64 : i32
      %dma_start3A_431 = arith.constant 0 : i32
      %dma_start3A_432 = arith.constant 0 : i32
      %dma_start3A_433 = tpu.memref_slice %arg9[%dma_start3A_431, %dma_start3A_432] : memref<10240x16xf32, #tpu.memory_space<vmem_shared>> -> memref<10240x16xf32, #tpu.memory_space<vmem_shared>>
      tpu.enqueue_indirect_dma source(%arg35 : memref<64x16xf32, #tpu.memory_space<vmem>>) target(%dma_start3A_433 : memref<10240x16xf32, #tpu.memory_space<vmem_shared>>) offsets(%arg15 : memref<64xi32, #tpu.memory_space<vmem>>) semaphore(%arg46 : memref<!tpu.dma_semaphore, #tpu.memory_space<semaphore_mem>>) {add = true}
      %mul3A_434 = arith.constant 64 : i32
      %mul3A_435 = arith.muli %add3A_400, %mul3A_434 : i32
      %add3A_436 = arith.addi %add3A_71, %mul3A_435 : i32
      %dma_start3A_437 = arith.constant 0 : i32
      %dma_start3A_438 = tpu.memref_slice %arg8[%add3A_436, %dma_start3A_437] : memref<327680x16xf32, #tpu.memory_space<hbm>> -> memref<64x16xf32, #tpu.memory_space<hbm>>
      %dma_start3A_439 = arith.constant 0 : i32
      %dma_start3A_440 = tpu.memref_slice %arg8[%add3A_436, %dma_start3A_439] : memref<327680x16xf32, #tpu.memory_space<hbm>> -> memref<64x16xf32, #tpu.memory_space<hbm>>
      tpu.enqueue_dma source(%arg35 : memref<64x16xf32, #tpu.memory_space<vmem>>) target(%dma_start3A_440 : memref<64x16xf32, #tpu.memory_space<hbm>>) target_semaphore(%arg44 : memref<!tpu.dma_semaphore, #tpu.memory_space<semaphore_mem>>)
      %scan3A_441 = arith.constant 0 : i32
      scf.yield %scan3A_441 : i32
    }
    %scan3A_97 = arith.constant 40 : i32
    %dma_wait3A = arith.constant 0 : i32
    %dma_wait3A_98 = tpu.memref_slice %arg8[%add3A_71, %dma_wait3A] : memref<327680x16xf32, #tpu.memory_space<hbm>> -> memref<64x16xf32, #tpu.memory_space<hbm>>
    %dma_wait3A_99 = arith.constant 0 : i32
    %dma_wait3A_100 = tpu.memref_slice %arg8[%add3A_71, %dma_wait3A_99] : memref<327680x16xf32, #tpu.memory_space<hbm>> -> memref<64x16xf32, #tpu.memory_space<hbm>>
    tpu.wait_dma2 semaphore(%arg43 : memref<!tpu.dma_semaphore, #tpu.memory_space<semaphore_mem>>) src(%arg34 : memref<64x16xf32, #tpu.memory_space<vmem>>) dst(%dma_wait3A_100 : memref<64x16xf32, #tpu.memory_space<hbm>>)
    %dma_wait3A_101 = arith.constant 0 : i32
    %dma_wait3A_102 = arith.constant 0 : i32
    %dma_wait3A_103 = tpu.memref_slice %arg9[%dma_wait3A_101, %dma_wait3A_102] : memref<10240x16xf32, #tpu.memory_space<vmem_shared>> -> memref<64x16xf32, #tpu.memory_space<vmem_shared>>
    %dma_wait3A_104 = arith.constant 0 : i32
    %dma_wait3A_105 = arith.constant 0 : i32
    %dma_wait3A_106 = tpu.memref_slice %arg9[%dma_wait3A_104, %dma_wait3A_105] : memref<10240x16xf32, #tpu.memory_space<vmem_shared>> -> memref<64x16xf32, #tpu.memory_space<vmem_shared>>
    tpu.wait_dma2 semaphore(%arg45 : memref<!tpu.dma_semaphore, #tpu.memory_space<semaphore_mem>>) src(%arg34 : memref<64x16xf32, #tpu.memory_space<vmem>>) dst(%dma_wait3A_106 : memref<64x16xf32, #tpu.memory_space<vmem_shared>>)
    %dma_wait3A_107 = arith.constant 0 : i32
    %dma_wait3A_108 = tpu.memref_slice %arg8[%add3A_71, %dma_wait3A_107] : memref<327680x16xf32, #tpu.memory_space<hbm>> -> memref<64x16xf32, #tpu.memory_space<hbm>>
    %dma_wait3A_109 = arith.constant 0 : i32
    %dma_wait3A_110 = tpu.memref_slice %arg8[%add3A_71, %dma_wait3A_109] : memref<327680x16xf32, #tpu.memory_space<hbm>> -> memref<64x16xf32, #tpu.memory_space<hbm>>
    tpu.wait_dma2 semaphore(%arg44 : memref<!tpu.dma_semaphore, #tpu.memory_space<semaphore_mem>>) src(%arg35 : memref<64x16xf32, #tpu.memory_space<vmem>>) dst(%dma_wait3A_110 : memref<64x16xf32, #tpu.memory_space<hbm>>)
    %dma_wait3A_111 = arith.constant 0 : i32
    %dma_wait3A_112 = arith.constant 0 : i32
    %dma_wait3A_113 = tpu.memref_slice %arg9[%dma_wait3A_111, %dma_wait3A_112] : memref<10240x16xf32, #tpu.memory_space<vmem_shared>> -> memref<64x16xf32, #tpu.memory_space<vmem_shared>>
    %dma_wait3A_114 = arith.constant 0 : i32
    %dma_wait3A_115 = arith.constant 0 : i32
    %dma_wait3A_116 = tpu.memref_slice %arg9[%dma_wait3A_114, %dma_wait3A_115] : memref<10240x16xf32, #tpu.memory_space<vmem_shared>> -> memref<64x16xf32, #tpu.memory_space<vmem_shared>>
    tpu.wait_dma2 semaphore(%arg46 : memref<!tpu.dma_semaphore, #tpu.memory_space<semaphore_mem>>) src(%arg35 : memref<64x16xf32, #tpu.memory_space<vmem>>) dst(%dma_wait3A_116 : memref<64x16xf32, #tpu.memory_space<vmem_shared>>)
    %barrier3A_117 = arith.constant 0 : index
    tpu.barrier barrier_id(%barrier3A_117)
    %add3A_118 = arith.constant 0 : i32
    %add3A_119 = arith.addi %mul3A_0, %add3A_118 : i32
    "tpu.region"() ({
      %run_scoped3A = tpu.sem_alloc : memref<!tpu.dma_semaphore, #tpu.memory_space<semaphore_mem>>
      %dma_start3A_278 = tpu.memref_slice %arg3[%add3A_119] : memref<163840xi32, #tpu.memory_space<hbm>> -> memref<64xi32, #tpu.memory_space<hbm>>
      %dma_start3A_279 = tpu.memref_slice %arg3[%add3A_119] : memref<163840xi32, #tpu.memory_space<hbm>> -> memref<64xi32, #tpu.memory_space<hbm>>
      tpu.enqueue_dma source(%dma_start3A_279 : memref<64xi32, #tpu.memory_space<hbm>>) target(%arg12 : memref<64xi32, #tpu.memory_space<vmem>>) target_semaphore(%run_scoped3A : memref<!tpu.dma_semaphore, #tpu.memory_space<semaphore_mem>>)
      %dma_wait3A_280 = tpu.memref_slice %arg3[%add3A_119] : memref<163840xi32, #tpu.memory_space<hbm>> -> memref<64xi32, #tpu.memory_space<hbm>>
      %dma_wait3A_281 = tpu.memref_slice %arg3[%add3A_119] : memref<163840xi32, #tpu.memory_space<hbm>> -> memref<64xi32, #tpu.memory_space<hbm>>
      tpu.wait_dma2 semaphore(%run_scoped3A : memref<!tpu.dma_semaphore, #tpu.memory_space<semaphore_mem>>) src(%dma_wait3A_281 : memref<64xi32, #tpu.memory_space<hbm>>) dst(%arg12 : memref<64xi32, #tpu.memory_space<vmem>>)
      tpu.yield
    }) : () -> ()
    "tpu.region"() ({
      %run_scoped3A = tpu.sem_alloc : memref<!tpu.dma_semaphore, #tpu.memory_space<semaphore_mem>>
      %dma_start3A_278 = tpu.memref_slice %arg4[%add3A_119] : memref<163840xi32, #tpu.memory_space<hbm>> -> memref<64xi32, #tpu.memory_space<hbm>>
      %dma_start3A_279 = tpu.memref_slice %arg4[%add3A_119] : memref<163840xi32, #tpu.memory_space<hbm>> -> memref<64xi32, #tpu.memory_space<hbm>>
      tpu.enqueue_dma source(%dma_start3A_279 : memref<64xi32, #tpu.memory_space<hbm>>) target(%arg16 : memref<64xi32, #tpu.memory_space<vmem>>) target_semaphore(%run_scoped3A : memref<!tpu.dma_semaphore, #tpu.memory_space<semaphore_mem>>)
      %dma_wait3A_280 = tpu.memref_slice %arg4[%add3A_119] : memref<163840xi32, #tpu.memory_space<hbm>> -> memref<64xi32, #tpu.memory_space<hbm>>
      %dma_wait3A_281 = tpu.memref_slice %arg4[%add3A_119] : memref<163840xi32, #tpu.memory_space<hbm>> -> memref<64xi32, #tpu.memory_space<hbm>>
      tpu.wait_dma2 semaphore(%run_scoped3A : memref<!tpu.dma_semaphore, #tpu.memory_space<semaphore_mem>>) src(%dma_wait3A_281 : memref<64xi32, #tpu.memory_space<hbm>>) dst(%arg16 : memref<64xi32, #tpu.memory_space<vmem>>)
      tpu.yield
    }) : () -> ()
    "tpu.region"() ({
      %run_scoped3A = tpu.sem_alloc : memref<!tpu.dma_semaphore, #tpu.memory_space<semaphore_mem>>
      %dma_start3A_278 = tpu.memref_slice %arg5[%add3A_119] : memref<163840xf32, #tpu.memory_space<hbm>> -> memref<64xf32, #tpu.memory_space<hbm>>
      %dma_start3A_279 = tpu.memref_slice %arg5[%add3A_119] : memref<163840xf32, #tpu.memory_space<hbm>> -> memref<64xf32, #tpu.memory_space<hbm>>
      tpu.enqueue_dma source(%dma_start3A_279 : memref<64xf32, #tpu.memory_space<hbm>>) target(%arg20 : memref<64xf32, #tpu.memory_space<vmem>>) target_semaphore(%run_scoped3A : memref<!tpu.dma_semaphore, #tpu.memory_space<semaphore_mem>>)
      %dma_wait3A_280 = tpu.memref_slice %arg5[%add3A_119] : memref<163840xf32, #tpu.memory_space<hbm>> -> memref<64xf32, #tpu.memory_space<hbm>>
      %dma_wait3A_281 = tpu.memref_slice %arg5[%add3A_119] : memref<163840xf32, #tpu.memory_space<hbm>> -> memref<64xf32, #tpu.memory_space<hbm>>
      tpu.wait_dma2 semaphore(%run_scoped3A : memref<!tpu.dma_semaphore, #tpu.memory_space<semaphore_mem>>) src(%dma_wait3A_281 : memref<64xf32, #tpu.memory_space<hbm>>) dst(%arg20 : memref<64xf32, #tpu.memory_space<vmem>>)
      tpu.yield
    }) : () -> ()
    %scan3A_120 = arith.constant 0 : i32
    %scan3A_121 = arith.constant 0 : i32
    %scan3A_122 = arith.constant 4 : i32
    %scan3A_123 = arith.addi %scan3A_121, %scan3A_122 : i32
    %scan3A_124 = arith.constant 1 : i32
    %scan3A_125 = scf.for %scan3A_278 = %scan3A_121 to %scan3A_123 step %scan3A_124 iter_args(%scan3A_279 = %scan3A_120) -> (i32)  : i32 {
      %mul3A_280 = arith.constant 16 : i32
      %mul3A_281 = arith.muli %scan3A_278, %mul3A_280 : i32
      %get3A = arith.index_cast %mul3A_281 : i32 to index
      %get3A_282 = tpu.vector_load %arg16[%get3A] {strides = array<i32>} : memref<64xi32, #tpu.memory_space<vmem>>, vector<16xi32>,
      %add3A_283 = vector.broadcast %mul3A_68 : i32 to vector<16xi32>
      %add3A_284 = arith.addi %get3A_282, %add3A_283 : vector<16xi32>
      %mul3A_285 = arith.constant 16 : i32
      %mul3A_286 = arith.muli %scan3A_278, %mul3A_285 : i32
      %swap3A = arith.index_cast %mul3A_286 : i32 to index
      %swap3A_287 = tpu.vector_load %arg24[%swap3A] {strides = array<i32>} : memref<64xi32, #tpu.memory_space<vmem>>, vector<16xi32>,
      tpu.vector_store %arg24[%swap3A], %add3A_284 {strides = array<i32>} : memref<64xi32, #tpu.memory_space<vmem>>, vector<16xi32>,
      %scan3A_288 = arith.constant 0 : i32
      scf.yield %scan3A_288 : i32
    }
    %scan3A_126 = arith.constant 4 : i32
    %dma_start3A_127 = arith.constant 0 : i32
    %dma_start3A_128 = arith.constant 0 : i32
    %dma_start3A_129 = tpu.memref_slice %arg28[%dma_start3A_127, %dma_start3A_128] : memref<128x128xbf16, #tpu.memory_space<vmem>> -> memref<64x128xbf16, #tpu.memory_space<vmem>>
    %dma_start3A_130 = arith.constant 0 : i32
    %dma_start3A_131 = arith.constant 0 : i32
    %dma_start3A_132 = tpu.memref_slice %arg2[%dma_start3A_130, %dma_start3A_131] : memref<60000x128xbf16, #tpu.memory_space<hbm>> -> memref<60000x128xbf16, #tpu.memory_space<hbm>>
    tpu.enqueue_indirect_dma source(%dma_start3A_132 : memref<60000x128xbf16, #tpu.memory_space<hbm>>) target(%dma_start3A_129 : memref<64x128xbf16, #tpu.memory_space<vmem>>) offsets(%arg24 : memref<64xi32, #tpu.memory_space<vmem>>) semaphore(%arg39 : memref<!tpu.dma_semaphore, #tpu.memory_space<semaphore_mem>>)
    %dma_start3A_133 = arith.constant 0 : i32
    %dma_start3A_134 = arith.constant 0 : i32
    %dma_start3A_135 = tpu.memref_slice %arg9[%dma_start3A_133, %dma_start3A_134] : memref<10240x16xf32, #tpu.memory_space<vmem_shared>> -> memref<10240x16xf32, #tpu.memory_space<vmem_shared>>
    tpu.enqueue_indirect_dma source(%dma_start3A_135 : memref<10240x16xf32, #tpu.memory_space<vmem_shared>>) target(%arg36 : memref<64x16xf32, #tpu.memory_space<vmem>>) offsets(%arg12 : memref<64xi32, #tpu.memory_space<vmem>>) semaphore(%arg41 : memref<!tpu.dma_semaphore, #tpu.memory_space<semaphore_mem>>)
    %dma_start3A_136 = arith.constant 0 : i32
    %dma_start3A_137 = tpu.memref_slice %arg8[%add3A_71, %dma_start3A_136] : memref<327680x16xf32, #tpu.memory_space<hbm>> -> memref<64x16xf32, #tpu.memory_space<hbm>>
    %dma_start3A_138 = arith.constant 0 : i32
    %dma_start3A_139 = tpu.memref_slice %arg8[%add3A_71, %dma_start3A_138] : memref<327680x16xf32, #tpu.memory_space<hbm>> -> memref<64x16xf32, #tpu.memory_space<hbm>>
    tpu.enqueue_dma source(%dma_start3A_139 : memref<64x16xf32, #tpu.memory_space<hbm>>) target(%arg34 : memref<64x16xf32, #tpu.memory_space<vmem>>) target_semaphore(%arg43 : memref<!tpu.dma_semaphore, #tpu.memory_space<semaphore_mem>>)
    %add3A_140 = arith.constant 64 : i32
    %add3A_141 = arith.addi %mul3A_0, %add3A_140 : i32
    %dma_start3A_142 = tpu.memref_slice %arg3[%add3A_141] : memref<163840xi32, #tpu.memory_space<hbm>> -> memref<64xi32, #tpu.memory_space<hbm>>
    %dma_start3A_143 = tpu.memref_slice %arg3[%add3A_141] : memref<163840xi32, #tpu.memory_space<hbm>> -> memref<64xi32, #tpu.memory_space<hbm>>
    tpu.enqueue_dma source(%dma_start3A_143 : memref<64xi32, #tpu.memory_space<hbm>>) target(%arg13 : memref<64xi32, #tpu.memory_space<vmem>>) target_semaphore(%arg38 : memref<!tpu.dma_semaphore, #tpu.memory_space<semaphore_mem>>)
    %dma_start3A_144 = tpu.memref_slice %arg4[%add3A_141] : memref<163840xi32, #tpu.memory_space<hbm>> -> memref<64xi32, #tpu.memory_space<hbm>>
    %dma_start3A_145 = tpu.memref_slice %arg4[%add3A_141] : memref<163840xi32, #tpu.memory_space<hbm>> -> memref<64xi32, #tpu.memory_space<hbm>>
    tpu.enqueue_dma source(%dma_start3A_145 : memref<64xi32, #tpu.memory_space<hbm>>) target(%arg17 : memref<64xi32, #tpu.memory_space<vmem>>) target_semaphore(%arg38 : memref<!tpu.dma_semaphore, #tpu.memory_space<semaphore_mem>>)
    %scan3A_146 = arith.constant 0 : i32
    %scan3A_147 = arith.constant 0 : i32
    %scan3A_148 = arith.constant 40 : i32
    %scan3A_149 = arith.addi %scan3A_147, %scan3A_148 : i32
    %scan3A_150 = arith.constant 1 : i32
    %scan3A_151 = scf.for %scan3A_278 = %scan3A_147 to %scan3A_149 step %scan3A_150 iter_args(%scan3A_279 = %scan3A_146) -> (i32)  : i32 {
      %mul3A_280 = arith.constant 4 : i32
      %mul3A_281 = arith.muli %mul3A_280, %scan3A_278 : i32
      %add3A_282 = arith.constant 0 : i32
      %add3A_283 = arith.addi %mul3A_281, %add3A_282 : i32
      %gt3A = arith.constant 0 : i32
      %gt3A_284 = arith.cmpi sgt, %scan3A_278, %gt3A : i32
      %convert_element_type3A = arith.extui %gt3A_284 : i1 to i32
      %cond3A = arith.constant 0 : i32
      %cond3A_285 = arith.cmpi ne, %convert_element_type3A, %cond3A : i32
      scf.if %cond3A_285 {
        %dma_wait3A_478 = arith.constant 0 : i32
        %dma_wait3A_479 = arith.constant 0 : i32
        %dma_wait3A_480 = tpu.memref_slice %arg10[%dma_wait3A_478, %dma_wait3A_479] : memref<10240x64xf32, #tpu.memory_space<vmem_shared>> -> memref<64x64xf32, #tpu.memory_space<vmem_shared>>
        %dma_wait3A_481 = arith.constant 0 : i32
        %dma_wait3A_482 = arith.constant 0 : i32
        %dma_wait3A_483 = tpu.memref_slice %arg10[%dma_wait3A_481, %dma_wait3A_482] : memref<10240x64xf32, #tpu.memory_space<vmem_shared>> -> memref<64x64xf32, #tpu.memory_space<vmem_shared>>
        tpu.wait_dma2 semaphore(%arg45 : memref<!tpu.dma_semaphore, #tpu.memory_space<semaphore_mem>>) src(%arg30 : memref<64x64xf32, #tpu.memory_space<vmem>>) dst(%dma_wait3A_483 : memref<64x64xf32, #tpu.memory_space<vmem_shared>>)
        %dma_wait3A_484 = arith.constant 0 : i32
        %dma_wait3A_485 = arith.constant 0 : i32
        %dma_wait3A_486 = tpu.memref_slice %arg11[%dma_wait3A_484, %dma_wait3A_485] : memref<10240x64xf32, #tpu.memory_space<vmem_shared>> -> memref<64x64xf32, #tpu.memory_space<vmem_shared>>
        %dma_wait3A_487 = arith.constant 0 : i32
        %dma_wait3A_488 = arith.constant 0 : i32
        %dma_wait3A_489 = tpu.memref_slice %arg11[%dma_wait3A_487, %dma_wait3A_488] : memref<10240x64xf32, #tpu.memory_space<vmem_shared>> -> memref<64x64xf32, #tpu.memory_space<vmem_shared>>
        tpu.wait_dma2 semaphore(%arg45 : memref<!tpu.dma_semaphore, #tpu.memory_space<semaphore_mem>>) src(%arg32 : memref<64x64xf32, #tpu.memory_space<vmem>>) dst(%dma_wait3A_489 : memref<64x64xf32, #tpu.memory_space<vmem_shared>>)
      } else {
      }
      %ge3A = arith.constant 0 : i32
      %ge3A_286 = arith.cmpi sge, %scan3A_278, %ge3A : i32
      %convert_element_type3A_287 = arith.extui %ge3A_286 : i1 to i32
      %cond3A_288 = arith.constant 0 : i32
      %cond3A_289 = arith.cmpi ne, %convert_element_type3A_287, %cond3A_288 : i32
      scf.if %cond3A_289 {
        %dma_wait3A_478 = arith.constant 0 : i32
        %dma_wait3A_479 = tpu.memref_slice %arg3[%dma_wait3A_478] : memref<163840xi32, #tpu.memory_space<hbm>> -> memref<64xi32, #tpu.memory_space<hbm>>
        %dma_wait3A_480 = arith.constant 0 : i32
        %dma_wait3A_481 = tpu.memref_slice %arg3[%dma_wait3A_480] : memref<163840xi32, #tpu.memory_space<hbm>> -> memref<64xi32, #tpu.memory_space<hbm>>
        tpu.wait_dma2 semaphore(%arg38 : memref<!tpu.dma_semaphore, #tpu.memory_space<semaphore_mem>>) src(%dma_wait3A_481 : memref<64xi32, #tpu.memory_space<hbm>>) dst(%arg12 : memref<64xi32, #tpu.memory_space<vmem>>)
        %dma_wait3A_482 = arith.constant 0 : i32
        %dma_wait3A_483 = tpu.memref_slice %arg3[%dma_wait3A_482] : memref<163840xi32, #tpu.memory_space<hbm>> -> memref<64xi32, #tpu.memory_space<hbm>>
        %dma_wait3A_484 = arith.constant 0 : i32
        %dma_wait3A_485 = tpu.memref_slice %arg3[%dma_wait3A_484] : memref<163840xi32, #tpu.memory_space<hbm>> -> memref<64xi32, #tpu.memory_space<hbm>>
        tpu.wait_dma2 semaphore(%arg38 : memref<!tpu.dma_semaphore, #tpu.memory_space<semaphore_mem>>) src(%dma_wait3A_485 : memref<64xi32, #tpu.memory_space<hbm>>) dst(%arg12 : memref<64xi32, #tpu.memory_space<vmem>>)
        %scan3A_486 = arith.constant 0 : i32
        %scan3A_487 = arith.constant 0 : i32
        %scan3A_488 = arith.constant 4 : i32
        %scan3A_489 = arith.addi %scan3A_487, %scan3A_488 : i32
        %scan3A_490 = arith.constant 1 : i32
        %scan3A_491 = scf.for %scan3A_511 = %scan3A_487 to %scan3A_489 step %scan3A_490 iter_args(%scan3A_512 = %scan3A_486) -> (i32)  : i32 {
          %mul3A_513 = arith.constant 16 : i32
          %mul3A_514 = arith.muli %scan3A_511, %mul3A_513 : i32
          %get3A = arith.index_cast %mul3A_514 : i32 to index
          %get3A_515 = tpu.vector_load %arg17[%get3A] {strides = array<i32>} : memref<64xi32, #tpu.memory_space<vmem>>, vector<16xi32>,
          %add3A_516 = vector.broadcast %mul3A_68 : i32 to vector<16xi32>
          %add3A_517 = arith.addi %get3A_515, %add3A_516 : vector<16xi32>
          %mul3A_518 = arith.constant 16 : i32
          %mul3A_519 = arith.muli %scan3A_511, %mul3A_518 : i32
          %swap3A = arith.index_cast %mul3A_519 : i32 to index
          %swap3A_520 = tpu.vector_load %arg25[%swap3A] {strides = array<i32>} : memref<64xi32, #tpu.memory_space<vmem>>, vector<16xi32>,
          tpu.vector_store %arg25[%swap3A], %add3A_517 {strides = array<i32>} : memref<64xi32, #tpu.memory_space<vmem>>, vector<16xi32>,
          %scan3A_521 = arith.constant 0 : i32
          scf.yield %scan3A_521 : i32
        }
        %scan3A_492 = arith.constant 4 : i32
        %dma_start3A_493 = arith.constant 0 : i32
        %dma_start3A_494 = arith.constant 0 : i32
        %dma_start3A_495 = tpu.memref_slice %arg29[%dma_start3A_493, %dma_start3A_494] : memref<128x128xbf16, #tpu.memory_space<vmem>> -> memref<64x128xbf16, #tpu.memory_space<vmem>>
        %dma_start3A_496 = arith.constant 0 : i32
        %dma_start3A_497 = arith.constant 0 : i32
        %dma_start3A_498 = tpu.memref_slice %arg2[%dma_start3A_496, %dma_start3A_497] : memref<60000x128xbf16, #tpu.memory_space<hbm>> -> memref<60000x128xbf16, #tpu.memory_space<hbm>>
        tpu.enqueue_indirect_dma source(%dma_start3A_498 : memref<60000x128xbf16, #tpu.memory_space<hbm>>) target(%dma_start3A_495 : memref<64x128xbf16, #tpu.memory_space<vmem>>) offsets(%arg25 : memref<64xi32, #tpu.memory_space<vmem>>) semaphore(%arg40 : memref<!tpu.dma_semaphore, #tpu.memory_space<semaphore_mem>>)
        %dma_start3A_499 = arith.constant 0 : i32
        %dma_start3A_500 = arith.constant 0 : i32
        %dma_start3A_501 = tpu.memref_slice %arg9[%dma_start3A_499, %dma_start3A_500] : memref<10240x16xf32, #tpu.memory_space<vmem_shared>> -> memref<10240x16xf32, #tpu.memory_space<vmem_shared>>
        tpu.enqueue_indirect_dma source(%dma_start3A_501 : memref<10240x16xf32, #tpu.memory_space<vmem_shared>>) target(%arg37 : memref<64x16xf32, #tpu.memory_space<vmem>>) offsets(%arg13 : memref<64xi32, #tpu.memory_space<vmem>>) semaphore(%arg42 : memref<!tpu.dma_semaphore, #tpu.memory_space<semaphore_mem>>)
        %add3A_502 = arith.constant 1 : i32
        %add3A_503 = arith.addi %add3A_283, %add3A_502 : i32
        %mul3A_504 = arith.constant 64 : i32
        %mul3A_505 = arith.muli %add3A_503, %mul3A_504 : i32
        %add3A_506 = arith.addi %add3A_71, %mul3A_505 : i32
        %dma_start3A_507 = arith.constant 0 : i32
        %dma_start3A_508 = tpu.memref_slice %arg8[%add3A_506, %dma_start3A_507] : memref<327680x16xf32, #tpu.memory_space<hbm>> -> memref<64x16xf32, #tpu.memory_space<hbm>>
        %dma_start3A_509 = arith.constant 0 : i32
        %dma_start3A_510 = tpu.memref_slice %arg8[%add3A_506, %dma_start3A_509] : memref<327680x16xf32, #tpu.memory_space<hbm>> -> memref<64x16xf32, #tpu.memory_space<hbm>>
        tpu.enqueue_dma source(%dma_start3A_510 : memref<64x16xf32, #tpu.memory_space<hbm>>) target(%arg35 : memref<64x16xf32, #tpu.memory_space<vmem>>) target_semaphore(%arg44 : memref<!tpu.dma_semaphore, #tpu.memory_space<semaphore_mem>>)
      } else {
      }
      %ge3A_290 = arith.constant 0 : i32
      %ge3A_291 = arith.cmpi sge, %scan3A_278, %ge3A_290 : i32
      %convert_element_type3A_292 = arith.extui %ge3A_291 : i1 to i32
      %cond3A_293 = arith.constant 0 : i32
      %cond3A_294 = arith.cmpi ne, %convert_element_type3A_292, %cond3A_293 : i32
      scf.if %cond3A_294 {
        %add3A_478 = arith.constant 2 : i32
        %add3A_479 = arith.addi %add3A_283, %add3A_478 : i32
        %mul3A_480 = arith.constant 64 : i32
        %mul3A_481 = arith.muli %add3A_479, %mul3A_480 : i32
        %add3A_482 = arith.addi %mul3A_0, %mul3A_481 : i32
        %dma_start3A_483 = tpu.memref_slice %arg3[%add3A_482] : memref<163840xi32, #tpu.memory_space<hbm>> -> memref<64xi32, #tpu.memory_space<hbm>>
        %dma_start3A_484 = tpu.memref_slice %arg3[%add3A_482] : memref<163840xi32, #tpu.memory_space<hbm>> -> memref<64xi32, #tpu.memory_space<hbm>>
        tpu.enqueue_dma source(%dma_start3A_484 : memref<64xi32, #tpu.memory_space<hbm>>) target(%arg14 : memref<64xi32, #tpu.memory_space<vmem>>) target_semaphore(%arg38 : memref<!tpu.dma_semaphore, #tpu.memory_space<semaphore_mem>>)
        %dma_start3A_485 = tpu.memref_slice %arg4[%add3A_482] : memref<163840xi32, #tpu.memory_space<hbm>> -> memref<64xi32, #tpu.memory_space<hbm>>
        %dma_start3A_486 = tpu.memref_slice %arg4[%add3A_482] : memref<163840xi32, #tpu.memory_space<hbm>> -> memref<64xi32, #tpu.memory_space<hbm>>
        tpu.enqueue_dma source(%dma_start3A_486 : memref<64xi32, #tpu.memory_space<hbm>>) target(%arg18 : memref<64xi32, #tpu.memory_space<vmem>>) target_semaphore(%arg38 : memref<!tpu.dma_semaphore, #tpu.memory_space<semaphore_mem>>)
      } else {
      }
      %dma_wait3A_295 = arith.constant 0 : i32
      %dma_wait3A_296 = arith.constant 0 : i32
      %dma_wait3A_297 = tpu.memref_slice %arg28[%dma_wait3A_295, %dma_wait3A_296] : memref<128x128xbf16, #tpu.memory_space<vmem>> -> memref<64x128xbf16, #tpu.memory_space<vmem>>
      %dma_wait3A_298 = arith.constant 0 : i32
      %dma_wait3A_299 = arith.constant 0 : i32
      %dma_wait3A_300 = tpu.memref_slice %arg2[%dma_wait3A_298, %dma_wait3A_299] : memref<60000x128xbf16, #tpu.memory_space<hbm>> -> memref<60000x128xbf16, #tpu.memory_space<hbm>>
      tpu.wait_indirect_dma semaphore(%arg39 : memref<!tpu.dma_semaphore, #tpu.memory_space<semaphore_mem>>) src(%dma_wait3A_300 : memref<60000x128xbf16, #tpu.memory_space<hbm>>) dst(%dma_wait3A_297 : memref<64x128xbf16, #tpu.memory_space<vmem>>)
      %dma_wait3A_301 = arith.constant 0 : i32
      %dma_wait3A_302 = arith.constant 0 : i32
      %dma_wait3A_303 = tpu.memref_slice %arg9[%dma_wait3A_301, %dma_wait3A_302] : memref<10240x16xf32, #tpu.memory_space<vmem_shared>> -> memref<10240x16xf32, #tpu.memory_space<vmem_shared>>
      tpu.wait_indirect_dma semaphore(%arg41 : memref<!tpu.dma_semaphore, #tpu.memory_space<semaphore_mem>>) src(%dma_wait3A_303 : memref<10240x16xf32, #tpu.memory_space<vmem_shared>>) dst(%arg36 : memref<64x16xf32, #tpu.memory_space<vmem>>)
      %dma_wait3A_304 = arith.constant 0 : i32
      %dma_wait3A_305 = arith.constant 0 : i32
      %dma_wait3A_306 = tpu.memref_slice %arg8[%dma_wait3A_304, %dma_wait3A_305] : memref<327680x16xf32, #tpu.memory_space<hbm>> -> memref<64x16xf32, #tpu.memory_space<hbm>>
      %dma_wait3A_307 = arith.constant 0 : i32
      %dma_wait3A_308 = arith.constant 0 : i32
      %dma_wait3A_309 = tpu.memref_slice %arg8[%dma_wait3A_307, %dma_wait3A_308] : memref<327680x16xf32, #tpu.memory_space<hbm>> -> memref<64x16xf32, #tpu.memory_space<hbm>>
      tpu.wait_dma2 semaphore(%arg43 : memref<!tpu.dma_semaphore, #tpu.memory_space<semaphore_mem>>) src(%dma_wait3A_309 : memref<64x16xf32, #tpu.memory_space<hbm>>) dst(%arg34 : memref<64x16xf32, #tpu.memory_space<vmem>>)
      %scan3A_310 = arith.constant 0 : i32
      %scan3A_311 = arith.constant 0 : i32
      %scan3A_312 = arith.constant 64 : i32
      %scan3A_313 = arith.addi %scan3A_311, %scan3A_312 : i32
      %scan3A_314 = arith.constant 1 : i32
      %scan3A_315 = scf.for %scan3A_478 = %scan3A_311 to %scan3A_313 step %scan3A_314 iter_args(%scan3A_479 = %scan3A_310) -> (i32)  : i32 {
        %get3A = arith.index_cast %scan3A_478 : i32 to index
        %get3A_480 = arith.constant 0 : index
        %get3A_481 = tpu.vector_load %arg34[%get3A, %get3A_480] {strides = array<i32>} : memref<64x16xf32, #tpu.memory_space<vmem>>, vector<16xf32>,
        %get3A_482 = arith.index_cast %scan3A_478 : i32 to index
        %get3A_483 = arith.constant 0 : index
        %get3A_484 = tpu.vector_load %arg36[%get3A_482, %get3A_483] {strides = array<i32>} : memref<64x16xf32, #tpu.memory_space<vmem>>, vector<16xf32>,
        %div3A = arith.divf %get3A_481, %get3A_484 : vector<16xf32>
        %get3A_485 = arith.index_cast %scan3A_478 : i32 to index
        %get3A_486 = arith.constant 0 : index
        %get3A_487 = tpu.vector_load %arg28[%get3A_485, %get3A_486] {strides = array<i32>} : memref<128x128xbf16, #tpu.memory_space<vmem>>, vector<32xbf16>,
        %unpack3A = tpu.unpack_subelements %get3A_487, 0 {pack_format = #tpu.pack_format<interleaved>} : vector<32xbf16> -> vector<16xf32>
        %unpack3A_488 = tpu.unpack_subelements %get3A_487, 1 {pack_format = #tpu.pack_format<interleaved>} : vector<32xbf16> -> vector<16xf32>
        %mul3A_489 = arith.mulf %div3A, %unpack3A : vector<16xf32>
        %swap3A = arith.index_cast %scan3A_478 : i32 to index
        %swap3A_490 = arith.constant 0 : index
        %swap3A_491 = tpu.vector_load %arg30[%swap3A, %swap3A_490] {strides = array<i32>} : memref<64x64xf32, #tpu.memory_space<vmem>>, vector<16xf32>,
        tpu.vector_store %arg30[%swap3A, %swap3A_490], %mul3A_489 {strides = array<i32>} : memref<64x64xf32, #tpu.memory_space<vmem>>, vector<16xf32>,
        %mul3A_492 = arith.mulf %div3A, %unpack3A_488 : vector<16xf32>
        %swap3A_493 = arith.index_cast %scan3A_478 : i32 to index
        %swap3A_494 = arith.constant 0 : index
        %swap3A_495 = tpu.vector_load %arg32[%swap3A_493, %swap3A_494] {strides = array<i32>} : memref<64x64xf32, #tpu.memory_space<vmem>>, vector<16xf32>,
        tpu.vector_store %arg32[%swap3A_493, %swap3A_494], %mul3A_492 {strides = array<i32>} : memref<64x64xf32, #tpu.memory_space<vmem>>, vector<16xf32>,
        %get3A_496 = arith.index_cast %scan3A_478 : i32 to index
        %get3A_497 = arith.constant 32 : index
        %get3A_498 = tpu.vector_load %arg28[%get3A_496, %get3A_497] {strides = array<i32>} : memref<128x128xbf16, #tpu.memory_space<vmem>>, vector<32xbf16>,
        %unpack3A_499 = tpu.unpack_subelements %get3A_498, 0 {pack_format = #tpu.pack_format<interleaved>} : vector<32xbf16> -> vector<16xf32>
        %unpack3A_500 = tpu.unpack_subelements %get3A_498, 1 {pack_format = #tpu.pack_format<interleaved>} : vector<32xbf16> -> vector<16xf32>
        %mul3A_501 = arith.mulf %div3A, %unpack3A_499 : vector<16xf32>
        %swap3A_502 = arith.index_cast %scan3A_478 : i32 to index
        %swap3A_503 = arith.constant 16 : index
        %swap3A_504 = tpu.vector_load %arg30[%swap3A_502, %swap3A_503] {strides = array<i32>} : memref<64x64xf32, #tpu.memory_space<vmem>>, vector<16xf32>,
        tpu.vector_store %arg30[%swap3A_502, %swap3A_503], %mul3A_501 {strides = array<i32>} : memref<64x64xf32, #tpu.memory_space<vmem>>, vector<16xf32>,
        %mul3A_505 = arith.mulf %div3A, %unpack3A_500 : vector<16xf32>
        %swap3A_506 = arith.index_cast %scan3A_478 : i32 to index
        %swap3A_507 = arith.constant 16 : index
        %swap3A_508 = tpu.vector_load %arg32[%swap3A_506, %swap3A_507] {strides = array<i32>} : memref<64x64xf32, #tpu.memory_space<vmem>>, vector<16xf32>,
        tpu.vector_store %arg32[%swap3A_506, %swap3A_507], %mul3A_505 {strides = array<i32>} : memref<64x64xf32, #tpu.memory_space<vmem>>, vector<16xf32>,
        %get3A_509 = arith.index_cast %scan3A_478 : i32 to index
        %get3A_510 = arith.constant 64 : index
        %get3A_511 = tpu.vector_load %arg28[%get3A_509, %get3A_510] {strides = array<i32>} : memref<128x128xbf16, #tpu.memory_space<vmem>>, vector<32xbf16>,
        %unpack3A_512 = tpu.unpack_subelements %get3A_511, 0 {pack_format = #tpu.pack_format<interleaved>} : vector<32xbf16> -> vector<16xf32>
        %unpack3A_513 = tpu.unpack_subelements %get3A_511, 1 {pack_format = #tpu.pack_format<interleaved>} : vector<32xbf16> -> vector<16xf32>
        %mul3A_514 = arith.mulf %div3A, %unpack3A_512 : vector<16xf32>
        %swap3A_515 = arith.index_cast %scan3A_478 : i32 to index
        %swap3A_516 = arith.constant 32 : index
        %swap3A_517 = tpu.vector_load %arg30[%swap3A_515, %swap3A_516] {strides = array<i32>} : memref<64x64xf32, #tpu.memory_space<vmem>>, vector<16xf32>,
        tpu.vector_store %arg30[%swap3A_515, %swap3A_516], %mul3A_514 {strides = array<i32>} : memref<64x64xf32, #tpu.memory_space<vmem>>, vector<16xf32>,
        %mul3A_518 = arith.mulf %div3A, %unpack3A_513 : vector<16xf32>
        %swap3A_519 = arith.index_cast %scan3A_478 : i32 to index
        %swap3A_520 = arith.constant 32 : index
        %swap3A_521 = tpu.vector_load %arg32[%swap3A_519, %swap3A_520] {strides = array<i32>} : memref<64x64xf32, #tpu.memory_space<vmem>>, vector<16xf32>,
        tpu.vector_store %arg32[%swap3A_519, %swap3A_520], %mul3A_518 {strides = array<i32>} : memref<64x64xf32, #tpu.memory_space<vmem>>, vector<16xf32>,
        %get3A_522 = arith.index_cast %scan3A_478 : i32 to index
        %get3A_523 = arith.constant 96 : index
        %get3A_524 = tpu.vector_load %arg28[%get3A_522, %get3A_523] {strides = array<i32>} : memref<128x128xbf16, #tpu.memory_space<vmem>>, vector<32xbf16>,
        %unpack3A_525 = tpu.unpack_subelements %get3A_524, 0 {pack_format = #tpu.pack_format<interleaved>} : vector<32xbf16> -> vector<16xf32>
        %unpack3A_526 = tpu.unpack_subelements %get3A_524, 1 {pack_format = #tpu.pack_format<interleaved>} : vector<32xbf16> -> vector<16xf32>
        %mul3A_527 = arith.mulf %div3A, %unpack3A_525 : vector<16xf32>
        %swap3A_528 = arith.index_cast %scan3A_478 : i32 to index
        %swap3A_529 = arith.constant 48 : index
        %swap3A_530 = tpu.vector_load %arg30[%swap3A_528, %swap3A_529] {strides = array<i32>} : memref<64x64xf32, #tpu.memory_space<vmem>>, vector<16xf32>,
        tpu.vector_store %arg30[%swap3A_528, %swap3A_529], %mul3A_527 {strides = array<i32>} : memref<64x64xf32, #tpu.memory_space<vmem>>, vector<16xf32>,
        %mul3A_531 = arith.mulf %div3A, %unpack3A_526 : vector<16xf32>
        %swap3A_532 = arith.index_cast %scan3A_478 : i32 to index
        %swap3A_533 = arith.constant 48 : index
        %swap3A_534 = tpu.vector_load %arg32[%swap3A_532, %swap3A_533] {strides = array<i32>} : memref<64x64xf32, #tpu.memory_space<vmem>>, vector<16xf32>,
        tpu.vector_store %arg32[%swap3A_532, %swap3A_533], %mul3A_531 {strides = array<i32>} : memref<64x64xf32, #tpu.memory_space<vmem>>, vector<16xf32>,
        %scan3A_535 = arith.constant 0 : i32
        scf.yield %scan3A_535 : i32
      }
      %scan3A_316 = arith.constant 64 : i32
      %dma_start3A_317 = arith.constant 0 : i32
      %dma_start3A_318 = arith.constant 0 : i32
      %dma_start3A_319 = tpu.memref_slice %arg10[%dma_start3A_317, %dma_start3A_318] : memref<10240x64xf32, #tpu.memory_space<vmem_shared>> -> memref<10240x64xf32, #tpu.memory_space<vmem_shared>>
      tpu.enqueue_indirect_dma source(%arg30 : memref<64x64xf32, #tpu.memory_space<vmem>>) target(%dma_start3A_319 : memref<10240x64xf32, #tpu.memory_space<vmem_shared>>) offsets(%arg12 : memref<64xi32, #tpu.memory_space<vmem>>) semaphore(%arg45 : memref<!tpu.dma_semaphore, #tpu.memory_space<semaphore_mem>>) {add = true}
      %dma_start3A_320 = arith.constant 0 : i32
      %dma_start3A_321 = arith.constant 0 : i32
      %dma_start3A_322 = tpu.memref_slice %arg11[%dma_start3A_320, %dma_start3A_321] : memref<10240x64xf32, #tpu.memory_space<vmem_shared>> -> memref<10240x64xf32, #tpu.memory_space<vmem_shared>>
      tpu.enqueue_indirect_dma source(%arg32 : memref<64x64xf32, #tpu.memory_space<vmem>>) target(%dma_start3A_322 : memref<10240x64xf32, #tpu.memory_space<vmem_shared>>) offsets(%arg12 : memref<64xi32, #tpu.memory_space<vmem>>) semaphore(%arg45 : memref<!tpu.dma_semaphore, #tpu.memory_space<semaphore_mem>>) {add = true}
      %mul3A_323 = arith.constant 4 : i32
      %mul3A_324 = arith.muli %mul3A_323, %scan3A_278 : i32
      %add3A_325 = arith.constant 1 : i32
      %add3A_326 = arith.addi %mul3A_324, %add3A_325 : i32
      %gt3A_327 = arith.constant 0 : i32
      %gt3A_328 = arith.cmpi sgt, %scan3A_278, %gt3A_327 : i32
      %convert_element_type3A_329 = arith.extui %gt3A_328 : i1 to i32
      %cond3A_330 = arith.constant 0 : i32
      %cond3A_331 = arith.cmpi ne, %convert_element_type3A_329, %cond3A_330 : i32
      scf.if %cond3A_331 {
        %dma_wait3A_478 = arith.constant 0 : i32
        %dma_wait3A_479 = arith.constant 0 : i32
        %dma_wait3A_480 = tpu.memref_slice %arg10[%dma_wait3A_478, %dma_wait3A_479] : memref<10240x64xf32, #tpu.memory_space<vmem_shared>> -> memref<64x64xf32, #tpu.memory_space<vmem_shared>>
        %dma_wait3A_481 = arith.constant 0 : i32
        %dma_wait3A_482 = arith.constant 0 : i32
        %dma_wait3A_483 = tpu.memref_slice %arg10[%dma_wait3A_481, %dma_wait3A_482] : memref<10240x64xf32, #tpu.memory_space<vmem_shared>> -> memref<64x64xf32, #tpu.memory_space<vmem_shared>>
        tpu.wait_dma2 semaphore(%arg46 : memref<!tpu.dma_semaphore, #tpu.memory_space<semaphore_mem>>) src(%arg31 : memref<64x64xf32, #tpu.memory_space<vmem>>) dst(%dma_wait3A_483 : memref<64x64xf32, #tpu.memory_space<vmem_shared>>)
        %dma_wait3A_484 = arith.constant 0 : i32
        %dma_wait3A_485 = arith.constant 0 : i32
        %dma_wait3A_486 = tpu.memref_slice %arg11[%dma_wait3A_484, %dma_wait3A_485] : memref<10240x64xf32, #tpu.memory_space<vmem_shared>> -> memref<64x64xf32, #tpu.memory_space<vmem_shared>>
        %dma_wait3A_487 = arith.constant 0 : i32
        %dma_wait3A_488 = arith.constant 0 : i32
        %dma_wait3A_489 = tpu.memref_slice %arg11[%dma_wait3A_487, %dma_wait3A_488] : memref<10240x64xf32, #tpu.memory_space<vmem_shared>> -> memref<64x64xf32, #tpu.memory_space<vmem_shared>>
        tpu.wait_dma2 semaphore(%arg46 : memref<!tpu.dma_semaphore, #tpu.memory_space<semaphore_mem>>) src(%arg33 : memref<64x64xf32, #tpu.memory_space<vmem>>) dst(%dma_wait3A_489 : memref<64x64xf32, #tpu.memory_space<vmem_shared>>)
      } else {
      }
      %ge3A_332 = arith.constant 0 : i32
      %ge3A_333 = arith.cmpi sge, %scan3A_278, %ge3A_332 : i32
      %convert_element_type3A_334 = arith.extui %ge3A_333 : i1 to i32
      %cond3A_335 = arith.constant 0 : i32
      %cond3A_336 = arith.cmpi ne, %convert_element_type3A_334, %cond3A_335 : i32
      scf.if %cond3A_336 {
        %dma_wait3A_478 = arith.constant 0 : i32
        %dma_wait3A_479 = tpu.memref_slice %arg3[%dma_wait3A_478] : memref<163840xi32, #tpu.memory_space<hbm>> -> memref<64xi32, #tpu.memory_space<hbm>>
        %dma_wait3A_480 = arith.constant 0 : i32
        %dma_wait3A_481 = tpu.memref_slice %arg3[%dma_wait3A_480] : memref<163840xi32, #tpu.memory_space<hbm>> -> memref<64xi32, #tpu.memory_space<hbm>>
        tpu.wait_dma2 semaphore(%arg38 : memref<!tpu.dma_semaphore, #tpu.memory_space<semaphore_mem>>) src(%dma_wait3A_481 : memref<64xi32, #tpu.memory_space<hbm>>) dst(%arg12 : memref<64xi32, #tpu.memory_space<vmem>>)
        %dma_wait3A_482 = arith.constant 0 : i32
        %dma_wait3A_483 = tpu.memref_slice %arg3[%dma_wait3A_482] : memref<163840xi32, #tpu.memory_space<hbm>> -> memref<64xi32, #tpu.memory_space<hbm>>
        %dma_wait3A_484 = arith.constant 0 : i32
        %dma_wait3A_485 = tpu.memref_slice %arg3[%dma_wait3A_484] : memref<163840xi32, #tpu.memory_space<hbm>> -> memref<64xi32, #tpu.memory_space<hbm>>
        tpu.wait_dma2 semaphore(%arg38 : memref<!tpu.dma_semaphore, #tpu.memory_space<semaphore_mem>>) src(%dma_wait3A_485 : memref<64xi32, #tpu.memory_space<hbm>>) dst(%arg12 : memref<64xi32, #tpu.memory_space<vmem>>)
        %scan3A_486 = arith.constant 0 : i32
        %scan3A_487 = arith.constant 0 : i32
        %scan3A_488 = arith.constant 4 : i32
        %scan3A_489 = arith.addi %scan3A_487, %scan3A_488 : i32
        %scan3A_490 = arith.constant 1 : i32
        %scan3A_491 = scf.for %scan3A_511 = %scan3A_487 to %scan3A_489 step %scan3A_490 iter_args(%scan3A_512 = %scan3A_486) -> (i32)  : i32 {
          %mul3A_513 = arith.constant 16 : i32
          %mul3A_514 = arith.muli %scan3A_511, %mul3A_513 : i32
          %get3A = arith.index_cast %mul3A_514 : i32 to index
          %get3A_515 = tpu.vector_load %arg18[%get3A] {strides = array<i32>} : memref<64xi32, #tpu.memory_space<vmem>>, vector<16xi32>,
          %add3A_516 = vector.broadcast %mul3A_68 : i32 to vector<16xi32>
          %add3A_517 = arith.addi %get3A_515, %add3A_516 : vector<16xi32>
          %mul3A_518 = arith.constant 16 : i32
          %mul3A_519 = arith.muli %scan3A_511, %mul3A_518 : i32
          %swap3A = arith.index_cast %mul3A_519 : i32 to index
          %swap3A_520 = tpu.vector_load %arg24[%swap3A] {strides = array<i32>} : memref<64xi32, #tpu.memory_space<vmem>>, vector<16xi32>,
          tpu.vector_store %arg24[%swap3A], %add3A_517 {strides = array<i32>} : memref<64xi32, #tpu.memory_space<vmem>>, vector<16xi32>,
          %scan3A_521 = arith.constant 0 : i32
          scf.yield %scan3A_521 : i32
        }
        %scan3A_492 = arith.constant 4 : i32
        %dma_start3A_493 = arith.constant 0 : i32
        %dma_start3A_494 = arith.constant 0 : i32
        %dma_start3A_495 = tpu.memref_slice %arg28[%dma_start3A_493, %dma_start3A_494] : memref<128x128xbf16, #tpu.memory_space<vmem>> -> memref<64x128xbf16, #tpu.memory_space<vmem>>
        %dma_start3A_496 = arith.constant 0 : i32
        %dma_start3A_497 = arith.constant 0 : i32
        %dma_start3A_498 = tpu.memref_slice %arg2[%dma_start3A_496, %dma_start3A_497] : memref<60000x128xbf16, #tpu.memory_space<hbm>> -> memref<60000x128xbf16, #tpu.memory_space<hbm>>
        tpu.enqueue_indirect_dma source(%dma_start3A_498 : memref<60000x128xbf16, #tpu.memory_space<hbm>>) target(%dma_start3A_495 : memref<64x128xbf16, #tpu.memory_space<vmem>>) offsets(%arg24 : memref<64xi32, #tpu.memory_space<vmem>>) semaphore(%arg39 : memref<!tpu.dma_semaphore, #tpu.memory_space<semaphore_mem>>)
        %dma_start3A_499 = arith.constant 0 : i32
        %dma_start3A_500 = arith.constant 0 : i32
        %dma_start3A_501 = tpu.memref_slice %arg9[%dma_start3A_499, %dma_start3A_500] : memref<10240x16xf32, #tpu.memory_space<vmem_shared>> -> memref<10240x16xf32, #tpu.memory_space<vmem_shared>>
        tpu.enqueue_indirect_dma source(%dma_start3A_501 : memref<10240x16xf32, #tpu.memory_space<vmem_shared>>) target(%arg36 : memref<64x16xf32, #tpu.memory_space<vmem>>) offsets(%arg14 : memref<64xi32, #tpu.memory_space<vmem>>) semaphore(%arg41 : memref<!tpu.dma_semaphore, #tpu.memory_space<semaphore_mem>>)
        %add3A_502 = arith.constant 1 : i32
        %add3A_503 = arith.addi %add3A_326, %add3A_502 : i32
        %mul3A_504 = arith.constant 64 : i32
        %mul3A_505 = arith.muli %add3A_503, %mul3A_504 : i32
        %add3A_506 = arith.addi %add3A_71, %mul3A_505 : i32
        %dma_start3A_507 = arith.constant 0 : i32
        %dma_start3A_508 = tpu.memref_slice %arg8[%add3A_506, %dma_start3A_507] : memref<327680x16xf32, #tpu.memory_space<hbm>> -> memref<64x16xf32, #tpu.memory_space<hbm>>
        %dma_start3A_509 = arith.constant 0 : i32
        %dma_start3A_510 = tpu.memref_slice %arg8[%add3A_506, %dma_start3A_509] : memref<327680x16xf32, #tpu.memory_space<hbm>> -> memref<64x16xf32, #tpu.memory_space<hbm>>
        tpu.enqueue_dma source(%dma_start3A_510 : memref<64x16xf32, #tpu.memory_space<hbm>>) target(%arg34 : memref<64x16xf32, #tpu.memory_space<vmem>>) target_semaphore(%arg43 : memref<!tpu.dma_semaphore, #tpu.memory_space<semaphore_mem>>)
      } else {
      }
      %ge3A_337 = arith.constant 0 : i32
      %ge3A_338 = arith.cmpi sge, %scan3A_278, %ge3A_337 : i32
      %convert_element_type3A_339 = arith.extui %ge3A_338 : i1 to i32
      %cond3A_340 = arith.constant 0 : i32
      %cond3A_341 = arith.cmpi ne, %convert_element_type3A_339, %cond3A_340 : i32
      scf.if %cond3A_341 {
        %add3A_478 = arith.constant 2 : i32
        %add3A_479 = arith.addi %add3A_326, %add3A_478 : i32
        %mul3A_480 = arith.constant 64 : i32
        %mul3A_481 = arith.muli %add3A_479, %mul3A_480 : i32
        %add3A_482 = arith.addi %mul3A_0, %mul3A_481 : i32
        %dma_start3A_483 = tpu.memref_slice %arg3[%add3A_482] : memref<163840xi32, #tpu.memory_space<hbm>> -> memref<64xi32, #tpu.memory_space<hbm>>
        %dma_start3A_484 = tpu.memref_slice %arg3[%add3A_482] : memref<163840xi32, #tpu.memory_space<hbm>> -> memref<64xi32, #tpu.memory_space<hbm>>
        tpu.enqueue_dma source(%dma_start3A_484 : memref<64xi32, #tpu.memory_space<hbm>>) target(%arg15 : memref<64xi32, #tpu.memory_space<vmem>>) target_semaphore(%arg38 : memref<!tpu.dma_semaphore, #tpu.memory_space<semaphore_mem>>)
        %dma_start3A_485 = tpu.memref_slice %arg4[%add3A_482] : memref<163840xi32, #tpu.memory_space<hbm>> -> memref<64xi32, #tpu.memory_space<hbm>>
        %dma_start3A_486 = tpu.memref_slice %arg4[%add3A_482] : memref<163840xi32, #tpu.memory_space<hbm>> -> memref<64xi32, #tpu.memory_space<hbm>>
        tpu.enqueue_dma source(%dma_start3A_486 : memref<64xi32, #tpu.memory_space<hbm>>) target(%arg19 : memref<64xi32, #tpu.memory_space<vmem>>) target_semaphore(%arg38 : memref<!tpu.dma_semaphore, #tpu.memory_space<semaphore_mem>>)
      } else {
      }
      %dma_wait3A_342 = arith.constant 0 : i32
      %dma_wait3A_343 = arith.constant 0 : i32
      %dma_wait3A_344 = tpu.memref_slice %arg29[%dma_wait3A_342, %dma_wait3A_343] : memref<128x128xbf16, #tpu.memory_space<vmem>> -> memref<64x128xbf16, #tpu.memory_space<vmem>>
      %dma_wait3A_345 = arith.constant 0 : i32
      %dma_wait3A_346 = arith.constant 0 : i32
      %dma_wait3A_347 = tpu.memref_slice %arg2[%dma_wait3A_345, %dma_wait3A_346] : memref<60000x128xbf16, #tpu.memory_space<hbm>> -> memref<60000x128xbf16, #tpu.memory_space<hbm>>
      tpu.wait_indirect_dma semaphore(%arg40 : memref<!tpu.dma_semaphore, #tpu.memory_space<semaphore_mem>>) src(%dma_wait3A_347 : memref<60000x128xbf16, #tpu.memory_space<hbm>>) dst(%dma_wait3A_344 : memref<64x128xbf16, #tpu.memory_space<vmem>>)
      %dma_wait3A_348 = arith.constant 0 : i32
      %dma_wait3A_349 = arith.constant 0 : i32
      %dma_wait3A_350 = tpu.memref_slice %arg9[%dma_wait3A_348, %dma_wait3A_349] : memref<10240x16xf32, #tpu.memory_space<vmem_shared>> -> memref<10240x16xf32, #tpu.memory_space<vmem_shared>>
      tpu.wait_indirect_dma semaphore(%arg42 : memref<!tpu.dma_semaphore, #tpu.memory_space<semaphore_mem>>) src(%dma_wait3A_350 : memref<10240x16xf32, #tpu.memory_space<vmem_shared>>) dst(%arg37 : memref<64x16xf32, #tpu.memory_space<vmem>>)
      %dma_wait3A_351 = arith.constant 0 : i32
      %dma_wait3A_352 = arith.constant 0 : i32
      %dma_wait3A_353 = tpu.memref_slice %arg8[%dma_wait3A_351, %dma_wait3A_352] : memref<327680x16xf32, #tpu.memory_space<hbm>> -> memref<64x16xf32, #tpu.memory_space<hbm>>
      %dma_wait3A_354 = arith.constant 0 : i32
      %dma_wait3A_355 = arith.constant 0 : i32
      %dma_wait3A_356 = tpu.memref_slice %arg8[%dma_wait3A_354, %dma_wait3A_355] : memref<327680x16xf32, #tpu.memory_space<hbm>> -> memref<64x16xf32, #tpu.memory_space<hbm>>
      tpu.wait_dma2 semaphore(%arg44 : memref<!tpu.dma_semaphore, #tpu.memory_space<semaphore_mem>>) src(%dma_wait3A_356 : memref<64x16xf32, #tpu.memory_space<hbm>>) dst(%arg35 : memref<64x16xf32, #tpu.memory_space<vmem>>)
      %scan3A_357 = arith.constant 0 : i32
      %scan3A_358 = arith.constant 0 : i32
      %scan3A_359 = arith.constant 64 : i32
      %scan3A_360 = arith.addi %scan3A_358, %scan3A_359 : i32
      %scan3A_361 = arith.constant 1 : i32
      %scan3A_362 = scf.for %scan3A_478 = %scan3A_358 to %scan3A_360 step %scan3A_361 iter_args(%scan3A_479 = %scan3A_357) -> (i32)  : i32 {
        %get3A = arith.index_cast %scan3A_478 : i32 to index
        %get3A_480 = arith.constant 0 : index
        %get3A_481 = tpu.vector_load %arg35[%get3A, %get3A_480] {strides = array<i32>} : memref<64x16xf32, #tpu.memory_space<vmem>>, vector<16xf32>,
        %get3A_482 = arith.index_cast %scan3A_478 : i32 to index
        %get3A_483 = arith.constant 0 : index
        %get3A_484 = tpu.vector_load %arg37[%get3A_482, %get3A_483] {strides = array<i32>} : memref<64x16xf32, #tpu.memory_space<vmem>>, vector<16xf32>,
        %div3A = arith.divf %get3A_481, %get3A_484 : vector<16xf32>
        %get3A_485 = arith.index_cast %scan3A_478 : i32 to index
        %get3A_486 = arith.constant 0 : index
        %get3A_487 = tpu.vector_load %arg29[%get3A_485, %get3A_486] {strides = array<i32>} : memref<128x128xbf16, #tpu.memory_space<vmem>>, vector<32xbf16>,
        %unpack3A = tpu.unpack_subelements %get3A_487, 0 {pack_format = #tpu.pack_format<interleaved>} : vector<32xbf16> -> vector<16xf32>
        %unpack3A_488 = tpu.unpack_subelements %get3A_487, 1 {pack_format = #tpu.pack_format<interleaved>} : vector<32xbf16> -> vector<16xf32>
        %mul3A_489 = arith.mulf %div3A, %unpack3A : vector<16xf32>
        %swap3A = arith.index_cast %scan3A_478 : i32 to index
        %swap3A_490 = arith.constant 0 : index
        %swap3A_491 = tpu.vector_load %arg31[%swap3A, %swap3A_490] {strides = array<i32>} : memref<64x64xf32, #tpu.memory_space<vmem>>, vector<16xf32>,
        tpu.vector_store %arg31[%swap3A, %swap3A_490], %mul3A_489 {strides = array<i32>} : memref<64x64xf32, #tpu.memory_space<vmem>>, vector<16xf32>,
        %mul3A_492 = arith.mulf %div3A, %unpack3A_488 : vector<16xf32>
        %swap3A_493 = arith.index_cast %scan3A_478 : i32 to index
        %swap3A_494 = arith.constant 0 : index
        %swap3A_495 = tpu.vector_load %arg33[%swap3A_493, %swap3A_494] {strides = array<i32>} : memref<64x64xf32, #tpu.memory_space<vmem>>, vector<16xf32>,
        tpu.vector_store %arg33[%swap3A_493, %swap3A_494], %mul3A_492 {strides = array<i32>} : memref<64x64xf32, #tpu.memory_space<vmem>>, vector<16xf32>,
        %get3A_496 = arith.index_cast %scan3A_478 : i32 to index
        %get3A_497 = arith.constant 32 : index
        %get3A_498 = tpu.vector_load %arg29[%get3A_496, %get3A_497] {strides = array<i32>} : memref<128x128xbf16, #tpu.memory_space<vmem>>, vector<32xbf16>,
        %unpack3A_499 = tpu.unpack_subelements %get3A_498, 0 {pack_format = #tpu.pack_format<interleaved>} : vector<32xbf16> -> vector<16xf32>
        %unpack3A_500 = tpu.unpack_subelements %get3A_498, 1 {pack_format = #tpu.pack_format<interleaved>} : vector<32xbf16> -> vector<16xf32>
        %mul3A_501 = arith.mulf %div3A, %unpack3A_499 : vector<16xf32>
        %swap3A_502 = arith.index_cast %scan3A_478 : i32 to index
        %swap3A_503 = arith.constant 16 : index
        %swap3A_504 = tpu.vector_load %arg31[%swap3A_502, %swap3A_503] {strides = array<i32>} : memref<64x64xf32, #tpu.memory_space<vmem>>, vector<16xf32>,
        tpu.vector_store %arg31[%swap3A_502, %swap3A_503], %mul3A_501 {strides = array<i32>} : memref<64x64xf32, #tpu.memory_space<vmem>>, vector<16xf32>,
        %mul3A_505 = arith.mulf %div3A, %unpack3A_500 : vector<16xf32>
        %swap3A_506 = arith.index_cast %scan3A_478 : i32 to index
        %swap3A_507 = arith.constant 16 : index
        %swap3A_508 = tpu.vector_load %arg33[%swap3A_506, %swap3A_507] {strides = array<i32>} : memref<64x64xf32, #tpu.memory_space<vmem>>, vector<16xf32>,
        tpu.vector_store %arg33[%swap3A_506, %swap3A_507], %mul3A_505 {strides = array<i32>} : memref<64x64xf32, #tpu.memory_space<vmem>>, vector<16xf32>,
        %get3A_509 = arith.index_cast %scan3A_478 : i32 to index
        %get3A_510 = arith.constant 64 : index
        %get3A_511 = tpu.vector_load %arg29[%get3A_509, %get3A_510] {strides = array<i32>} : memref<128x128xbf16, #tpu.memory_space<vmem>>, vector<32xbf16>,
        %unpack3A_512 = tpu.unpack_subelements %get3A_511, 0 {pack_format = #tpu.pack_format<interleaved>} : vector<32xbf16> -> vector<16xf32>
        %unpack3A_513 = tpu.unpack_subelements %get3A_511, 1 {pack_format = #tpu.pack_format<interleaved>} : vector<32xbf16> -> vector<16xf32>
        %mul3A_514 = arith.mulf %div3A, %unpack3A_512 : vector<16xf32>
        %swap3A_515 = arith.index_cast %scan3A_478 : i32 to index
        %swap3A_516 = arith.constant 32 : index
        %swap3A_517 = tpu.vector_load %arg31[%swap3A_515, %swap3A_516] {strides = array<i32>} : memref<64x64xf32, #tpu.memory_space<vmem>>, vector<16xf32>,
        tpu.vector_store %arg31[%swap3A_515, %swap3A_516], %mul3A_514 {strides = array<i32>} : memref<64x64xf32, #tpu.memory_space<vmem>>, vector<16xf32>,
        %mul3A_518 = arith.mulf %div3A, %unpack3A_513 : vector<16xf32>
        %swap3A_519 = arith.index_cast %scan3A_478 : i32 to index
        %swap3A_520 = arith.constant 32 : index
        %swap3A_521 = tpu.vector_load %arg33[%swap3A_519, %swap3A_520] {strides = array<i32>} : memref<64x64xf32, #tpu.memory_space<vmem>>, vector<16xf32>,
        tpu.vector_store %arg33[%swap3A_519, %swap3A_520], %mul3A_518 {strides = array<i32>} : memref<64x64xf32, #tpu.memory_space<vmem>>, vector<16xf32>,
        %get3A_522 = arith.index_cast %scan3A_478 : i32 to index
        %get3A_523 = arith.constant 96 : index
        %get3A_524 = tpu.vector_load %arg29[%get3A_522, %get3A_523] {strides = array<i32>} : memref<128x128xbf16, #tpu.memory_space<vmem>>, vector<32xbf16>,
        %unpack3A_525 = tpu.unpack_subelements %get3A_524, 0 {pack_format = #tpu.pack_format<interleaved>} : vector<32xbf16> -> vector<16xf32>
        %unpack3A_526 = tpu.unpack_subelements %get3A_524, 1 {pack_format = #tpu.pack_format<interleaved>} : vector<32xbf16> -> vector<16xf32>
        %mul3A_527 = arith.mulf %div3A, %unpack3A_525 : vector<16xf32>
        %swap3A_528 = arith.index_cast %scan3A_478 : i32 to index
        %swap3A_529 = arith.constant 48 : index
        %swap3A_530 = tpu.vector_load %arg31[%swap3A_528, %swap3A_529] {strides = array<i32>} : memref<64x64xf32, #tpu.memory_space<vmem>>, vector<16xf32>,
        tpu.vector_store %arg31[%swap3A_528, %swap3A_529], %mul3A_527 {strides = array<i32>} : memref<64x64xf32, #tpu.memory_space<vmem>>, vector<16xf32>,
        %mul3A_531 = arith.mulf %div3A, %unpack3A_526 : vector<16xf32>
        %swap3A_532 = arith.index_cast %scan3A_478 : i32 to index
        %swap3A_533 = arith.constant 48 : index
        %swap3A_534 = tpu.vector_load %arg33[%swap3A_532, %swap3A_533] {strides = array<i32>} : memref<64x64xf32, #tpu.memory_space<vmem>>, vector<16xf32>,
        tpu.vector_store %arg33[%swap3A_532, %swap3A_533], %mul3A_531 {strides = array<i32>} : memref<64x64xf32, #tpu.memory_space<vmem>>, vector<16xf32>,
        %scan3A_535 = arith.constant 0 : i32
        scf.yield %scan3A_535 : i32
      }
      %scan3A_363 = arith.constant 64 : i32
      %dma_start3A_364 = arith.constant 0 : i32
      %dma_start3A_365 = arith.constant 0 : i32
      %dma_start3A_366 = tpu.memref_slice %arg10[%dma_start3A_364, %dma_start3A_365] : memref<10240x64xf32, #tpu.memory_space<vmem_shared>> -> memref<10240x64xf32, #tpu.memory_space<vmem_shared>>
      tpu.enqueue_indirect_dma source(%arg31 : memref<64x64xf32, #tpu.memory_space<vmem>>) target(%dma_start3A_366 : memref<10240x64xf32, #tpu.memory_space<vmem_shared>>) offsets(%arg13 : memref<64xi32, #tpu.memory_space<vmem>>) semaphore(%arg46 : memref<!tpu.dma_semaphore, #tpu.memory_space<semaphore_mem>>) {add = true}
      %dma_start3A_367 = arith.constant 0 : i32
      %dma_start3A_368 = arith.constant 0 : i32
      %dma_start3A_369 = tpu.memref_slice %arg11[%dma_start3A_367, %dma_start3A_368] : memref<10240x64xf32, #tpu.memory_space<vmem_shared>> -> memref<10240x64xf32, #tpu.memory_space<vmem_shared>>
      tpu.enqueue_indirect_dma source(%arg33 : memref<64x64xf32, #tpu.memory_space<vmem>>) target(%dma_start3A_369 : memref<10240x64xf32, #tpu.memory_space<vmem_shared>>) offsets(%arg13 : memref<64xi32, #tpu.memory_space<vmem>>) semaphore(%arg46 : memref<!tpu.dma_semaphore, #tpu.memory_space<semaphore_mem>>) {add = true}
      %mul3A_370 = arith.constant 4 : i32
      %mul3A_371 = arith.muli %mul3A_370, %scan3A_278 : i32
      %add3A_372 = arith.constant 2 : i32
      %add3A_373 = arith.addi %mul3A_371, %add3A_372 : i32
      %dma_wait3A_374 = arith.constant 0 : i32
      %dma_wait3A_375 = arith.constant 0 : i32
      %dma_wait3A_376 = tpu.memref_slice %arg10[%dma_wait3A_374, %dma_wait3A_375] : memref<10240x64xf32, #tpu.memory_space<vmem_shared>> -> memref<64x64xf32, #tpu.memory_space<vmem_shared>>
      %dma_wait3A_377 = arith.constant 0 : i32
      %dma_wait3A_378 = arith.constant 0 : i32
      %dma_wait3A_379 = tpu.memref_slice %arg10[%dma_wait3A_377, %dma_wait3A_378] : memref<10240x64xf32, #tpu.memory_space<vmem_shared>> -> memref<64x64xf32, #tpu.memory_space<vmem_shared>>
      tpu.wait_dma2 semaphore(%arg45 : memref<!tpu.dma_semaphore, #tpu.memory_space<semaphore_mem>>) src(%arg30 : memref<64x64xf32, #tpu.memory_space<vmem>>) dst(%dma_wait3A_379 : memref<64x64xf32, #tpu.memory_space<vmem_shared>>)
      %dma_wait3A_380 = arith.constant 0 : i32
      %dma_wait3A_381 = arith.constant 0 : i32
      %dma_wait3A_382 = tpu.memref_slice %arg11[%dma_wait3A_380, %dma_wait3A_381] : memref<10240x64xf32, #tpu.memory_space<vmem_shared>> -> memref<64x64xf32, #tpu.memory_space<vmem_shared>>
      %dma_wait3A_383 = arith.constant 0 : i32
      %dma_wait3A_384 = arith.constant 0 : i32
      %dma_wait3A_385 = tpu.memref_slice %arg11[%dma_wait3A_383, %dma_wait3A_384] : memref<10240x64xf32, #tpu.memory_space<vmem_shared>> -> memref<64x64xf32, #tpu.memory_space<vmem_shared>>
      tpu.wait_dma2 semaphore(%arg45 : memref<!tpu.dma_semaphore, #tpu.memory_space<semaphore_mem>>) src(%arg32 : memref<64x64xf32, #tpu.memory_space<vmem>>) dst(%dma_wait3A_385 : memref<64x64xf32, #tpu.memory_space<vmem_shared>>)
      %ge3A_386 = arith.constant 0 : i32
      %ge3A_387 = arith.cmpi sge, %scan3A_278, %ge3A_386 : i32
      %convert_element_type3A_388 = arith.extui %ge3A_387 : i1 to i32
      %cond3A_389 = arith.constant 0 : i32
      %cond3A_390 = arith.cmpi ne, %convert_element_type3A_388, %cond3A_389 : i32
      scf.if %cond3A_390 {
        %dma_wait3A_478 = arith.constant 0 : i32
        %dma_wait3A_479 = tpu.memref_slice %arg3[%dma_wait3A_478] : memref<163840xi32, #tpu.memory_space<hbm>> -> memref<64xi32, #tpu.memory_space<hbm>>
        %dma_wait3A_480 = arith.constant 0 : i32
        %dma_wait3A_481 = tpu.memref_slice %arg3[%dma_wait3A_480] : memref<163840xi32, #tpu.memory_space<hbm>> -> memref<64xi32, #tpu.memory_space<hbm>>
        tpu.wait_dma2 semaphore(%arg38 : memref<!tpu.dma_semaphore, #tpu.memory_space<semaphore_mem>>) src(%dma_wait3A_481 : memref<64xi32, #tpu.memory_space<hbm>>) dst(%arg12 : memref<64xi32, #tpu.memory_space<vmem>>)
        %dma_wait3A_482 = arith.constant 0 : i32
        %dma_wait3A_483 = tpu.memref_slice %arg3[%dma_wait3A_482] : memref<163840xi32, #tpu.memory_space<hbm>> -> memref<64xi32, #tpu.memory_space<hbm>>
        %dma_wait3A_484 = arith.constant 0 : i32
        %dma_wait3A_485 = tpu.memref_slice %arg3[%dma_wait3A_484] : memref<163840xi32, #tpu.memory_space<hbm>> -> memref<64xi32, #tpu.memory_space<hbm>>
        tpu.wait_dma2 semaphore(%arg38 : memref<!tpu.dma_semaphore, #tpu.memory_space<semaphore_mem>>) src(%dma_wait3A_485 : memref<64xi32, #tpu.memory_space<hbm>>) dst(%arg12 : memref<64xi32, #tpu.memory_space<vmem>>)
        %scan3A_486 = arith.constant 0 : i32
        %scan3A_487 = arith.constant 0 : i32
        %scan3A_488 = arith.constant 4 : i32
        %scan3A_489 = arith.addi %scan3A_487, %scan3A_488 : i32
        %scan3A_490 = arith.constant 1 : i32
        %scan3A_491 = scf.for %scan3A_511 = %scan3A_487 to %scan3A_489 step %scan3A_490 iter_args(%scan3A_512 = %scan3A_486) -> (i32)  : i32 {
          %mul3A_513 = arith.constant 16 : i32
          %mul3A_514 = arith.muli %scan3A_511, %mul3A_513 : i32
          %get3A = arith.index_cast %mul3A_514 : i32 to index
          %get3A_515 = tpu.vector_load %arg19[%get3A] {strides = array<i32>} : memref<64xi32, #tpu.memory_space<vmem>>, vector<16xi32>,
          %add3A_516 = vector.broadcast %mul3A_68 : i32 to vector<16xi32>
          %add3A_517 = arith.addi %get3A_515, %add3A_516 : vector<16xi32>
          %mul3A_518 = arith.constant 16 : i32
          %mul3A_519 = arith.muli %scan3A_511, %mul3A_518 : i32
          %swap3A = arith.index_cast %mul3A_519 : i32 to index
          %swap3A_520 = tpu.vector_load %arg25[%swap3A] {strides = array<i32>} : memref<64xi32, #tpu.memory_space<vmem>>, vector<16xi32>,
          tpu.vector_store %arg25[%swap3A], %add3A_517 {strides = array<i32>} : memref<64xi32, #tpu.memory_space<vmem>>, vector<16xi32>,
          %scan3A_521 = arith.constant 0 : i32
          scf.yield %scan3A_521 : i32
        }
        %scan3A_492 = arith.constant 4 : i32
        %dma_start3A_493 = arith.constant 0 : i32
        %dma_start3A_494 = arith.constant 0 : i32
        %dma_start3A_495 = tpu.memref_slice %arg29[%dma_start3A_493, %dma_start3A_494] : memref<128x128xbf16, #tpu.memory_space<vmem>> -> memref<64x128xbf16, #tpu.memory_space<vmem>>
        %dma_start3A_496 = arith.constant 0 : i32
        %dma_start3A_497 = arith.constant 0 : i32
        %dma_start3A_498 = tpu.memref_slice %arg2[%dma_start3A_496, %dma_start3A_497] : memref<60000x128xbf16, #tpu.memory_space<hbm>> -> memref<60000x128xbf16, #tpu.memory_space<hbm>>
        tpu.enqueue_indirect_dma source(%dma_start3A_498 : memref<60000x128xbf16, #tpu.memory_space<hbm>>) target(%dma_start3A_495 : memref<64x128xbf16, #tpu.memory_space<vmem>>) offsets(%arg25 : memref<64xi32, #tpu.memory_space<vmem>>) semaphore(%arg40 : memref<!tpu.dma_semaphore, #tpu.memory_space<semaphore_mem>>)
        %dma_start3A_499 = arith.constant 0 : i32
        %dma_start3A_500 = arith.constant 0 : i32
        %dma_start3A_501 = tpu.memref_slice %arg9[%dma_start3A_499, %dma_start3A_500] : memref<10240x16xf32, #tpu.memory_space<vmem_shared>> -> memref<10240x16xf32, #tpu.memory_space<vmem_shared>>
        tpu.enqueue_indirect_dma source(%dma_start3A_501 : memref<10240x16xf32, #tpu.memory_space<vmem_shared>>) target(%arg37 : memref<64x16xf32, #tpu.memory_space<vmem>>) offsets(%arg15 : memref<64xi32, #tpu.memory_space<vmem>>) semaphore(%arg42 : memref<!tpu.dma_semaphore, #tpu.memory_space<semaphore_mem>>)
        %add3A_502 = arith.constant 1 : i32
        %add3A_503 = arith.addi %add3A_373, %add3A_502 : i32
        %mul3A_504 = arith.constant 64 : i32
        %mul3A_505 = arith.muli %add3A_503, %mul3A_504 : i32
        %add3A_506 = arith.addi %add3A_71, %mul3A_505 : i32
        %dma_start3A_507 = arith.constant 0 : i32
        %dma_start3A_508 = tpu.memref_slice %arg8[%add3A_506, %dma_start3A_507] : memref<327680x16xf32, #tpu.memory_space<hbm>> -> memref<64x16xf32, #tpu.memory_space<hbm>>
        %dma_start3A_509 = arith.constant 0 : i32
        %dma_start3A_510 = tpu.memref_slice %arg8[%add3A_506, %dma_start3A_509] : memref<327680x16xf32, #tpu.memory_space<hbm>> -> memref<64x16xf32, #tpu.memory_space<hbm>>
        tpu.enqueue_dma source(%dma_start3A_510 : memref<64x16xf32, #tpu.memory_space<hbm>>) target(%arg35 : memref<64x16xf32, #tpu.memory_space<vmem>>) target_semaphore(%arg44 : memref<!tpu.dma_semaphore, #tpu.memory_space<semaphore_mem>>)
      } else {
      }
      %lt3A = arith.constant 39 : i32
      %lt3A_391 = arith.cmpi slt, %scan3A_278, %lt3A : i32
      %convert_element_type3A_392 = arith.extui %lt3A_391 : i1 to i32
      %cond3A_393 = arith.constant 0 : i32
      %cond3A_394 = arith.cmpi ne, %convert_element_type3A_392, %cond3A_393 : i32
      scf.if %cond3A_394 {
        %add3A_478 = arith.constant 2 : i32
        %add3A_479 = arith.addi %add3A_373, %add3A_478 : i32
        %mul3A_480 = arith.constant 64 : i32
        %mul3A_481 = arith.muli %add3A_479, %mul3A_480 : i32
        %add3A_482 = arith.addi %mul3A_0, %mul3A_481 : i32
        %dma_start3A_483 = tpu.memref_slice %arg3[%add3A_482] : memref<163840xi32, #tpu.memory_space<hbm>> -> memref<64xi32, #tpu.memory_space<hbm>>
        %dma_start3A_484 = tpu.memref_slice %arg3[%add3A_482] : memref<163840xi32, #tpu.memory_space<hbm>> -> memref<64xi32, #tpu.memory_space<hbm>>
        tpu.enqueue_dma source(%dma_start3A_484 : memref<64xi32, #tpu.memory_space<hbm>>) target(%arg12 : memref<64xi32, #tpu.memory_space<vmem>>) target_semaphore(%arg38 : memref<!tpu.dma_semaphore, #tpu.memory_space<semaphore_mem>>)
        %dma_start3A_485 = tpu.memref_slice %arg4[%add3A_482] : memref<163840xi32, #tpu.memory_space<hbm>> -> memref<64xi32, #tpu.memory_space<hbm>>
        %dma_start3A_486 = tpu.memref_slice %arg4[%add3A_482] : memref<163840xi32, #tpu.memory_space<hbm>> -> memref<64xi32, #tpu.memory_space<hbm>>
        tpu.enqueue_dma source(%dma_start3A_486 : memref<64xi32, #tpu.memory_space<hbm>>) target(%arg16 : memref<64xi32, #tpu.memory_space<vmem>>) target_semaphore(%arg38 : memref<!tpu.dma_semaphore, #tpu.memory_space<semaphore_mem>>)
      } else {
      }
      %dma_wait3A_395 = arith.constant 0 : i32
      %dma_wait3A_396 = arith.constant 0 : i32
      %dma_wait3A_397 = tpu.memref_slice %arg28[%dma_wait3A_395, %dma_wait3A_396] : memref<128x128xbf16, #tpu.memory_space<vmem>> -> memref<64x128xbf16, #tpu.memory_space<vmem>>
      %dma_wait3A_398 = arith.constant 0 : i32
      %dma_wait3A_399 = arith.constant 0 : i32
      %dma_wait3A_400 = tpu.memref_slice %arg2[%dma_wait3A_398, %dma_wait3A_399] : memref<60000x128xbf16, #tpu.memory_space<hbm>> -> memref<60000x128xbf16, #tpu.memory_space<hbm>>
      tpu.wait_indirect_dma semaphore(%arg39 : memref<!tpu.dma_semaphore, #tpu.memory_space<semaphore_mem>>) src(%dma_wait3A_400 : memref<60000x128xbf16, #tpu.memory_space<hbm>>) dst(%dma_wait3A_397 : memref<64x128xbf16, #tpu.memory_space<vmem>>)
      %dma_wait3A_401 = arith.constant 0 : i32
      %dma_wait3A_402 = arith.constant 0 : i32
      %dma_wait3A_403 = tpu.memref_slice %arg9[%dma_wait3A_401, %dma_wait3A_402] : memref<10240x16xf32, #tpu.memory_space<vmem_shared>> -> memref<10240x16xf32, #tpu.memory_space<vmem_shared>>
      tpu.wait_indirect_dma semaphore(%arg41 : memref<!tpu.dma_semaphore, #tpu.memory_space<semaphore_mem>>) src(%dma_wait3A_403 : memref<10240x16xf32, #tpu.memory_space<vmem_shared>>) dst(%arg36 : memref<64x16xf32, #tpu.memory_space<vmem>>)
      %dma_wait3A_404 = arith.constant 0 : i32
      %dma_wait3A_405 = arith.constant 0 : i32
      %dma_wait3A_406 = tpu.memref_slice %arg8[%dma_wait3A_404, %dma_wait3A_405] : memref<327680x16xf32, #tpu.memory_space<hbm>> -> memref<64x16xf32, #tpu.memory_space<hbm>>
      %dma_wait3A_407 = arith.constant 0 : i32
      %dma_wait3A_408 = arith.constant 0 : i32
      %dma_wait3A_409 = tpu.memref_slice %arg8[%dma_wait3A_407, %dma_wait3A_408] : memref<327680x16xf32, #tpu.memory_space<hbm>> -> memref<64x16xf32, #tpu.memory_space<hbm>>
      tpu.wait_dma2 semaphore(%arg43 : memref<!tpu.dma_semaphore, #tpu.memory_space<semaphore_mem>>) src(%dma_wait3A_409 : memref<64x16xf32, #tpu.memory_space<hbm>>) dst(%arg34 : memref<64x16xf32, #tpu.memory_space<vmem>>)
      %scan3A_410 = arith.constant 0 : i32
      %scan3A_411 = arith.constant 0 : i32
      %scan3A_412 = arith.constant 64 : i32
      %scan3A_413 = arith.addi %scan3A_411, %scan3A_412 : i32
      %scan3A_414 = arith.constant 1 : i32
      %scan3A_415 = scf.for %scan3A_478 = %scan3A_411 to %scan3A_413 step %scan3A_414 iter_args(%scan3A_479 = %scan3A_410) -> (i32)  : i32 {
        %get3A = arith.index_cast %scan3A_478 : i32 to index
        %get3A_480 = arith.constant 0 : index
        %get3A_481 = tpu.vector_load %arg34[%get3A, %get3A_480] {strides = array<i32>} : memref<64x16xf32, #tpu.memory_space<vmem>>, vector<16xf32>,
        %get3A_482 = arith.index_cast %scan3A_478 : i32 to index
        %get3A_483 = arith.constant 0 : index
        %get3A_484 = tpu.vector_load %arg36[%get3A_482, %get3A_483] {strides = array<i32>} : memref<64x16xf32, #tpu.memory_space<vmem>>, vector<16xf32>,
        %div3A = arith.divf %get3A_481, %get3A_484 : vector<16xf32>
        %get3A_485 = arith.index_cast %scan3A_478 : i32 to index
        %get3A_486 = arith.constant 0 : index
        %get3A_487 = tpu.vector_load %arg28[%get3A_485, %get3A_486] {strides = array<i32>} : memref<128x128xbf16, #tpu.memory_space<vmem>>, vector<32xbf16>,
        %unpack3A = tpu.unpack_subelements %get3A_487, 0 {pack_format = #tpu.pack_format<interleaved>} : vector<32xbf16> -> vector<16xf32>
        %unpack3A_488 = tpu.unpack_subelements %get3A_487, 1 {pack_format = #tpu.pack_format<interleaved>} : vector<32xbf16> -> vector<16xf32>
        %mul3A_489 = arith.mulf %div3A, %unpack3A : vector<16xf32>
        %swap3A = arith.index_cast %scan3A_478 : i32 to index
        %swap3A_490 = arith.constant 0 : index
        %swap3A_491 = tpu.vector_load %arg30[%swap3A, %swap3A_490] {strides = array<i32>} : memref<64x64xf32, #tpu.memory_space<vmem>>, vector<16xf32>,
        tpu.vector_store %arg30[%swap3A, %swap3A_490], %mul3A_489 {strides = array<i32>} : memref<64x64xf32, #tpu.memory_space<vmem>>, vector<16xf32>,
        %mul3A_492 = arith.mulf %div3A, %unpack3A_488 : vector<16xf32>
        %swap3A_493 = arith.index_cast %scan3A_478 : i32 to index
        %swap3A_494 = arith.constant 0 : index
        %swap3A_495 = tpu.vector_load %arg32[%swap3A_493, %swap3A_494] {strides = array<i32>} : memref<64x64xf32, #tpu.memory_space<vmem>>, vector<16xf32>,
        tpu.vector_store %arg32[%swap3A_493, %swap3A_494], %mul3A_492 {strides = array<i32>} : memref<64x64xf32, #tpu.memory_space<vmem>>, vector<16xf32>,
        %get3A_496 = arith.index_cast %scan3A_478 : i32 to index
        %get3A_497 = arith.constant 32 : index
        %get3A_498 = tpu.vector_load %arg28[%get3A_496, %get3A_497] {strides = array<i32>} : memref<128x128xbf16, #tpu.memory_space<vmem>>, vector<32xbf16>,
        %unpack3A_499 = tpu.unpack_subelements %get3A_498, 0 {pack_format = #tpu.pack_format<interleaved>} : vector<32xbf16> -> vector<16xf32>
        %unpack3A_500 = tpu.unpack_subelements %get3A_498, 1 {pack_format = #tpu.pack_format<interleaved>} : vector<32xbf16> -> vector<16xf32>
        %mul3A_501 = arith.mulf %div3A, %unpack3A_499 : vector<16xf32>
        %swap3A_502 = arith.index_cast %scan3A_478 : i32 to index
        %swap3A_503 = arith.constant 16 : index
        %swap3A_504 = tpu.vector_load %arg30[%swap3A_502, %swap3A_503] {strides = array<i32>} : memref<64x64xf32, #tpu.memory_space<vmem>>, vector<16xf32>,
        tpu.vector_store %arg30[%swap3A_502, %swap3A_503], %mul3A_501 {strides = array<i32>} : memref<64x64xf32, #tpu.memory_space<vmem>>, vector<16xf32>,
        %mul3A_505 = arith.mulf %div3A, %unpack3A_500 : vector<16xf32>
        %swap3A_506 = arith.index_cast %scan3A_478 : i32 to index
        %swap3A_507 = arith.constant 16 : index
        %swap3A_508 = tpu.vector_load %arg32[%swap3A_506, %swap3A_507] {strides = array<i32>} : memref<64x64xf32, #tpu.memory_space<vmem>>, vector<16xf32>,
        tpu.vector_store %arg32[%swap3A_506, %swap3A_507], %mul3A_505 {strides = array<i32>} : memref<64x64xf32, #tpu.memory_space<vmem>>, vector<16xf32>,
        %get3A_509 = arith.index_cast %scan3A_478 : i32 to index
        %get3A_510 = arith.constant 64 : index
        %get3A_511 = tpu.vector_load %arg28[%get3A_509, %get3A_510] {strides = array<i32>} : memref<128x128xbf16, #tpu.memory_space<vmem>>, vector<32xbf16>,
        %unpack3A_512 = tpu.unpack_subelements %get3A_511, 0 {pack_format = #tpu.pack_format<interleaved>} : vector<32xbf16> -> vector<16xf32>
        %unpack3A_513 = tpu.unpack_subelements %get3A_511, 1 {pack_format = #tpu.pack_format<interleaved>} : vector<32xbf16> -> vector<16xf32>
        %mul3A_514 = arith.mulf %div3A, %unpack3A_512 : vector<16xf32>
        %swap3A_515 = arith.index_cast %scan3A_478 : i32 to index
        %swap3A_516 = arith.constant 32 : index
        %swap3A_517 = tpu.vector_load %arg30[%swap3A_515, %swap3A_516] {strides = array<i32>} : memref<64x64xf32, #tpu.memory_space<vmem>>, vector<16xf32>,
        tpu.vector_store %arg30[%swap3A_515, %swap3A_516], %mul3A_514 {strides = array<i32>} : memref<64x64xf32, #tpu.memory_space<vmem>>, vector<16xf32>,
        %mul3A_518 = arith.mulf %div3A, %unpack3A_513 : vector<16xf32>
        %swap3A_519 = arith.index_cast %scan3A_478 : i32 to index
        %swap3A_520 = arith.constant 32 : index
        %swap3A_521 = tpu.vector_load %arg32[%swap3A_519, %swap3A_520] {strides = array<i32>} : memref<64x64xf32, #tpu.memory_space<vmem>>, vector<16xf32>,
        tpu.vector_store %arg32[%swap3A_519, %swap3A_520], %mul3A_518 {strides = array<i32>} : memref<64x64xf32, #tpu.memory_space<vmem>>, vector<16xf32>,
        %get3A_522 = arith.index_cast %scan3A_478 : i32 to index
        %get3A_523 = arith.constant 96 : index
        %get3A_524 = tpu.vector_load %arg28[%get3A_522, %get3A_523] {strides = array<i32>} : memref<128x128xbf16, #tpu.memory_space<vmem>>, vector<32xbf16>,
        %unpack3A_525 = tpu.unpack_subelements %get3A_524, 0 {pack_format = #tpu.pack_format<interleaved>} : vector<32xbf16> -> vector<16xf32>
        %unpack3A_526 = tpu.unpack_subelements %get3A_524, 1 {pack_format = #tpu.pack_format<interleaved>} : vector<32xbf16> -> vector<16xf32>
        %mul3A_527 = arith.mulf %div3A, %unpack3A_525 : vector<16xf32>
        %swap3A_528 = arith.index_cast %scan3A_478 : i32 to index
        %swap3A_529 = arith.constant 48 : index
        %swap3A_530 = tpu.vector_load %arg30[%swap3A_528, %swap3A_529] {strides = array<i32>} : memref<64x64xf32, #tpu.memory_space<vmem>>, vector<16xf32>,
        tpu.vector_store %arg30[%swap3A_528, %swap3A_529], %mul3A_527 {strides = array<i32>} : memref<64x64xf32, #tpu.memory_space<vmem>>, vector<16xf32>,
        %mul3A_531 = arith.mulf %div3A, %unpack3A_526 : vector<16xf32>
        %swap3A_532 = arith.index_cast %scan3A_478 : i32 to index
        %swap3A_533 = arith.constant 48 : index
        %swap3A_534 = tpu.vector_load %arg32[%swap3A_532, %swap3A_533] {strides = array<i32>} : memref<64x64xf32, #tpu.memory_space<vmem>>, vector<16xf32>,
        tpu.vector_store %arg32[%swap3A_532, %swap3A_533], %mul3A_531 {strides = array<i32>} : memref<64x64xf32, #tpu.memory_space<vmem>>, vector<16xf32>,
        %scan3A_535 = arith.constant 0 : i32
        scf.yield %scan3A_535 : i32
      }
      %scan3A_416 = arith.constant 64 : i32
      %dma_start3A_417 = arith.constant 0 : i32
      %dma_start3A_418 = arith.constant 0 : i32
      %dma_start3A_419 = tpu.memref_slice %arg10[%dma_start3A_417, %dma_start3A_418] : memref<10240x64xf32, #tpu.memory_space<vmem_shared>> -> memref<10240x64xf32, #tpu.memory_space<vmem_shared>>
      tpu.enqueue_indirect_dma source(%arg30 : memref<64x64xf32, #tpu.memory_space<vmem>>) target(%dma_start3A_419 : memref<10240x64xf32, #tpu.memory_space<vmem_shared>>) offsets(%arg14 : memref<64xi32, #tpu.memory_space<vmem>>) semaphore(%arg45 : memref<!tpu.dma_semaphore, #tpu.memory_space<semaphore_mem>>) {add = true}
      %dma_start3A_420 = arith.constant 0 : i32
      %dma_start3A_421 = arith.constant 0 : i32
      %dma_start3A_422 = tpu.memref_slice %arg11[%dma_start3A_420, %dma_start3A_421] : memref<10240x64xf32, #tpu.memory_space<vmem_shared>> -> memref<10240x64xf32, #tpu.memory_space<vmem_shared>>
      tpu.enqueue_indirect_dma source(%arg32 : memref<64x64xf32, #tpu.memory_space<vmem>>) target(%dma_start3A_422 : memref<10240x64xf32, #tpu.memory_space<vmem_shared>>) offsets(%arg14 : memref<64xi32, #tpu.memory_space<vmem>>) semaphore(%arg45 : memref<!tpu.dma_semaphore, #tpu.memory_space<semaphore_mem>>) {add = true}
      %mul3A_423 = arith.constant 4 : i32
      %mul3A_424 = arith.muli %mul3A_423, %scan3A_278 : i32
      %add3A_425 = arith.constant 3 : i32
      %add3A_426 = arith.addi %mul3A_424, %add3A_425 : i32
      %dma_wait3A_427 = arith.constant 0 : i32
      %dma_wait3A_428 = arith.constant 0 : i32
      %dma_wait3A_429 = tpu.memref_slice %arg10[%dma_wait3A_427, %dma_wait3A_428] : memref<10240x64xf32, #tpu.memory_space<vmem_shared>> -> memref<64x64xf32, #tpu.memory_space<vmem_shared>>
      %dma_wait3A_430 = arith.constant 0 : i32
      %dma_wait3A_431 = arith.constant 0 : i32
      %dma_wait3A_432 = tpu.memref_slice %arg10[%dma_wait3A_430, %dma_wait3A_431] : memref<10240x64xf32, #tpu.memory_space<vmem_shared>> -> memref<64x64xf32, #tpu.memory_space<vmem_shared>>
      tpu.wait_dma2 semaphore(%arg46 : memref<!tpu.dma_semaphore, #tpu.memory_space<semaphore_mem>>) src(%arg31 : memref<64x64xf32, #tpu.memory_space<vmem>>) dst(%dma_wait3A_432 : memref<64x64xf32, #tpu.memory_space<vmem_shared>>)
      %dma_wait3A_433 = arith.constant 0 : i32
      %dma_wait3A_434 = arith.constant 0 : i32
      %dma_wait3A_435 = tpu.memref_slice %arg11[%dma_wait3A_433, %dma_wait3A_434] : memref<10240x64xf32, #tpu.memory_space<vmem_shared>> -> memref<64x64xf32, #tpu.memory_space<vmem_shared>>
      %dma_wait3A_436 = arith.constant 0 : i32
      %dma_wait3A_437 = arith.constant 0 : i32
      %dma_wait3A_438 = tpu.memref_slice %arg11[%dma_wait3A_436, %dma_wait3A_437] : memref<10240x64xf32, #tpu.memory_space<vmem_shared>> -> memref<64x64xf32, #tpu.memory_space<vmem_shared>>
      tpu.wait_dma2 semaphore(%arg46 : memref<!tpu.dma_semaphore, #tpu.memory_space<semaphore_mem>>) src(%arg33 : memref<64x64xf32, #tpu.memory_space<vmem>>) dst(%dma_wait3A_438 : memref<64x64xf32, #tpu.memory_space<vmem_shared>>)
      %lt3A_439 = arith.constant 39 : i32
      %lt3A_440 = arith.cmpi slt, %scan3A_278, %lt3A_439 : i32
      %convert_element_type3A_441 = arith.extui %lt3A_440 : i1 to i32
      %cond3A_442 = arith.constant 0 : i32
      %cond3A_443 = arith.cmpi ne, %convert_element_type3A_441, %cond3A_442 : i32
      scf.if %cond3A_443 {
        %dma_wait3A_478 = arith.constant 0 : i32
        %dma_wait3A_479 = tpu.memref_slice %arg3[%dma_wait3A_478] : memref<163840xi32, #tpu.memory_space<hbm>> -> memref<64xi32, #tpu.memory_space<hbm>>
        %dma_wait3A_480 = arith.constant 0 : i32
        %dma_wait3A_481 = tpu.memref_slice %arg3[%dma_wait3A_480] : memref<163840xi32, #tpu.memory_space<hbm>> -> memref<64xi32, #tpu.memory_space<hbm>>
        tpu.wait_dma2 semaphore(%arg38 : memref<!tpu.dma_semaphore, #tpu.memory_space<semaphore_mem>>) src(%dma_wait3A_481 : memref<64xi32, #tpu.memory_space<hbm>>) dst(%arg12 : memref<64xi32, #tpu.memory_space<vmem>>)
        %dma_wait3A_482 = arith.constant 0 : i32
        %dma_wait3A_483 = tpu.memref_slice %arg3[%dma_wait3A_482] : memref<163840xi32, #tpu.memory_space<hbm>> -> memref<64xi32, #tpu.memory_space<hbm>>
        %dma_wait3A_484 = arith.constant 0 : i32
        %dma_wait3A_485 = tpu.memref_slice %arg3[%dma_wait3A_484] : memref<163840xi32, #tpu.memory_space<hbm>> -> memref<64xi32, #tpu.memory_space<hbm>>
        tpu.wait_dma2 semaphore(%arg38 : memref<!tpu.dma_semaphore, #tpu.memory_space<semaphore_mem>>) src(%dma_wait3A_485 : memref<64xi32, #tpu.memory_space<hbm>>) dst(%arg12 : memref<64xi32, #tpu.memory_space<vmem>>)
        %scan3A_486 = arith.constant 0 : i32
        %scan3A_487 = arith.constant 0 : i32
        %scan3A_488 = arith.constant 4 : i32
        %scan3A_489 = arith.addi %scan3A_487, %scan3A_488 : i32
        %scan3A_490 = arith.constant 1 : i32
        %scan3A_491 = scf.for %scan3A_511 = %scan3A_487 to %scan3A_489 step %scan3A_490 iter_args(%scan3A_512 = %scan3A_486) -> (i32)  : i32 {
          %mul3A_513 = arith.constant 16 : i32
          %mul3A_514 = arith.muli %scan3A_511, %mul3A_513 : i32
          %get3A = arith.index_cast %mul3A_514 : i32 to index
          %get3A_515 = tpu.vector_load %arg16[%get3A] {strides = array<i32>} : memref<64xi32, #tpu.memory_space<vmem>>, vector<16xi32>,
          %add3A_516 = vector.broadcast %mul3A_68 : i32 to vector<16xi32>
          %add3A_517 = arith.addi %get3A_515, %add3A_516 : vector<16xi32>
          %mul3A_518 = arith.constant 16 : i32
          %mul3A_519 = arith.muli %scan3A_511, %mul3A_518 : i32
          %swap3A = arith.index_cast %mul3A_519 : i32 to index
          %swap3A_520 = tpu.vector_load %arg24[%swap3A] {strides = array<i32>} : memref<64xi32, #tpu.memory_space<vmem>>, vector<16xi32>,
          tpu.vector_store %arg24[%swap3A], %add3A_517 {strides = array<i32>} : memref<64xi32, #tpu.memory_space<vmem>>, vector<16xi32>,
          %scan3A_521 = arith.constant 0 : i32
          scf.yield %scan3A_521 : i32
        }
        %scan3A_492 = arith.constant 4 : i32
        %dma_start3A_493 = arith.constant 0 : i32
        %dma_start3A_494 = arith.constant 0 : i32
        %dma_start3A_495 = tpu.memref_slice %arg28[%dma_start3A_493, %dma_start3A_494] : memref<128x128xbf16, #tpu.memory_space<vmem>> -> memref<64x128xbf16, #tpu.memory_space<vmem>>
        %dma_start3A_496 = arith.constant 0 : i32
        %dma_start3A_497 = arith.constant 0 : i32
        %dma_start3A_498 = tpu.memref_slice %arg2[%dma_start3A_496, %dma_start3A_497] : memref<60000x128xbf16, #tpu.memory_space<hbm>> -> memref<60000x128xbf16, #tpu.memory_space<hbm>>
        tpu.enqueue_indirect_dma source(%dma_start3A_498 : memref<60000x128xbf16, #tpu.memory_space<hbm>>) target(%dma_start3A_495 : memref<64x128xbf16, #tpu.memory_space<vmem>>) offsets(%arg24 : memref<64xi32, #tpu.memory_space<vmem>>) semaphore(%arg39 : memref<!tpu.dma_semaphore, #tpu.memory_space<semaphore_mem>>)
        %dma_start3A_499 = arith.constant 0 : i32
        %dma_start3A_500 = arith.constant 0 : i32
        %dma_start3A_501 = tpu.memref_slice %arg9[%dma_start3A_499, %dma_start3A_500] : memref<10240x16xf32, #tpu.memory_space<vmem_shared>> -> memref<10240x16xf32, #tpu.memory_space<vmem_shared>>
        tpu.enqueue_indirect_dma source(%dma_start3A_501 : memref<10240x16xf32, #tpu.memory_space<vmem_shared>>) target(%arg36 : memref<64x16xf32, #tpu.memory_space<vmem>>) offsets(%arg12 : memref<64xi32, #tpu.memory_space<vmem>>) semaphore(%arg41 : memref<!tpu.dma_semaphore, #tpu.memory_space<semaphore_mem>>)
        %add3A_502 = arith.constant 1 : i32
        %add3A_503 = arith.addi %add3A_426, %add3A_502 : i32
        %mul3A_504 = arith.constant 64 : i32
        %mul3A_505 = arith.muli %add3A_503, %mul3A_504 : i32
        %add3A_506 = arith.addi %add3A_71, %mul3A_505 : i32
        %dma_start3A_507 = arith.constant 0 : i32
        %dma_start3A_508 = tpu.memref_slice %arg8[%add3A_506, %dma_start3A_507] : memref<327680x16xf32, #tpu.memory_space<hbm>> -> memref<64x16xf32, #tpu.memory_space<hbm>>
        %dma_start3A_509 = arith.constant 0 : i32
        %dma_start3A_510 = tpu.memref_slice %arg8[%add3A_506, %dma_start3A_509] : memref<327680x16xf32, #tpu.memory_space<hbm>> -> memref<64x16xf32, #tpu.memory_space<hbm>>
        tpu.enqueue_dma source(%dma_start3A_510 : memref<64x16xf32, #tpu.memory_space<hbm>>) target(%arg34 : memref<64x16xf32, #tpu.memory_space<vmem>>) target_semaphore(%arg43 : memref<!tpu.dma_semaphore, #tpu.memory_space<semaphore_mem>>)
      } else {
      }
      %lt3A_444 = arith.constant 39 : i32
      %lt3A_445 = arith.cmpi slt, %scan3A_278, %lt3A_444 : i32
      %convert_element_type3A_446 = arith.extui %lt3A_445 : i1 to i32
      %cond3A_447 = arith.constant 0 : i32
      %cond3A_448 = arith.cmpi ne, %convert_element_type3A_446, %cond3A_447 : i32
      scf.if %cond3A_448 {
        %add3A_478 = arith.constant 2 : i32
        %add3A_479 = arith.addi %add3A_426, %add3A_478 : i32
        %mul3A_480 = arith.constant 64 : i32
        %mul3A_481 = arith.muli %add3A_479, %mul3A_480 : i32
        %add3A_482 = arith.addi %mul3A_0, %mul3A_481 : i32
        %dma_start3A_483 = tpu.memref_slice %arg3[%add3A_482] : memref<163840xi32, #tpu.memory_space<hbm>> -> memref<64xi32, #tpu.memory_space<hbm>>
        %dma_start3A_484 = tpu.memref_slice %arg3[%add3A_482] : memref<163840xi32, #tpu.memory_space<hbm>> -> memref<64xi32, #tpu.memory_space<hbm>>
        tpu.enqueue_dma source(%dma_start3A_484 : memref<64xi32, #tpu.memory_space<hbm>>) target(%arg13 : memref<64xi32, #tpu.memory_space<vmem>>) target_semaphore(%arg38 : memref<!tpu.dma_semaphore, #tpu.memory_space<semaphore_mem>>)
        %dma_start3A_485 = tpu.memref_slice %arg4[%add3A_482] : memref<163840xi32, #tpu.memory_space<hbm>> -> memref<64xi32, #tpu.memory_space<hbm>>
        %dma_start3A_486 = tpu.memref_slice %arg4[%add3A_482] : memref<163840xi32, #tpu.memory_space<hbm>> -> memref<64xi32, #tpu.memory_space<hbm>>
        tpu.enqueue_dma source(%dma_start3A_486 : memref<64xi32, #tpu.memory_space<hbm>>) target(%arg17 : memref<64xi32, #tpu.memory_space<vmem>>) target_semaphore(%arg38 : memref<!tpu.dma_semaphore, #tpu.memory_space<semaphore_mem>>)
      } else {
      }
      %dma_wait3A_449 = arith.constant 0 : i32
      %dma_wait3A_450 = arith.constant 0 : i32
      %dma_wait3A_451 = tpu.memref_slice %arg29[%dma_wait3A_449, %dma_wait3A_450] : memref<128x128xbf16, #tpu.memory_space<vmem>> -> memref<64x128xbf16, #tpu.memory_space<vmem>>
      %dma_wait3A_452 = arith.constant 0 : i32
      %dma_wait3A_453 = arith.constant 0 : i32
      %dma_wait3A_454 = tpu.memref_slice %arg2[%dma_wait3A_452, %dma_wait3A_453] : memref<60000x128xbf16, #tpu.memory_space<hbm>> -> memref<60000x128xbf16, #tpu.memory_space<hbm>>
      tpu.wait_indirect_dma semaphore(%arg40 : memref<!tpu.dma_semaphore, #tpu.memory_space<semaphore_mem>>) src(%dma_wait3A_454 : memref<60000x128xbf16, #tpu.memory_space<hbm>>) dst(%dma_wait3A_451 : memref<64x128xbf16, #tpu.memory_space<vmem>>)
      %dma_wait3A_455 = arith.constant 0 : i32
      %dma_wait3A_456 = arith.constant 0 : i32
      %dma_wait3A_457 = tpu.memref_slice %arg9[%dma_wait3A_455, %dma_wait3A_456] : memref<10240x16xf32, #tpu.memory_space<vmem_shared>> -> memref<10240x16xf32, #tpu.memory_space<vmem_shared>>
      tpu.wait_indirect_dma semaphore(%arg42 : memref<!tpu.dma_semaphore, #tpu.memory_space<semaphore_mem>>) src(%dma_wait3A_457 : memref<10240x16xf32, #tpu.memory_space<vmem_shared>>) dst(%arg37 : memref<64x16xf32, #tpu.memory_space<vmem>>)
      %dma_wait3A_458 = arith.constant 0 : i32
      %dma_wait3A_459 = arith.constant 0 : i32
      %dma_wait3A_460 = tpu.memref_slice %arg8[%dma_wait3A_458, %dma_wait3A_459] : memref<327680x16xf32, #tpu.memory_space<hbm>> -> memref<64x16xf32, #tpu.memory_space<hbm>>
      %dma_wait3A_461 = arith.constant 0 : i32
      %dma_wait3A_462 = arith.constant 0 : i32
      %dma_wait3A_463 = tpu.memref_slice %arg8[%dma_wait3A_461, %dma_wait3A_462] : memref<327680x16xf32, #tpu.memory_space<hbm>> -> memref<64x16xf32, #tpu.memory_space<hbm>>
      tpu.wait_dma2 semaphore(%arg44 : memref<!tpu.dma_semaphore, #tpu.memory_space<semaphore_mem>>) src(%dma_wait3A_463 : memref<64x16xf32, #tpu.memory_space<hbm>>) dst(%arg35 : memref<64x16xf32, #tpu.memory_space<vmem>>)
      %scan3A_464 = arith.constant 0 : i32
      %scan3A_465 = arith.constant 0 : i32
      %scan3A_466 = arith.constant 64 : i32
      %scan3A_467 = arith.addi %scan3A_465, %scan3A_466 : i32
      %scan3A_468 = arith.constant 1 : i32
      %scan3A_469 = scf.for %scan3A_478 = %scan3A_465 to %scan3A_467 step %scan3A_468 iter_args(%scan3A_479 = %scan3A_464) -> (i32)  : i32 {
        %get3A = arith.index_cast %scan3A_478 : i32 to index
        %get3A_480 = arith.constant 0 : index
        %get3A_481 = tpu.vector_load %arg35[%get3A, %get3A_480] {strides = array<i32>} : memref<64x16xf32, #tpu.memory_space<vmem>>, vector<16xf32>,
        %get3A_482 = arith.index_cast %scan3A_478 : i32 to index
        %get3A_483 = arith.constant 0 : index
        %get3A_484 = tpu.vector_load %arg37[%get3A_482, %get3A_483] {strides = array<i32>} : memref<64x16xf32, #tpu.memory_space<vmem>>, vector<16xf32>,
        %div3A = arith.divf %get3A_481, %get3A_484 : vector<16xf32>
        %get3A_485 = arith.index_cast %scan3A_478 : i32 to index
        %get3A_486 = arith.constant 0 : index
        %get3A_487 = tpu.vector_load %arg29[%get3A_485, %get3A_486] {strides = array<i32>} : memref<128x128xbf16, #tpu.memory_space<vmem>>, vector<32xbf16>,
        %unpack3A = tpu.unpack_subelements %get3A_487, 0 {pack_format = #tpu.pack_format<interleaved>} : vector<32xbf16> -> vector<16xf32>
        %unpack3A_488 = tpu.unpack_subelements %get3A_487, 1 {pack_format = #tpu.pack_format<interleaved>} : vector<32xbf16> -> vector<16xf32>
        %mul3A_489 = arith.mulf %div3A, %unpack3A : vector<16xf32>
        %swap3A = arith.index_cast %scan3A_478 : i32 to index
        %swap3A_490 = arith.constant 0 : index
        %swap3A_491 = tpu.vector_load %arg31[%swap3A, %swap3A_490] {strides = array<i32>} : memref<64x64xf32, #tpu.memory_space<vmem>>, vector<16xf32>,
        tpu.vector_store %arg31[%swap3A, %swap3A_490], %mul3A_489 {strides = array<i32>} : memref<64x64xf32, #tpu.memory_space<vmem>>, vector<16xf32>,
        %mul3A_492 = arith.mulf %div3A, %unpack3A_488 : vector<16xf32>
        %swap3A_493 = arith.index_cast %scan3A_478 : i32 to index
        %swap3A_494 = arith.constant 0 : index
        %swap3A_495 = tpu.vector_load %arg33[%swap3A_493, %swap3A_494] {strides = array<i32>} : memref<64x64xf32, #tpu.memory_space<vmem>>, vector<16xf32>,
        tpu.vector_store %arg33[%swap3A_493, %swap3A_494], %mul3A_492 {strides = array<i32>} : memref<64x64xf32, #tpu.memory_space<vmem>>, vector<16xf32>,
        %get3A_496 = arith.index_cast %scan3A_478 : i32 to index
        %get3A_497 = arith.constant 32 : index
        %get3A_498 = tpu.vector_load %arg29[%get3A_496, %get3A_497] {strides = array<i32>} : memref<128x128xbf16, #tpu.memory_space<vmem>>, vector<32xbf16>,
        %unpack3A_499 = tpu.unpack_subelements %get3A_498, 0 {pack_format = #tpu.pack_format<interleaved>} : vector<32xbf16> -> vector<16xf32>
        %unpack3A_500 = tpu.unpack_subelements %get3A_498, 1 {pack_format = #tpu.pack_format<interleaved>} : vector<32xbf16> -> vector<16xf32>
        %mul3A_501 = arith.mulf %div3A, %unpack3A_499 : vector<16xf32>
        %swap3A_502 = arith.index_cast %scan3A_478 : i32 to index
        %swap3A_503 = arith.constant 16 : index
        %swap3A_504 = tpu.vector_load %arg31[%swap3A_502, %swap3A_503] {strides = array<i32>} : memref<64x64xf32, #tpu.memory_space<vmem>>, vector<16xf32>,
        tpu.vector_store %arg31[%swap3A_502, %swap3A_503], %mul3A_501 {strides = array<i32>} : memref<64x64xf32, #tpu.memory_space<vmem>>, vector<16xf32>,
        %mul3A_505 = arith.mulf %div3A, %unpack3A_500 : vector<16xf32>
        %swap3A_506 = arith.index_cast %scan3A_478 : i32 to index
        %swap3A_507 = arith.constant 16 : index
        %swap3A_508 = tpu.vector_load %arg33[%swap3A_506, %swap3A_507] {strides = array<i32>} : memref<64x64xf32, #tpu.memory_space<vmem>>, vector<16xf32>,
        tpu.vector_store %arg33[%swap3A_506, %swap3A_507], %mul3A_505 {strides = array<i32>} : memref<64x64xf32, #tpu.memory_space<vmem>>, vector<16xf32>,
        %get3A_509 = arith.index_cast %scan3A_478 : i32 to index
        %get3A_510 = arith.constant 64 : index
        %get3A_511 = tpu.vector_load %arg29[%get3A_509, %get3A_510] {strides = array<i32>} : memref<128x128xbf16, #tpu.memory_space<vmem>>, vector<32xbf16>,
        %unpack3A_512 = tpu.unpack_subelements %get3A_511, 0 {pack_format = #tpu.pack_format<interleaved>} : vector<32xbf16> -> vector<16xf32>
        %unpack3A_513 = tpu.unpack_subelements %get3A_511, 1 {pack_format = #tpu.pack_format<interleaved>} : vector<32xbf16> -> vector<16xf32>
        %mul3A_514 = arith.mulf %div3A, %unpack3A_512 : vector<16xf32>
        %swap3A_515 = arith.index_cast %scan3A_478 : i32 to index
        %swap3A_516 = arith.constant 32 : index
        %swap3A_517 = tpu.vector_load %arg31[%swap3A_515, %swap3A_516] {strides = array<i32>} : memref<64x64xf32, #tpu.memory_space<vmem>>, vector<16xf32>,
        tpu.vector_store %arg31[%swap3A_515, %swap3A_516], %mul3A_514 {strides = array<i32>} : memref<64x64xf32, #tpu.memory_space<vmem>>, vector<16xf32>,
        %mul3A_518 = arith.mulf %div3A, %unpack3A_513 : vector<16xf32>
        %swap3A_519 = arith.index_cast %scan3A_478 : i32 to index
        %swap3A_520 = arith.constant 32 : index
        %swap3A_521 = tpu.vector_load %arg33[%swap3A_519, %swap3A_520] {strides = array<i32>} : memref<64x64xf32, #tpu.memory_space<vmem>>, vector<16xf32>,
        tpu.vector_store %arg33[%swap3A_519, %swap3A_520], %mul3A_518 {strides = array<i32>} : memref<64x64xf32, #tpu.memory_space<vmem>>, vector<16xf32>,
        %get3A_522 = arith.index_cast %scan3A_478 : i32 to index
        %get3A_523 = arith.constant 96 : index
        %get3A_524 = tpu.vector_load %arg29[%get3A_522, %get3A_523] {strides = array<i32>} : memref<128x128xbf16, #tpu.memory_space<vmem>>, vector<32xbf16>,
        %unpack3A_525 = tpu.unpack_subelements %get3A_524, 0 {pack_format = #tpu.pack_format<interleaved>} : vector<32xbf16> -> vector<16xf32>
        %unpack3A_526 = tpu.unpack_subelements %get3A_524, 1 {pack_format = #tpu.pack_format<interleaved>} : vector<32xbf16> -> vector<16xf32>
        %mul3A_527 = arith.mulf %div3A, %unpack3A_525 : vector<16xf32>
        %swap3A_528 = arith.index_cast %scan3A_478 : i32 to index
        %swap3A_529 = arith.constant 48 : index
        %swap3A_530 = tpu.vector_load %arg31[%swap3A_528, %swap3A_529] {strides = array<i32>} : memref<64x64xf32, #tpu.memory_space<vmem>>, vector<16xf32>,
        tpu.vector_store %arg31[%swap3A_528, %swap3A_529], %mul3A_527 {strides = array<i32>} : memref<64x64xf32, #tpu.memory_space<vmem>>, vector<16xf32>,
        %mul3A_531 = arith.mulf %div3A, %unpack3A_526 : vector<16xf32>
        %swap3A_532 = arith.index_cast %scan3A_478 : i32 to index
        %swap3A_533 = arith.constant 48 : index
        %swap3A_534 = tpu.vector_load %arg33[%swap3A_532, %swap3A_533] {strides = array<i32>} : memref<64x64xf32, #tpu.memory_space<vmem>>, vector<16xf32>,
        tpu.vector_store %arg33[%swap3A_532, %swap3A_533], %mul3A_531 {strides = array<i32>} : memref<64x64xf32, #tpu.memory_space<vmem>>, vector<16xf32>,
        %scan3A_535 = arith.constant 0 : i32
        scf.yield %scan3A_535 : i32
      }
      %scan3A_470 = arith.constant 64 : i32
      %dma_start3A_471 = arith.constant 0 : i32
      %dma_start3A_472 = arith.constant 0 : i32
      %dma_start3A_473 = tpu.memref_slice %arg10[%dma_start3A_471, %dma_start3A_472] : memref<10240x64xf32, #tpu.memory_space<vmem_shared>> -> memref<10240x64xf32, #tpu.memory_space<vmem_shared>>
      tpu.enqueue_indirect_dma source(%arg31 : memref<64x64xf32, #tpu.memory_space<vmem>>) target(%dma_start3A_473 : memref<10240x64xf32, #tpu.memory_space<vmem_shared>>) offsets(%arg15 : memref<64xi32, #tpu.memory_space<vmem>>) semaphore(%arg46 : memref<!tpu.dma_semaphore, #tpu.memory_space<semaphore_mem>>) {add = true}
      %dma_start3A_474 = arith.constant 0 : i32
      %dma_start3A_475 = arith.constant 0 : i32
      %dma_start3A_476 = tpu.memref_slice %arg11[%dma_start3A_474, %dma_start3A_475] : memref<10240x64xf32, #tpu.memory_space<vmem_shared>> -> memref<10240x64xf32, #tpu.memory_space<vmem_shared>>
      tpu.enqueue_indirect_dma source(%arg33 : memref<64x64xf32, #tpu.memory_space<vmem>>) target(%dma_start3A_476 : memref<10240x64xf32, #tpu.memory_space<vmem_shared>>) offsets(%arg15 : memref<64xi32, #tpu.memory_space<vmem>>) semaphore(%arg46 : memref<!tpu.dma_semaphore, #tpu.memory_space<semaphore_mem>>) {add = true}
      %scan3A_477 = arith.constant 0 : i32
      scf.yield %scan3A_477 : i32
    }
    %scan3A_152 = arith.constant 40 : i32
    %dma_wait3A_153 = arith.constant 0 : i32
    %dma_wait3A_154 = arith.constant 0 : i32
    %dma_wait3A_155 = tpu.memref_slice %arg10[%dma_wait3A_153, %dma_wait3A_154] : memref<10240x64xf32, #tpu.memory_space<vmem_shared>> -> memref<64x64xf32, #tpu.memory_space<vmem_shared>>
    %dma_wait3A_156 = arith.constant 0 : i32
    %dma_wait3A_157 = arith.constant 0 : i32
    %dma_wait3A_158 = tpu.memref_slice %arg10[%dma_wait3A_156, %dma_wait3A_157] : memref<10240x64xf32, #tpu.memory_space<vmem_shared>> -> memref<64x64xf32, #tpu.memory_space<vmem_shared>>
    tpu.wait_dma2 semaphore(%arg45 : memref<!tpu.dma_semaphore, #tpu.memory_space<semaphore_mem>>) src(%arg30 : memref<64x64xf32, #tpu.memory_space<vmem>>) dst(%dma_wait3A_158 : memref<64x64xf32, #tpu.memory_space<vmem_shared>>)
    %dma_wait3A_159 = arith.constant 0 : i32
    %dma_wait3A_160 = arith.constant 0 : i32
    %dma_wait3A_161 = tpu.memref_slice %arg11[%dma_wait3A_159, %dma_wait3A_160] : memref<10240x64xf32, #tpu.memory_space<vmem_shared>> -> memref<64x64xf32, #tpu.memory_space<vmem_shared>>
    %dma_wait3A_162 = arith.constant 0 : i32
    %dma_wait3A_163 = arith.constant 0 : i32
    %dma_wait3A_164 = tpu.memref_slice %arg11[%dma_wait3A_162, %dma_wait3A_163] : memref<10240x64xf32, #tpu.memory_space<vmem_shared>> -> memref<64x64xf32, #tpu.memory_space<vmem_shared>>
    tpu.wait_dma2 semaphore(%arg45 : memref<!tpu.dma_semaphore, #tpu.memory_space<semaphore_mem>>) src(%arg32 : memref<64x64xf32, #tpu.memory_space<vmem>>) dst(%dma_wait3A_164 : memref<64x64xf32, #tpu.memory_space<vmem_shared>>)
    %dma_wait3A_165 = arith.constant 0 : i32
    %dma_wait3A_166 = arith.constant 0 : i32
    %dma_wait3A_167 = tpu.memref_slice %arg10[%dma_wait3A_165, %dma_wait3A_166] : memref<10240x64xf32, #tpu.memory_space<vmem_shared>> -> memref<64x64xf32, #tpu.memory_space<vmem_shared>>
    %dma_wait3A_168 = arith.constant 0 : i32
    %dma_wait3A_169 = arith.constant 0 : i32
    %dma_wait3A_170 = tpu.memref_slice %arg10[%dma_wait3A_168, %dma_wait3A_169] : memref<10240x64xf32, #tpu.memory_space<vmem_shared>> -> memref<64x64xf32, #tpu.memory_space<vmem_shared>>
    tpu.wait_dma2 semaphore(%arg46 : memref<!tpu.dma_semaphore, #tpu.memory_space<semaphore_mem>>) src(%arg31 : memref<64x64xf32, #tpu.memory_space<vmem>>) dst(%dma_wait3A_170 : memref<64x64xf32, #tpu.memory_space<vmem_shared>>)
    %dma_wait3A_171 = arith.constant 0 : i32
    %dma_wait3A_172 = arith.constant 0 : i32
    %dma_wait3A_173 = tpu.memref_slice %arg11[%dma_wait3A_171, %dma_wait3A_172] : memref<10240x64xf32, #tpu.memory_space<vmem_shared>> -> memref<64x64xf32, #tpu.memory_space<vmem_shared>>
    %dma_wait3A_174 = arith.constant 0 : i32
    %dma_wait3A_175 = arith.constant 0 : i32
    %dma_wait3A_176 = tpu.memref_slice %arg11[%dma_wait3A_174, %dma_wait3A_175] : memref<10240x64xf32, #tpu.memory_space<vmem_shared>> -> memref<64x64xf32, #tpu.memory_space<vmem_shared>>
    tpu.wait_dma2 semaphore(%arg46 : memref<!tpu.dma_semaphore, #tpu.memory_space<semaphore_mem>>) src(%arg33 : memref<64x64xf32, #tpu.memory_space<vmem>>) dst(%dma_wait3A_176 : memref<64x64xf32, #tpu.memory_space<vmem_shared>>)
    %barrier3A_177 = arith.constant 0 : index
    tpu.barrier barrier_id(%barrier3A_177)
    %mul3A_178 = arith.constant 640 : i32
    %mul3A_179 = arith.muli %arg1, %mul3A_178 : i32
    %add3A_180 = arith.constant 0 : i32
    %add3A_181 = arith.addi %mul3A_179, %add3A_180 : i32
    %mul3A_182 = arith.constant 10240 : i32
    %mul3A_183 = arith.muli %arg0, %mul3A_182 : i32
    %add3A_184 = arith.addi %mul3A_183, %add3A_181 : i32
    "tpu.region"() ({
      %run_scoped3A = tpu.sem_alloc : memref<!tpu.dma_semaphore, #tpu.memory_space<semaphore_mem>>
      %dma_start3A_278 = arith.constant 0 : i32
      %dma_start3A_279 = tpu.memref_slice %arg6[%add3A_184, %dma_start3A_278] : memref<20480x64xf32, #tpu.memory_space<hbm>> -> memref<64x64xf32, #tpu.memory_space<hbm>>
      %dma_start3A_280 = arith.constant 0 : i32
      %dma_start3A_281 = tpu.memref_slice %arg10[%add3A_181, %dma_start3A_280] : memref<10240x64xf32, #tpu.memory_space<vmem_shared>> -> memref<64x64xf32, #tpu.memory_space<vmem_shared>>
      tpu.enqueue_dma source(%dma_start3A_281 : memref<64x64xf32, #tpu.memory_space<vmem_shared>>) target(%dma_start3A_279 : memref<64x64xf32, #tpu.memory_space<hbm>>) target_semaphore(%run_scoped3A : memref<!tpu.dma_semaphore, #tpu.memory_space<semaphore_mem>>)
      %dma_wait3A_282 = arith.constant 0 : i32
      %dma_wait3A_283 = tpu.memref_slice %arg6[%add3A_184, %dma_wait3A_282] : memref<20480x64xf32, #tpu.memory_space<hbm>> -> memref<64x64xf32, #tpu.memory_space<hbm>>
      %dma_wait3A_284 = arith.constant 0 : i32
      %dma_wait3A_285 = tpu.memref_slice %arg10[%add3A_181, %dma_wait3A_284] : memref<10240x64xf32, #tpu.memory_space<vmem_shared>> -> memref<64x64xf32, #tpu.memory_space<vmem_shared>>
      tpu.wait_dma2 semaphore(%run_scoped3A : memref<!tpu.dma_semaphore, #tpu.memory_space<semaphore_mem>>) src(%dma_wait3A_285 : memref<64x64xf32, #tpu.memory_space<vmem_shared>>) dst(%dma_wait3A_283 : memref<64x64xf32, #tpu.memory_space<hbm>>)
      tpu.yield
    }) : () -> ()
    %mul3A_185 = arith.constant 10240 : i32
    %mul3A_186 = arith.muli %arg0, %mul3A_185 : i32
    %add3A_187 = arith.addi %mul3A_186, %add3A_181 : i32
    "tpu.region"() ({
      %run_scoped3A = tpu.sem_alloc : memref<!tpu.dma_semaphore, #tpu.memory_space<semaphore_mem>>
      %dma_start3A_278 = arith.constant 0 : i32
      %dma_start3A_279 = tpu.memref_slice %arg7[%add3A_187, %dma_start3A_278] : memref<20480x64xf32, #tpu.memory_space<hbm>> -> memref<64x64xf32, #tpu.memory_space<hbm>>
      %dma_start3A_280 = arith.constant 0 : i32
      %dma_start3A_281 = tpu.memref_slice %arg11[%add3A_181, %dma_start3A_280] : memref<10240x64xf32, #tpu.memory_space<vmem_shared>> -> memref<64x64xf32, #tpu.memory_space<vmem_shared>>
      tpu.enqueue_dma source(%dma_start3A_281 : memref<64x64xf32, #tpu.memory_space<vmem_shared>>) target(%dma_start3A_279 : memref<64x64xf32, #tpu.memory_space<hbm>>) target_semaphore(%run_scoped3A : memref<!tpu.dma_semaphore, #tpu.memory_space<semaphore_mem>>)
      %dma_wait3A_282 = arith.constant 0 : i32
      %dma_wait3A_283 = tpu.memref_slice %arg7[%add3A_187, %dma_wait3A_282] : memref<20480x64xf32, #tpu.memory_space<hbm>> -> memref<64x64xf32, #tpu.memory_space<hbm>>
      %dma_wait3A_284 = arith.constant 0 : i32
      %dma_wait3A_285 = tpu.memref_slice %arg11[%add3A_181, %dma_wait3A_284] : memref<10240x64xf32, #tpu.memory_space<vmem_shared>> -> memref<64x64xf32, #tpu.memory_space<vmem_shared>>
      tpu.wait_dma2 semaphore(%run_scoped3A : memref<!tpu.dma_semaphore, #tpu.memory_space<semaphore_mem>>) src(%dma_wait3A_285 : memref<64x64xf32, #tpu.memory_space<vmem_shared>>) dst(%dma_wait3A_283 : memref<64x64xf32, #tpu.memory_space<hbm>>)
      tpu.yield
    }) : () -> ()
    %mul3A_188 = arith.constant 640 : i32
    %mul3A_189 = arith.muli %arg1, %mul3A_188 : i32
    %add3A_190 = arith.constant 64 : i32
    %add3A_191 = arith.addi %mul3A_189, %add3A_190 : i32
    %mul3A_192 = arith.constant 10240 : i32
    %mul3A_193 = arith.muli %arg0, %mul3A_192 : i32
    %add3A_194 = arith.addi %mul3A_193, %add3A_191 : i32
    "tpu.region"() ({
      %run_scoped3A = tpu.sem_alloc : memref<!tpu.dma_semaphore, #tpu.memory_space<semaphore_mem>>
      %dma_start3A_278 = arith.constant 0 : i32
      %dma_start3A_279 = tpu.memref_slice %arg6[%add3A_194, %dma_start3A_278] : memref<20480x64xf32, #tpu.memory_space<hbm>> -> memref<64x64xf32, #tpu.memory_space<hbm>>
      %dma_start3A_280 = arith.constant 0 : i32
      %dma_start3A_281 = tpu.memref_slice %arg10[%add3A_191, %dma_start3A_280] : memref<10240x64xf32, #tpu.memory_space<vmem_shared>> -> memref<64x64xf32, #tpu.memory_space<vmem_shared>>
      tpu.enqueue_dma source(%dma_start3A_281 : memref<64x64xf32, #tpu.memory_space<vmem_shared>>) target(%dma_start3A_279 : memref<64x64xf32, #tpu.memory_space<hbm>>) target_semaphore(%run_scoped3A : memref<!tpu.dma_semaphore, #tpu.memory_space<semaphore_mem>>)
      %dma_wait3A_282 = arith.constant 0 : i32
      %dma_wait3A_283 = tpu.memref_slice %arg6[%add3A_194, %dma_wait3A_282] : memref<20480x64xf32, #tpu.memory_space<hbm>> -> memref<64x64xf32, #tpu.memory_space<hbm>>
      %dma_wait3A_284 = arith.constant 0 : i32
      %dma_wait3A_285 = tpu.memref_slice %arg10[%add3A_191, %dma_wait3A_284] : memref<10240x64xf32, #tpu.memory_space<vmem_shared>> -> memref<64x64xf32, #tpu.memory_space<vmem_shared>>
      tpu.wait_dma2 semaphore(%run_scoped3A : memref<!tpu.dma_semaphore, #tpu.memory_space<semaphore_mem>>) src(%dma_wait3A_285 : memref<64x64xf32, #tpu.memory_space<vmem_shared>>) dst(%dma_wait3A_283 : memref<64x64xf32, #tpu.memory_space<hbm>>)
      tpu.yield
    }) : () -> ()
    %mul3A_195 = arith.constant 10240 : i32
    %mul3A_196 = arith.muli %arg0, %mul3A_195 : i32
    %add3A_197 = arith.addi %mul3A_196, %add3A_191 : i32
    "tpu.region"() ({
      %run_scoped3A = tpu.sem_alloc : memref<!tpu.dma_semaphore, #tpu.memory_space<semaphore_mem>>
      %dma_start3A_278 = arith.constant 0 : i32
      %dma_start3A_279 = tpu.memref_slice %arg7[%add3A_197, %dma_start3A_278] : memref<20480x64xf32, #tpu.memory_space<hbm>> -> memref<64x64xf32, #tpu.memory_space<hbm>>
      %dma_start3A_280 = arith.constant 0 : i32
      %dma_start3A_281 = tpu.memref_slice %arg11[%add3A_191, %dma_start3A_280] : memref<10240x64xf32, #tpu.memory_space<vmem_shared>> -> memref<64x64xf32, #tpu.memory_space<vmem_shared>>
      tpu.enqueue_dma source(%dma_start3A_281 : memref<64x64xf32, #tpu.memory_space<vmem_shared>>) target(%dma_start3A_279 : memref<64x64xf32, #tpu.memory_space<hbm>>) target_semaphore(%run_scoped3A : memref<!tpu.dma_semaphore, #tpu.memory_space<semaphore_mem>>)
      %dma_wait3A_282 = arith.constant 0 : i32
      %dma_wait3A_283 = tpu.memref_slice %arg7[%add3A_197, %dma_wait3A_282] : memref<20480x64xf32, #tpu.memory_space<hbm>> -> memref<64x64xf32, #tpu.memory_space<hbm>>
      %dma_wait3A_284 = arith.constant 0 : i32
      %dma_wait3A_285 = tpu.memref_slice %arg11[%add3A_191, %dma_wait3A_284] : memref<10240x64xf32, #tpu.memory_space<vmem_shared>> -> memref<64x64xf32, #tpu.memory_space<vmem_shared>>
      tpu.wait_dma2 semaphore(%run_scoped3A : memref<!tpu.dma_semaphore, #tpu.memory_space<semaphore_mem>>) src(%dma_wait3A_285 : memref<64x64xf32, #tpu.memory_space<vmem_shared>>) dst(%dma_wait3A_283 : memref<64x64xf32, #tpu.memory_space<hbm>>)
      tpu.yield
    }) : () -> ()
    %mul3A_198 = arith.constant 640 : i32
    %mul3A_199 = arith.muli %arg1, %mul3A_198 : i32
    %add3A_200 = arith.constant 128 : i32
    %add3A_201 = arith.addi %mul3A_199, %add3A_200 : i32
    %mul3A_202 = arith.constant 10240 : i32
    %mul3A_203 = arith.muli %arg0, %mul3A_202 : i32
    %add3A_204 = arith.addi %mul3A_203, %add3A_201 : i32
    "tpu.region"() ({
      %run_scoped3A = tpu.sem_alloc : memref<!tpu.dma_semaphore, #tpu.memory_space<semaphore_mem>>
      %dma_start3A_278 = arith.constant 0 : i32
      %dma_start3A_279 = tpu.memref_slice %arg6[%add3A_204, %dma_start3A_278] : memref<20480x64xf32, #tpu.memory_space<hbm>> -> memref<64x64xf32, #tpu.memory_space<hbm>>
      %dma_start3A_280 = arith.constant 0 : i32
      %dma_start3A_281 = tpu.memref_slice %arg10[%add3A_201, %dma_start3A_280] : memref<10240x64xf32, #tpu.memory_space<vmem_shared>> -> memref<64x64xf32, #tpu.memory_space<vmem_shared>>
      tpu.enqueue_dma source(%dma_start3A_281 : memref<64x64xf32, #tpu.memory_space<vmem_shared>>) target(%dma_start3A_279 : memref<64x64xf32, #tpu.memory_space<hbm>>) target_semaphore(%run_scoped3A : memref<!tpu.dma_semaphore, #tpu.memory_space<semaphore_mem>>)
      %dma_wait3A_282 = arith.constant 0 : i32
      %dma_wait3A_283 = tpu.memref_slice %arg6[%add3A_204, %dma_wait3A_282] : memref<20480x64xf32, #tpu.memory_space<hbm>> -> memref<64x64xf32, #tpu.memory_space<hbm>>
      %dma_wait3A_284 = arith.constant 0 : i32
      %dma_wait3A_285 = tpu.memref_slice %arg10[%add3A_201, %dma_wait3A_284] : memref<10240x64xf32, #tpu.memory_space<vmem_shared>> -> memref<64x64xf32, #tpu.memory_space<vmem_shared>>
      tpu.wait_dma2 semaphore(%run_scoped3A : memref<!tpu.dma_semaphore, #tpu.memory_space<semaphore_mem>>) src(%dma_wait3A_285 : memref<64x64xf32, #tpu.memory_space<vmem_shared>>) dst(%dma_wait3A_283 : memref<64x64xf32, #tpu.memory_space<hbm>>)
      tpu.yield
    }) : () -> ()
    %mul3A_205 = arith.constant 10240 : i32
    %mul3A_206 = arith.muli %arg0, %mul3A_205 : i32
    %add3A_207 = arith.addi %mul3A_206, %add3A_201 : i32
    "tpu.region"() ({
      %run_scoped3A = tpu.sem_alloc : memref<!tpu.dma_semaphore, #tpu.memory_space<semaphore_mem>>
      %dma_start3A_278 = arith.constant 0 : i32
      %dma_start3A_279 = tpu.memref_slice %arg7[%add3A_207, %dma_start3A_278] : memref<20480x64xf32, #tpu.memory_space<hbm>> -> memref<64x64xf32, #tpu.memory_space<hbm>>
      %dma_start3A_280 = arith.constant 0 : i32
      %dma_start3A_281 = tpu.memref_slice %arg11[%add3A_201, %dma_start3A_280] : memref<10240x64xf32, #tpu.memory_space<vmem_shared>> -> memref<64x64xf32, #tpu.memory_space<vmem_shared>>
      tpu.enqueue_dma source(%dma_start3A_281 : memref<64x64xf32, #tpu.memory_space<vmem_shared>>) target(%dma_start3A_279 : memref<64x64xf32, #tpu.memory_space<hbm>>) target_semaphore(%run_scoped3A : memref<!tpu.dma_semaphore, #tpu.memory_space<semaphore_mem>>)
      %dma_wait3A_282 = arith.constant 0 : i32
      %dma_wait3A_283 = tpu.memref_slice %arg7[%add3A_207, %dma_wait3A_282] : memref<20480x64xf32, #tpu.memory_space<hbm>> -> memref<64x64xf32, #tpu.memory_space<hbm>>
      %dma_wait3A_284 = arith.constant 0 : i32
      %dma_wait3A_285 = tpu.memref_slice %arg11[%add3A_201, %dma_wait3A_284] : memref<10240x64xf32, #tpu.memory_space<vmem_shared>> -> memref<64x64xf32, #tpu.memory_space<vmem_shared>>
      tpu.wait_dma2 semaphore(%run_scoped3A : memref<!tpu.dma_semaphore, #tpu.memory_space<semaphore_mem>>) src(%dma_wait3A_285 : memref<64x64xf32, #tpu.memory_space<vmem_shared>>) dst(%dma_wait3A_283 : memref<64x64xf32, #tpu.memory_space<hbm>>)
      tpu.yield
    }) : () -> ()
    %mul3A_208 = arith.constant 640 : i32
    %mul3A_209 = arith.muli %arg1, %mul3A_208 : i32
    %add3A_210 = arith.constant 192 : i32
    %add3A_211 = arith.addi %mul3A_209, %add3A_210 : i32
    %mul3A_212 = arith.constant 10240 : i32
    %mul3A_213 = arith.muli %arg0, %mul3A_212 : i32
    %add3A_214 = arith.addi %mul3A_213, %add3A_211 : i32
    "tpu.region"() ({
      %run_scoped3A = tpu.sem_alloc : memref<!tpu.dma_semaphore, #tpu.memory_space<semaphore_mem>>
      %dma_start3A_278 = arith.constant 0 : i32
      %dma_start3A_279 = tpu.memref_slice %arg6[%add3A_214, %dma_start3A_278] : memref<20480x64xf32, #tpu.memory_space<hbm>> -> memref<64x64xf32, #tpu.memory_space<hbm>>
      %dma_start3A_280 = arith.constant 0 : i32
      %dma_start3A_281 = tpu.memref_slice %arg10[%add3A_211, %dma_start3A_280] : memref<10240x64xf32, #tpu.memory_space<vmem_shared>> -> memref<64x64xf32, #tpu.memory_space<vmem_shared>>
      tpu.enqueue_dma source(%dma_start3A_281 : memref<64x64xf32, #tpu.memory_space<vmem_shared>>) target(%dma_start3A_279 : memref<64x64xf32, #tpu.memory_space<hbm>>) target_semaphore(%run_scoped3A : memref<!tpu.dma_semaphore, #tpu.memory_space<semaphore_mem>>)
      %dma_wait3A_282 = arith.constant 0 : i32
      %dma_wait3A_283 = tpu.memref_slice %arg6[%add3A_214, %dma_wait3A_282] : memref<20480x64xf32, #tpu.memory_space<hbm>> -> memref<64x64xf32, #tpu.memory_space<hbm>>
      %dma_wait3A_284 = arith.constant 0 : i32
      %dma_wait3A_285 = tpu.memref_slice %arg10[%add3A_211, %dma_wait3A_284] : memref<10240x64xf32, #tpu.memory_space<vmem_shared>> -> memref<64x64xf32, #tpu.memory_space<vmem_shared>>
      tpu.wait_dma2 semaphore(%run_scoped3A : memref<!tpu.dma_semaphore, #tpu.memory_space<semaphore_mem>>) src(%dma_wait3A_285 : memref<64x64xf32, #tpu.memory_space<vmem_shared>>) dst(%dma_wait3A_283 : memref<64x64xf32, #tpu.memory_space<hbm>>)
      tpu.yield
    }) : () -> ()
    %mul3A_215 = arith.constant 10240 : i32
    %mul3A_216 = arith.muli %arg0, %mul3A_215 : i32
    %add3A_217 = arith.addi %mul3A_216, %add3A_211 : i32
    "tpu.region"() ({
      %run_scoped3A = tpu.sem_alloc : memref<!tpu.dma_semaphore, #tpu.memory_space<semaphore_mem>>
      %dma_start3A_278 = arith.constant 0 : i32
      %dma_start3A_279 = tpu.memref_slice %arg7[%add3A_217, %dma_start3A_278] : memref<20480x64xf32, #tpu.memory_space<hbm>> -> memref<64x64xf32, #tpu.memory_space<hbm>>
      %dma_start3A_280 = arith.constant 0 : i32
      %dma_start3A_281 = tpu.memref_slice %arg11[%add3A_211, %dma_start3A_280] : memref<10240x64xf32, #tpu.memory_space<vmem_shared>> -> memref<64x64xf32, #tpu.memory_space<vmem_shared>>
      tpu.enqueue_dma source(%dma_start3A_281 : memref<64x64xf32, #tpu.memory_space<vmem_shared>>) target(%dma_start3A_279 : memref<64x64xf32, #tpu.memory_space<hbm>>) target_semaphore(%run_scoped3A : memref<!tpu.dma_semaphore, #tpu.memory_space<semaphore_mem>>)
      %dma_wait3A_282 = arith.constant 0 : i32
      %dma_wait3A_283 = tpu.memref_slice %arg7[%add3A_217, %dma_wait3A_282] : memref<20480x64xf32, #tpu.memory_space<hbm>> -> memref<64x64xf32, #tpu.memory_space<hbm>>
      %dma_wait3A_284 = arith.constant 0 : i32
      %dma_wait3A_285 = tpu.memref_slice %arg11[%add3A_211, %dma_wait3A_284] : memref<10240x64xf32, #tpu.memory_space<vmem_shared>> -> memref<64x64xf32, #tpu.memory_space<vmem_shared>>
      tpu.wait_dma2 semaphore(%run_scoped3A : memref<!tpu.dma_semaphore, #tpu.memory_space<semaphore_mem>>) src(%dma_wait3A_285 : memref<64x64xf32, #tpu.memory_space<vmem_shared>>) dst(%dma_wait3A_283 : memref<64x64xf32, #tpu.memory_space<hbm>>)
      tpu.yield
    }) : () -> ()
    %mul3A_218 = arith.constant 640 : i32
    %mul3A_219 = arith.muli %arg1, %mul3A_218 : i32
    %add3A_220 = arith.constant 256 : i32
    %add3A_221 = arith.addi %mul3A_219, %add3A_220 : i32
    %mul3A_222 = arith.constant 10240 : i32
    %mul3A_223 = arith.muli %arg0, %mul3A_222 : i32
    %add3A_224 = arith.addi %mul3A_223, %add3A_221 : i32
    "tpu.region"() ({
      %run_scoped3A = tpu.sem_alloc : memref<!tpu.dma_semaphore, #tpu.memory_space<semaphore_mem>>
      %dma_start3A_278 = arith.constant 0 : i32
      %dma_start3A_279 = tpu.memref_slice %arg6[%add3A_224, %dma_start3A_278] : memref<20480x64xf32, #tpu.memory_space<hbm>> -> memref<64x64xf32, #tpu.memory_space<hbm>>
      %dma_start3A_280 = arith.constant 0 : i32
      %dma_start3A_281 = tpu.memref_slice %arg10[%add3A_221, %dma_start3A_280] : memref<10240x64xf32, #tpu.memory_space<vmem_shared>> -> memref<64x64xf32, #tpu.memory_space<vmem_shared>>
      tpu.enqueue_dma source(%dma_start3A_281 : memref<64x64xf32, #tpu.memory_space<vmem_shared>>) target(%dma_start3A_279 : memref<64x64xf32, #tpu.memory_space<hbm>>) target_semaphore(%run_scoped3A : memref<!tpu.dma_semaphore, #tpu.memory_space<semaphore_mem>>)
      %dma_wait3A_282 = arith.constant 0 : i32
      %dma_wait3A_283 = tpu.memref_slice %arg6[%add3A_224, %dma_wait3A_282] : memref<20480x64xf32, #tpu.memory_space<hbm>> -> memref<64x64xf32, #tpu.memory_space<hbm>>
      %dma_wait3A_284 = arith.constant 0 : i32
      %dma_wait3A_285 = tpu.memref_slice %arg10[%add3A_221, %dma_wait3A_284] : memref<10240x64xf32, #tpu.memory_space<vmem_shared>> -> memref<64x64xf32, #tpu.memory_space<vmem_shared>>
      tpu.wait_dma2 semaphore(%run_scoped3A : memref<!tpu.dma_semaphore, #tpu.memory_space<semaphore_mem>>) src(%dma_wait3A_285 : memref<64x64xf32, #tpu.memory_space<vmem_shared>>) dst(%dma_wait3A_283 : memref<64x64xf32, #tpu.memory_space<hbm>>)
      tpu.yield
    }) : () -> ()
    %mul3A_225 = arith.constant 10240 : i32
    %mul3A_226 = arith.muli %arg0, %mul3A_225 : i32
    %add3A_227 = arith.addi %mul3A_226, %add3A_221 : i32
    "tpu.region"() ({
      %run_scoped3A = tpu.sem_alloc : memref<!tpu.dma_semaphore, #tpu.memory_space<semaphore_mem>>
      %dma_start3A_278 = arith.constant 0 : i32
      %dma_start3A_279 = tpu.memref_slice %arg7[%add3A_227, %dma_start3A_278] : memref<20480x64xf32, #tpu.memory_space<hbm>> -> memref<64x64xf32, #tpu.memory_space<hbm>>
      %dma_start3A_280 = arith.constant 0 : i32
      %dma_start3A_281 = tpu.memref_slice %arg11[%add3A_221, %dma_start3A_280] : memref<10240x64xf32, #tpu.memory_space<vmem_shared>> -> memref<64x64xf32, #tpu.memory_space<vmem_shared>>
      tpu.enqueue_dma source(%dma_start3A_281 : memref<64x64xf32, #tpu.memory_space<vmem_shared>>) target(%dma_start3A_279 : memref<64x64xf32, #tpu.memory_space<hbm>>) target_semaphore(%run_scoped3A : memref<!tpu.dma_semaphore, #tpu.memory_space<semaphore_mem>>)
      %dma_wait3A_282 = arith.constant 0 : i32
      %dma_wait3A_283 = tpu.memref_slice %arg7[%add3A_227, %dma_wait3A_282] : memref<20480x64xf32, #tpu.memory_space<hbm>> -> memref<64x64xf32, #tpu.memory_space<hbm>>
      %dma_wait3A_284 = arith.constant 0 : i32
      %dma_wait3A_285 = tpu.memref_slice %arg11[%add3A_221, %dma_wait3A_284] : memref<10240x64xf32, #tpu.memory_space<vmem_shared>> -> memref<64x64xf32, #tpu.memory_space<vmem_shared>>
      tpu.wait_dma2 semaphore(%run_scoped3A : memref<!tpu.dma_semaphore, #tpu.memory_space<semaphore_mem>>) src(%dma_wait3A_285 : memref<64x64xf32, #tpu.memory_space<vmem_shared>>) dst(%dma_wait3A_283 : memref<64x64xf32, #tpu.memory_space<hbm>>)
      tpu.yield
    }) : () -> ()
    %mul3A_228 = arith.constant 640 : i32
    %mul3A_229 = arith.muli %arg1, %mul3A_228 : i32
    %add3A_230 = arith.constant 320 : i32
    %add3A_231 = arith.addi %mul3A_229, %add3A_230 : i32
    %mul3A_232 = arith.constant 10240 : i32
    %mul3A_233 = arith.muli %arg0, %mul3A_232 : i32
    %add3A_234 = arith.addi %mul3A_233, %add3A_231 : i32
    "tpu.region"() ({
      %run_scoped3A = tpu.sem_alloc : memref<!tpu.dma_semaphore, #tpu.memory_space<semaphore_mem>>
      %dma_start3A_278 = arith.constant 0 : i32
      %dma_start3A_279 = tpu.memref_slice %arg6[%add3A_234, %dma_start3A_278] : memref<20480x64xf32, #tpu.memory_space<hbm>> -> memref<64x64xf32, #tpu.memory_space<hbm>>
      %dma_start3A_280 = arith.constant 0 : i32
      %dma_start3A_281 = tpu.memref_slice %arg10[%add3A_231, %dma_start3A_280] : memref<10240x64xf32, #tpu.memory_space<vmem_shared>> -> memref<64x64xf32, #tpu.memory_space<vmem_shared>>
      tpu.enqueue_dma source(%dma_start3A_281 : memref<64x64xf32, #tpu.memory_space<vmem_shared>>) target(%dma_start3A_279 : memref<64x64xf32, #tpu.memory_space<hbm>>) target_semaphore(%run_scoped3A : memref<!tpu.dma_semaphore, #tpu.memory_space<semaphore_mem>>)
      %dma_wait3A_282 = arith.constant 0 : i32
      %dma_wait3A_283 = tpu.memref_slice %arg6[%add3A_234, %dma_wait3A_282] : memref<20480x64xf32, #tpu.memory_space<hbm>> -> memref<64x64xf32, #tpu.memory_space<hbm>>
      %dma_wait3A_284 = arith.constant 0 : i32
      %dma_wait3A_285 = tpu.memref_slice %arg10[%add3A_231, %dma_wait3A_284] : memref<10240x64xf32, #tpu.memory_space<vmem_shared>> -> memref<64x64xf32, #tpu.memory_space<vmem_shared>>
      tpu.wait_dma2 semaphore(%run_scoped3A : memref<!tpu.dma_semaphore, #tpu.memory_space<semaphore_mem>>) src(%dma_wait3A_285 : memref<64x64xf32, #tpu.memory_space<vmem_shared>>) dst(%dma_wait3A_283 : memref<64x64xf32, #tpu.memory_space<hbm>>)
      tpu.yield
    }) : () -> ()
    %mul3A_235 = arith.constant 10240 : i32
    %mul3A_236 = arith.muli %arg0, %mul3A_235 : i32
    %add3A_237 = arith.addi %mul3A_236, %add3A_231 : i32
    "tpu.region"() ({
      %run_scoped3A = tpu.sem_alloc : memref<!tpu.dma_semaphore, #tpu.memory_space<semaphore_mem>>
      %dma_start3A_278 = arith.constant 0 : i32
      %dma_start3A_279 = tpu.memref_slice %arg7[%add3A_237, %dma_start3A_278] : memref<20480x64xf32, #tpu.memory_space<hbm>> -> memref<64x64xf32, #tpu.memory_space<hbm>>
      %dma_start3A_280 = arith.constant 0 : i32
      %dma_start3A_281 = tpu.memref_slice %arg11[%add3A_231, %dma_start3A_280] : memref<10240x64xf32, #tpu.memory_space<vmem_shared>> -> memref<64x64xf32, #tpu.memory_space<vmem_shared>>
      tpu.enqueue_dma source(%dma_start3A_281 : memref<64x64xf32, #tpu.memory_space<vmem_shared>>) target(%dma_start3A_279 : memref<64x64xf32, #tpu.memory_space<hbm>>) target_semaphore(%run_scoped3A : memref<!tpu.dma_semaphore, #tpu.memory_space<semaphore_mem>>)
      %dma_wait3A_282 = arith.constant 0 : i32
      %dma_wait3A_283 = tpu.memref_slice %arg7[%add3A_237, %dma_wait3A_282] : memref<20480x64xf32, #tpu.memory_space<hbm>> -> memref<64x64xf32, #tpu.memory_space<hbm>>
      %dma_wait3A_284 = arith.constant 0 : i32
      %dma_wait3A_285 = tpu.memref_slice %arg11[%add3A_231, %dma_wait3A_284] : memref<10240x64xf32, #tpu.memory_space<vmem_shared>> -> memref<64x64xf32, #tpu.memory_space<vmem_shared>>
      tpu.wait_dma2 semaphore(%run_scoped3A : memref<!tpu.dma_semaphore, #tpu.memory_space<semaphore_mem>>) src(%dma_wait3A_285 : memref<64x64xf32, #tpu.memory_space<vmem_shared>>) dst(%dma_wait3A_283 : memref<64x64xf32, #tpu.memory_space<hbm>>)
      tpu.yield
    }) : () -> ()
    %mul3A_238 = arith.constant 640 : i32
    %mul3A_239 = arith.muli %arg1, %mul3A_238 : i32
    %add3A_240 = arith.constant 384 : i32
    %add3A_241 = arith.addi %mul3A_239, %add3A_240 : i32
    %mul3A_242 = arith.constant 10240 : i32
    %mul3A_243 = arith.muli %arg0, %mul3A_242 : i32
    %add3A_244 = arith.addi %mul3A_243, %add3A_241 : i32
    "tpu.region"() ({
      %run_scoped3A = tpu.sem_alloc : memref<!tpu.dma_semaphore, #tpu.memory_space<semaphore_mem>>
      %dma_start3A_278 = arith.constant 0 : i32
      %dma_start3A_279 = tpu.memref_slice %arg6[%add3A_244, %dma_start3A_278] : memref<20480x64xf32, #tpu.memory_space<hbm>> -> memref<64x64xf32, #tpu.memory_space<hbm>>
      %dma_start3A_280 = arith.constant 0 : i32
      %dma_start3A_281 = tpu.memref_slice %arg10[%add3A_241, %dma_start3A_280] : memref<10240x64xf32, #tpu.memory_space<vmem_shared>> -> memref<64x64xf32, #tpu.memory_space<vmem_shared>>
      tpu.enqueue_dma source(%dma_start3A_281 : memref<64x64xf32, #tpu.memory_space<vmem_shared>>) target(%dma_start3A_279 : memref<64x64xf32, #tpu.memory_space<hbm>>) target_semaphore(%run_scoped3A : memref<!tpu.dma_semaphore, #tpu.memory_space<semaphore_mem>>)
      %dma_wait3A_282 = arith.constant 0 : i32
      %dma_wait3A_283 = tpu.memref_slice %arg6[%add3A_244, %dma_wait3A_282] : memref<20480x64xf32, #tpu.memory_space<hbm>> -> memref<64x64xf32, #tpu.memory_space<hbm>>
      %dma_wait3A_284 = arith.constant 0 : i32
      %dma_wait3A_285 = tpu.memref_slice %arg10[%add3A_241, %dma_wait3A_284] : memref<10240x64xf32, #tpu.memory_space<vmem_shared>> -> memref<64x64xf32, #tpu.memory_space<vmem_shared>>
      tpu.wait_dma2 semaphore(%run_scoped3A : memref<!tpu.dma_semaphore, #tpu.memory_space<semaphore_mem>>) src(%dma_wait3A_285 : memref<64x64xf32, #tpu.memory_space<vmem_shared>>) dst(%dma_wait3A_283 : memref<64x64xf32, #tpu.memory_space<hbm>>)
      tpu.yield
    }) : () -> ()
    %mul3A_245 = arith.constant 10240 : i32
    %mul3A_246 = arith.muli %arg0, %mul3A_245 : i32
    %add3A_247 = arith.addi %mul3A_246, %add3A_241 : i32
    "tpu.region"() ({
      %run_scoped3A = tpu.sem_alloc : memref<!tpu.dma_semaphore, #tpu.memory_space<semaphore_mem>>
      %dma_start3A_278 = arith.constant 0 : i32
      %dma_start3A_279 = tpu.memref_slice %arg7[%add3A_247, %dma_start3A_278] : memref<20480x64xf32, #tpu.memory_space<hbm>> -> memref<64x64xf32, #tpu.memory_space<hbm>>
      %dma_start3A_280 = arith.constant 0 : i32
      %dma_start3A_281 = tpu.memref_slice %arg11[%add3A_241, %dma_start3A_280] : memref<10240x64xf32, #tpu.memory_space<vmem_shared>> -> memref<64x64xf32, #tpu.memory_space<vmem_shared>>
      tpu.enqueue_dma source(%dma_start3A_281 : memref<64x64xf32, #tpu.memory_space<vmem_shared>>) target(%dma_start3A_279 : memref<64x64xf32, #tpu.memory_space<hbm>>) target_semaphore(%run_scoped3A : memref<!tpu.dma_semaphore, #tpu.memory_space<semaphore_mem>>)
      %dma_wait3A_282 = arith.constant 0 : i32
      %dma_wait3A_283 = tpu.memref_slice %arg7[%add3A_247, %dma_wait3A_282] : memref<20480x64xf32, #tpu.memory_space<hbm>> -> memref<64x64xf32, #tpu.memory_space<hbm>>
      %dma_wait3A_284 = arith.constant 0 : i32
      %dma_wait3A_285 = tpu.memref_slice %arg11[%add3A_241, %dma_wait3A_284] : memref<10240x64xf32, #tpu.memory_space<vmem_shared>> -> memref<64x64xf32, #tpu.memory_space<vmem_shared>>
      tpu.wait_dma2 semaphore(%run_scoped3A : memref<!tpu.dma_semaphore, #tpu.memory_space<semaphore_mem>>) src(%dma_wait3A_285 : memref<64x64xf32, #tpu.memory_space<vmem_shared>>) dst(%dma_wait3A_283 : memref<64x64xf32, #tpu.memory_space<hbm>>)
      tpu.yield
    }) : () -> ()
    %mul3A_248 = arith.constant 640 : i32
    %mul3A_249 = arith.muli %arg1, %mul3A_248 : i32
    %add3A_250 = arith.constant 448 : i32
    %add3A_251 = arith.addi %mul3A_249, %add3A_250 : i32
    %mul3A_252 = arith.constant 10240 : i32
    %mul3A_253 = arith.muli %arg0, %mul3A_252 : i32
    %add3A_254 = arith.addi %mul3A_253, %add3A_251 : i32
    "tpu.region"() ({
      %run_scoped3A = tpu.sem_alloc : memref<!tpu.dma_semaphore, #tpu.memory_space<semaphore_mem>>
      %dma_start3A_278 = arith.constant 0 : i32
      %dma_start3A_279 = tpu.memref_slice %arg6[%add3A_254, %dma_start3A_278] : memref<20480x64xf32, #tpu.memory_space<hbm>> -> memref<64x64xf32, #tpu.memory_space<hbm>>
      %dma_start3A_280 = arith.constant 0 : i32
      %dma_start3A_281 = tpu.memref_slice %arg10[%add3A_251, %dma_start3A_280] : memref<10240x64xf32, #tpu.memory_space<vmem_shared>> -> memref<64x64xf32, #tpu.memory_space<vmem_shared>>
      tpu.enqueue_dma source(%dma_start3A_281 : memref<64x64xf32, #tpu.memory_space<vmem_shared>>) target(%dma_start3A_279 : memref<64x64xf32, #tpu.memory_space<hbm>>) target_semaphore(%run_scoped3A : memref<!tpu.dma_semaphore, #tpu.memory_space<semaphore_mem>>)
      %dma_wait3A_282 = arith.constant 0 : i32
      %dma_wait3A_283 = tpu.memref_slice %arg6[%add3A_254, %dma_wait3A_282] : memref<20480x64xf32, #tpu.memory_space<hbm>> -> memref<64x64xf32, #tpu.memory_space<hbm>>
      %dma_wait3A_284 = arith.constant 0 : i32
      %dma_wait3A_285 = tpu.memref_slice %arg10[%add3A_251, %dma_wait3A_284] : memref<10240x64xf32, #tpu.memory_space<vmem_shared>> -> memref<64x64xf32, #tpu.memory_space<vmem_shared>>
      tpu.wait_dma2 semaphore(%run_scoped3A : memref<!tpu.dma_semaphore, #tpu.memory_space<semaphore_mem>>) src(%dma_wait3A_285 : memref<64x64xf32, #tpu.memory_space<vmem_shared>>) dst(%dma_wait3A_283 : memref<64x64xf32, #tpu.memory_space<hbm>>)
      tpu.yield
    }) : () -> ()
    %mul3A_255 = arith.constant 10240 : i32
    %mul3A_256 = arith.muli %arg0, %mul3A_255 : i32
    %add3A_257 = arith.addi %mul3A_256, %add3A_251 : i32
    "tpu.region"() ({
      %run_scoped3A = tpu.sem_alloc : memref<!tpu.dma_semaphore, #tpu.memory_space<semaphore_mem>>
      %dma_start3A_278 = arith.constant 0 : i32
      %dma_start3A_279 = tpu.memref_slice %arg7[%add3A_257, %dma_start3A_278] : memref<20480x64xf32, #tpu.memory_space<hbm>> -> memref<64x64xf32, #tpu.memory_space<hbm>>
      %dma_start3A_280 = arith.constant 0 : i32
      %dma_start3A_281 = tpu.memref_slice %arg11[%add3A_251, %dma_start3A_280] : memref<10240x64xf32, #tpu.memory_space<vmem_shared>> -> memref<64x64xf32, #tpu.memory_space<vmem_shared>>
      tpu.enqueue_dma source(%dma_start3A_281 : memref<64x64xf32, #tpu.memory_space<vmem_shared>>) target(%dma_start3A_279 : memref<64x64xf32, #tpu.memory_space<hbm>>) target_semaphore(%run_scoped3A : memref<!tpu.dma_semaphore, #tpu.memory_space<semaphore_mem>>)
      %dma_wait3A_282 = arith.constant 0 : i32
      %dma_wait3A_283 = tpu.memref_slice %arg7[%add3A_257, %dma_wait3A_282] : memref<20480x64xf32, #tpu.memory_space<hbm>> -> memref<64x64xf32, #tpu.memory_space<hbm>>
      %dma_wait3A_284 = arith.constant 0 : i32
      %dma_wait3A_285 = tpu.memref_slice %arg11[%add3A_251, %dma_wait3A_284] : memref<10240x64xf32, #tpu.memory_space<vmem_shared>> -> memref<64x64xf32, #tpu.memory_space<vmem_shared>>
      tpu.wait_dma2 semaphore(%run_scoped3A : memref<!tpu.dma_semaphore, #tpu.memory_space<semaphore_mem>>) src(%dma_wait3A_285 : memref<64x64xf32, #tpu.memory_space<vmem_shared>>) dst(%dma_wait3A_283 : memref<64x64xf32, #tpu.memory_space<hbm>>)
      tpu.yield
    }) : () -> ()
    %mul3A_258 = arith.constant 640 : i32
    %mul3A_259 = arith.muli %arg1, %mul3A_258 : i32
    %add3A_260 = arith.constant 512 : i32
    %add3A_261 = arith.addi %mul3A_259, %add3A_260 : i32
    %mul3A_262 = arith.constant 10240 : i32
    %mul3A_263 = arith.muli %arg0, %mul3A_262 : i32
    %add3A_264 = arith.addi %mul3A_263, %add3A_261 : i32
    "tpu.region"() ({
      %run_scoped3A = tpu.sem_alloc : memref<!tpu.dma_semaphore, #tpu.memory_space<semaphore_mem>>
      %dma_start3A_278 = arith.constant 0 : i32
      %dma_start3A_279 = tpu.memref_slice %arg6[%add3A_264, %dma_start3A_278] : memref<20480x64xf32, #tpu.memory_space<hbm>> -> memref<64x64xf32, #tpu.memory_space<hbm>>
      %dma_start3A_280 = arith.constant 0 : i32
      %dma_start3A_281 = tpu.memref_slice %arg10[%add3A_261, %dma_start3A_280] : memref<10240x64xf32, #tpu.memory_space<vmem_shared>> -> memref<64x64xf32, #tpu.memory_space<vmem_shared>>
      tpu.enqueue_dma source(%dma_start3A_281 : memref<64x64xf32, #tpu.memory_space<vmem_shared>>) target(%dma_start3A_279 : memref<64x64xf32, #tpu.memory_space<hbm>>) target_semaphore(%run_scoped3A : memref<!tpu.dma_semaphore, #tpu.memory_space<semaphore_mem>>)
      %dma_wait3A_282 = arith.constant 0 : i32
      %dma_wait3A_283 = tpu.memref_slice %arg6[%add3A_264, %dma_wait3A_282] : memref<20480x64xf32, #tpu.memory_space<hbm>> -> memref<64x64xf32, #tpu.memory_space<hbm>>
      %dma_wait3A_284 = arith.constant 0 : i32
      %dma_wait3A_285 = tpu.memref_slice %arg10[%add3A_261, %dma_wait3A_284] : memref<10240x64xf32, #tpu.memory_space<vmem_shared>> -> memref<64x64xf32, #tpu.memory_space<vmem_shared>>
      tpu.wait_dma2 semaphore(%run_scoped3A : memref<!tpu.dma_semaphore, #tpu.memory_space<semaphore_mem>>) src(%dma_wait3A_285 : memref<64x64xf32, #tpu.memory_space<vmem_shared>>) dst(%dma_wait3A_283 : memref<64x64xf32, #tpu.memory_space<hbm>>)
      tpu.yield
    }) : () -> ()
    %mul3A_265 = arith.constant 10240 : i32
    %mul3A_266 = arith.muli %arg0, %mul3A_265 : i32
    %add3A_267 = arith.addi %mul3A_266, %add3A_261 : i32
    "tpu.region"() ({
      %run_scoped3A = tpu.sem_alloc : memref<!tpu.dma_semaphore, #tpu.memory_space<semaphore_mem>>
      %dma_start3A_278 = arith.constant 0 : i32
      %dma_start3A_279 = tpu.memref_slice %arg7[%add3A_267, %dma_start3A_278] : memref<20480x64xf32, #tpu.memory_space<hbm>> -> memref<64x64xf32, #tpu.memory_space<hbm>>
      %dma_start3A_280 = arith.constant 0 : i32
      %dma_start3A_281 = tpu.memref_slice %arg11[%add3A_261, %dma_start3A_280] : memref<10240x64xf32, #tpu.memory_space<vmem_shared>> -> memref<64x64xf32, #tpu.memory_space<vmem_shared>>
      tpu.enqueue_dma source(%dma_start3A_281 : memref<64x64xf32, #tpu.memory_space<vmem_shared>>) target(%dma_start3A_279 : memref<64x64xf32, #tpu.memory_space<hbm>>) target_semaphore(%run_scoped3A : memref<!tpu.dma_semaphore, #tpu.memory_space<semaphore_mem>>)
      %dma_wait3A_282 = arith.constant 0 : i32
      %dma_wait3A_283 = tpu.memref_slice %arg7[%add3A_267, %dma_wait3A_282] : memref<20480x64xf32, #tpu.memory_space<hbm>> -> memref<64x64xf32, #tpu.memory_space<hbm>>
      %dma_wait3A_284 = arith.constant 0 : i32
      %dma_wait3A_285 = tpu.memref_slice %arg11[%add3A_261, %dma_wait3A_284] : memref<10240x64xf32, #tpu.memory_space<vmem_shared>> -> memref<64x64xf32, #tpu.memory_space<vmem_shared>>
      tpu.wait_dma2 semaphore(%run_scoped3A : memref<!tpu.dma_semaphore, #tpu.memory_space<semaphore_mem>>) src(%dma_wait3A_285 : memref<64x64xf32, #tpu.memory_space<vmem_shared>>) dst(%dma_wait3A_283 : memref<64x64xf32, #tpu.memory_space<hbm>>)
      tpu.yield
    }) : () -> ()
    %mul3A_268 = arith.constant 640 : i32
    %mul3A_269 = arith.muli %arg1, %mul3A_268 : i32
    %add3A_270 = arith.constant 576 : i32
    %add3A_271 = arith.addi %mul3A_269, %add3A_270 : i32
    %mul3A_272 = arith.constant 10240 : i32
    %mul3A_273 = arith.muli %arg0, %mul3A_272 : i32
    %add3A_274 = arith.addi %mul3A_273, %add3A_271 : i32
    "tpu.region"() ({
      %run_scoped3A = tpu.sem_alloc : memref<!tpu.dma_semaphore, #tpu.memory_space<semaphore_mem>>
      %dma_start3A_278 = arith.constant 0 : i32
      %dma_start3A_279 = tpu.memref_slice %arg6[%add3A_274, %dma_start3A_278] : memref<20480x64xf32, #tpu.memory_space<hbm>> -> memref<64x64xf32, #tpu.memory_space<hbm>>
      %dma_start3A_280 = arith.constant 0 : i32
      %dma_start3A_281 = tpu.memref_slice %arg10[%add3A_271, %dma_start3A_280] : memref<10240x64xf32, #tpu.memory_space<vmem_shared>> -> memref<64x64xf32, #tpu.memory_space<vmem_shared>>
      tpu.enqueue_dma source(%dma_start3A_281 : memref<64x64xf32, #tpu.memory_space<vmem_shared>>) target(%dma_start3A_279 : memref<64x64xf32, #tpu.memory_space<hbm>>) target_semaphore(%run_scoped3A : memref<!tpu.dma_semaphore, #tpu.memory_space<semaphore_mem>>)
      %dma_wait3A_282 = arith.constant 0 : i32
      %dma_wait3A_283 = tpu.memref_slice %arg6[%add3A_274, %dma_wait3A_282] : memref<20480x64xf32, #tpu.memory_space<hbm>> -> memref<64x64xf32, #tpu.memory_space<hbm>>
      %dma_wait3A_284 = arith.constant 0 : i32
      %dma_wait3A_285 = tpu.memref_slice %arg10[%add3A_271, %dma_wait3A_284] : memref<10240x64xf32, #tpu.memory_space<vmem_shared>> -> memref<64x64xf32, #tpu.memory_space<vmem_shared>>
      tpu.wait_dma2 semaphore(%run_scoped3A : memref<!tpu.dma_semaphore, #tpu.memory_space<semaphore_mem>>) src(%dma_wait3A_285 : memref<64x64xf32, #tpu.memory_space<vmem_shared>>) dst(%dma_wait3A_283 : memref<64x64xf32, #tpu.memory_space<hbm>>)
      tpu.yield
    }) : () -> ()
    %mul3A_275 = arith.constant 10240 : i32
    %mul3A_276 = arith.muli %arg0, %mul3A_275 : i32
    %add3A_277 = arith.addi %mul3A_276, %add3A_271 : i32
    "tpu.region"() ({
      %run_scoped3A = tpu.sem_alloc : memref<!tpu.dma_semaphore, #tpu.memory_space<semaphore_mem>>
      %dma_start3A_278 = arith.constant 0 : i32
      %dma_start3A_279 = tpu.memref_slice %arg7[%add3A_277, %dma_start3A_278] : memref<20480x64xf32, #tpu.memory_space<hbm>> -> memref<64x64xf32, #tpu.memory_space<hbm>>
      %dma_start3A_280 = arith.constant 0 : i32
      %dma_start3A_281 = tpu.memref_slice %arg11[%add3A_271, %dma_start3A_280] : memref<10240x64xf32, #tpu.memory_space<vmem_shared>> -> memref<64x64xf32, #tpu.memory_space<vmem_shared>>
      tpu.enqueue_dma source(%dma_start3A_281 : memref<64x64xf32, #tpu.memory_space<vmem_shared>>) target(%dma_start3A_279 : memref<64x64xf32, #tpu.memory_space<hbm>>) target_semaphore(%run_scoped3A : memref<!tpu.dma_semaphore, #tpu.memory_space<semaphore_mem>>)
      %dma_wait3A_282 = arith.constant 0 : i32
      %dma_wait3A_283 = tpu.memref_slice %arg7[%add3A_277, %dma_wait3A_282] : memref<20480x64xf32, #tpu.memory_space<hbm>> -> memref<64x64xf32, #tpu.memory_space<hbm>>
      %dma_wait3A_284 = arith.constant 0 : i32
      %dma_wait3A_285 = tpu.memref_slice %arg11[%add3A_271, %dma_wait3A_284] : memref<10240x64xf32, #tpu.memory_space<vmem_shared>> -> memref<64x64xf32, #tpu.memory_space<vmem_shared>>
      tpu.wait_dma2 semaphore(%run_scoped3A : memref<!tpu.dma_semaphore, #tpu.memory_space<semaphore_mem>>) src(%dma_wait3A_285 : memref<64x64xf32, #tpu.memory_space<vmem_shared>>) dst(%dma_wait3A_283 : memref<64x64xf32, #tpu.memory_space<hbm>>)
      tpu.yield
    }) : () -> ()
    return
  }
}

module attributes {stable_mosaic.version = 14 : i64} {
  func.func @_proj_body(%arg0: i32, %arg1: i32, %arg2: memref<400x256xf32, #tpu.memory_space<vmem>>, %arg3: memref<1x256x128xf32, #tpu.memory_space<vmem>>, %arg4: memref<1x8x128xf32, #tpu.memory_space<vmem>>, %arg5: memref<1x400x128xbf16, #tpu.memory_space<vmem>>) attributes {dimension_semantics = [#tpu.dimension_semantics<arbitrary>, #tpu.dimension_semantics<arbitrary>], iteration_bounds = array<i64: 25, 6>, scalar_prefetch = 0 : i64, scratch_operands = 0 : i64, tpu.core_type = #tpu.core_type<tc>, window_params = [{transform_indices = @transform_0, window_bounds = array<i64: 400, 256>}, {transform_indices = @transform_1, window_bounds = array<i64: 1, 256, 128>}, {transform_indices = @transform_2, window_bounds = array<i64: 1, 8, 128>}, {transform_indices = @transform_3, window_bounds = array<i64: 1, 400, 128>}]} {
    %get3A = arith.constant 0 : index
    %get3A_0 = arith.constant 0 : index
    %get3A_1 = vector.load %arg2[%get3A, %get3A_0] : memref<400x256xf32, #tpu.memory_space<vmem>>, vector<400x256xf32>
    %get3A_2 = arith.constant 0 : index
    %get3A_3 = arith.constant 0 : index
    %get3A_4 = arith.constant 0 : index
    %get3A_5 = vector.load %arg3[%get3A_2, %get3A_3, %get3A_4] : memref<1x256x128xf32, #tpu.memory_space<vmem>>, vector<1x256x128xf32>
    %get3A_6 = vector.shape_cast %get3A_5 : vector<1x256x128xf32> to vector<256x128xf32>
    %dot_general3A = arith.constant dense<0.000000e+00> : vector<400x128xf32>
    %dot_general3A_7 = tpu.matmul %get3A_1, %get3A_6, %dot_general3A {dimension_numbers = #tpu.dot_dimension_numbers<[1], [0], [0], [1], [0, 0, 1, 1], [], []>, transpose_lhs_hint = false} : vector<400x256xf32>, vector<256x128xf32>, vector<400x128xf32> -> vector<400x128xf32>
    %get3A_8 = arith.constant 0 : index
    %get3A_9 = arith.constant 0 : index
    %get3A_10 = arith.constant 0 : index
    %get3A_11 = vector.load %arg4[%get3A_8, %get3A_9, %get3A_10] : memref<1x8x128xf32, #tpu.memory_space<vmem>>, vector<1x1x128xf32>
    %get3A_12 = vector.shape_cast %get3A_11 : vector<1x1x128xf32> to vector<1x128xf32>
    %add3A = vector.broadcast %get3A_12 : vector<1x128xf32> to vector<400x128xf32>
    %add3A_13 = arith.addf %dot_general3A_7, %add3A : vector<400x128xf32>
    %convert_element_type3A = arith.truncf %add3A_13 : vector<400x128xf32> to vector<400x128xbf16>
    %swap3A = arith.constant 0 : index
    %swap3A_14 = arith.constant 0 : index
    %swap3A_15 = arith.constant 0 : index
    %swap3A_16 = vector.load %arg5[%swap3A, %swap3A_14, %swap3A_15] : memref<1x400x128xbf16, #tpu.memory_space<vmem>>, vector<1x400x128xbf16>
    %swap3A_17 = vector.shape_cast %swap3A_16 : vector<1x400x128xbf16> to vector<400x128xbf16>
    %swap3A_18 = vector.shape_cast %convert_element_type3A : vector<400x128xbf16> to vector<1x400x128xbf16>
    tpu.vector_store %arg5[%swap3A, %swap3A_14, %swap3A_15], %swap3A_18 {strides = array<i32>} : memref<1x400x128xbf16, #tpu.memory_space<vmem>>, vector<1x400x128xbf16>,
    return
  }
  func.func @transform_0(%arg0: i32, %arg1: i32) -> (i32, i32) {
    %c0_i32 = arith.constant 0 : i32
    %c0_i32_0 = arith.constant 0 : i32
    return %arg0, %c0_i32 : i32, i32
  }
  func.func @transform_1(%arg0: i32, %arg1: i32) -> (i32, i32, i32) {
    %c0_i32 = arith.constant 0 : i32
    %c0_i32_0 = arith.constant 0 : i32
    %c0_i32_1 = arith.constant 0 : i32
    return %arg1, %c0_i32, %c0_i32_0 : i32, i32, i32
  }
  func.func @transform_2(%arg0: i32, %arg1: i32) -> (i32, i32, i32) {
    %c0_i32 = arith.constant 0 : i32
    %c0_i32_0 = arith.constant 0 : i32
    %c0_i32_1 = arith.constant 0 : i32
    return %arg1, %c0_i32, %c0_i32_0 : i32, i32, i32
  }
  func.func @transform_3(%arg0: i32, %arg1: i32) -> (i32, i32, i32) {
    %c0_i32 = arith.constant 0 : i32
    %c0_i32_0 = arith.constant 0 : i32
    return %arg1, %arg0, %c0_i32 : i32, i32, i32
  }
}

</mosaic_0001>

<sc_bundles>
// kernel: kernel.4.cloned.1.call-start
scs
__scs_entry_jumppad:
0x0: {  	(pc) =	sbr.rel $0x88, $3  }
0x1: {  	(tag) =	ssettag $0x0;
	lr =	simm.s32 $0x1  }
0x2: {  	[smem:$0x3F98] =	sst lr;
	_ =	strace $0xD0000000  }
0x3: {  	_ = 	snop  }
0x4: {  	_ = 	snop  }
0x5: {  	_ = 	snop  }
0x6: {  	_ = 	snop  }
0x7: {  	_ = 	snop  }
__scs_overlays_trampoline_lowered:
0x8: {  	[smem:$0x3FA7] =	sst s0  }
0x9: {  	[smem:$0x3FA8] =	sst s1  }
0xa: {  	[smem:$0x3FA9] =	sst s2  }
0xb: {  	[smem:$0x3FAA] =	sst s3  }
0xc: {  	[smem:$0x3FAB] =	sst s4  }
0xd: {  	[smem:$0x3FAC] =	sst s5  }
0xe: {  	[smem:$0x3FAD] =	sst s6  }
0xf: {  	[smem:$0x3FAE] =	sst s7  }
0x10: {  	[smem:$0x3FAF] =	sst s8  }
0x11: {  	[smem:$0x3FB0] =	sst s9;
	s0 =	simm.s32 @!p0 $0x0  }
0x12: {  	s1 =	sld [smem:$0x3F96];
	s0 =	simm.s32 @p0 $0x1  }
0x13: {  	[smem:$0x3FB1] =	sst s0;
	s0 =	simm.s32 @!p1 $0x0  }
0x14: {  	s2 =	sld [smem:$0x3F95];
	s0 =	simm.s32 @p1 $0x1  }
0x15: {  	[smem:$0x3FB2] =	sst s0;
	s0 =	simm.s32 @!p2 $0x0  }
0x16: {  	s3 =	sld [smem:$0x3FDB];
	s0 =	simm.s32 @p2 $0x1  }
0x17: {  	s4 =	simm.s32 $0x1BF5;
	[smem:$0x3FB4] =	sst s0  }
0x18: {  	s0 =	sld [smem:$0x3F97];
	_ =	swait.ge [sflag:s4], $0x0  }
0x19: {  	s7 =	sld [smem:$0x3F98]  }
0x1a: {  	s8 =	sadd.s32 $0xFFFFE003, lr  }
0x1b: {  	s9 =	sadd.s32 $0xFFFFFEF7, lr;
	s5 =	simm.s32 $0xFFFFFFFF;
	p2 =	slt.u32 s8, $0xFFFFF086  }
0x1c: {  	p1 =	slt.u32 s9, $0xF7A;
	s5 =	simm.s32 @!p2 $0x0  }
0x1d: {  	s5 =	simm.s32 @p1 $0x1;
	p0 =	seq.s32 s7, s2  }
0x1e: {  	s7 =	smul.u32 @!p0 $0xF7A, s2;
	p2 =	seq.s32 @!p0 s5, $0x0  }
0x1f: {  	s9 =	smul.u32 $0xF7A, s1;
	s8 =	simm.s32 @!p0 $0x1BF5;
	p2 =	por !p2, p0  }
0x20: {  	[sflag:s8] =	ssyncset.s32 @!p0 $0xFFFFF086;
	s6 =	sadd.s32 @!p0 s3, s7;
	s7 =	simm.s32 @!p0 $0x108  }
0x21: {  	s3 =	sadd.s32 s3, s9;
	s6 =	sadd.s32 @!p0 $0x88, s6;
	s7 =	simm.s32 @p2 $0x1082  }
0x22: {  	[simem:s7], [sflag:s8] =	dma.local @!p0 [hbm:s6], $0xF7A  }
0x23: {  	s9 =	sor.u32 $0xD0000000, s2;
	s6 =	simm.s32 $0x108;
	_ =	swait.ge @!p0 [sflag:s8], $0x0  }
0x24: {  	s3 =	sadd.s32 $0x88, s3;
	s6 =	simm.s32 @!p1 $0x1082;
	[sflag:s4] =	ssyncset.s32 $0xFFFFF086  }
0x25: {  	[simem:s6], [sflag:s4] =	dma.local [hbm:s3], $0xF7A  }
0x26: {  	[smem:$0x3F98] =	sst s1;
	(tag) =	ssettag s2;
	_ =	strace s9  }
0x27: {  	s1 =	sld [smem:$0x3FA8]  }
0x28: {  	s2 =	sld [smem:$0x3FA9]  }
0x29: {  	s4 =	sld [smem:$0x3FAB]  }
0x2a: {  	p0 =	seq.s32 s5, $0x0;
	s5 =	sld [smem:$0x3FAC]  }
0x2b: {  	s6 =	sld [smem:$0x3FAD]  }
0x2c: {  	s7 =	sld [smem:$0x3FAE]  }
0x2d: {  	s3 =	simm.s32 $0x108;
	s8 =	sld [smem:$0x3FAF]  }
0x2e: {  	s3 =	simm.s32 @!p0 $0x1082;
	s9 =	sld [smem:$0x3FB0]  }
0x2f: {  	lr =	sadd.s32 s0, s3;
	s0 =	sld [smem:$0x3FA7]  }
0x30: {  	s3 =	sld [smem:$0x3FAA]  }
0x31: {  	[smem:$0x3FB3] =	sst s10  }
0x32: {  	s10 =	sld [smem:$0x3FB1];
	_ =	sdelay $0x3  }
0x33: {  	p0 =	seq.s32 s10, $0x1;
	s10 =	sld [smem:$0x3FB3];
	_ =	sdelay $0x3  }
0x34: {  	[smem:$0x3FB3] =	sst s10  }
0x35: {  	s10 =	sld [smem:$0x3FB2];
	_ =	sdelay $0x3  }
0x36: {  	p1 =	seq.s32 s10, $0x1;
	s10 =	sld [smem:$0x3FB3];
	_ =	sdelay $0x3  }
0x37: {  	[smem:$0x3FB3] =	sst s10  }
0x38: {  	s10 =	sld [smem:$0x3FB4]  }
0x39: {  	_ = 	snop;
	(pc) =	sbr.ind lr, $3  }
0x3a: {  	_ = 	snop  }
0x3b: {  	_ = 	snop  }
0x3c: {  	p2 =	seq.s32 s10, $0x1;
	s10 =	sld [smem:$0x3FB3]  }
0x3d: {  	_ =	shalt  }
0x3e: {  	_ =	shalt  }
0x3f: {  	_ =	shalt  }
0x40: {  	_ =	shalt  }
0x41: {  	_ =	shalt  }
0x42: {  	_ =	shalt  }
0x43: {  	_ =	shalt  }
0x44: {  	_ =	shalt  }
0x45: {  	_ =	shalt  }
0x46: {  	_ =	shalt  }
0x47: {  	_ =	shalt  }
0x48: {  	_ =	shalt  }
0x49: {  	_ =	shalt  }
0x4a: {  	_ =	shalt  }
0x4b: {  	_ =	shalt  }
0x4c: {  	_ =	shalt  }
0x4d: {  	_ =	shalt  }
0x4e: {  	_ =	shalt  }
0x4f: {  	_ =	shalt  }
0x50: {  	_ =	shalt  }
0x51: {  	_ =	shalt  }
0x52: {  	_ =	shalt  }
0x53: {  	_ =	shalt  }
0x54: {  	_ =	shalt  }
0x55: {  	_ =	shalt  }
0x56: {  	_ =	shalt  }
0x57: {  	_ =	shalt  }
0x58: {  	_ =	shalt  }
0x59: {  	_ =	shalt  }
0x5a: {  	_ =	shalt  }
0x5b: {  	_ =	shalt  }
0x5c: {  	_ =	shalt  }
0x5d: {  	_ =	shalt  }
0x5e: {  	_ =	shalt  }
0x5f: {  	_ =	shalt  }
0x60: {  	_ =	shalt  }
0x61: {  	_ =	shalt  }
0x62: {  	_ =	shalt  }
0x63: {  	_ =	shalt  }
0x64: {  	_ =	shalt  }
0x65: {  	_ =	shalt  }
0x66: {  	_ =	shalt  }
0x67: {  	_ =	shalt  }
0x68: {  	_ =	shalt  }
0x69: {  	_ =	shalt  }
0x6a: {  	_ =	shalt  }
0x6b: {  	_ =	shalt  }
0x6c: {  	_ =	shalt  }
0x6d: {  	_ =	shalt  }
0x6e: {  	_ =	shalt  }
0x6f: {  	_ =	shalt  }
0x70: {  	_ =	shalt  }
0x71: {  	_ =	shalt  }
0x72: {  	_ =	shalt  }
0x73: {  	_ =	shalt  }
0x74: {  	_ =	shalt  }
0x75: {  	_ =	shalt  }
0x76: {  	_ =	shalt  }
0x77: {  	_ =	shalt  }
0x78: {  	_ =	shalt  }
0x79: {  	_ =	shalt  }
0x7a: {  	_ =	shalt  }
0x7b: {  	_ =	shalt  }
0x7c: {  	_ =	shalt  }
0x7d: {  	_ =	shalt  }
0x7e: {  	_ =	shalt  }
0x7f: {  	_ =	shalt  }
0x80: {  	_ =	shalt  }
0x81: {  	_ =	shalt  }
0x82: {  	_ =	shalt  }
0x83: {  	_ =	shalt  }
0x84: {  	_ =	shalt  }
0x85: {  	_ =	shalt  }
0x86: {  	_ =	shalt  }
0x87: {  	_ =	shalt  }
.Lfunc_end0:
.L_simem_size_0:
called_computation_lowered:
.L_overlay_start_0:
0x88: {  	s2 =	sld [smem:$0x3FD9]  }
0x89: {  	s3 =	sld [smem:$0x3FFE];
	_ =	sdelay $0x1  }
0x8a: {  	s1 =	srdreg.scid  }
0x8b: {  	s0 =	sand.u32 $0x1, s1  }
0x8c: {  	s17 =	sshll.u32 s0, $0xA;
	s2 =	sadd.s32 s3, s2  }
0x8d: {  	s2 =	sadd.s32 s2, s17  }
0x8e: {  	[smem:$0x3FBF] =	sst s2  }
0x8f: {  	_ = 	snop  }
0x90: {  	s2 =	sld [smem:$0x3FD0];
	(tm) =	ssettm $0x1  }
0x91: {  	s18 =	sld [smem:$0x3FFB];
	_ =	sdelay $0x3  }
0x92: {  	_ =	strace s18  }
0x93: {  	s3 =	sld [smem:$0x3FFC];
	_ =	sdelay $0x3  }
0x94: {  	_ =	strace s3  }
0x95: {  	s3 =	sld [smem:$0x3FFD];
	_ =	sdelay $0x3  }
0x96: {  	_ =	strace s3  }
0x97: {  	_ =	strace $0x8FFFFFFF  }
0x98: {  	s19 =	sld [smem:$0x3FDB];
	_ =	sdelay $0x1  }
0x99: {  	s4 =	simm.s32 $_scs_section_size  }
0x9a: {  	s5 =	simm.s32 $_size__tile_overlayer_lowered;
	s6 =	simm.s32 $_tile_overlayer_lowered  }
0x9b: {  	s22 =	simm.s32 $0x1BFF;
	s21 =	sshll.u32 s6, $0x1;
	s3 =	sadd.s32 s4, s19  }
0x9c: {  	s7 =	simm.s32 $0x0;
	s20 =	sshll.u32 s5, $0x1;
	s5 =	sadd.s32 s21, s3  }
0x9d: {  	[timem:s7], [sflag:s22] =	dma.local [hbm:s5], s20  }
0x9e: {  	_ =	swait.ge [sflag:s22], s20  }
0x9f: {  	s4 =	ssub.s32 $0x0, s20;
	[sflag:s22] =	ssyncset.done $0x0  }
0xa0: {  	[sflag:s22] =	ssyncadd.s32 s4;
	_ =	sdelay $0x1  }
0xa1: {  	s23 =	simm.s32 $0x1B8B  }
0xa2: {  	_ =	swait.ge [sflag:s23], $0x1  }
0xa3: {  	[sflag:s23] =	ssyncset.done $0x0  }
0xa4: {  	s25 =	simm.s32 $0x1B8E;
	s24 =	sld [smem:$0x3FFE];
	[sflag:s23] =	ssyncadd.s32 $0xFFFFFFFF  }
0xa5: {  	s26 =	simm.s32 $execute0_lowered;
	[smem:$0x3FD2] =	sst s25  }
0xa6: {  	s5 =	sshll.u32 s26, $0x1;
	_ =	strace $0x80000046;
	[dreg:$0x1] =	wrdreg $0xFFFFFFFF  }
0xa7: {  	s28 =	simm.s32 $_size_execute0_lowered;
	s3 =	sadd.s32 s3, s5;
	[dreg:$0x0] =	wrdreg $0x0  }
0xa8: {  	s5 =	sshll.u32 s28, $0x1;
	[dreg:$0x2] =	wrdreg s3  }
0xa9: {  	[dreg:$0x3] =	wrdreg s5  }
0xaa: {  	[dreg:$0x4] =	wrdreg $0xC0  }
0xab: {  	_ =	task [dreg:s7], $0x5FFFF  }
0xac: {  	[dreg:$0x1] =	wrdreg $0xFFFFFFFF  }
0xad: {  	[dreg:$0x0] =	wrdreg $0x60  }
0xae: {  	[dreg:$0x2] =	wrdreg s24  }
0xaf: {  	[dreg:$0x3] =	wrdreg s2  }
0xb0: {  	[dreg:$0x4] =	wrdreg $0x28000  }
0xb1: {  	[dreg:$0x5] =	wrdreg $0xC8000  }
0xb2: {  	[dreg:$0x6] =	wrdreg $0x0  }
0xb3: {  	[dreg:$0x7] =	wrdreg $0x9  }
0xb4: {  	_ =	task.clear_ibuf [dreg:s7], $0x8FFFF;
	_ =	strace $0x90000046  }
0xb5: {  	s29 =	simm.s32 $0x9;
	_ =	strace $0x80000048  }
0xb6: {  	_ =	swait.ge [sflag:s29], $0x1  }
0xb7: {  	[sflag:s29] =	ssyncadd.s32 $0xFFFFFFFF  }
0xb8: {  	_ =	strace $0x90000048  }
0xb9: {  	_ =	sfence  }
0xba: {  	s30 =	sld [smem:$0x0];
	_ =	sdelay $0x2  }
0xbb: {  	s31 =	sshll.u32 s1, $0xD;
	s1 =	sshrl.u32 s1, $0x2  }
0xbc: {  	s3 =	sand.u32 $0x4000, s31;
	s1 =	sadd.s32 s1, s30  }
0xbd: {  	s0 =	sor.u32 s3, s0;
	s1 =	sshll.u32 s1, $0x11  }
0xbe: {  	s0 =	sor.u32 s1, s0  }
0xbf: {  	s0 =	sadd.s32 $0x8F2B, s0  }
0xc0: {  	[sflag:s0] =	ssyncadd.remote.s32 $0x1  }
0xc1: {  	_ =	sfence.sel $0xFFFF  }
0xc2: {  	[dreg:$0x0] =	wrdreg $0xFFFFFFFF;
	(pc) =	sbr.abs _section_cstart, $3  }
0xc3: {  	[dreg:$0x1] =	wrdreg $0xFFFFFFFF  }
0xc4: {  	_ =	task.clear_ibuf [dreg:s7], $0x2FFFF;
	_ =	strace $0x9FFFFFFF  }
0xc5: {  	(tm) =	ssettm $0x7FFFFFFF  }
tec
execute0_lowered:
.L_overlay_start_1:
0x0: {  	(tag) =	ssettag $0x1  }
0x1: {  	s8 =	rddreg [dreg:$0x0];
	s0 =	srdreg.scid  }
0x2: {  	s12 =	rddreg [dreg:$0x1];
	s18 =	stileid.u32  }
0x3: {  	s3 =	simm.s32 $0x0;
	s1 =	sand.u32 $0x1, s0;
	s2 =	smul.u32 $0x280, s18  }
0x4: {  	[smem:$0x7FF] =	sst s3;
	s13 =	sadd.s32 $0x125600, s8;
	s0 =	ssub.s32 $0x2, s1  }
0x5: {  	s28 =	sadd.s32 $0x80600, s8;
	s14 =	smul.u32 $0x2800, s1;
	s19 =	sshrl.u32 s0, $0x1  }
0x6: {  	s11 =	sor.u32 $0x40, s2;
	s9 =	sadd.s32 $0x80, s2;
	s10 =	sadd.s32 $0xC0, s2  }
0x7: {  	s7 =	sadd.s32 $0x100, s2;
	s5 =	sadd.s32 $0x140, s2;
	s15 =	sadd.s32 s2, s14  }
0x8: {  	s6 =	sadd.s32 $0x180, s2;
	s0 =	ssub.s32 s0, s19;
	s15 =	sshll.u32 s15, $0x3  }
0x9: {  	s20 =	sadd.s32 s14, s11;
	s23 =	sadd.s32 s14, s10;
	s16 =	sadd.s32 s12, s15  }
0xa: {  	s21 =	sshll.u32 s20, $0x3;
	s15 =	sadd.s32 s13, s15;
	[dreg:$0x6] =	wrdreg s16  }
0xb: {  	s25 =	sshll.u32 s23, $0x3;
	s17 =	sadd.s32 s12, s21;
	[dreg:$0x7] =	wrdreg s15  }
0xc: {  	s22 =	sadd.s32 s14, s9;
	s26 =	sadd.s32 s12, s25;
	[dreg:$0x8] =	wrdreg s17  }
0xd: {  	s16 =	sshll.u32 s22, $0x3;
	s15 =	sadd.s32 s13, s21;
	[dreg:$0xc] =	wrdreg s26  }
0xe: {  	s20 =	sadd.s32 s14, s5;
	[dreg:$0x9] =	wrdreg s15;
	s24 =	sadd.s32 s12, s16  }
0xf: {  	s17 =	sadd.s32 s14, s7;
	s16 =	sadd.s32 s13, s16;
	[dreg:$0xa] =	wrdreg s24  }
0x10: {  	s15 =	sadd.s32 s13, s25;
	s19 =	sshll.u32 s17, $0x3;
	[dreg:$0xb] =	wrdreg s16  }
0x11: {  	s23 =	sadd.s32 s14, s6;
	[dreg:$0xd] =	wrdreg s15;
	s21 =	sadd.s32 s12, s19  }
0x12: {  	s22 =	sshll.u32 s20, $0x3;
	s15 =	sadd.s32 s13, s19;
	[dreg:$0xe] =	wrdreg s21  }
0x13: {  	s25 =	sshll.u32 s23, $0x3;
	s16 =	sadd.s32 s12, s22;
	[dreg:$0xf] =	wrdreg s15  }
0x14: {  	s29 =	sadd.s32 $0x7B600, s8;
	s19 =	sadd.s32 s12, s25;
	[dreg:$0x10] =	wrdreg s16  }
0x15: {  	s30 =	sadd.s32 $0x76600, s8;
	s4 =	sadd.s32 $0x1C0, s2;
	[dreg:$0x12] =	wrdreg s19  }
0x16: {  	s3 =	sadd.s32 $0x200, s2;
	s2 =	sadd.s32 $0x240, s2;
	s16 =	rddreg [dreg:$0x2]  }
0x17: {  	s24 =	sadd.s32 s14, s4;
	s15 =	sadd.s32 s13, s22;
	s19 =	rddreg [dreg:$0x3]  }
0x18: {  	s26 =	sshll.u32 s24, $0x3;
	[dreg:$0x11] =	wrdreg s15;
	s15 =	sadd.s32 s13, s25  }
0x19: {  	s22 =	sadd.s32 s14, s3;
	s20 =	sadd.s32 s12, s26;
	[dreg:$0x13] =	wrdreg s15  }
0x1a: {  	s14 =	sadd.s32 s14, s2;
	s21 =	sadd.s32 s13, s26;
	[dreg:$0x14] =	wrdreg s20  }
0x1b: {  	s31 =	sadd.s32 $0x85600, s8;
	s14 =	sshll.u32 s14, $0x3;
	[dreg:$0x15] =	wrdreg s21  }
0x1c: {  	s15 =	sshll.u32 s22, $0x3;
	s21 =	rddreg [dreg:$0x4];
	s24 =	sadd.s32 s13, s14  }
0x1d: {  	s25 =	smul.u32 $0xA000, s18;
	s23 =	sadd.s32 s12, s15;
	[dreg:$0x19] =	wrdreg s24  }
0x1e: {  	s17 =	sshll.u32 s10, $0x6;
	s15 =	sadd.s32 s13, s15;
	[dreg:$0x16] =	wrdreg s23  }
0x1f: {  	s12 =	sadd.s32 s12, s14;
	s13 =	sshrl.u32 s25, $0x2;
	[dreg:$0x17] =	wrdreg s15  }
0x20: {  	s26 =	sadd.s32 $0x1200, s8;
	[dreg:$0x18] =	wrdreg s12;
	s8 =	sadd.s32 s13, s21  }
0x21: {  	s10 =	sadd.s32 s17, s16;
	_ =	strace $0x80000047;
	[dreg:$0x1c] =	wrdreg s8  }
0x22: {  	s6 =	sshll.u32 s6, $0x6;
	s13 =	sadd.s32 s17, s19;
	[smem:$0x7DD] =	sst s10  }
0x23: {  	s15 =	sshll.u32 s9, $0x6;
	s9 =	sadd.s32 s6, s19;
	[smem:$0x7DE] =	sst s13  }
0x24: {  	s0 =	smax.u32 s0, $0x1;
	[smem:$0x7E7] =	sst s9  }
0x25: {  	s20 =	sadd.s32 s25, s16;
	[smem:$0x7F7] =	sst s0  }
0x26: {  	s11 =	sshll.u32 s11, $0x6;
	s22 =	sadd.s32 s25, s19;
	[dreg:$0x1a] =	wrdreg s20  }
0x27: {  	s12 =	sadd.s32 s11, s16;
	[dreg:$0x1b] =	wrdreg s22  }
0x28: {  	s14 =	sshrl.u32 s11, $0x2;
	s11 =	sadd.s32 s11, s19;
	[dreg:$0x1d] =	wrdreg s12  }
0x29: {  	s8 =	sadd.s32 s14, s21;
	[dreg:$0x1e] =	wrdreg s11  }
0x2a: {  	s4 =	sshll.u32 s4, $0x6;
	s23 =	sadd.s32 s15, s16;
	[dreg:$0x1f] =	wrdreg s8  }
0x2b: {  	s13 =	sadd.s32 s4, s16;
	[smem:$0x7DA] =	sst s23  }
0x2c: {  	s24 =	sshrl.u32 s15, $0x2;
	s8 =	sadd.s32 s15, s19;
	[smem:$0x7E9] =	sst s13  }
0x2d: {  	s7 =	sshll.u32 s7, $0x6;
	s25 =	sadd.s32 s24, s21;
	[smem:$0x7DB] =	sst s8  }
0x2e: {  	s14 =	sshrl.u32 s17, $0x2;
	s15 =	sadd.s32 s7, s16;
	[smem:$0x7DC] =	sst s25  }
0x2f: {  	s17 =	sshrl.u32 s7, $0x2;
	s7 =	sadd.s32 s7, s19;
	[smem:$0x7E0] =	sst s15  }
0x30: {  	s5 =	sshll.u32 s5, $0x6;
	s23 =	sadd.s32 s17, s21;
	[smem:$0x7E1] =	sst s7  }
0x31: {  	s3 =	sshll.u32 s3, $0x6;
	s24 =	sadd.s32 s5, s16;
	[smem:$0x7E2] =	sst s23  }
0x32: {  	s17 =	sadd.s32 s3, s16;
	[smem:$0x7E3] =	sst s24  }
0x33: {  	s2 =	sshll.u32 s2, $0x6;
	s8 =	sadd.s32 s14, s21;
	[smem:$0x7EC] =	sst s17  }
0x34: {  	s25 =	sshrl.u32 s5, $0x2;
	s5 =	sadd.s32 s5, s19;
	[smem:$0x7DF] =	sst s8  }
0x35: {  	s14 =	sshrl.u32 s4, $0x2;
	s4 =	sadd.s32 s4, s19;
	[smem:$0x7E4] =	sst s5  }
0x36: {  	s10 =	sshrl.u32 s6, $0x2;
	s23 =	sadd.s32 s3, s19;
	[smem:$0x7EA] =	sst s4  }
0x37: {  	s17 =	smul.u32 $0x2800, s18;
	s18 =	sadd.s32 s2, s19;
	[smem:$0x7ED] =	sst s23  }
0x38: {  	s3 =	sshrl.u32 s3, $0x2;
	s7 =	sadd.s32 s25, s21;
	[smem:$0x7FD] =	sst s18  }
0x39: {  	s24 =	sshrl.u32 s2, $0x2;
	s8 =	sadd.s32 s6, s16;
	[smem:$0x7E5] =	sst s7  }
0x3a: {  	s5 =	sadd.s32 s10, s21;
	s15 =	sadd.s32 s14, s21;
	[smem:$0x7E6] =	sst s8  }
0x3b: {  	s3 =	sadd.s32 s3, s21;
	s25 =	smul.u32 $0x28000, s1;
	[smem:$0x7E8] =	sst s5  }
0x3c: {  	s16 =	sadd.s32 s2, s16;
	s1 =	smul.u32 $0x2710, s1;
	[smem:$0x7EB] =	sst s15  }
0x3d: {  	s4 =	simm.s32 $0x40;
	[smem:$0x7EE] =	sst s3;
	s3 =	sadd.s32 s24, s21  }
0x3e: {  	s5 =	sshrl.u32 s17, $0x3;
	s23 =	sor.u32 $0x100, s17;
	[smem:$0x7FC] =	sst s16  }
0x3f: {  	s24 =	sor.u32 $0x140, s17;
	[smem:$0x7EF] =	sst s3;
	s14 =	sadd.s32 s17, s25  }
0x40: {  	s6 =	sadd.s32 s28, s5;
	s7 =	sadd.s32 s29, s5;
	[smem:$0x7F9] =	sst s23  }
0x41: {  	s8 =	sadd.s32 s30, s5;
	s2 =	sor.u32 $0x8, s5;
	[smem:$0x7FA] =	sst s24  }
0x42: {  	s24 =	simm.s32 $0x1;
	s3 =	simm.s32 $0x16880;
	[smem:$0x7F0] =	sst s6  }
0x43: {  	s5 =	simm.s32 $0x3;
	s23 =	simm.s32 $0x1F080;
	[smem:$0x7F1] =	sst s7  }
0x44: {  	v0 =	vimm.s32 $0x76543210;
	v1 =	vimm.s32 $0xFEDCBA98;
	[smem:$0x7F2] =	sst s8;
	s9 =	sadd.s32 s28, s2;
	s10 =	sadd.s32 s29, s2  }
0x45: {  	v2 =	vimm.s32 $0xBA98FEDC;
	v3 =	vimm.s32 $0x32107654;
	v1 =	vunpack.c.l.s4.s8 v1;
	s13 =	sshll.u32 s14, $0x1;
	s2 =	sadd.s32 s30, s2;
	[smem:$0x7F3] =	sst s9  }
0x46: {  	v4 =	vunpack.c.l.s4.s8 v0;
	v2 =	vunpack.c.l.s4.s8 v2;
	v3 =	vunpack.c.l.s4.s8 v3;
	s19 =	sor.u32 $0x40, s14;
	s25 =	sor.u32 $0x100, s14;
	[smem:$0x7F4] =	sst s10  }
0x47: {  	v5 =	vunpack.c.0.s8.s32 v1;
	s6 =	simm.s32 $0x2;
	s7 =	simm.s32 $0x8;
	[smem:$0x7F5] =	sst s2  }
0x48: {  	v4 =	vunpack.c.0.s8.s32 v4;
	v6 =	vunpack.c.0.s8.s32 v2;
	v7 =	vunpack.c.0.s8.s32 v3;
	s8 =	simm.s32 $0x7;
	s15 =	sadd.s32 s31, s13;
	[smem:$0x7F8] =	sst s19  }
0x49: {  	v3 =	vand.u32 $0xF, v5;
	s9 =	sadd.s32 $0x4E20, s1;
	s10 =	sadd.s32 $0x9C40, s1;
	[smem:$0x7FB] =	sst s25  }
0x4a: {  	v5 =	vcombine.low v7, v6;
	v3 =	vcombine.low v3, v4;
	v4 =	vimm.f32 $0.0e+00;
	s2 =	simm.s32 $0x16840;
	s25 =	simm.s32 $0x168C0;
	s13 =	simm.s32 $0x6  }
0x4b: {  	v0 =	vmov s1;
	s1 =	simm.s32 $0x0;
	[smem:$0x7F6] =	sst s15;
	s15 =	simm.s32 $0x9;
	v1 =	vmov s9;
	v2 =	vmov s10  }
.LBB2_1:
0x4c: {  	[smem:$0x7D9] =	sst s1;
	s1 =	simm.s32 $0x0  }
.LBB2_2:
0x4d: {  	p0 =	sne.s32 s1, $0x3F00  }
.Ltmp0:
0x4e: {  	s9 =	sshra.s32 s1, $0x2;
	(pc) =	sbr.rel @p0 .LBB2_2-.Ltmp0, $4  }
0x4f: {  	[tilespmem:s9+$0x1AC80] =	vst v4  }
0x50: {  	[tilespmem:s9+$0x1AC90] =	vst v4  }
0x51: {  	[tilespmem:s9+$0x1ACA0] =	vst v4  }
0x52: {  	s1 =	sadd.s32 $0x100, s1;
	[tilespmem:s9+$0x1ACB0] =	vst v4  }
0x53: {  	s1 =	simm.s32 $0x40;
	s9 =	simm.s32 $0x0  }
.LBB2_4:
0x54: {  	p0 =	sne.s32 s1, $0xFC0;
	[tilespmem:s9+$0x1EC80] =	vst v4;
	s9 =	smov.u32 s1;
	s1 =	sadd.s32 $0x40, s1  }
.Ltmp1:
0x55: {  	(pc) =	sbr.rel @p0 .LBB2_4-.Ltmp1, $2  }
0x56: {  	_ =	sdelay $0x2  }
0x57: {  	s9 =	sshra.s32 s9, $0x2  }
0x58: {  	[tilespmem:s9+$0x1EC80] =	vst v4;
	s1 =	simm.s32 $0x1AC80;
	s9 =	simm.s32 $0xA  }
0x59: {  	[spmem:s20] =	stream.linear.scatter [tilespmem:s1], [sflag:$0xA], $0x1000, $0x38;
	[tilespmem:$0x1FC80] =	vst v63  }
0x5a: {  	_ =	swait.ge [sflag:s9], $0x1000  }
0x5b: {  	[sflag:s9] =	ssyncset.done $0x0  }
0x5c: {  	[sflag:s9] =	ssyncadd.s32 $0xFFFFF000  }
0x5d: {  	[spmem:s22] =	stream.linear.scatter [tilespmem:s1], [sflag:$0xA], $0x1000, $0x38;
	[tilespmem:$0x1FC80] =	vst v63  }
0x5e: {  	_ =	swait.ge [sflag:s9], $0x1000  }
0x5f: {  	[sflag:s9] =	ssyncset.done $0x0  }
0x60: {  	s10 =	simm.s32 $0x1EC80;
	s0 =	rddreg [dreg:$0x1c];
	[sflag:s9] =	ssyncadd.s32 $0xFFFFF000  }
0x61: {  	[spmem:s0] =	stream.linear.scatter [tilespmem:s10], [sflag:$0xA], $0x400, $0x38;
	[tilespmem:$0x1FC80] =	vst v63  }
0x62: {  	_ =	swait.ge [sflag:s9], $0x400  }
0x63: {  	[sflag:s9] =	ssyncset.done $0x0  }
0x64: {  	[sflag:s9] =	ssyncadd.s32 $0xFFFFFC00  }
0x65: {  	[spmem:s12] =	stream.linear.scatter [tilespmem:s1], [sflag:$0xA], $0x1000, $0x38;
	[tilespmem:$0x1FC80] =	vst v63  }
0x66: {  	_ =	swait.ge [sflag:s9], $0x1000  }
0x67: {  	[sflag:s9] =	ssyncset.done $0x0  }
0x68: {  	[sflag:s9] =	ssyncadd.s32 $0xFFFFF000  }
0x69: {  	[spmem:s11] =	stream.linear.scatter [tilespmem:s1], [sflag:$0xA], $0x1000, $0x38;
	[tilespmem:$0x1FC80] =	vst v63  }
0x6a: {  	_ =	swait.ge [sflag:s9], $0x1000  }
0x6b: {  	[sflag:s9] =	ssyncset.done $0x0  }
0x6c: {  	s20 =	rddreg [dreg:$0x1f];
	[sflag:s9] =	ssyncadd.s32 $0xFFFFF000  }
0x6d: {  	[spmem:s20] =	stream.linear.scatter [tilespmem:s10], [sflag:$0xA], $0x400, $0x38;
	[tilespmem:$0x1FC80] =	vst v63  }
0x6e: {  	_ =	swait.ge [sflag:s9], $0x400  }
0x6f: {  	s22 =	sld [smem:$0x7DA]  }
0x70: {  	[sflag:s9] =	ssyncset.done $0x0  }
0x71: {  	[sflag:s9] =	ssyncadd.s32 $0xFFFFFC00  }
0x72: {  	[spmem:s22] =	stream.linear.scatter [tilespmem:s1], [sflag:$0xA], $0x1000, $0x38;
	[tilespmem:$0x1FC80] =	vst v63  }
0x73: {  	_ =	swait.ge [sflag:s9], $0x1000  }
0x74: {  	s11 =	sld [smem:$0x7DB]  }
0x75: {  	[sflag:s9] =	ssyncset.done $0x0  }
0x76: {  	[sflag:s9] =	ssyncadd.s32 $0xFFFFF000  }
0x77: {  	[spmem:s11] =	stream.linear.scatter [tilespmem:s1], [sflag:$0xA], $0x1000, $0x38;
	[tilespmem:$0x1FC80] =	vst v63  }
0x78: {  	_ =	swait.ge [sflag:s9], $0x1000  }
0x79: {  	s12 =	sld [smem:$0x7DC]  }
0x7a: {  	[sflag:s9] =	ssyncset.done $0x0  }
0x7b: {  	[sflag:s9] =	ssyncadd.s32 $0xFFFFF000  }
0x7c: {  	[spmem:s12] =	stream.linear.scatter [tilespmem:s10], [sflag:$0xA], $0x400, $0x38;
	[tilespmem:$0x1FC80] =	vst v63  }
0x7d: {  	_ =	swait.ge [sflag:s9], $0x400  }
0x7e: {  	s19 =	sld [smem:$0x7DD]  }
0x7f: {  	[sflag:s9] =	ssyncset.done $0x0  }
0x80: {  	[sflag:s9] =	ssyncadd.s32 $0xFFFFFC00  }
0x81: {  	[spmem:s19] =	stream.linear.scatter [tilespmem:s1], [sflag:$0xA], $0x1000, $0x38;
	[tilespmem:$0x1FC80] =	vst v63  }
0x82: {  	_ =	swait.ge [sflag:s9], $0x1000  }
0x83: {  	s20 =	sld [smem:$0x7DE]  }
0x84: {  	[sflag:s9] =	ssyncset.done $0x0  }
0x85: {  	[sflag:s9] =	ssyncadd.s32 $0xFFFFF000  }
0x86: {  	[spmem:s20] =	stream.linear.scatter [tilespmem:s1], [sflag:$0xA], $0x1000, $0x38;
	[tilespmem:$0x1FC80] =	vst v63  }
0x87: {  	_ =	swait.ge [sflag:s9], $0x1000  }
0x88: {  	s22 =	sld [smem:$0x7DF]  }
0x89: {  	[sflag:s9] =	ssyncset.done $0x0  }
0x8a: {  	[sflag:s9] =	ssyncadd.s32 $0xFFFFF000  }
0x8b: {  	[spmem:s22] =	stream.linear.scatter [tilespmem:s10], [sflag:$0xA], $0x400, $0x38;
	[tilespmem:$0x1FC80] =	vst v63  }
0x8c: {  	_ =	swait.ge [sflag:s9], $0x400  }
0x8d: {  	s11 =	sld [smem:$0x7E0]  }
0x8e: {  	[sflag:s9] =	ssyncset.done $0x0  }
0x8f: {  	[sflag:s9] =	ssyncadd.s32 $0xFFFFFC00  }
0x90: {  	[spmem:s11] =	stream.linear.scatter [tilespmem:s1], [sflag:$0xA], $0x1000, $0x38;
	[tilespmem:$0x1FC80] =	vst v63  }
0x91: {  	_ =	swait.ge [sflag:s9], $0x1000  }
0x92: {  	s12 =	sld [smem:$0x7E1]  }
0x93: {  	[sflag:s9] =	ssyncset.done $0x0  }
0x94: {  	[sflag:s9] =	ssyncadd.s32 $0xFFFFF000  }
0x95: {  	[spmem:s12] =	stream.linear.scatter [tilespmem:s1], [sflag:$0xA], $0x1000, $0x38;
	[tilespmem:$0x1FC80] =	vst v63  }
0x96: {  	_ =	swait.ge [sflag:s9], $0x1000  }
0x97: {  	s19 =	sld [smem:$0x7E2]  }
0x98: {  	[sflag:s9] =	ssyncset.done $0x0  }
0x99: {  	[sflag:s9] =	ssyncadd.s32 $0xFFFFF000  }
0x9a: {  	[spmem:s19] =	stream.linear.scatter [tilespmem:s10], [sflag:$0xA], $0x400, $0x38;
	[tilespmem:$0x1FC80] =	vst v63  }
0x9b: {  	_ =	swait.ge [sflag:s9], $0x400  }
0x9c: {  	s20 =	sld [smem:$0x7E3]  }
0x9d: {  	[sflag:s9] =	ssyncset.done $0x0  }
0x9e: {  	[sflag:s9] =	ssyncadd.s32 $0xFFFFFC00  }
0x9f: {  	[spmem:s20] =	stream.linear.scatter [tilespmem:s1], [sflag:$0xA], $0x1000, $0x38;
	[tilespmem:$0x1FC80] =	vst v63  }
0xa0: {  	_ =	swait.ge [sflag:s9], $0x1000  }
0xa1: {  	s22 =	sld [smem:$0x7E4]  }
0xa2: {  	[sflag:s9] =	ssyncset.done $0x0  }
0xa3: {  	[sflag:s9] =	ssyncadd.s32 $0xFFFFF000  }
0xa4: {  	[spmem:s22] =	stream.linear.scatter [tilespmem:s1], [sflag:$0xA], $0x1000, $0x38;
	[tilespmem:$0x1FC80] =	vst v63  }
0xa5: {  	_ =	swait.ge [sflag:s9], $0x1000  }
0xa6: {  	s11 =	sld [smem:$0x7E5]  }
0xa7: {  	[sflag:s9] =	ssyncset.done $0x0  }
0xa8: {  	[sflag:s9] =	ssyncadd.s32 $0xFFFFF000  }
0xa9: {  	[spmem:s11] =	stream.linear.scatter [tilespmem:s10], [sflag:$0xA], $0x400, $0x38;
	[tilespmem:$0x1FC80] =	vst v63  }
0xaa: {  	_ =	swait.ge [sflag:s9], $0x400  }
0xab: {  	s12 =	sld [smem:$0x7E6]  }
0xac: {  	[sflag:s9] =	ssyncset.done $0x0  }
0xad: {  	[sflag:s9] =	ssyncadd.s32 $0xFFFFFC00  }
0xae: {  	[spmem:s12] =	stream.linear.scatter [tilespmem:s1], [sflag:$0xA], $0x1000, $0x38;
	[tilespmem:$0x1FC80] =	vst v63  }
0xaf: {  	_ =	swait.ge [sflag:s9], $0x1000  }
0xb0: {  	s19 =	sld [smem:$0x7E7]  }
0xb1: {  	[sflag:s9] =	ssyncset.done $0x0  }
0xb2: {  	[sflag:s9] =	ssyncadd.s32 $0xFFFFF000  }
0xb3: {  	[spmem:s19] =	stream.linear.scatter [tilespmem:s1], [sflag:$0xA], $0x1000, $0x38;
	[tilespmem:$0x1FC80] =	vst v63  }
0xb4: {  	_ =	swait.ge [sflag:s9], $0x1000  }
0xb5: {  	s20 =	sld [smem:$0x7E8]  }
0xb6: {  	[sflag:s9] =	ssyncset.done $0x0  }
0xb7: {  	[sflag:s9] =	ssyncadd.s32 $0xFFFFF000  }
0xb8: {  	[spmem:s20] =	stream.linear.scatter [tilespmem:s10], [sflag:$0xA], $0x400, $0x38;
	[tilespmem:$0x1FC80] =	vst v63  }
0xb9: {  	_ =	swait.ge [sflag:s9], $0x400  }
0xba: {  	s22 =	sld [smem:$0x7E9]  }
0xbb: {  	[sflag:s9] =	ssyncset.done $0x0  }
0xbc: {  	[sflag:s9] =	ssyncadd.s32 $0xFFFFFC00  }
0xbd: {  	[spmem:s22] =	stream.linear.scatter [tilespmem:s1], [sflag:$0xA], $0x1000, $0x38;
	[tilespmem:$0x1FC80] =	vst v63  }
0xbe: {  	_ =	swait.ge [sflag:s9], $0x1000  }
0xbf: {  	s11 =	sld [smem:$0x7EA]  }
0xc0: {  	[sflag:s9] =	ssyncset.done $0x0  }
0xc1: {  	[sflag:s9] =	ssyncadd.s32 $0xFFFFF000  }
0xc2: {  	[spmem:s11] =	stream.linear.scatter [tilespmem:s1], [sflag:$0xA], $0x1000, $0x38;
	[tilespmem:$0x1FC80] =	vst v63  }
0xc3: {  	_ =	swait.ge [sflag:s9], $0x1000  }
0xc4: {  	s12 =	sld [smem:$0x7EB]  }
0xc5: {  	[sflag:s9] =	ssyncset.done $0x0  }
0xc6: {  	[sflag:s9] =	ssyncadd.s32 $0xFFFFF000  }
0xc7: {  	[spmem:s12] =	stream.linear.scatter [tilespmem:s10], [sflag:$0xA], $0x400, $0x38;
	[tilespmem:$0x1FC80] =	vst v63  }
0xc8: {  	_ =	swait.ge [sflag:s9], $0x400  }
0xc9: {  	s19 =	sld [smem:$0x7EC]  }
0xca: {  	[sflag:s9] =	ssyncset.done $0x0  }
0xcb: {  	[sflag:s9] =	ssyncadd.s32 $0xFFFFFC00  }
0xcc: {  	[spmem:s19] =	stream.linear.scatter [tilespmem:s1], [sflag:$0xA], $0x1000, $0x38;
	[tilespmem:$0x1FC80] =	vst v63  }
0xcd: {  	_ =	swait.ge [sflag:s9], $0x1000  }
0xce: {  	s20 =	sld [smem:$0x7ED]  }
0xcf: {  	[sflag:s9] =	ssyncset.done $0x0  }
0xd0: {  	[sflag:s9] =	ssyncadd.s32 $0xFFFFF000  }
0xd1: {  	[spmem:s20] =	stream.linear.scatter [tilespmem:s1], [sflag:$0xA], $0x1000, $0x38;
	[tilespmem:$0x1FC80] =	vst v63  }
0xd2: {  	_ =	swait.ge [sflag:s9], $0x1000  }
0xd3: {  	s22 =	sld [smem:$0x7EE]  }
0xd4: {  	[sflag:s9] =	ssyncset.done $0x0  }
0xd5: {  	[sflag:s9] =	ssyncadd.s32 $0xFFFFF000  }
0xd6: {  	[spmem:s22] =	stream.linear.scatter [tilespmem:s10], [sflag:$0xA], $0x400, $0x38;
	[tilespmem:$0x1FC80] =	vst v63  }
0xd7: {  	_ =	swait.ge [sflag:s9], $0x400  }
0xd8: {  	[sflag:s9] =	ssyncset.done $0x0  }
0xd9: {  	[sflag:s9] =	ssyncadd.s32 $0xFFFFFC00  }
0xda: {  	[spmem:s16] =	stream.linear.scatter [tilespmem:s1], [sflag:$0xA], $0x1000, $0x38;
	[tilespmem:$0x1FC80] =	vst v63  }
0xdb: {  	_ =	swait.ge [sflag:s9], $0x1000  }
0xdc: {  	[sflag:s9] =	ssyncset.done $0x0  }
0xdd: {  	[sflag:s9] =	ssyncadd.s32 $0xFFFFF000  }
0xde: {  	[spmem:s18] =	stream.linear.scatter [tilespmem:s1], [sflag:$0xA], $0x1000, $0x38;
	[tilespmem:$0x1FC80] =	vst v63  }
0xdf: {  	_ =	swait.ge [sflag:s9], $0x1000  }
0xe0: {  	s1 =	sld [smem:$0x7EF]  }
0xe1: {  	[sflag:s9] =	ssyncset.done $0x0  }
0xe2: {  	[sflag:s9] =	ssyncadd.s32 $0xFFFFF000  }
0xe3: {  	[spmem:s1] =	stream.linear.scatter [tilespmem:s10], [sflag:$0xA], $0x400, $0x38;
	[tilespmem:$0x1FC80] =	vst v63  }
0xe4: {  	_ =	swait.ge [sflag:s9], $0x400  }
0xe5: {  	[sflag:s9] =	ssyncset.done $0x0  }
0xe6: {  	[sflag:s9] =	ssyncadd.s32 $0xFFFFFC00  }
0xe7: {  	[bflag:$0x0] =	sbarrier.arrive $0xFFFF  }
0xe8: {  	s11 =	sld [smem:$0x7F0];
	_ =	sdelay $0x1  }
0xe9: {  	s12 =	simm.s32 $0x16800;
	s18 =	simm.s32 $0x0  }
0xea: {  	[tilespmem:s12], [sflag:$0xA] =	stream.linear.gather [hbm4b:s11+s18], $0x40, $0x38;
	[tilespmem:$0x1FC80] =	vst v63  }
0xeb: {  	_ =	swait.ge [sflag:s9], $0x40  }
0xec: {  	s16 =	sld [smem:$0x7F1]  }
0xed: {  	[sflag:s9] =	ssyncset.done $0x0  }
0xee: {  	s19 =	simm.s32 $0x16900;
	[sflag:s9] =	ssyncadd.s32 $0xFFFFFFC0  }
0xef: {  	[tilespmem:s19], [sflag:$0xA] =	stream.linear.gather [hbm4b:s16+s18], $0x40, $0x38;
	[tilespmem:$0x1FC80] =	vst v63  }
0xf0: {  	_ =	swait.ge [sflag:s9], $0x40  }
0xf1: {  	s20 =	sld [smem:$0x7F2]  }
0xf2: {  	[sflag:s9] =	ssyncset.done $0x0  }
0xf3: {  	s22 =	simm.s32 $0x16A00;
	[sflag:s9] =	ssyncadd.s32 $0xFFFFFFC0  }
0xf4: {  	[tilespmem:s22], [sflag:$0xA] =	stream.linear.gather [hbm4b:s20+s18], $0x40, $0x38;
	[tilespmem:$0x1FC80] =	vst v63  }
0xf5: {  	_ =	swait.ge [sflag:s9], $0x40  }
0xf6: {  	[sflag:s9] =	ssyncset.done $0x0  }
0xf7: {  	[sflag:s9] =	ssyncadd.s32 $0xFFFFFFC0  }
0xf8: {  	v6 =	vld [tilespmem:$0x16800]  }
0xf9: {  	v7 =	vld [tilespmem:$0x16900]  }
0xfa: {  	v8 =	vld [tilespmem:$0x16810]  }
0xfb: {  	v9 =	vld [tilespmem:$0x16910]  }
0xfc: {  	v10 =	vld [tilespmem:$0x16820]  }
0xfd: {  	v11 =	vld [tilespmem:$0x16920];
	v6 =	vadd.s32 v0, v6  }
0xfe: {  	[tilespmem:$0x16B80] =	vst v6;
	v6 =	vadd.s32 v1, v7;
	v7 =	vld [tilespmem:$0x16830]  }
0xff: {  	v63 =	vld [tilespmem:$0x16930];
	[tilespmem:$0x16BC0] =	vst v6;
	v6 =	vadd.s32 v0, v8  }
0x100: {  	[tilespmem:$0x16B90] =	vst v6;
	v6 =	vadd.s32 v1, v9  }
0x101: {  	[tilespmem:$0x16BD0] =	vst v6;
	v6 =	vadd.s32 v0, v10  }
0x102: {  	[tilespmem:$0x16BA0] =	vst v6;
	v6 =	vadd.s32 v1, v11  }
0x103: {  	[tilespmem:$0x16BE0] =	vst v6;
	v6 =	vadd.s32 v0, v7  }
0x104: {  	s10 =	simm.s32 $0x16B80;
	[tilespmem:$0x16BB0] =	vst v6;
	v6 =	vadd.s32 v1, v63  }
0x105: {  	s11 =	simm.s32 $0x16C80;
	s12 =	sld [smem:$0x7F3];
	s9 =	simm.s32 $0x80;
	[tilespmem:$0x16BF0] =	vst v6  }
0x106: {  	[tilespmem:s11], [sflag:$0x2] =	stream.indirect.gather [hbm4b:s26+s9], $0x40, s10, s9, $0xb8;
	[tilespmem:$0x1FC80] =	vst v63  }
0x107: {  	s16 =	sld [smem:$0x7F4]  }
0x108: {  	[tilespmem:s2], [sflag:$0x1] =	stream.linear.gather [hbm4b:s12+s18], $0x40, $0x38;
	[tilespmem:$0x1FC80] =	vst v63  }
0x109: {  	s19 =	simm.s32 $0x16940;
	s20 =	sld [smem:$0x7F5]  }
0x10a: {  	[tilespmem:s19], [sflag:$0x1] =	stream.linear.gather [hbm4b:s16+s18], $0x40, $0x38;
	[tilespmem:$0x1FC80] =	vst v63  }
0x10b: {  	s22 =	simm.s32 $0x16A40  }
0x10c: {  	[tilespmem:s22], [sflag:$0x1] =	stream.linear.gather [hbm4b:s20+s18], $0x40, $0x38;
	[tilespmem:$0x1FC80] =	vst v63  }
0x10d: {  	s20 =	simm.s32 $0x0  }
.LBB2_6:
0x10e: {  	p0 =	seq.s32 s20, $0x0  }
0x10f: {  	s1 =	simm.s32 @!p0 $0x6  }
0x110: {  	_ =	swait.ge @!p0 [sflag:s1], $0x400  }
0x111: {  	[sflag:s1] =	ssyncset.done @!p0 $0x0  }
0x112: {  	[sflag:s1] =	ssyncadd.s32 @!p0 $0xFFFFFC00;
	s1 =	simm.s32 @!p0 $0x8  }
0x113: {  	_ =	swait.ge @!p0 [sflag:s1], $0x400  }
0x114: {  	[sflag:s1] =	ssyncset.done @!p0 $0x0  }
0x115: {  	[sflag:s1] =	ssyncadd.s32 @!p0 $0xFFFFFC00  }
0x116: {  	_ =	swait.ge [sflag:s24], $0x40  }
0x117: {  	[sflag:s24] =	ssyncset.done $0x0  }
0x118: {  	[sflag:s24] =	ssyncadd.s32 $0xFFFFFFC0  }
0x119: {  	_ =	swait.ge [sflag:s24], $0x40  }
0x11a: {  	[sflag:s24] =	ssyncset.done $0x0  }
0x11b: {  	[sflag:s24] =	ssyncadd.s32 $0xFFFFFFC0  }
0x11c: {  	_ =	swait.ge [sflag:s24], $0x40  }
0x11d: {  	[sflag:s24] =	ssyncset.done $0x0  }
0x11e: {  	[sflag:s24] =	ssyncadd.s32 $0xFFFFFFC0  }
0x11f: {  	v6 =	vld [tilespmem:$0x16840]  }
0x120: {  	v7 =	vld [tilespmem:$0x16940]  }
0x121: {  	v8 =	vld [tilespmem:$0x16850]  }
0x122: {  	v9 =	vld [tilespmem:$0x16950]  }
0x123: {  	v10 =	vld [tilespmem:$0x16860]  }
0x124: {  	v11 =	vld [tilespmem:$0x16960];
	v6 =	vadd.s32 v0, v6  }
0x125: {  	[tilespmem:$0x16C00] =	vst v6;
	v6 =	vadd.s32 v1, v7;
	v7 =	vld [tilespmem:$0x16870]  }
0x126: {  	[tilespmem:$0x16C40] =	vst v6;
	v6 =	vadd.s32 v0, v8;
	v8 =	vld [tilespmem:$0x16970]  }
0x127: {  	[tilespmem:$0x16C10] =	vst v6;
	v6 =	vadd.s32 v1, v9  }
0x128: {  	[tilespmem:$0x16C50] =	vst v6;
	v6 =	vadd.s32 v0, v10  }
0x129: {  	s9 =	sshll.u32 s20, $0x8;
	[tilespmem:$0x16C20] =	vst v6;
	v6 =	vadd.s32 v1, v11  }
0x12a: {  	s12 =	sor.u32 $0x80, s9;
	[tilespmem:$0x16C60] =	vst v6;
	v6 =	vadd.s32 v0, v7  }
0x12b: {  	s0 =	simm.s32 $0x80;
	s19 =	sadd.s32 s17, s12;
	[tilespmem:$0x16C30] =	vst v6;
	v6 =	vadd.s32 v1, v8  }
0x12c: {  	s16 =	simm.s32 $0x16C00;
	s10 =	simm.s32 $0x18C80;
	s1 =	sshrl.u32 s19, $0x3;
	[tilespmem:$0x16C70] =	vst v6  }
0x12d: {  	[tilespmem:s10], [sflag:$0x3] =	stream.indirect.gather [hbm4b:s26+s0], $0x40, s16, s0, $0xb8;
	[tilespmem:$0x1FC80] =	vst v63  }
0x12e: {  	s22 =	sadd.s32 s28, s1  }
0x12f: {  	[tilespmem:s3], [sflag:$0x1] =	stream.linear.gather [hbm4b:s22+s18], $0x40, $0x38;
	[tilespmem:$0x1FC80] =	vst v63  }
0x130: {  	s11 =	simm.s32 $0x16980;
	s0 =	sadd.s32 s29, s1  }
0x131: {  	[tilespmem:s11], [sflag:$0x1] =	stream.linear.gather [hbm4b:s0+s18], $0x40, $0x38;
	[tilespmem:$0x1FC80] =	vst v63  }
0x132: {  	s1 =	sadd.s32 s30, s1;
	s16 =	simm.s32 $0x16A80  }
0x133: {  	[tilespmem:s16], [sflag:$0x1] =	stream.linear.gather [hbm4b:s1+s18], $0x40, $0x38;
	[tilespmem:$0x1FC80] =	vst v63  }
0x134: {  	_ =	swait.ge [sflag:s6], $0x2000  }
0x135: {  	[sflag:s6] =	ssyncset.done $0x0  }
0x136: {  	s19 =	simm.s32 $0x17C80;
	[sflag:s6] =	ssyncadd.s32 $0xFFFFE000  }
0x137: {  	v6 =	vld [tilespmem:s19+$0xFFFFF000]  }
0x138: {  	v7 =	vld [tilespmem:s19+$0x0];
	_ =	sdelay $0x2  }
0x139: {  	v8 =	vld [tilespmem:s19+$0xFFFFF010]  }
0x13a: {  	v52 =	vld [tilespmem:s19+$0x10]  }
0x13b: {  	v53 =	vunpack.i.l.bf16.f32 v6;
	v54 =	vunpack.i.l.bf16.f32 v7  }
0x13c: {  	v10 =	vmul.f32 v54, v53  }
0x13d: {  	v55 =	vld [tilespmem:s19+$0xFFFFF020];
	v6 =	vunpack.i.u.bf16.f32 v6;
	v7 =	vunpack.i.u.bf16.f32 v7  }
0x13e: {  	v6 =	vmul.f32 v7, v6;
	v7 =	vld [tilespmem:s19+$0x20];
	v10 =	vadd.f32 $0.0e+00, v10  }
0x13f: {  	v12 =	vunpack.i.l.bf16.f32 v8;
	v13 =	vunpack.i.l.bf16.f32 v52  }
0x140: {  	v56 =	vmul.f32 v13, v12;
	v6 =	vadd.f32 v10, v6  }
0x141: {  	v57 =	vld [tilespmem:s19+$0xFFFFF030];
	v8 =	vunpack.i.u.bf16.f32 v8;
	v9 =	vunpack.i.u.bf16.f32 v52  }
0x142: {  	v58 =	vld [tilespmem:s19+$0x30];
	v8 =	vmul.f32 v9, v8;
	v6 =	vadd.f32 v56, v6  }
0x143: {  	v59 =	vunpack.i.l.bf16.f32 v55;
	v60 =	vunpack.i.l.bf16.f32 v7  }
0x144: {  	v6 =	vadd.f32 v6, v8;
	v8 =	vmul.f32 v60, v59  }
0x145: {  	v61 =	vunpack.i.u.bf16.f32 v55;
	v7 =	vunpack.i.u.bf16.f32 v7  }
0x146: {  	v7 =	vmul.f32 v7, v61;
	v6 =	vadd.f32 v8, v6  }
0x147: {  	v62 =	vunpack.i.l.bf16.f32 v58;
	v8 =	vunpack.i.l.bf16.f32 v57  }
0x148: {  	v6 =	vadd.f32 v6, v7;
	v7 =	vmul.f32 v62, v8  }
0x149: {  	v9 =	vunpack.i.u.bf16.f32 v58;
	v8 =	vunpack.i.u.bf16.f32 v57  }
0x14a: {  	v6 =	vadd.f32 v7, v6;
	v7 =	vmul.f32 v9, v8;
	_ =	sdelay $0x1  }
0x14b: {  	v6 =	vadd.f32 v6, v7  }
0x14c: {  	s22 =	sand.u32 $0xC0, s18  }
0x14d: {  	s1 =	sshrl.u32 s22, $0x2;
	v7 =	vperm.xlane v6, v3  }
0x14e: {  	v8 =	vld [tilespmem:s1+$0x16A00]  }
0x14f: {  	v6 =	vadd.f32 v6, v7;
	_ =	sdelay $0x1  }
0x150: {  	v7 =	vperm.xlane v6, v5  }
0x151: {  	v63 =	vmov s18  }
0x152: {  	v6 =	vadd.f32 v6, v7;
	v7 =	vperm.xlane v8, v63;
	_ =	sdelay $0x1  }
0x153: {  	v6 =	vmul.f32 v6, v7;
	_ =	sdelay $0x1  }
0x154: {  	v6 =	vmul.f32 $1.442695020e+00, v6;
	_ =	sdelay $0x1  }
0x155: {  	(erf) = vpow2.f32 v6;
	_ =	sdelay $0x8  }
0x156: {  	s10 =	simm.s32 $0x1EC80;
	v6 =	vpop (erf)  }
0x157: {  	s19 =	simm.s32 $0x17CC0;
	[tilespmem:s10+$0x0] =	vst v6  }
0x158: {  	v6 =	vld [tilespmem:s19+$0xFFFFF000]  }
0x159: {  	s11 =	simm.s32 $0x1;
	s16 =	simm.s32 $0x2;
	s1 =	simm.s32 $0x0;
	v7 =	vld [tilespmem:s19+$0x0]  }
.LBB2_7:
0x15a: {  	p1 =	sne.s32 s16, $0x3F;
	_ =	sdelay $0x1  }
0x15b: {  	v8 =	vld [tilespmem:s19+$0xFFFFF010]  }
0x15c: {  	v9 =	vld [tilespmem:s19+$0x10]  }
0x15d: {  	v10 =	vunpack.i.l.bf16.f32 v6;
	v11 =	vunpack.i.l.bf16.f32 v7  }
0x15e: {  	v10 =	vmul.f32 v11, v10  }
0x15f: {  	v6 =	vunpack.i.u.bf16.f32 v6;
	v7 =	vunpack.i.u.bf16.f32 v7;
	v11 =	vld [tilespmem:s19+$0xFFFFF020]  }
0x160: {  	v6 =	vmul.f32 v7, v6;
	v10 =	vadd.f32 $0.0e+00, v10;
	v7 =	vld [tilespmem:s19+$0x20]  }
0x161: {  	v12 =	vunpack.i.l.bf16.f32 v8;
	v13 =	vunpack.i.l.bf16.f32 v9  }
0x162: {  	v6 =	vadd.f32 v10, v6;
	v10 =	vmul.f32 v13, v12  }
0x163: {  	v8 =	vunpack.i.u.bf16.f32 v8;
	v9 =	vunpack.i.u.bf16.f32 v9;
	v12 =	vld [tilespmem:s19+$0xFFFFF030]  }
0x164: {  	v8 =	vmul.f32 v9, v8;
	v6 =	vadd.f32 v10, v6;
	v9 =	vld [tilespmem:s19+$0x30]  }
0x165: {  	v10 =	vunpack.i.l.bf16.f32 v11;
	v13 =	vunpack.i.l.bf16.f32 v7  }
0x166: {  	v6 =	vadd.f32 v6, v8;
	v8 =	vmul.f32 v13, v10  }
0x167: {  	v7 =	vunpack.i.u.bf16.f32 v7;
	v10 =	vunpack.i.u.bf16.f32 v11  }
0x168: {  	v7 =	vmul.f32 v7, v10;
	v6 =	vadd.f32 v8, v6  }
0x169: {  	v8 =	vunpack.i.l.bf16.f32 v12;
	v10 =	vunpack.i.l.bf16.f32 v9  }
0x16a: {  	v6 =	vadd.f32 v6, v7;
	v7 =	vmul.f32 v10, v8  }
0x16b: {  	v9 =	vunpack.i.u.bf16.f32 v9;
	v8 =	vunpack.i.u.bf16.f32 v12  }
0x16c: {  	v6 =	vadd.f32 v7, v6;
	v7 =	vmul.f32 v9, v8;
	_ =	sdelay $0x1  }
0x16d: {  	s1 =	sadd.s32 $0x4, s1;
	v6 =	vadd.f32 v6, v7  }
0x16e: {  	s22 =	sand.u32 $0xC0, s1  }
0x16f: {  	s22 =	sshrl.u32 s22, $0x2;
	v7 =	vperm.xlane v6, v3  }
0x170: {  	v8 =	vld [tilespmem:s22+$0x16A00]  }
0x171: {  	v6 =	vadd.f32 v6, v7;
	_ =	sdelay $0x1  }
0x172: {  	v7 =	vperm.xlane v6, v5  }
0x173: {  	v9 =	vmov s11;
	s11 =	smov.u32 s16  }
0x174: {  	v6 =	vadd.f32 v6, v7;
	v7 =	vperm.xlane v8, v9;
	_ =	sdelay $0x1  }
0x175: {  	v6 =	vmul.f32 v6, v7;
	_ =	sdelay $0x1  }
0x176: {  	v6 =	vmul.f32 $1.442695020e+00, v6;
	_ =	sdelay $0x1  }
0x177: {  	(erf) = vpow2.f32 v6;
	_ =	sdelay $0x7  }
.Ltmp2:
0x178: {  	(pc) =	sbr.rel @p1 .LBB2_7-.Ltmp2, $4  }
0x179: {  	s10 =	sadd.s32 $0x10, s10;
	v6 =	vpop (erf)  }
0x17a: {  	s19 =	sadd.s32 $0x40, s19;
	[tilespmem:s10+$0x0] =	vst v6  }
0x17b: {  	v6 =	vld [tilespmem:s19+$0xFFFFF000]  }
0x17c: {  	s16 =	sadd.s32 $0x1, s16;
	v7 =	vld [tilespmem:s19+$0x0]  }
0x17d: {  	_ =	sdelay $0x1  }
0x17e: {  	v8 =	vld [tilespmem:s19+$0xFFFFF010]  }
0x17f: {  	v9 =	vld [tilespmem:s19+$0x10]  }
0x180: {  	v10 =	vunpack.i.l.bf16.f32 v6;
	v11 =	vunpack.i.l.bf16.f32 v7  }
0x181: {  	v10 =	vmul.f32 v11, v10  }
0x182: {  	v38 =	vld [tilespmem:s19+$0xFFFFF020];
	v6 =	vunpack.i.u.bf16.f32 v6;
	v7 =	vunpack.i.u.bf16.f32 v7  }
0x183: {  	v6 =	vmul.f32 v7, v6;
	v7 =	vld [tilespmem:s19+$0x20];
	v10 =	vadd.f32 $0.0e+00, v10  }
0x184: {  	v12 =	vunpack.i.l.bf16.f32 v8;
	v13 =	vunpack.i.l.bf16.f32 v9  }
0x185: {  	v39 =	vmul.f32 v13, v12;
	v6 =	vadd.f32 v10, v6  }
0x186: {  	v40 =	vld [tilespmem:s19+$0xFFFFF030];
	v8 =	vunpack.i.u.bf16.f32 v8;
	v9 =	vunpack.i.u.bf16.f32 v9  }
0x187: {  	v41 =	vld [tilespmem:s19+$0x30];
	v8 =	vmul.f32 v9, v8;
	v6 =	vadd.f32 v39, v6  }
0x188: {  	v42 =	vunpack.i.l.bf16.f32 v38;
	v43 =	vunpack.i.l.bf16.f32 v7  }
0x189: {  	v6 =	vadd.f32 v6, v8;
	v8 =	vmul.f32 v43, v42  }
0x18a: {  	v44 =	vunpack.i.u.bf16.f32 v38;
	v7 =	vunpack.i.u.bf16.f32 v7  }
0x18b: {  	v7 =	vmul.f32 v7, v44;
	v6 =	vadd.f32 v8, v6  }
0x18c: {  	v45 =	vunpack.i.l.bf16.f32 v41;
	v8 =	vunpack.i.l.bf16.f32 v40  }
0x18d: {  	v6 =	vadd.f32 v6, v7;
	v7 =	vmul.f32 v45, v8  }
0x18e: {  	v9 =	vunpack.i.u.bf16.f32 v41;
	v8 =	vunpack.i.u.bf16.f32 v40  }
0x18f: {  	v6 =	vadd.f32 v7, v6;
	v7 =	vmul.f32 v9, v8;
	_ =	sdelay $0x1  }
0x190: {  	s1 =	sadd.s32 $0x4, s1;
	v6 =	vadd.f32 v6, v7  }
0x191: {  	s1 =	sand.u32 $0xC0, s1  }
0x192: {  	s1 =	sshrl.u32 s1, $0x2;
	v7 =	vperm.xlane v6, v3  }
0x193: {  	v8 =	vld [tilespmem:s1+$0x16A00]  }
0x194: {  	v6 =	vadd.f32 v6, v7;
	_ =	sdelay $0x1  }
0x195: {  	v7 =	vperm.xlane v6, v5  }
0x196: {  	v46 =	vmov s11  }
0x197: {  	v6 =	vadd.f32 v6, v7;
	v7 =	vperm.xlane v8, v46;
	_ =	sdelay $0x1  }
0x198: {  	v6 =	vmul.f32 v6, v7;
	_ =	sdelay $0x1  }
0x199: {  	v6 =	vmul.f32 $1.442695020e+00, v6;
	_ =	sdelay $0x1  }
0x19a: {  	(erf) = vpow2.f32 v6;
	_ =	sdelay $0x8  }
0x19b: {  	s10 =	sadd.s32 $0x10, s10;
	s19 =	sld [smem:$0x7F6];
	v6 =	vpop (erf)  }
0x19c: {  	s11 =	simm.s32 $0x1EC80;
	s0 =	simm.s32 $0x16800;
	s16 =	sshll.u32 s20, $0x9;
	[tilespmem:s10+$0x0] =	vst v6  }
0x19d: {  	[spmem:s21] =	stream.indirect.scatter.add.f32 [tilespmem:s11], [sflag:$0x8], $0x10, s0, s4, $0xb8;
	[tilespmem:$0x1FC80] =	vst v63  }
0x19e: {  	s22 =	simm.s32 $0x0;
	s1 =	sadd.s32 s16, s19  }
0x19f: {  	[hbm4b:s1+s22] =	stream.linear.scatter [tilespmem:s11], [sflag:$0x6], $0x400, $0x38;
	[tilespmem:$0x1FC80] =	vst v63  }
0x1a0: {  	s1 =	simm.s32 @!p0 $0x7  }
0x1a1: {  	_ =	swait.ge @!p0 [sflag:s1], $0x400  }
0x1a2: {  	[sflag:s1] =	ssyncset.done @!p0 $0x0  }
0x1a3: {  	[sflag:s1] =	ssyncadd.s32 @!p0 $0xFFFFFC00;
	s1 =	simm.s32 @!p0 $0x9  }
0x1a4: {  	_ =	swait.ge @!p0 [sflag:s1], $0x400  }
0x1a5: {  	[sflag:s1] =	ssyncset.done @!p0 $0x0  }
0x1a6: {  	[sflag:s1] =	ssyncadd.s32 @!p0 $0xFFFFFC00  }
0x1a7: {  	_ =	swait.ge [sflag:s24], $0x40  }
0x1a8: {  	[sflag:s24] =	ssyncset.done $0x0  }
0x1a9: {  	[sflag:s24] =	ssyncadd.s32 $0xFFFFFFC0  }
0x1aa: {  	_ =	swait.ge [sflag:s24], $0x40  }
0x1ab: {  	[sflag:s24] =	ssyncset.done $0x0  }
0x1ac: {  	[sflag:s24] =	ssyncadd.s32 $0xFFFFFFC0  }
0x1ad: {  	_ =	swait.ge [sflag:s24], $0x40  }
0x1ae: {  	[sflag:s24] =	ssyncset.done $0x0  }
0x1af: {  	[sflag:s24] =	ssyncadd.s32 $0xFFFFFFC0  }
0x1b0: {  	v6 =	vld [tilespmem:$0x16880]  }
0x1b1: {  	v7 =	vld [tilespmem:$0x16980]  }
0x1b2: {  	v8 =	vld [tilespmem:$0x16890]  }
0x1b3: {  	v47 =	vld [tilespmem:$0x16990]  }
0x1b4: {  	v48 =	vld [tilespmem:$0x168A0]  }
0x1b5: {  	v49 =	vld [tilespmem:$0x169A0];
	v6 =	vadd.s32 v0, v6  }
0x1b6: {  	[tilespmem:$0x16B80] =	vst v6;
	v6 =	vadd.s32 v1, v7;
	v7 =	vld [tilespmem:$0x168B0]  }
0x1b7: {  	[tilespmem:$0x16BC0] =	vst v6;
	v6 =	vadd.s32 v0, v8;
	v8 =	vld [tilespmem:$0x169B0]  }
0x1b8: {  	[tilespmem:$0x16B90] =	vst v6;
	v6 =	vadd.s32 v1, v47  }
0x1b9: {  	[tilespmem:$0x16BD0] =	vst v6;
	v6 =	vadd.s32 v0, v48  }
0x1ba: {  	[tilespmem:$0x16BA0] =	vst v6;
	v6 =	vadd.s32 v1, v49  }
0x1bb: {  	s10 =	sor.u32 $0xC0, s9;
	[tilespmem:$0x16BE0] =	vst v6;
	v6 =	vadd.s32 v0, v7  }
0x1bc: {  	s16 =	simm.s32 $0x16B80;
	s22 =	sadd.s32 s17, s10;
	[tilespmem:$0x16BB0] =	vst v6;
	v6 =	vadd.s32 v1, v8  }
0x1bd: {  	s19 =	simm.s32 $0x16C80;
	s11 =	simm.s32 $0x80;
	s1 =	sshrl.u32 s22, $0x3;
	[tilespmem:$0x16BF0] =	vst v6  }
0x1be: {  	[tilespmem:s19], [sflag:$0x2] =	stream.indirect.gather [hbm4b:s26+s11], $0x40, s16, s11, $0xb8;
	[tilespmem:$0x1FC80] =	vst v63  }
0x1bf: {  	s0 =	sadd.s32 s28, s1;
	s19 =	simm.s32 $0x0  }
0x1c0: {  	[tilespmem:s25], [sflag:$0x1] =	stream.linear.gather [hbm4b:s0+s19], $0x40, $0x38;
	[tilespmem:$0x1FC80] =	vst v63  }
0x1c1: {  	s22 =	simm.s32 $0x169C0;
	s16 =	sadd.s32 s29, s1  }
0x1c2: {  	[tilespmem:s22], [sflag:$0x1] =	stream.linear.gather [hbm4b:s16+s19], $0x40, $0x38;
	[tilespmem:$0x1FC80] =	vst v63  }
0x1c3: {  	s1 =	sadd.s32 s30, s1;
	s11 =	simm.s32 $0x16AC0  }
0x1c4: {  	[tilespmem:s11], [sflag:$0x1] =	stream.linear.gather [hbm4b:s1+s19], $0x40, $0x38;
	[tilespmem:$0x1FC80] =	vst v63  }
0x1c5: {  	_ =	swait.ge [sflag:s5], $0x2000  }
0x1c6: {  	[sflag:s5] =	ssyncset.done $0x0  }
0x1c7: {  	s16 =	simm.s32 $0x19C80;
	[sflag:s5] =	ssyncadd.s32 $0xFFFFE000  }
0x1c8: {  	v6 =	vld [tilespmem:s16+$0xFFFFF000]  }
0x1c9: {  	v7 =	vld [tilespmem:s16+$0x0];
	_ =	sdelay $0x2  }
0x1ca: {  	v8 =	vld [tilespmem:s16+$0xFFFFF010]  }
0x1cb: {  	v50 =	vld [tilespmem:s16+$0x10]  }
0x1cc: {  	v51 =	vunpack.i.l.bf16.f32 v6;
	v52 =	vunpack.i.l.bf16.f32 v7  }
0x1cd: {  	v10 =	vmul.f32 v52, v51  }
0x1ce: {  	v53 =	vld [tilespmem:s16+$0xFFFFF020];
	v6 =	vunpack.i.u.bf16.f32 v6;
	v7 =	vunpack.i.u.bf16.f32 v7  }
0x1cf: {  	v6 =	vmul.f32 v7, v6;
	v7 =	vld [tilespmem:s16+$0x20];
	v10 =	vadd.f32 $0.0e+00, v10  }
0x1d0: {  	v54 =	vunpack.i.l.bf16.f32 v8;
	v55 =	vunpack.i.l.bf16.f32 v50  }
0x1d1: {  	v56 =	vmul.f32 v55, v54;
	v6 =	vadd.f32 v10, v6  }
0x1d2: {  	v57 =	vld [tilespmem:s16+$0xFFFFF030];
	v8 =	vunpack.i.u.bf16.f32 v8;
	v9 =	vunpack.i.u.bf16.f32 v50  }
0x1d3: {  	v58 =	vld [tilespmem:s16+$0x30];
	v8 =	vmul.f32 v9, v8;
	v6 =	vadd.f32 v56, v6  }
0x1d4: {  	v59 =	vunpack.i.l.bf16.f32 v53;
	v60 =	vunpack.i.l.bf16.f32 v7  }
0x1d5: {  	v6 =	vadd.f32 v6, v8;
	v8 =	vmul.f32 v60, v59  }
0x1d6: {  	v61 =	vunpack.i.u.bf16.f32 v53;
	v7 =	vunpack.i.u.bf16.f32 v7  }
0x1d7: {  	v7 =	vmul.f32 v7, v61;
	v6 =	vadd.f32 v8, v6  }
0x1d8: {  	v62 =	vunpack.i.l.bf16.f32 v58;
	v8 =	vunpack.i.l.bf16.f32 v57  }
0x1d9: {  	v6 =	vadd.f32 v6, v7;
	v7 =	vmul.f32 v62, v8  }
0x1da: {  	v9 =	vunpack.i.u.bf16.f32 v58;
	v8 =	vunpack.i.u.bf16.f32 v57  }
0x1db: {  	v6 =	vadd.f32 v7, v6;
	v7 =	vmul.f32 v9, v8;
	_ =	sdelay $0x1  }
0x1dc: {  	v6 =	vadd.f32 v6, v7  }
0x1dd: {  	s22 =	sand.u32 $0xC0, s19  }
0x1de: {  	s1 =	sshrl.u32 s22, $0x2;
	v7 =	vperm.xlane v6, v3  }
0x1df: {  	v8 =	vld [tilespmem:s1+$0x16A40]  }
0x1e0: {  	v6 =	vadd.f32 v6, v7;
	_ =	sdelay $0x1  }
0x1e1: {  	v7 =	vperm.xlane v6, v5  }
0x1e2: {  	v63 =	vmov s19  }
0x1e3: {  	v6 =	vadd.f32 v6, v7;
	v7 =	vperm.xlane v8, v63;
	_ =	sdelay $0x1  }
0x1e4: {  	v6 =	vmul.f32 v6, v7;
	_ =	sdelay $0x1  }
0x1e5: {  	v6 =	vmul.f32 $1.442695020e+00, v6;
	_ =	sdelay $0x1  }
0x1e6: {  	(erf) = vpow2.f32 v6;
	_ =	sdelay $0x8  }
0x1e7: {  	s11 =	simm.s32 $0x1F080;
	v6 =	vpop (erf)  }
0x1e8: {  	s16 =	simm.s32 $0x19CC0;
	[tilespmem:s11+$0x0] =	vst v6  }
0x1e9: {  	v6 =	vld [tilespmem:s16+$0xFFFFF000]  }
0x1ea: {  	s22 =	simm.s32 $0x2;
	s1 =	simm.s32 $0x1;
	v7 =	vld [tilespmem:s16+$0x0]  }
.LBB2_9:
0x1eb: {  	p0 =	sne.s32 s22, $0x3F;
	_ =	sdelay $0x1  }
0x1ec: {  	v8 =	vld [tilespmem:s16+$0xFFFFF010]  }
0x1ed: {  	v9 =	vld [tilespmem:s16+$0x10]  }
0x1ee: {  	v10 =	vunpack.i.l.bf16.f32 v6;
	v11 =	vunpack.i.l.bf16.f32 v7  }
0x1ef: {  	v10 =	vmul.f32 v11, v10  }
0x1f0: {  	v6 =	vunpack.i.u.bf16.f32 v6;
	v7 =	vunpack.i.u.bf16.f32 v7;
	v11 =	vld [tilespmem:s16+$0xFFFFF020]  }
0x1f1: {  	v6 =	vmul.f32 v7, v6;
	v10 =	vadd.f32 $0.0e+00, v10;
	v7 =	vld [tilespmem:s16+$0x20]  }
0x1f2: {  	v12 =	vunpack.i.l.bf16.f32 v8;
	v13 =	vunpack.i.l.bf16.f32 v9  }
0x1f3: {  	v6 =	vadd.f32 v10, v6;
	v10 =	vmul.f32 v13, v12  }
0x1f4: {  	v8 =	vunpack.i.u.bf16.f32 v8;
	v9 =	vunpack.i.u.bf16.f32 v9;
	v12 =	vld [tilespmem:s16+$0xFFFFF030]  }
0x1f5: {  	v8 =	vmul.f32 v9, v8;
	v6 =	vadd.f32 v10, v6;
	v9 =	vld [tilespmem:s16+$0x30]  }
0x1f6: {  	v10 =	vunpack.i.l.bf16.f32 v11;
	v13 =	vunpack.i.l.bf16.f32 v7  }
0x1f7: {  	v6 =	vadd.f32 v6, v8;
	v8 =	vmul.f32 v13, v10  }
0x1f8: {  	v7 =	vunpack.i.u.bf16.f32 v7;
	v10 =	vunpack.i.u.bf16.f32 v11  }
0x1f9: {  	v7 =	vmul.f32 v7, v10;
	v6 =	vadd.f32 v8, v6  }
0x1fa: {  	v8 =	vunpack.i.l.bf16.f32 v12;
	v10 =	vunpack.i.l.bf16.f32 v9  }
0x1fb: {  	v6 =	vadd.f32 v6, v7;
	v7 =	vmul.f32 v10, v8  }
0x1fc: {  	v9 =	vunpack.i.u.bf16.f32 v9;
	v8 =	vunpack.i.u.bf16.f32 v12  }
0x1fd: {  	v6 =	vadd.f32 v7, v6;
	v7 =	vmul.f32 v9, v8;
	_ =	sdelay $0x1  }
0x1fe: {  	s19 =	sadd.s32 $0x4, s19;
	v6 =	vadd.f32 v6, v7  }
0x1ff: {  	s0 =	sand.u32 $0xC0, s19  }
0x200: {  	s0 =	sshrl.u32 s0, $0x2;
	v7 =	vperm.xlane v6, v3  }
0x201: {  	v8 =	vld [tilespmem:s0+$0x16A40]  }
0x202: {  	v6 =	vadd.f32 v6, v7;
	_ =	sdelay $0x1  }
0x203: {  	v7 =	vperm.xlane v6, v5  }
0x204: {  	v9 =	vmov s1;
	s1 =	smov.u32 s22  }
0x205: {  	v6 =	vadd.f32 v6, v7;
	v7 =	vperm.xlane v8, v9;
	_ =	sdelay $0x1  }
0x206: {  	v6 =	vmul.f32 v6, v7;
	_ =	sdelay $0x1  }
0x207: {  	v6 =	vmul.f32 $1.442695020e+00, v6;
	_ =	sdelay $0x1  }
0x208: {  	(erf) = vpow2.f32 v6;
	_ =	sdelay $0x7  }
.Ltmp3:
0x209: {  	(pc) =	sbr.rel @p0 .LBB2_9-.Ltmp3, $4  }
0x20a: {  	s11 =	sadd.s32 $0x10, s11;
	v6 =	vpop (erf)  }
0x20b: {  	s16 =	sadd.s32 $0x40, s16;
	[tilespmem:s11+$0x0] =	vst v6  }
0x20c: {  	v6 =	vld [tilespmem:s16+$0xFFFFF000]  }
0x20d: {  	s22 =	sadd.s32 $0x1, s22;
	v7 =	vld [tilespmem:s16+$0x0]  }
0x20e: {  	_ =	sdelay $0x1  }
0x20f: {  	v8 =	vld [tilespmem:s16+$0xFFFFF010]  }
0x210: {  	v9 =	vld [tilespmem:s16+$0x10]  }
0x211: {  	v10 =	vunpack.i.l.bf16.f32 v6;
	v11 =	vunpack.i.l.bf16.f32 v7  }
0x212: {  	v10 =	vmul.f32 v11, v10  }
0x213: {  	v38 =	vld [tilespmem:s16+$0xFFFFF020];
	v6 =	vunpack.i.u.bf16.f32 v6;
	v7 =	vunpack.i.u.bf16.f32 v7  }
0x214: {  	v6 =	vmul.f32 v7, v6;
	v7 =	vld [tilespmem:s16+$0x20];
	v10 =	vadd.f32 $0.0e+00, v10  }
0x215: {  	v12 =	vunpack.i.l.bf16.f32 v8;
	v13 =	vunpack.i.l.bf16.f32 v9  }
0x216: {  	v39 =	vmul.f32 v13, v12;
	v6 =	vadd.f32 v10, v6  }
0x217: {  	v40 =	vld [tilespmem:s16+$0xFFFFF030];
	v8 =	vunpack.i.u.bf16.f32 v8;
	v9 =	vunpack.i.u.bf16.f32 v9  }
0x218: {  	v41 =	vld [tilespmem:s16+$0x30];
	v8 =	vmul.f32 v9, v8;
	v6 =	vadd.f32 v39, v6  }
0x219: {  	v42 =	vunpack.i.l.bf16.f32 v38;
	v43 =	vunpack.i.l.bf16.f32 v7  }
0x21a: {  	v6 =	vadd.f32 v6, v8;
	v8 =	vmul.f32 v43, v42  }
0x21b: {  	v44 =	vunpack.i.u.bf16.f32 v38;
	v7 =	vunpack.i.u.bf16.f32 v7  }
0x21c: {  	v7 =	vmul.f32 v7, v44;
	v6 =	vadd.f32 v8, v6  }
0x21d: {  	v45 =	vunpack.i.l.bf16.f32 v41;
	v8 =	vunpack.i.l.bf16.f32 v40  }
0x21e: {  	v6 =	vadd.f32 v6, v7;
	v7 =	vmul.f32 v45, v8  }
0x21f: {  	v9 =	vunpack.i.u.bf16.f32 v41;
	v8 =	vunpack.i.u.bf16.f32 v40  }
0x220: {  	v6 =	vadd.f32 v7, v6;
	v7 =	vmul.f32 v9, v8;
	_ =	sdelay $0x1  }
0x221: {  	s0 =	sadd.s32 $0x4, s19;
	v6 =	vadd.f32 v6, v7  }
0x222: {  	s0 =	sand.u32 $0xC0, s0  }
0x223: {  	s0 =	sshrl.u32 s0, $0x2;
	v7 =	vperm.xlane v6, v3  }
0x224: {  	v8 =	vld [tilespmem:s0+$0x16A40]  }
0x225: {  	v6 =	vadd.f32 v6, v7;
	_ =	sdelay $0x1  }
0x226: {  	v7 =	vperm.xlane v6, v5  }
0x227: {  	v46 =	vmov s1  }
0x228: {  	v6 =	vadd.f32 v6, v7;
	v7 =	vperm.xlane v8, v46;
	_ =	sdelay $0x1  }
0x229: {  	v6 =	vmul.f32 v6, v7;
	_ =	sdelay $0x1  }
0x22a: {  	v6 =	vmul.f32 $1.442695020e+00, v6;
	_ =	sdelay $0x1  }
0x22b: {  	(erf) = vpow2.f32 v6;
	_ =	sdelay $0x5  }
0x22c: {  	s19 =	sld [smem:$0x7F8];
	_ =	sdelay $0x2  }
0x22d: {  	s11 =	sadd.s32 $0x10, s11;
	s0 =	sadd.s32 s9, s19;
	v6 =	vpop (erf)  }
0x22e: {  	s16 =	simm.s32 $0x1F080;
	s0 =	sshll.u32 s0, $0x1;
	[tilespmem:s11+$0x0] =	vst v6  }
0x22f: {  	[spmem:s21] =	stream.indirect.scatter.add.f32 [tilespmem:s16], [sflag:$0x9], $0x10, s2, s4, $0xb8;
	[tilespmem:$0x1FC80] =	vst v63  }
0x230: {  	s22 =	simm.s32 $0x0;
	s0 =	sadd.s32 s31, s0  }
0x231: {  	[hbm4b:s0+s22] =	stream.linear.scatter [tilespmem:s16], [sflag:$0x7], $0x400, $0x38;
	[tilespmem:$0x1FC80] =	vst v63  }
0x232: {  	_ =	swait.ge [sflag:s13], $0x400  }
0x233: {  	[sflag:s13] =	ssyncset.done $0x0  }
0x234: {  	[sflag:s13] =	ssyncadd.s32 $0xFFFFFC00  }
0x235: {  	_ =	swait.ge [sflag:s7], $0x400  }
0x236: {  	[sflag:s7] =	ssyncset.done $0x0  }
0x237: {  	[sflag:s7] =	ssyncadd.s32 $0xFFFFFC00  }
0x238: {  	_ =	swait.ge [sflag:s24], $0x40  }
0x239: {  	[sflag:s24] =	ssyncset.done $0x0  }
0x23a: {  	[sflag:s24] =	ssyncadd.s32 $0xFFFFFFC0  }
0x23b: {  	_ =	swait.ge [sflag:s24], $0x40  }
0x23c: {  	[sflag:s24] =	ssyncset.done $0x0  }
0x23d: {  	[sflag:s24] =	ssyncadd.s32 $0xFFFFFFC0  }
0x23e: {  	_ =	swait.ge [sflag:s24], $0x40  }
0x23f: {  	[sflag:s24] =	ssyncset.done $0x0  }
0x240: {  	[sflag:s24] =	ssyncadd.s32 $0xFFFFFFC0  }
0x241: {  	v6 =	vld [tilespmem:$0x168C0]  }
0x242: {  	v7 =	vld [tilespmem:$0x169C0]  }
0x243: {  	v8 =	vld [tilespmem:$0x168D0]  }
0x244: {  	v47 =	vld [tilespmem:$0x169D0]  }
0x245: {  	v48 =	vld [tilespmem:$0x168E0]  }
0x246: {  	v49 =	vld [tilespmem:$0x169E0];
	v6 =	vadd.s32 v0, v6  }
0x247: {  	[tilespmem:$0x16C00] =	vst v6;
	v6 =	vadd.s32 v1, v7;
	v7 =	vld [tilespmem:$0x168F0]  }
0x248: {  	[tilespmem:$0x16C40] =	vst v6;
	v6 =	vadd.s32 v0, v8;
	v8 =	vld [tilespmem:$0x169F0]  }
0x249: {  	[tilespmem:$0x16C10] =	vst v6;
	v6 =	vadd.s32 v1, v47  }
0x24a: {  	s0 =	sld [smem:$0x7F9];
	[tilespmem:$0x16C50] =	vst v6;
	v6 =	vadd.s32 v0, v48  }
0x24b: {  	[tilespmem:$0x16C20] =	vst v6;
	v6 =	vadd.s32 v1, v49  }
0x24c: {  	p0 =	seq.s32 s20, $0x27;
	[tilespmem:$0x16C60] =	vst v6;
	v6 =	vadd.s32 v0, v7  }
0x24d: {  	s1 =	simm.s32 $0x80;
	s0 =	sadd.s32 @!p0 s9, s0;
	[tilespmem:$0x16C30] =	vst v6;
	v6 =	vadd.s32 v1, v8  }
0x24e: {  	s11 =	simm.s32 $0x16C00;
	s16 =	simm.s32 $0x18C80;
	s0 =	sshrl.u32 @!p0 s0, $0x3;
	[tilespmem:$0x16C70] =	vst v6  }
0x24f: {  	[tilespmem:s16], [sflag:$0x3] =	stream.indirect.gather [hbm4b:s26+s1], $0x40, s11, s1, $0xb8;
	[tilespmem:$0x1FC80] =	vst v63  }
0x250: {  	s1 =	sadd.s32 @!p0 s28, s0;
	s11 =	simm.s32 @!p0 $0x0;
	s16 =	simm.s32 @!p0 $0x16800  }
0x251: {  	[tilespmem:s16], [sflag:$0x1] =	stream.linear.gather @!p0 [hbm4b:s1+s11], $0x40, $0x38;
	[tilespmem:$0x1FC80] =	vst v63  }
0x252: {  	s1 =	sadd.s32 @!p0 s29, s0;
	s16 =	simm.s32 @!p0 $0x16900  }
0x253: {  	[tilespmem:s16], [sflag:$0x1] =	stream.linear.gather @!p0 [hbm4b:s1+s11], $0x40, $0x38;
	[tilespmem:$0x1FC80] =	vst v63  }
0x254: {  	s0 =	sadd.s32 @!p0 s30, s0;
	s1 =	simm.s32 @!p0 $0x16A00  }
0x255: {  	[tilespmem:s1], [sflag:$0x1] =	stream.linear.gather @!p0 [hbm4b:s0+s11], $0x40, $0x38;
	[tilespmem:$0x1FC80] =	vst v63  }
0x256: {  	_ =	swait.ge [sflag:s6], $0x2000  }
0x257: {  	[sflag:s6] =	ssyncset.done $0x0  }
0x258: {  	s19 =	simm.s32 $0x17C80;
	[sflag:s6] =	ssyncadd.s32 $0xFFFFE000  }
0x259: {  	v6 =	vld [tilespmem:s19+$0xFFFFF000]  }
0x25a: {  	v7 =	vld [tilespmem:s19+$0x0];
	_ =	sdelay $0x2  }
0x25b: {  	v8 =	vld [tilespmem:s19+$0xFFFFF010]  }
0x25c: {  	v50 =	vld [tilespmem:s19+$0x10]  }
0x25d: {  	v51 =	vunpack.i.l.bf16.f32 v6;
	v52 =	vunpack.i.l.bf16.f32 v7  }
0x25e: {  	v10 =	vmul.f32 v52, v51  }
0x25f: {  	v53 =	vld [tilespmem:s19+$0xFFFFF020];
	v6 =	vunpack.i.u.bf16.f32 v6;
	v7 =	vunpack.i.u.bf16.f32 v7  }
0x260: {  	v6 =	vmul.f32 v7, v6;
	v7 =	vld [tilespmem:s19+$0x20];
	v10 =	vadd.f32 $0.0e+00, v10  }
0x261: {  	v54 =	vunpack.i.l.bf16.f32 v8;
	v55 =	vunpack.i.l.bf16.f32 v50  }
0x262: {  	v56 =	vmul.f32 v55, v54;
	v6 =	vadd.f32 v10, v6  }
0x263: {  	v57 =	vld [tilespmem:s19+$0xFFFFF030];
	v8 =	vunpack.i.u.bf16.f32 v8;
	v9 =	vunpack.i.u.bf16.f32 v50  }
0x264: {  	v58 =	vld [tilespmem:s19+$0x30];
	v8 =	vmul.f32 v9, v8;
	v6 =	vadd.f32 v56, v6  }
0x265: {  	v59 =	vunpack.i.l.bf16.f32 v53;
	v60 =	vunpack.i.l.bf16.f32 v7  }
0x266: {  	v6 =	vadd.f32 v6, v8;
	v8 =	vmul.f32 v60, v59  }
0x267: {  	v61 =	vunpack.i.u.bf16.f32 v53;
	v7 =	vunpack.i.u.bf16.f32 v7  }
0x268: {  	v7 =	vmul.f32 v7, v61;
	v6 =	vadd.f32 v8, v6  }
0x269: {  	v62 =	vunpack.i.l.bf16.f32 v58;
	v8 =	vunpack.i.l.bf16.f32 v57  }
0x26a: {  	v6 =	vadd.f32 v6, v7;
	v7 =	vmul.f32 v62, v8  }
0x26b: {  	v9 =	vunpack.i.u.bf16.f32 v58;
	v8 =	vunpack.i.u.bf16.f32 v57  }
0x26c: {  	v6 =	vadd.f32 v7, v6;
	v7 =	vmul.f32 v9, v8;
	_ =	sdelay $0x1  }
0x26d: {  	s11 =	simm.s32 $0x0;
	v6 =	vadd.f32 v6, v7  }
0x26e: {  	s22 =	sand.u32 $0xC0, s11  }
0x26f: {  	s0 =	sshrl.u32 s22, $0x2;
	v7 =	vperm.xlane v6, v3  }
0x270: {  	v8 =	vld [tilespmem:s0+$0x16A80]  }
0x271: {  	v6 =	vadd.f32 v6, v7;
	_ =	sdelay $0x1  }
0x272: {  	v7 =	vperm.xlane v6, v5  }
0x273: {  	v63 =	vmov s11  }
0x274: {  	v6 =	vadd.f32 v6, v7;
	v7 =	vperm.xlane v8, v63;
	_ =	sdelay $0x1  }
0x275: {  	v6 =	vmul.f32 v6, v7;
	_ =	sdelay $0x1  }
0x276: {  	v6 =	vmul.f32 $1.442695020e+00, v6;
	_ =	sdelay $0x1  }
0x277: {  	(erf) = vpow2.f32 v6;
	_ =	sdelay $0x8  }
0x278: {  	s19 =	simm.s32 $0x1EC80;
	v6 =	vpop (erf)  }
0x279: {  	s16 =	simm.s32 $0x17CC0;
	[tilespmem:s19+$0x0] =	vst v6  }
0x27a: {  	v6 =	vld [tilespmem:s16+$0xFFFFF000]  }
0x27b: {  	s1 =	simm.s32 $0x1;
	s22 =	simm.s32 $0x2;
	v7 =	vld [tilespmem:s16+$0x0]  }
.LBB2_11:
0x27c: {  	p1 =	sne.s32 s22, $0x3F;
	_ =	sdelay $0x1  }
0x27d: {  	v8 =	vld [tilespmem:s16+$0xFFFFF010]  }
0x27e: {  	v9 =	vld [tilespmem:s16+$0x10]  }
0x27f: {  	v10 =	vunpack.i.l.bf16.f32 v6;
	v11 =	vunpack.i.l.bf16.f32 v7  }
0x280: {  	v10 =	vmul.f32 v11, v10  }
0x281: {  	v6 =	vunpack.i.u.bf16.f32 v6;
	v7 =	vunpack.i.u.bf16.f32 v7;
	v11 =	vld [tilespmem:s16+$0xFFFFF020]  }
0x282: {  	v6 =	vmul.f32 v7, v6;
	v10 =	vadd.f32 $0.0e+00, v10;
	v7 =	vld [tilespmem:s16+$0x20]  }
0x283: {  	v12 =	vunpack.i.l.bf16.f32 v8;
	v13 =	vunpack.i.l.bf16.f32 v9  }
0x284: {  	v6 =	vadd.f32 v10, v6;
	v10 =	vmul.f32 v13, v12  }
0x285: {  	v8 =	vunpack.i.u.bf16.f32 v8;
	v9 =	vunpack.i.u.bf16.f32 v9;
	v12 =	vld [tilespmem:s16+$0xFFFFF030]  }
0x286: {  	v8 =	vmul.f32 v9, v8;
	v6 =	vadd.f32 v10, v6;
	v9 =	vld [tilespmem:s16+$0x30]  }
0x287: {  	v10 =	vunpack.i.l.bf16.f32 v11;
	v13 =	vunpack.i.l.bf16.f32 v7  }
0x288: {  	v6 =	vadd.f32 v6, v8;
	v8 =	vmul.f32 v13, v10  }
0x289: {  	v7 =	vunpack.i.u.bf16.f32 v7;
	v10 =	vunpack.i.u.bf16.f32 v11  }
0x28a: {  	v7 =	vmul.f32 v7, v10;
	v6 =	vadd.f32 v8, v6  }
0x28b: {  	v8 =	vunpack.i.l.bf16.f32 v12;
	v10 =	vunpack.i.l.bf16.f32 v9  }
0x28c: {  	v6 =	vadd.f32 v6, v7;
	v7 =	vmul.f32 v10, v8  }
0x28d: {  	v9 =	vunpack.i.u.bf16.f32 v9;
	v8 =	vunpack.i.u.bf16.f32 v12  }
0x28e: {  	v6 =	vadd.f32 v7, v6;
	v7 =	vmul.f32 v9, v8;
	_ =	sdelay $0x1  }
0x28f: {  	s11 =	sadd.s32 $0x4, s11;
	v6 =	vadd.f32 v6, v7  }
0x290: {  	s0 =	sand.u32 $0xC0, s11  }
0x291: {  	s0 =	sshrl.u32 s0, $0x2;
	v7 =	vperm.xlane v6, v3  }
0x292: {  	v8 =	vld [tilespmem:s0+$0x16A80]  }
0x293: {  	v6 =	vadd.f32 v6, v7;
	_ =	sdelay $0x1  }
0x294: {  	v7 =	vperm.xlane v6, v5  }
0x295: {  	v9 =	vmov s1;
	s1 =	smov.u32 s22  }
0x296: {  	v6 =	vadd.f32 v6, v7;
	v7 =	vperm.xlane v8, v9;
	_ =	sdelay $0x1  }
0x297: {  	v6 =	vmul.f32 v6, v7;
	_ =	sdelay $0x1  }
0x298: {  	v6 =	vmul.f32 $1.442695020e+00, v6;
	_ =	sdelay $0x1  }
0x299: {  	(erf) = vpow2.f32 v6;
	_ =	sdelay $0x7  }
.Ltmp4:
0x29a: {  	(pc) =	sbr.rel @p1 .LBB2_11-.Ltmp4, $4  }
0x29b: {  	s19 =	sadd.s32 $0x10, s19;
	v6 =	vpop (erf)  }
0x29c: {  	s16 =	sadd.s32 $0x40, s16;
	[tilespmem:s19+$0x0] =	vst v6  }
0x29d: {  	v6 =	vld [tilespmem:s16+$0xFFFFF000]  }
0x29e: {  	s22 =	sadd.s32 $0x1, s22;
	v7 =	vld [tilespmem:s16+$0x0]  }
0x29f: {  	_ =	sdelay $0x1  }
0x2a0: {  	v8 =	vld [tilespmem:s16+$0xFFFFF010]  }
0x2a1: {  	v9 =	vld [tilespmem:s16+$0x10]  }
0x2a2: {  	v10 =	vunpack.i.l.bf16.f32 v6;
	v11 =	vunpack.i.l.bf16.f32 v7  }
0x2a3: {  	v10 =	vmul.f32 v11, v10  }
0x2a4: {  	v41 =	vld [tilespmem:s16+$0xFFFFF020];
	v6 =	vunpack.i.u.bf16.f32 v6;
	v7 =	vunpack.i.u.bf16.f32 v7  }
0x2a5: {  	v6 =	vmul.f32 v7, v6;
	v7 =	vld [tilespmem:s16+$0x20];
	v10 =	vadd.f32 $0.0e+00, v10  }
0x2a6: {  	v12 =	vunpack.i.l.bf16.f32 v8;
	v13 =	vunpack.i.l.bf16.f32 v9  }
0x2a7: {  	v42 =	vmul.f32 v13, v12;
	v6 =	vadd.f32 v10, v6  }
0x2a8: {  	v43 =	vld [tilespmem:s16+$0xFFFFF030];
	v8 =	vunpack.i.u.bf16.f32 v8;
	v9 =	vunpack.i.u.bf16.f32 v9  }
0x2a9: {  	v44 =	vld [tilespmem:s16+$0x30];
	v8 =	vmul.f32 v9, v8;
	v6 =	vadd.f32 v42, v6  }
0x2aa: {  	v45 =	vunpack.i.l.bf16.f32 v41;
	v46 =	vunpack.i.l.bf16.f32 v7  }
0x2ab: {  	v6 =	vadd.f32 v6, v8;
	v8 =	vmul.f32 v46, v45  }
0x2ac: {  	v47 =	vunpack.i.u.bf16.f32 v41;
	v7 =	vunpack.i.u.bf16.f32 v7  }
0x2ad: {  	v7 =	vmul.f32 v7, v47;
	v6 =	vadd.f32 v8, v6  }
0x2ae: {  	v48 =	vunpack.i.l.bf16.f32 v44;
	v8 =	vunpack.i.l.bf16.f32 v43  }
0x2af: {  	v6 =	vadd.f32 v6, v7;
	v7 =	vmul.f32 v48, v8  }
0x2b0: {  	v9 =	vunpack.i.u.bf16.f32 v44;
	v8 =	vunpack.i.u.bf16.f32 v43  }
0x2b1: {  	v6 =	vadd.f32 v7, v6;
	v7 =	vmul.f32 v9, v8;
	_ =	sdelay $0x1  }
0x2b2: {  	s0 =	sadd.s32 $0x4, s11;
	v6 =	vadd.f32 v6, v7  }
0x2b3: {  	s0 =	sand.u32 $0xC0, s0  }
0x2b4: {  	s0 =	sshrl.u32 s0, $0x2;
	v7 =	vperm.xlane v6, v3  }
0x2b5: {  	v8 =	vld [tilespmem:s0+$0x16A80]  }
0x2b6: {  	v6 =	vadd.f32 v6, v7;
	_ =	sdelay $0x1  }
0x2b7: {  	v7 =	vperm.xlane v6, v5  }
0x2b8: {  	v49 =	vmov s1  }
0x2b9: {  	v6 =	vadd.f32 v6, v7;
	v7 =	vperm.xlane v8, v49;
	_ =	sdelay $0x1  }
0x2ba: {  	v6 =	vmul.f32 v6, v7;
	_ =	sdelay $0x1  }
0x2bb: {  	v6 =	vmul.f32 $1.442695020e+00, v6;
	_ =	sdelay $0x1  }
0x2bc: {  	(erf) = vpow2.f32 v6;
	_ =	sdelay $0x8  }
0x2bd: {  	s22 =	sadd.s32 $0x10, s19;
	s12 =	sadd.s32 s14, s12;
	v6 =	vpop (erf)  }
0x2be: {  	s1 =	simm.s32 $0x1EC80;
	s0 =	sshll.u32 s12, $0x1;
	[tilespmem:s22+$0x0] =	vst v6  }
0x2bf: {  	[spmem:s21] =	stream.indirect.scatter.add.f32 [tilespmem:s1], [sflag:$0x8], $0x10, s3, s4, $0xb8;
	[tilespmem:$0x1FC80] =	vst v63  }
0x2c0: {  	s16 =	simm.s32 $0x0;
	s0 =	sadd.s32 s31, s0  }
0x2c1: {  	[hbm4b:s0+s16] =	stream.linear.scatter [tilespmem:s1], [sflag:$0x6], $0x400, $0x38;
	[tilespmem:$0x1FC80] =	vst v63  }
0x2c2: {  	_ =	swait.ge [sflag:s8], $0x400  }
0x2c3: {  	[sflag:s8] =	ssyncset.done $0x0  }
0x2c4: {  	[sflag:s8] =	ssyncadd.s32 $0xFFFFFC00  }
0x2c5: {  	_ =	swait.ge [sflag:s15], $0x400  }
0x2c6: {  	[sflag:s15] =	ssyncset.done $0x0  }
0x2c7: {  	s0 =	simm.s32 @!p0 $0x1;
	[sflag:s15] =	ssyncadd.s32 $0xFFFFFC00  }
0x2c8: {  	_ =	swait.ge @!p0 [sflag:s0], $0x40  }
0x2c9: {  	[sflag:s0] =	ssyncset.done @!p0 $0x0  }
0x2ca: {  	[sflag:s0] =	ssyncadd.s32 @!p0 $0xFFFFFFC0  }
0x2cb: {  	_ =	swait.ge @!p0 [sflag:s0], $0x40  }
0x2cc: {  	[sflag:s0] =	ssyncset.done @!p0 $0x0  }
0x2cd: {  	[sflag:s0] =	ssyncadd.s32 @!p0 $0xFFFFFFC0  }
0x2ce: {  	_ =	swait.ge @!p0 [sflag:s0], $0x40  }
0x2cf: {  	[sflag:s0] =	ssyncset.done @!p0 $0x0  }
0x2d0: {  	[sflag:s0] =	ssyncadd.s32 @!p0 $0xFFFFFFC0  }
0x2d1: {  	v6 =	vld @!p0 [tilespmem:$0x16800]  }
0x2d2: {  	v7 =	vld @!p0 [tilespmem:$0x16900]  }
0x2d3: {  	v8 =	vld @!p0 [tilespmem:$0x16810]  }
0x2d4: {  	v9 =	vld @!p0 [tilespmem:$0x16910]  }
0x2d5: {  	v10 =	vld @!p0 [tilespmem:$0x16820]  }
0x2d6: {  	v11 =	vld @!p0 [tilespmem:$0x16920];
	v6 =	vadd.s32 @!p0 v0, v6  }
0x2d7: {  	[tilespmem:$0x16B80] =	vst @!p0 v6;
	v6 =	vadd.s32 @!p0 v1, v7;
	v7 =	vld @!p0 [tilespmem:$0x16830]  }
0x2d8: {  	[tilespmem:$0x16BC0] =	vst @!p0 v6;
	v6 =	vadd.s32 @!p0 v0, v8;
	v8 =	vld @!p0 [tilespmem:$0x16930]  }
0x2d9: {  	[tilespmem:$0x16B90] =	vst @!p0 v6;
	v6 =	vadd.s32 @!p0 v1, v9  }
0x2da: {  	[tilespmem:$0x16BD0] =	vst @!p0 v6;
	v6 =	vadd.s32 @!p0 v0, v10  }
0x2db: {  	[tilespmem:$0x16BA0] =	vst @!p0 v6;
	v6 =	vadd.s32 @!p0 v1, v11  }
0x2dc: {  	[tilespmem:$0x16BE0] =	vst @!p0 v6;
	v6 =	vadd.s32 @!p0 v0, v7  }
0x2dd: {  	[tilespmem:$0x16BB0] =	vst @!p0 v6;
	v6 =	vadd.s32 @!p0 v1, v8  }
0x2de: {  	s11 =	simm.s32 @!p0 $0x16C80;
	s1 =	simm.s32 @!p0 $0x16B80;
	s0 =	simm.s32 @!p0 $0x80;
	[tilespmem:$0x16BF0] =	vst @!p0 v6  }
0x2df: {  	[tilespmem:s11], [sflag:$0x2] =	stream.indirect.gather @!p0 [hbm4b:s26+s0], $0x40, s1, s0, $0xb8;
	[tilespmem:$0x1FC80] =	vst v63  }
0x2e0: {  	s0 =	sld [smem:$0x7FA];
	_ =	sdelay $0x2  }
0x2e1: {  	s0 =	sadd.s32 @!p0 s9, s0  }
0x2e2: {  	s0 =	sshrl.u32 @!p0 s0, $0x3  }
0x2e3: {  	s11 =	simm.s32 @!p0 $0x16840;
	s9 =	simm.s32 @!p0 $0x0;
	s1 =	sadd.s32 @!p0 s28, s0  }
0x2e4: {  	[tilespmem:s11], [sflag:$0x1] =	stream.linear.gather @!p0 [hbm4b:s1+s9], $0x40, $0x38;
	[tilespmem:$0x1FC80] =	vst v63  }
0x2e5: {  	s1 =	sadd.s32 @!p0 s29, s0;
	s11 =	simm.s32 @!p0 $0x16940  }
0x2e6: {  	[tilespmem:s11], [sflag:$0x1] =	stream.linear.gather @!p0 [hbm4b:s1+s9], $0x40, $0x38;
	[tilespmem:$0x1FC80] =	vst v63  }
0x2e7: {  	s0 =	sadd.s32 @!p0 s30, s0;
	s1 =	simm.s32 @!p0 $0x16A40  }
0x2e8: {  	[tilespmem:s1], [sflag:$0x1] =	stream.linear.gather @!p0 [hbm4b:s0+s9], $0x40, $0x38;
	[tilespmem:$0x1FC80] =	vst v63  }
0x2e9: {  	_ =	swait.ge [sflag:s5], $0x2000  }
0x2ea: {  	[sflag:s5] =	ssyncset.done $0x0  }
0x2eb: {  	s19 =	simm.s32 $0x19C80;
	[sflag:s5] =	ssyncadd.s32 $0xFFFFE000  }
0x2ec: {  	v6 =	vld [tilespmem:s19+$0xFFFFF000]  }
0x2ed: {  	v7 =	vld [tilespmem:s19+$0x0];
	_ =	sdelay $0x2  }
0x2ee: {  	v8 =	vld [tilespmem:s19+$0xFFFFF010]  }
0x2ef: {  	v50 =	vld [tilespmem:s19+$0x10]  }
0x2f0: {  	v51 =	vunpack.i.l.bf16.f32 v6;
	v52 =	vunpack.i.l.bf16.f32 v7  }
0x2f1: {  	v10 =	vmul.f32 v52, v51  }
0x2f2: {  	v53 =	vld [tilespmem:s19+$0xFFFFF020];
	v6 =	vunpack.i.u.bf16.f32 v6;
	v7 =	vunpack.i.u.bf16.f32 v7  }
0x2f3: {  	v6 =	vmul.f32 v7, v6;
	v7 =	vld [tilespmem:s19+$0x20];
	v10 =	vadd.f32 $0.0e+00, v10  }
0x2f4: {  	v54 =	vunpack.i.l.bf16.f32 v8;
	v55 =	vunpack.i.l.bf16.f32 v50  }
0x2f5: {  	v56 =	vmul.f32 v55, v54;
	v6 =	vadd.f32 v10, v6  }
0x2f6: {  	v57 =	vld [tilespmem:s19+$0xFFFFF030];
	v8 =	vunpack.i.u.bf16.f32 v8;
	v9 =	vunpack.i.u.bf16.f32 v50  }
0x2f7: {  	v58 =	vld [tilespmem:s19+$0x30];
	v8 =	vmul.f32 v9, v8;
	v6 =	vadd.f32 v56, v6  }
0x2f8: {  	v59 =	vunpack.i.l.bf16.f32 v53;
	v60 =	vunpack.i.l.bf16.f32 v7  }
0x2f9: {  	v6 =	vadd.f32 v6, v8;
	v8 =	vmul.f32 v60, v59  }
0x2fa: {  	v61 =	vunpack.i.u.bf16.f32 v53;
	v7 =	vunpack.i.u.bf16.f32 v7  }
0x2fb: {  	v7 =	vmul.f32 v7, v61;
	v6 =	vadd.f32 v8, v6  }
0x2fc: {  	v62 =	vunpack.i.l.bf16.f32 v58;
	v8 =	vunpack.i.l.bf16.f32 v57  }
0x2fd: {  	v6 =	vadd.f32 v6, v7;
	v7 =	vmul.f32 v62, v8  }
0x2fe: {  	v9 =	vunpack.i.u.bf16.f32 v58;
	v8 =	vunpack.i.u.bf16.f32 v57  }
0x2ff: {  	v6 =	vadd.f32 v7, v6;
	v7 =	vmul.f32 v9, v8;
	_ =	sdelay $0x1  }
0x300: {  	s9 =	simm.s32 $0x0;
	v6 =	vadd.f32 v6, v7  }
0x301: {  	s22 =	sand.u32 $0xC0, s9  }
0x302: {  	s0 =	sshrl.u32 s22, $0x2;
	v7 =	vperm.xlane v6, v3  }
0x303: {  	v8 =	vld [tilespmem:s0+$0x16AC0]  }
0x304: {  	v6 =	vadd.f32 v6, v7;
	_ =	sdelay $0x1  }
0x305: {  	v7 =	vperm.xlane v6, v5  }
0x306: {  	v63 =	vmov s9  }
0x307: {  	v6 =	vadd.f32 v6, v7;
	v7 =	vperm.xlane v8, v63;
	_ =	sdelay $0x1  }
0x308: {  	v6 =	vmul.f32 v6, v7;
	_ =	sdelay $0x1  }
0x309: {  	v6 =	vmul.f32 $1.442695020e+00, v6;
	_ =	sdelay $0x1  }
0x30a: {  	(erf) = vpow2.f32 v6;
	_ =	sdelay $0x8  }
0x30b: {  	s11 =	simm.s32 $0x1F080;
	v6 =	vpop (erf)  }
0x30c: {  	s12 =	simm.s32 $0x19CC0;
	[tilespmem:s11+$0x0] =	vst v6  }
0x30d: {  	v6 =	vld [tilespmem:s12+$0xFFFFF000]  }
0x30e: {  	s16 =	simm.s32 $0x2;
	s1 =	simm.s32 $0x1;
	v7 =	vld [tilespmem:s12+$0x0]  }
.LBB2_13:
0x30f: {  	p0 =	sne.s32 s16, $0x3F;
	_ =	sdelay $0x1  }
0x310: {  	v8 =	vld [tilespmem:s12+$0xFFFFF010]  }
0x311: {  	v9 =	vld [tilespmem:s12+$0x10]  }
0x312: {  	v10 =	vunpack.i.l.bf16.f32 v6;
	v11 =	vunpack.i.l.bf16.f32 v7  }
0x313: {  	v10 =	vmul.f32 v11, v10  }
0x314: {  	v6 =	vunpack.i.u.bf16.f32 v6;
	v7 =	vunpack.i.u.bf16.f32 v7;
	v11 =	vld [tilespmem:s12+$0xFFFFF020]  }
0x315: {  	v6 =	vmul.f32 v7, v6;
	v10 =	vadd.f32 $0.0e+00, v10;
	v7 =	vld [tilespmem:s12+$0x20]  }
0x316: {  	v12 =	vunpack.i.l.bf16.f32 v8;
	v13 =	vunpack.i.l.bf16.f32 v9  }
0x317: {  	v6 =	vadd.f32 v10, v6;
	v10 =	vmul.f32 v13, v12  }
0x318: {  	v8 =	vunpack.i.u.bf16.f32 v8;
	v9 =	vunpack.i.u.bf16.f32 v9;
	v12 =	vld [tilespmem:s12+$0xFFFFF030]  }
0x319: {  	v8 =	vmul.f32 v9, v8;
	v6 =	vadd.f32 v10, v6;
	v9 =	vld [tilespmem:s12+$0x30]  }
0x31a: {  	v10 =	vunpack.i.l.bf16.f32 v11;
	v13 =	vunpack.i.l.bf16.f32 v7  }
0x31b: {  	v6 =	vadd.f32 v6, v8;
	v8 =	vmul.f32 v13, v10  }
0x31c: {  	v7 =	vunpack.i.u.bf16.f32 v7;
	v10 =	vunpack.i.u.bf16.f32 v11  }
0x31d: {  	v7 =	vmul.f32 v7, v10;
	v6 =	vadd.f32 v8, v6  }
0x31e: {  	v8 =	vunpack.i.l.bf16.f32 v12;
	v10 =	vunpack.i.l.bf16.f32 v9  }
0x31f: {  	v6 =	vadd.f32 v6, v7;
	v7 =	vmul.f32 v10, v8  }
0x320: {  	v9 =	vunpack.i.u.bf16.f32 v9;
	v8 =	vunpack.i.u.bf16.f32 v12  }
0x321: {  	v6 =	vadd.f32 v7, v6;
	v7 =	vmul.f32 v9, v8;
	_ =	sdelay $0x1  }
0x322: {  	s9 =	sadd.s32 $0x4, s9;
	v6 =	vadd.f32 v6, v7  }
0x323: {  	s0 =	sand.u32 $0xC0, s9  }
0x324: {  	s0 =	sshrl.u32 s0, $0x2;
	v7 =	vperm.xlane v6, v3  }
0x325: {  	v8 =	vld [tilespmem:s0+$0x16AC0]  }
0x326: {  	v6 =	vadd.f32 v6, v7;
	_ =	sdelay $0x1  }
0x327: {  	v7 =	vperm.xlane v6, v5  }
0x328: {  	v9 =	vmov s1;
	s1 =	smov.u32 s16  }
0x329: {  	v6 =	vadd.f32 v6, v7;
	v7 =	vperm.xlane v8, v9;
	_ =	sdelay $0x1  }
0x32a: {  	v6 =	vmul.f32 v6, v7;
	_ =	sdelay $0x1  }
0x32b: {  	v6 =	vmul.f32 $1.442695020e+00, v6;
	_ =	sdelay $0x1  }
0x32c: {  	(erf) = vpow2.f32 v6;
	_ =	sdelay $0x7  }
.Ltmp5:
0x32d: {  	(pc) =	sbr.rel @p0 .LBB2_13-.Ltmp5, $4  }
0x32e: {  	s11 =	sadd.s32 $0x10, s11;
	v6 =	vpop (erf)  }
0x32f: {  	s12 =	sadd.s32 $0x40, s12;
	[tilespmem:s11+$0x0] =	vst v6  }
0x330: {  	v6 =	vld [tilespmem:s12+$0xFFFFF000]  }
0x331: {  	s16 =	sadd.s32 $0x1, s16;
	v7 =	vld [tilespmem:s12+$0x0]  }
0x332: {  	_ =	sdelay $0x1  }
0x333: {  	v8 =	vld [tilespmem:s12+$0xFFFFF010]  }
0x334: {  	v9 =	vld [tilespmem:s12+$0x10]  }
0x335: {  	v10 =	vunpack.i.l.bf16.f32 v6;
	v11 =	vunpack.i.l.bf16.f32 v7  }
0x336: {  	v10 =	vmul.f32 v11, v10  }
0x337: {  	v51 =	vld [tilespmem:s12+$0xFFFFF020];
	v6 =	vunpack.i.u.bf16.f32 v6;
	v7 =	vunpack.i.u.bf16.f32 v7  }
0x338: {  	v6 =	vmul.f32 v7, v6;
	v7 =	vld [tilespmem:s12+$0x20];
	v10 =	vadd.f32 $0.0e+00, v10  }
0x339: {  	v12 =	vunpack.i.l.bf16.f32 v8;
	v13 =	vunpack.i.l.bf16.f32 v9  }
0x33a: {  	v52 =	vmul.f32 v13, v12;
	v6 =	vadd.f32 v10, v6  }
0x33b: {  	v53 =	vld [tilespmem:s12+$0xFFFFF030];
	v8 =	vunpack.i.u.bf16.f32 v8;
	v9 =	vunpack.i.u.bf16.f32 v9  }
0x33c: {  	v54 =	vld [tilespmem:s12+$0x30];
	v8 =	vmul.f32 v9, v8;
	v6 =	vadd.f32 v52, v6  }
0x33d: {  	v55 =	vunpack.i.l.bf16.f32 v51;
	v56 =	vunpack.i.l.bf16.f32 v7  }
0x33e: {  	v57 =	vmul.f32 v56, v55;
	v6 =	vadd.f32 v6, v8  }
0x33f: {  	v58 =	vunpack.i.u.bf16.f32 v51;
	v7 =	vunpack.i.u.bf16.f32 v7  }
0x340: {  	v7 =	vmul.f32 v7, v58;
	v6 =	vadd.f32 v57, v6  }
0x341: {  	v59 =	vunpack.i.l.bf16.f32 v53;
	v60 =	vunpack.i.l.bf16.f32 v54  }
0x342: {  	v6 =	vadd.f32 v6, v7;
	v7 =	vmul.f32 v60, v59  }
0x343: {  	v61 =	vunpack.i.u.bf16.f32 v53;
	v9 =	vunpack.i.u.bf16.f32 v54  }
0x344: {  	v6 =	vadd.f32 v7, v6;
	v7 =	vmul.f32 v9, v61;
	_ =	sdelay $0x1  }
0x345: {  	s0 =	sadd.s32 $0x4, s9;
	v6 =	vadd.f32 v6, v7  }
0x346: {  	s0 =	sand.u32 $0xC0, s0  }
0x347: {  	s0 =	sshrl.u32 s0, $0x2;
	v7 =	vperm.xlane v6, v3  }
0x348: {  	v62 =	vld [tilespmem:s0+$0x16AC0]  }
0x349: {  	v6 =	vadd.f32 v6, v7;
	_ =	sdelay $0x1  }
0x34a: {  	v7 =	vperm.xlane v6, v5  }
0x34b: {  	v63 =	vmov s1  }
0x34c: {  	v6 =	vadd.f32 v6, v7;
	v7 =	vperm.xlane v62, v63;
	_ =	sdelay $0x1  }
0x34d: {  	v6 =	vmul.f32 v6, v7;
	_ =	sdelay $0x1  }
0x34e: {  	v6 =	vmul.f32 $1.442695020e+00, v6;
	_ =	sdelay $0x1  }
0x34f: {  	(erf) = vpow2.f32 v6;
	_ =	sdelay $0x6  }
0x350: {  	s20 =	sadd.s32 $0x1, s20  }
0x351: {  	p0 =	sne.s32 s20, $0x28  }
.Ltmp6:
0x352: {  	s19 =	sadd.s32 s14, s10;
	s12 =	sadd.s32 $0x10, s11;
	v6 =	vpop (erf);
	(pc) =	sbr.rel @p0 .LBB2_6-.Ltmp6, $4  }
0x353: {  	s16 =	simm.s32 $0x1F080;
	s0 =	sshll.u32 s19, $0x1;
	[tilespmem:s12+$0x0] =	vst v6  }
0x354: {  	[spmem:s21] =	stream.indirect.scatter.add.f32 [tilespmem:s16], [sflag:$0x9], $0x10, s25, s4, $0xb8;
	[tilespmem:$0x1FC80] =	vst v63  }
0x355: {  	s22 =	simm.s32 $0x0;
	s0 =	sadd.s32 s31, s0  }
0x356: {  	[hbm4b:s0+s22] =	stream.linear.scatter [tilespmem:s16], [sflag:$0x7], $0x400, $0x38;
	[tilespmem:$0x1FC80] =	vst v63  }
0x357: {  	_ =	swait.ge [sflag:s13], $0x400  }
0x358: {  	[sflag:s13] =	ssyncset.done $0x0  }
0x359: {  	[sflag:s13] =	ssyncadd.s32 $0xFFFFFC00  }
0x35a: {  	_ =	swait.ge [sflag:s7], $0x400  }
0x35b: {  	[sflag:s7] =	ssyncset.done $0x0  }
0x35c: {  	[sflag:s7] =	ssyncadd.s32 $0xFFFFFC00  }
0x35d: {  	_ =	swait.ge [sflag:s8], $0x400  }
0x35e: {  	[sflag:s8] =	ssyncset.done $0x0  }
0x35f: {  	[sflag:s8] =	ssyncadd.s32 $0xFFFFFC00  }
0x360: {  	_ =	swait.ge [sflag:s15], $0x400  }
0x361: {  	[sflag:s15] =	ssyncset.done $0x0  }
0x362: {  	[sflag:s15] =	ssyncadd.s32 $0xFFFFFC00  }
0x363: {  	[bflag:$0x0] =	sbarrier.arrive $0xFFFF  }
0x364: {  	s0 =	sld [smem:$0x7F0];
	_ =	sdelay $0x1  }
0x365: {  	s9 =	simm.s32 $0x0;
	s10 =	simm.s32 $0x16800;
	s1 =	simm.s32 $0xA  }
0x366: {  	[tilespmem:s10], [sflag:$0xA] =	stream.linear.gather [hbm4b:s0+s9], $0x40, $0x38;
	[tilespmem:$0x1FC80] =	vst v63  }
0x367: {  	_ =	swait.ge [sflag:s1], $0x40  }
0x368: {  	s19 =	sld [smem:$0x7F1]  }
0x369: {  	[sflag:s1] =	ssyncset.done $0x0  }
0x36a: {  	s11 =	simm.s32 $0x16900;
	[sflag:s1] =	ssyncadd.s32 $0xFFFFFFC0  }
0x36b: {  	[tilespmem:s11], [sflag:$0xA] =	stream.linear.gather [hbm4b:s19+s9], $0x40, $0x38;
	[tilespmem:$0x1FC80] =	vst v63  }
0x36c: {  	_ =	swait.ge [sflag:s1], $0x40  }
0x36d: {  	s20 =	sld [smem:$0x7F2]  }
0x36e: {  	[sflag:s1] =	ssyncset.done $0x0  }
0x36f: {  	s22 =	simm.s32 $0x16A00;
	[sflag:s1] =	ssyncadd.s32 $0xFFFFFFC0  }
0x370: {  	[tilespmem:s22], [sflag:$0xA] =	stream.linear.gather [hbm4b:s20+s9], $0x40, $0x38;
	[tilespmem:$0x1FC80] =	vst v63  }
0x371: {  	_ =	swait.ge [sflag:s1], $0x40  }
0x372: {  	[sflag:s1] =	ssyncset.done $0x0  }
0x373: {  	[sflag:s1] =	ssyncadd.s32 $0xFFFFFFC0  }
0x374: {  	v6 =	vld [tilespmem:$0x16900]  }
0x375: {  	v7 =	vld [tilespmem:$0x16910]  }
0x376: {  	v8 =	vld [tilespmem:$0x16920]  }
0x377: {  	v9 =	vld [tilespmem:$0x16930];
	_ =	sdelay $0x1  }
0x378: {  	v6 =	vadd.s32 v2, v6  }
0x379: {  	[tilespmem:$0x16B00] =	vst v6;
	v6 =	vadd.s32 v2, v7  }
0x37a: {  	[tilespmem:$0x16B10] =	vst v6;
	v6 =	vadd.s32 v2, v8  }
0x37b: {  	[tilespmem:$0x16B20] =	vst v6;
	v6 =	vadd.s32 v2, v9  }
0x37c: {  	s11 =	simm.s32 $0x16B00;
	s1 =	simm.s32 $0x16C80;
	[tilespmem:$0x16B30] =	vst v6  }
0x37d: {  	[tilespmem:s1], [sflag:$0x2] =	stream.indirect.gather [hbm4b:s26+s4], $0x40, s11, s4, $0xb8;
	[tilespmem:$0x1FC80] =	vst v63  }
0x37e: {  	s12 =	simm.s32 $0x1F480;
	s16 =	sld [smem:$0x7F6]  }
0x37f: {  	[tilespmem:s12], [sflag:$0x4] =	stream.indirect.gather [spmem:s21], $0x10, s10, s4, $0xb8;
	[tilespmem:$0x1FC80] =	vst v63  }
0x380: {  	s18 =	simm.s32 $0x1EC80;
	s19 =	sld [smem:$0x7F3]  }
0x381: {  	[tilespmem:s18], [sflag:$0x6] =	stream.linear.gather [hbm4b:s16+s9], $0x400, $0x38;
	[tilespmem:$0x1FC80] =	vst v63  }
0x382: {  	s20 =	sld [smem:$0x7F4]  }
0x383: {  	[tilespmem:s2], [sflag:$0x1] =	stream.linear.gather [hbm4b:s19+s9], $0x40, $0x38;
	[tilespmem:$0x1FC80] =	vst v63  }
0x384: {  	s22 =	simm.s32 $0x16940  }
0x385: {  	[tilespmem:s22], [sflag:$0x1] =	stream.linear.gather [hbm4b:s20+s9], $0x40, $0x38;
	[tilespmem:$0x1FC80] =	vst v63  }
0x386: {  	s20 =	rddreg [dreg:$0x2]  }
0x387: {  	s10 =	simm.s32 $0x0;
	s22 =	rddreg [dreg:$0x3]  }
.LBB2_16:
0x388: {  	p0 =	seq.s32 s10, $0x0  }
0x389: {  	s0 =	simm.s32 @!p0 $0x8  }
0x38a: {  	_ =	swait.ge @!p0 [sflag:s0], $0x1000  }
0x38b: {  	[sflag:s0] =	ssyncset.done @!p0 $0x0  }
0x38c: {  	[sflag:s0] =	ssyncadd.s32 @!p0 $0xFFFFF000  }
0x38d: {  	_ =	swait.ge @!p0 [sflag:s0], $0x1000  }
0x38e: {  	[sflag:s0] =	ssyncset.done @!p0 $0x0  }
0x38f: {  	[sflag:s0] =	ssyncadd.s32 @!p0 $0xFFFFF000  }
0x390: {  	_ =	swait.ge [sflag:s24], $0x40  }
0x391: {  	[sflag:s24] =	ssyncset.done $0x0  }
0x392: {  	[sflag:s24] =	ssyncadd.s32 $0xFFFFFFC0  }
0x393: {  	_ =	swait.ge [sflag:s24], $0x40  }
0x394: {  	[sflag:s24] =	ssyncset.done $0x0  }
0x395: {  	[sflag:s24] =	ssyncadd.s32 $0xFFFFFFC0  }
0x396: {  	v6 =	vld [tilespmem:$0x16940]  }
0x397: {  	v7 =	vld [tilespmem:$0x16950]  }
0x398: {  	v8 =	vld [tilespmem:$0x16960]  }
0x399: {  	v9 =	vld [tilespmem:$0x16970];
	_ =	sdelay $0x1  }
0x39a: {  	v6 =	vadd.s32 v2, v6  }
0x39b: {  	[tilespmem:$0x16B40] =	vst v6;
	v6 =	vadd.s32 v2, v7  }
0x39c: {  	[tilespmem:$0x16B50] =	vst v6;
	v6 =	vadd.s32 v2, v8  }
0x39d: {  	s11 =	sld [smem:$0x7F8];
	[tilespmem:$0x16B60] =	vst v6;
	v6 =	vadd.s32 v2, v9  }
0x39e: {  	s19 =	simm.s32 $0x18C80;
	s1 =	simm.s32 $0x16B40;
	s12 =	sshll.u32 s10, $0x8;
	[tilespmem:$0x16B70] =	vst v6  }
0x39f: {  	[tilespmem:s19], [sflag:$0x3] =	stream.indirect.gather [hbm4b:s26+s4], $0x40, s1, s4, $0xb8;
	[tilespmem:$0x1FC80] =	vst v63  }
0x3a0: {  	s0 =	sadd.s32 s12, s11;
	s1 =	simm.s32 $0x1F880  }
0x3a1: {  	[tilespmem:s1], [sflag:$0x5] =	stream.indirect.gather [spmem:s21], $0x10, s2, s4, $0xb8;
	[tilespmem:$0x1FC80] =	vst v63  }
0x3a2: {  	s0 =	sshll.u32 s0, $0x1;
	s1 =	sor.u32 $0x80, s12  }
0x3a3: {  	s0 =	sadd.s32 s31, s0;
	s16 =	sadd.s32 s17, s1  }
0x3a4: {  	[tilespmem:s23], [sflag:$0x7] =	stream.linear.gather [hbm4b:s0+s9], $0x400, $0x38;
	[tilespmem:$0x1FC80] =	vst v63  }
0x3a5: {  	s0 =	sshrl.u32 s16, $0x3  }
0x3a6: {  	s11 =	sadd.s32 s28, s0  }
0x3a7: {  	[tilespmem:s3], [sflag:$0x1] =	stream.linear.gather [hbm4b:s11+s9], $0x40, $0x38;
	[tilespmem:$0x1FC80] =	vst v63  }
0x3a8: {  	s18 =	simm.s32 $0x16980;
	s0 =	sadd.s32 s29, s0  }
0x3a9: {  	[tilespmem:s18], [sflag:$0x1] =	stream.linear.gather [hbm4b:s0+s9], $0x40, $0x38;
	[tilespmem:$0x1FC80] =	vst v63  }
0x3aa: {  	_ =	swait.ge [sflag:s6], $0x1000  }
0x3ab: {  	[sflag:s6] =	ssyncset.done $0x0  }
0x3ac: {  	s19 =	simm.s32 $0x4;
	[sflag:s6] =	ssyncadd.s32 $0xFFFFF000  }
0x3ad: {  	_ =	swait.ge [sflag:s19], $0x400  }
0x3ae: {  	[sflag:s19] =	ssyncset.done $0x0  }
0x3af: {  	[sflag:s19] =	ssyncadd.s32 $0xFFFFFC00  }
0x3b0: {  	_ =	swait.ge [sflag:s13], $0x400  }
0x3b1: {  	[sflag:s13] =	ssyncset.done $0x0  }
0x3b2: {  	s16 =	simm.s32 $0x1F480;
	[sflag:s13] =	ssyncadd.s32 $0xFFFFFC00  }
0x3b3: {  	s11 =	simm.s32 $0x1EC80;
	s18 =	simm.s32 $0x0;
	s19 =	simm.s32 $0x100;
	v6 =	vld [tilespmem:s16+$0x0]  }
.LBB2_17:
0x3b4: {  	p1 =	sne.s32 s19, $0x3F00;
	v7 =	vld [tilespmem:s11+$0x0];
	_ =	sdelay $0x3  }
0x3b5: {  	(erf) = vrcp.f32 v6;
	_ =	sdelay $0x2  }
0x3b6: {  	s0 =	sshra.s32 s18, $0x2;
	s18 =	smov.u32 s19  }
0x3b7: {  	v6 =	vld [tilespmem:s0+$0x16C80]  }
0x3b8: {  	v8 =	vld [tilespmem:s0+$0x16C90]  }
0x3b9: {  	v9 =	vld [tilespmem:s0+$0x16CA0];
	_ =	sdelay $0x1  }
0x3ba: {  	v10 =	vld [tilespmem:s0+$0x16CB0]  }
0x3bb: {  	v11 =	vpop (erf)  }
0x3bc: {  	v7 =	vmul.f32 v11, v7;
	v11 =	vunpack.i.u.bf16.f32 v6;
	v6 =	vunpack.i.l.bf16.f32 v6  }
0x3bd: {  	v12 =	vunpack.i.u.bf16.f32 v8;
	v8 =	vunpack.i.l.bf16.f32 v8;
	v13 =	vunpack.i.u.bf16.f32 v9  }
0x3be: {  	v9 =	vunpack.i.l.bf16.f32 v9;
	v6 =	vmul.f32 v6, v7;
	v11 =	vmul.f32 v11, v7  }
0x3bf: {  	v8 =	vmul.f32 v8, v7;
	v12 =	vmul.f32 v12, v7;
	v14 =	vunpack.i.u.bf16.f32 v10  }
0x3c0: {  	v10 =	vunpack.i.l.bf16.f32 v10;
	[tilespmem:s0+$0x1AC80] =	vst v6;
	v6 =	vmul.f32 v9, v7;
	v9 =	vmul.f32 v13, v7  }
0x3c1: {  	v10 =	vmul.f32 v10, v7;
	v7 =	vmul.f32 v14, v7;
	[tilespmem:s0+$0x1CC80] =	vst v11  }
0x3c2: {  	[tilespmem:s0+$0x1AC90] =	vst v8  }
0x3c3: {  	[tilespmem:s0+$0x1CC90] =	vst v12  }
.Ltmp7:
0x3c4: {  	[tilespmem:s0+$0x1ACA0] =	vst v6;
	(pc) =	sbr.rel @p1 .LBB2_17-.Ltmp7, $4  }
0x3c5: {  	[tilespmem:s0+$0x1CCA0] =	vst v9  }
0x3c6: {  	[tilespmem:s0+$0x1ACB0] =	vst v10  }
0x3c7: {  	s16 =	sadd.s32 $0x10, s16;
	[tilespmem:s0+$0x1CCB0] =	vst v7  }
0x3c8: {  	s19 =	sadd.s32 $0x100, s19;
	s11 =	sadd.s32 $0x10, s11;
	v6 =	vld [tilespmem:s16+$0x0]  }
0x3c9: {  	_ =	sdelay $0x3  }
0x3ca: {  	(erf) = vrcp.f32 v6;
	_ =	sdelay $0x4  }
0x3cb: {  	s0 =	sshra.s32 s18, $0x2;
	v6 =	vld [tilespmem:s11+$0x0]  }
0x3cc: {  	v7 =	vld [tilespmem:s0+$0x16C80];
	_ =	sdelay $0x1  }
0x3cd: {  	v8 =	vld [tilespmem:s0+$0x16C90]  }
0x3ce: {  	v9 =	vpop (erf)  }
0x3cf: {  	v10 =	vld [tilespmem:s0+$0x16CA0];
	v6 =	vmul.f32 v9, v6  }
0x3d0: {  	v11 =	vld [tilespmem:s0+$0x16CB0];
	v60 =	vunpack.i.l.bf16.f32 v7  }
0x3d1: {  	v7 =	vunpack.i.u.bf16.f32 v7;
	v9 =	vmul.f32 v60, v6  }
0x3d2: {  	v12 =	vunpack.i.l.bf16.f32 v8;
	v7 =	vmul.f32 v7, v6  }
0x3d3: {  	v8 =	vunpack.i.u.bf16.f32 v8;
	v12 =	vmul.f32 v12, v6;
	[tilespmem:s0+$0x1AC80] =	vst v9  }
0x3d4: {  	v61 =	vunpack.i.l.bf16.f32 v10;
	v8 =	vmul.f32 v8, v6;
	[tilespmem:s0+$0x1CC80] =	vst v7  }
0x3d5: {  	v62 =	vunpack.i.l.bf16.f32 v11;
	v9 =	vmul.f32 v61, v6;
	[tilespmem:s0+$0x1AC90] =	vst v12  }
0x3d6: {  	v7 =	vunpack.i.u.bf16.f32 v10;
	[tilespmem:s0+$0x1CC90] =	vst v8;
	v10 =	vmul.f32 v62, v6  }
0x3d7: {  	v8 =	vunpack.i.u.bf16.f32 v11;
	v7 =	vmul.f32 v7, v6;
	[tilespmem:s0+$0x1ACA0] =	vst v9  }
0x3d8: {  	v6 =	vmul.f32 v8, v6;
	[tilespmem:s0+$0x1ACB0] =	vst v10  }
0x3d9: {  	[tilespmem:s0+$0x1CCA0] =	vst v7  }
0x3da: {  	s19 =	simm.s32 $0x1AC80;
	s2 =	simm.s32 $0x16800;
	[tilespmem:s0+$0x1CCB0] =	vst v6  }
0x3db: {  	[spmem:s20] =	stream.indirect.scatter.add.f32 [tilespmem:s19], [sflag:$0x8], $0x40, s2, s4, $0xb8;
	[tilespmem:$0x1FC80] =	vst v63  }
0x3dc: {  	s16 =	simm.s32 $0x1CC80;
	s0 =	simm.s32 @!p0 $0x9  }
0x3dd: {  	[spmem:s22] =	stream.indirect.scatter.add.f32 [tilespmem:s16], [sflag:$0x8], $0x40, s2, s4, $0xb8;
	[tilespmem:$0x1FC80] =	vst v63  }
0x3de: {  	_ =	swait.ge @!p0 [sflag:s0], $0x1000  }
0x3df: {  	[sflag:s0] =	ssyncset.done @!p0 $0x0  }
0x3e0: {  	[sflag:s0] =	ssyncadd.s32 @!p0 $0xFFFFF000  }
0x3e1: {  	_ =	swait.ge @!p0 [sflag:s0], $0x1000  }
0x3e2: {  	[sflag:s0] =	ssyncset.done @!p0 $0x0  }
0x3e3: {  	[sflag:s0] =	ssyncadd.s32 @!p0 $0xFFFFF000  }
0x3e4: {  	_ =	swait.ge [sflag:s24], $0x40  }
0x3e5: {  	[sflag:s24] =	ssyncset.done $0x0  }
0x3e6: {  	[sflag:s24] =	ssyncadd.s32 $0xFFFFFFC0  }
0x3e7: {  	_ =	swait.ge [sflag:s24], $0x40  }
0x3e8: {  	[sflag:s24] =	ssyncset.done $0x0  }
0x3e9: {  	[sflag:s24] =	ssyncadd.s32 $0xFFFFFFC0  }
0x3ea: {  	v6 =	vld [tilespmem:$0x16980]  }
0x3eb: {  	v7 =	vld [tilespmem:$0x16990]  }
0x3ec: {  	v8 =	vld [tilespmem:$0x169A0]  }
0x3ed: {  	v63 =	vld [tilespmem:$0x169B0];
	_ =	sdelay $0x1  }
0x3ee: {  	v6 =	vadd.s32 v2, v6  }
0x3ef: {  	[tilespmem:$0x16B00] =	vst v6;
	v6 =	vadd.s32 v2, v7  }
0x3f0: {  	[tilespmem:$0x16B10] =	vst v6;
	v6 =	vadd.s32 v2, v8  }
0x3f1: {  	[tilespmem:$0x16B20] =	vst v6;
	v6 =	vadd.s32 v2, v63  }
0x3f2: {  	s18 =	simm.s32 $0x16C80;
	s2 =	simm.s32 $0x16B00;
	[tilespmem:$0x16B30] =	vst v6  }
0x3f3: {  	[tilespmem:s18], [sflag:$0x2] =	stream.indirect.gather [hbm4b:s26+s4], $0x40, s2, s4, $0xb8;
	[tilespmem:$0x1FC80] =	vst v63  }
0x3f4: {  	s11 =	simm.s32 $0x0;
	s2 =	sadd.s32 s14, s1  }
0x3f5: {  	s19 =	simm.s32 $0x1F480;
	s1 =	sor.u32 $0xC0, s12;
	s0 =	sshll.u32 s2, $0x1  }
0x3f6: {  	[tilespmem:s19], [sflag:$0x4] =	stream.indirect.gather [spmem:s21], $0x10, s3, s4, $0xb8;
	[tilespmem:$0x1FC80] =	vst v63  }
0x3f7: {  	s16 =	sadd.s32 s17, s1;
	s0 =	sadd.s32 s31, s0;
	s3 =	simm.s32 $0x1EC80  }
0x3f8: {  	[tilespmem:s3], [sflag:$0x6] =	stream.linear.gather [hbm4b:s0+s11], $0x400, $0x38;
	[tilespmem:$0x1FC80] =	vst v63  }
0x3f9: {  	s0 =	sshrl.u32 s16, $0x3  }
0x3fa: {  	s16 =	sadd.s32 s28, s0  }
0x3fb: {  	[tilespmem:s25], [sflag:$0x1] =	stream.linear.gather [hbm4b:s16+s11], $0x40, $0x38;
	[tilespmem:$0x1FC80] =	vst v63  }
0x3fc: {  	s18 =	simm.s32 $0x169C0;
	s0 =	sadd.s32 s29, s0  }
0x3fd: {  	[tilespmem:s18], [sflag:$0x1] =	stream.linear.gather [hbm4b:s0+s11], $0x40, $0x38;
	[tilespmem:$0x1FC80] =	vst v63  }
0x3fe: {  	_ =	swait.ge [sflag:s5], $0x1000  }
0x3ff: {  	[sflag:s5] =	ssyncset.done $0x0  }
0x400: {  	s19 =	simm.s32 $0x5;
	[sflag:s5] =	ssyncadd.s32 $0xFFFFF000  }
0x401: {  	_ =	swait.ge [sflag:s19], $0x400  }
0x402: {  	[sflag:s19] =	ssyncset.done $0x0  }
0x403: {  	[sflag:s19] =	ssyncadd.s32 $0xFFFFFC00  }
0x404: {  	_ =	swait.ge [sflag:s8], $0x400  }
0x405: {  	[sflag:s8] =	ssyncset.done $0x0  }
0x406: {  	s18 =	simm.s32 $0x1F880;
	[sflag:s8] =	ssyncadd.s32 $0xFFFFFC00  }
0x407: {  	s16 =	simm.s32 $0x1F080;
	s19 =	simm.s32 $0x100;
	v6 =	vld [tilespmem:s18+$0x0]  }
.LBB2_19:
0x408: {  	p0 =	sne.s32 s19, $0x3F00;
	v7 =	vld [tilespmem:s16+$0x0];
	_ =	sdelay $0x3  }
0x409: {  	(erf) = vrcp.f32 v6;
	_ =	sdelay $0x2  }
0x40a: {  	s0 =	sshra.s32 s11, $0x2;
	s11 =	smov.u32 s19  }
0x40b: {  	v6 =	vld [tilespmem:s0+$0x18C80]  }
0x40c: {  	v8 =	vld [tilespmem:s0+$0x18C90]  }
0x40d: {  	v9 =	vld [tilespmem:s0+$0x18CA0];
	_ =	sdelay $0x1  }
0x40e: {  	v10 =	vld [tilespmem:s0+$0x18CB0]  }
0x40f: {  	v11 =	vpop (erf)  }
0x410: {  	v7 =	vmul.f32 v11, v7;
	v11 =	vunpack.i.u.bf16.f32 v6;
	v6 =	vunpack.i.l.bf16.f32 v6  }
0x411: {  	v12 =	vunpack.i.u.bf16.f32 v8;
	v8 =	vunpack.i.l.bf16.f32 v8;
	v13 =	vunpack.i.u.bf16.f32 v9  }
0x412: {  	v9 =	vunpack.i.l.bf16.f32 v9;
	v6 =	vmul.f32 v6, v7;
	v11 =	vmul.f32 v11, v7  }
0x413: {  	v8 =	vmul.f32 v8, v7;
	v12 =	vmul.f32 v12, v7;
	v14 =	vunpack.i.u.bf16.f32 v10  }
0x414: {  	v10 =	vunpack.i.l.bf16.f32 v10;
	[tilespmem:s0+$0x1BC80] =	vst v6;
	v6 =	vmul.f32 v9, v7;
	v9 =	vmul.f32 v13, v7  }
0x415: {  	v10 =	vmul.f32 v10, v7;
	v7 =	vmul.f32 v14, v7;
	[tilespmem:s0+$0x1DC80] =	vst v11  }
0x416: {  	[tilespmem:s0+$0x1BC90] =	vst v8  }
0x417: {  	[tilespmem:s0+$0x1DC90] =	vst v12  }
.Ltmp8:
0x418: {  	[tilespmem:s0+$0x1BCA0] =	vst v6;
	(pc) =	sbr.rel @p0 .LBB2_19-.Ltmp8, $4  }
0x419: {  	[tilespmem:s0+$0x1DCA0] =	vst v9  }
0x41a: {  	[tilespmem:s0+$0x1BCB0] =	vst v10  }
0x41b: {  	s18 =	sadd.s32 $0x10, s18;
	[tilespmem:s0+$0x1DCB0] =	vst v7  }
0x41c: {  	s19 =	sadd.s32 $0x100, s19;
	s16 =	sadd.s32 $0x10, s16;
	v6 =	vld [tilespmem:s18+$0x0]  }
0x41d: {  	_ =	sdelay $0x3  }
0x41e: {  	(erf) = vrcp.f32 v6;
	_ =	sdelay $0x4  }
0x41f: {  	s0 =	sshra.s32 s11, $0x2;
	v6 =	vld [tilespmem:s16+$0x0]  }
0x420: {  	v7 =	vld [tilespmem:s0+$0x18C80];
	_ =	sdelay $0x1  }
0x421: {  	v8 =	vld [tilespmem:s0+$0x18C90]  }
0x422: {  	v9 =	vpop (erf)  }
0x423: {  	v10 =	vld [tilespmem:s0+$0x18CA0];
	v6 =	vmul.f32 v9, v6  }
0x424: {  	v11 =	vld [tilespmem:s0+$0x18CB0];
	v60 =	vunpack.i.l.bf16.f32 v7  }
0x425: {  	v7 =	vunpack.i.u.bf16.f32 v7;
	v9 =	vmul.f32 v60, v6  }
0x426: {  	v12 =	vunpack.i.l.bf16.f32 v8;
	v7 =	vmul.f32 v7, v6  }
0x427: {  	v8 =	vunpack.i.u.bf16.f32 v8;
	v12 =	vmul.f32 v12, v6;
	[tilespmem:s0+$0x1BC80] =	vst v9  }
0x428: {  	v61 =	vunpack.i.l.bf16.f32 v10;
	v8 =	vmul.f32 v8, v6;
	[tilespmem:s0+$0x1DC80] =	vst v7  }
0x429: {  	v62 =	vunpack.i.l.bf16.f32 v11;
	v9 =	vmul.f32 v61, v6;
	[tilespmem:s0+$0x1BC90] =	vst v12  }
0x42a: {  	v7 =	vunpack.i.u.bf16.f32 v10;
	[tilespmem:s0+$0x1DC90] =	vst v8;
	v10 =	vmul.f32 v62, v6  }
0x42b: {  	v8 =	vunpack.i.u.bf16.f32 v11;
	v7 =	vmul.f32 v7, v6;
	[tilespmem:s0+$0x1BCA0] =	vst v9  }
0x42c: {  	v6 =	vmul.f32 v8, v6;
	[tilespmem:s0+$0x1BCB0] =	vst v10  }
0x42d: {  	[tilespmem:s0+$0x1DCA0] =	vst v7  }
0x42e: {  	s19 =	simm.s32 $0x16840;
	s2 =	simm.s32 $0x1BC80;
	[tilespmem:s0+$0x1DCB0] =	vst v6  }
0x42f: {  	[spmem:s20] =	stream.indirect.scatter.add.f32 [tilespmem:s2], [sflag:$0x9], $0x40, s19, s4, $0xb8;
	[tilespmem:$0x1FC80] =	vst v63  }
0x430: {  	s3 =	simm.s32 $0x1DC80  }
0x431: {  	[spmem:s22] =	stream.indirect.scatter.add.f32 [tilespmem:s3], [sflag:$0x9], $0x40, s19, s4, $0xb8;
	[tilespmem:$0x1FC80] =	vst v63  }
0x432: {  	_ =	swait.ge [sflag:s7], $0x1000  }
0x433: {  	[sflag:s7] =	ssyncset.done $0x0  }
0x434: {  	[sflag:s7] =	ssyncadd.s32 $0xFFFFF000  }
0x435: {  	_ =	swait.ge [sflag:s7], $0x1000  }
0x436: {  	[sflag:s7] =	ssyncset.done $0x0  }
0x437: {  	[sflag:s7] =	ssyncadd.s32 $0xFFFFF000  }
0x438: {  	_ =	swait.ge [sflag:s24], $0x40  }
0x439: {  	[sflag:s24] =	ssyncset.done $0x0  }
0x43a: {  	[sflag:s24] =	ssyncadd.s32 $0xFFFFFFC0  }
0x43b: {  	_ =	swait.ge [sflag:s24], $0x40  }
0x43c: {  	[sflag:s24] =	ssyncset.done $0x0  }
0x43d: {  	[sflag:s24] =	ssyncadd.s32 $0xFFFFFFC0  }
0x43e: {  	v6 =	vld [tilespmem:$0x169C0]  }
0x43f: {  	v7 =	vld [tilespmem:$0x169D0]  }
0x440: {  	v8 =	vld [tilespmem:$0x169E0]  }
0x441: {  	v63 =	vld [tilespmem:$0x169F0];
	_ =	sdelay $0x1  }
0x442: {  	v6 =	vadd.s32 v2, v6  }
0x443: {  	[tilespmem:$0x16B40] =	vst v6;
	v6 =	vadd.s32 v2, v7  }
0x444: {  	[tilespmem:$0x16B50] =	vst v6;
	v6 =	vadd.s32 v2, v8  }
0x445: {  	[tilespmem:$0x16B60] =	vst v6;
	v6 =	vadd.s32 v2, v63  }
0x446: {  	s11 =	simm.s32 $0x16B40;
	s18 =	sadd.s32 s14, s1;
	s3 =	simm.s32 $0x18C80;
	[tilespmem:$0x16B70] =	vst v6  }
0x447: {  	[tilespmem:s3], [sflag:$0x3] =	stream.indirect.gather [hbm4b:s26+s4], $0x40, s11, s4, $0xb8;
	[tilespmem:$0x1FC80] =	vst v63  }
0x448: {  	s16 =	simm.s32 $0x1F880;
	s0 =	sshll.u32 s18, $0x1  }
0x449: {  	[tilespmem:s16], [sflag:$0x5] =	stream.indirect.gather [spmem:s21], $0x10, s25, s4, $0xb8;
	[tilespmem:$0x1FC80] =	vst v63  }
0x44a: {  	s0 =	sadd.s32 s31, s0;
	s19 =	simm.s32 $0x0  }
0x44b: {  	[tilespmem:s23], [sflag:$0x7] =	stream.linear.gather [hbm4b:s0+s19], $0x400, $0x38;
	[tilespmem:$0x1FC80] =	vst v63  }
0x44c: {  	s0 =	sld [smem:$0x7F9];
	_ =	sdelay $0x1  }
0x44d: {  	p0 =	seq.s32 s10, $0x27  }
0x44e: {  	s0 =	sadd.s32 @!p0 s12, s0  }
0x44f: {  	s0 =	sshrl.u32 @!p0 s0, $0x3  }
0x450: {  	s11 =	simm.s32 @!p0 $0x0;
	s16 =	simm.s32 @!p0 $0x16800;
	s1 =	sadd.s32 @!p0 s28, s0  }
0x451: {  	[tilespmem:s16], [sflag:$0x1] =	stream.linear.gather @!p0 [hbm4b:s1+s11], $0x40, $0x38;
	[tilespmem:$0x1FC80] =	vst v63  }
0x452: {  	s0 =	sadd.s32 @!p0 s29, s0;
	s1 =	simm.s32 @!p0 $0x16900  }
0x453: {  	[tilespmem:s1], [sflag:$0x1] =	stream.linear.gather @!p0 [hbm4b:s0+s11], $0x40, $0x38;
	[tilespmem:$0x1FC80] =	vst v63  }
0x454: {  	_ =	swait.ge [sflag:s6], $0x1000  }
0x455: {  	[sflag:s6] =	ssyncset.done $0x0  }
0x456: {  	s25 =	simm.s32 $0x4;
	[sflag:s6] =	ssyncadd.s32 $0xFFFFF000  }
0x457: {  	_ =	swait.ge [sflag:s25], $0x400  }
0x458: {  	[sflag:s25] =	ssyncset.done $0x0  }
0x459: {  	[sflag:s25] =	ssyncadd.s32 $0xFFFFFC00  }
0x45a: {  	_ =	swait.ge [sflag:s13], $0x400  }
0x45b: {  	[sflag:s13] =	ssyncset.done $0x0  }
0x45c: {  	s18 =	simm.s32 $0x100;
	s16 =	simm.s32 $0x1F480;
	[sflag:s13] =	ssyncadd.s32 $0xFFFFFC00  }
0x45d: {  	s2 =	simm.s32 $0x16840;
	s1 =	simm.s32 $0x0;
	s11 =	simm.s32 $0x1EC80;
	v6 =	vld [tilespmem:s16+$0x0]  }
.LBB2_21:
0x45e: {  	p1 =	sne.s32 s18, $0x3F00;
	v7 =	vld [tilespmem:s11+$0x0];
	_ =	sdelay $0x3  }
0x45f: {  	(erf) = vrcp.f32 v6;
	_ =	sdelay $0x2  }
0x460: {  	s0 =	sshra.s32 s1, $0x2;
	s1 =	smov.u32 s18  }
0x461: {  	v6 =	vld [tilespmem:s0+$0x16C80]  }
0x462: {  	v8 =	vld [tilespmem:s0+$0x16C90]  }
0x463: {  	v9 =	vld [tilespmem:s0+$0x16CA0];
	_ =	sdelay $0x1  }
0x464: {  	v10 =	vld [tilespmem:s0+$0x16CB0]  }
0x465: {  	v11 =	vpop (erf)  }
0x466: {  	v7 =	vmul.f32 v11, v7;
	v11 =	vunpack.i.u.bf16.f32 v6;
	v6 =	vunpack.i.l.bf16.f32 v6  }
0x467: {  	v12 =	vunpack.i.u.bf16.f32 v8;
	v8 =	vunpack.i.l.bf16.f32 v8;
	v13 =	vunpack.i.u.bf16.f32 v9  }
0x468: {  	v9 =	vunpack.i.l.bf16.f32 v9;
	v6 =	vmul.f32 v6, v7;
	v11 =	vmul.f32 v11, v7  }
0x469: {  	v8 =	vmul.f32 v8, v7;
	v12 =	vmul.f32 v12, v7;
	v14 =	vunpack.i.u.bf16.f32 v10  }
0x46a: {  	v10 =	vunpack.i.l.bf16.f32 v10;
	[tilespmem:s0+$0x1AC80] =	vst v6;
	v6 =	vmul.f32 v9, v7;
	v9 =	vmul.f32 v13, v7  }
0x46b: {  	v10 =	vmul.f32 v10, v7;
	v7 =	vmul.f32 v14, v7;
	[tilespmem:s0+$0x1CC80] =	vst v11  }
0x46c: {  	[tilespmem:s0+$0x1AC90] =	vst v8  }
0x46d: {  	[tilespmem:s0+$0x1CC90] =	vst v12  }
.Ltmp9:
0x46e: {  	[tilespmem:s0+$0x1ACA0] =	vst v6;
	(pc) =	sbr.rel @p1 .LBB2_21-.Ltmp9, $4  }
0x46f: {  	[tilespmem:s0+$0x1CCA0] =	vst v9  }
0x470: {  	[tilespmem:s0+$0x1ACB0] =	vst v10  }
0x471: {  	s16 =	sadd.s32 $0x10, s16;
	[tilespmem:s0+$0x1CCB0] =	vst v7  }
0x472: {  	s18 =	sadd.s32 $0x100, s18;
	s11 =	sadd.s32 $0x10, s11;
	v6 =	vld [tilespmem:s16+$0x0]  }
0x473: {  	_ =	sdelay $0x3  }
0x474: {  	(erf) = vrcp.f32 v6;
	_ =	sdelay $0x4  }
0x475: {  	s0 =	sshra.s32 s1, $0x2;
	v6 =	vld [tilespmem:s11+$0x0]  }
0x476: {  	v7 =	vld [tilespmem:s0+$0x16C80];
	_ =	sdelay $0x1  }
0x477: {  	v8 =	vld [tilespmem:s0+$0x16C90]  }
0x478: {  	v9 =	vpop (erf)  }
0x479: {  	v10 =	vld [tilespmem:s0+$0x16CA0];
	v6 =	vmul.f32 v9, v6  }
0x47a: {  	v11 =	vld [tilespmem:s0+$0x16CB0];
	v61 =	vunpack.i.l.bf16.f32 v7  }
0x47b: {  	v7 =	vunpack.i.u.bf16.f32 v7;
	v9 =	vmul.f32 v61, v6  }
0x47c: {  	v12 =	vunpack.i.l.bf16.f32 v8;
	v7 =	vmul.f32 v7, v6  }
0x47d: {  	v8 =	vunpack.i.u.bf16.f32 v8;
	v12 =	vmul.f32 v12, v6;
	[tilespmem:s0+$0x1AC80] =	vst v9  }
0x47e: {  	v62 =	vunpack.i.l.bf16.f32 v10;
	v8 =	vmul.f32 v8, v6;
	[tilespmem:s0+$0x1CC80] =	vst v7  }
0x47f: {  	v63 =	vunpack.i.l.bf16.f32 v11;
	v9 =	vmul.f32 v62, v6;
	[tilespmem:s0+$0x1AC90] =	vst v12  }
0x480: {  	v7 =	vunpack.i.u.bf16.f32 v10;
	[tilespmem:s0+$0x1CC90] =	vst v8;
	v10 =	vmul.f32 v63, v6  }
0x481: {  	v8 =	vunpack.i.u.bf16.f32 v11;
	v7 =	vmul.f32 v7, v6;
	[tilespmem:s0+$0x1ACA0] =	vst v9  }
0x482: {  	v6 =	vmul.f32 v8, v6;
	[tilespmem:s0+$0x1ACB0] =	vst v10  }
0x483: {  	[tilespmem:s0+$0x1CCA0] =	vst v7  }
0x484: {  	s16 =	simm.s32 $0x1AC80;
	s18 =	simm.s32 $0x16880;
	[tilespmem:s0+$0x1CCB0] =	vst v6  }
0x485: {  	[spmem:s20] =	stream.indirect.scatter.add.f32 [tilespmem:s16], [sflag:$0x8], $0x40, s18, s4, $0xb8;
	[tilespmem:$0x1FC80] =	vst v63  }
0x486: {  	s19 =	simm.s32 $0x1CC80  }
0x487: {  	[spmem:s22] =	stream.indirect.scatter.add.f32 [tilespmem:s19], [sflag:$0x8], $0x40, s18, s4, $0xb8;
	[tilespmem:$0x1FC80] =	vst v63  }
0x488: {  	_ =	swait.ge [sflag:s15], $0x1000  }
0x489: {  	[sflag:s15] =	ssyncset.done $0x0  }
0x48a: {  	[sflag:s15] =	ssyncadd.s32 $0xFFFFF000  }
0x48b: {  	_ =	swait.ge [sflag:s15], $0x1000  }
0x48c: {  	[sflag:s15] =	ssyncset.done $0x0  }
0x48d: {  	s0 =	simm.s32 @!p0 $0x1;
	[sflag:s15] =	ssyncadd.s32 $0xFFFFF000  }
0x48e: {  	_ =	swait.ge @!p0 [sflag:s0], $0x40  }
0x48f: {  	[sflag:s0] =	ssyncset.done @!p0 $0x0  }
0x490: {  	[sflag:s0] =	ssyncadd.s32 @!p0 $0xFFFFFFC0  }
0x491: {  	_ =	swait.ge @!p0 [sflag:s0], $0x40  }
0x492: {  	[sflag:s0] =	ssyncset.done @!p0 $0x0  }
0x493: {  	[sflag:s0] =	ssyncadd.s32 @!p0 $0xFFFFFFC0  }
0x494: {  	v6 =	vld @!p0 [tilespmem:$0x16900]  }
0x495: {  	v7 =	vld @!p0 [tilespmem:$0x16910]  }
0x496: {  	v8 =	vld @!p0 [tilespmem:$0x16920]  }
0x497: {  	v9 =	vld @!p0 [tilespmem:$0x16930];
	_ =	sdelay $0x1  }
0x498: {  	v6 =	vadd.s32 @!p0 v2, v6  }
0x499: {  	[tilespmem:$0x16B00] =	vst @!p0 v6;
	v6 =	vadd.s32 @!p0 v2, v7  }
0x49a: {  	[tilespmem:$0x16B10] =	vst @!p0 v6;
	v6 =	vadd.s32 @!p0 v2, v8  }
0x49b: {  	[tilespmem:$0x16B20] =	vst @!p0 v6;
	v6 =	vadd.s32 @!p0 v2, v9  }
0x49c: {  	s1 =	simm.s32 @!p0 $0x16B00;
	s11 =	simm.s32 @!p0 $0x16C80;
	s0 =	simm.s32 @!p0 $0x40;
	[tilespmem:$0x16B30] =	vst @!p0 v6  }
0x49d: {  	[tilespmem:s11], [sflag:$0x2] =	stream.indirect.gather @!p0 [hbm4b:s26+s0], $0x40, s1, s0, $0xb8;
	[tilespmem:$0x1FC80] =	vst v63  }
0x49e: {  	s1 =	simm.s32 @!p0 $0x16800;
	s11 =	simm.s32 @!p0 $0x1F480  }
0x49f: {  	[tilespmem:s11], [sflag:$0x4] =	stream.indirect.gather @!p0 [spmem:s21], $0x10, s1, s0, $0xb8;
	[tilespmem:$0x1FC80] =	vst v63  }
0x4a0: {  	s0 =	sld [smem:$0x7FB];
	_ =	sdelay $0x2  }
0x4a1: {  	s0 =	sadd.s32 @!p0 s12, s0  }
0x4a2: {  	s0 =	sshll.u32 @!p0 s0, $0x1  }
0x4a3: {  	s1 =	simm.s32 @!p0 $0x0;
	s11 =	simm.s32 @!p0 $0x1EC80;
	s0 =	sadd.s32 @!p0 s31, s0  }
0x4a4: {  	[tilespmem:s11], [sflag:$0x6] =	stream.linear.gather @!p0 [hbm4b:s0+s1], $0x400, $0x38;
	[tilespmem:$0x1FC80] =	vst v63  }
0x4a5: {  	s0 =	sld [smem:$0x7FA];
	_ =	sdelay $0x2  }
0x4a6: {  	s0 =	sadd.s32 @!p0 s12, s0  }
0x4a7: {  	s0 =	sshrl.u32 @!p0 s0, $0x3  }
0x4a8: {  	s12 =	simm.s32 @!p0 $0x16840;
	s11 =	sadd.s32 @!p0 s28, s0  }
0x4a9: {  	[tilespmem:s12], [sflag:$0x1] =	stream.linear.gather @!p0 [hbm4b:s11+s1], $0x40, $0x38;
	[tilespmem:$0x1FC80] =	vst v63  }
0x4aa: {  	s0 =	sadd.s32 @!p0 s29, s0;
	s11 =	simm.s32 @!p0 $0x16940  }
0x4ab: {  	[tilespmem:s11], [sflag:$0x1] =	stream.linear.gather @!p0 [hbm4b:s0+s1], $0x40, $0x38;
	[tilespmem:$0x1FC80] =	vst v63  }
0x4ac: {  	_ =	swait.ge [sflag:s5], $0x1000  }
0x4ad: {  	[sflag:s5] =	ssyncset.done $0x0  }
0x4ae: {  	s25 =	simm.s32 $0x5;
	[sflag:s5] =	ssyncadd.s32 $0xFFFFF000  }
0x4af: {  	_ =	swait.ge [sflag:s25], $0x400  }
0x4b0: {  	[sflag:s25] =	ssyncset.done $0x0  }
0x4b1: {  	[sflag:s25] =	ssyncadd.s32 $0xFFFFFC00  }
0x4b2: {  	_ =	swait.ge [sflag:s8], $0x400  }
0x4b3: {  	[sflag:s8] =	ssyncset.done $0x0  }
0x4b4: {  	s3 =	simm.s32 $0x16880;
	s12 =	simm.s32 $0x1F880;
	[sflag:s8] =	ssyncadd.s32 $0xFFFFFC00  }
0x4b5: {  	s16 =	simm.s32 $0x100;
	s1 =	simm.s32 $0x0;
	s11 =	simm.s32 $0x1F080;
	v6 =	vld [tilespmem:s12+$0x0]  }
.LBB2_23:
0x4b6: {  	p0 =	sne.s32 s16, $0x3F00;
	v7 =	vld [tilespmem:s11+$0x0];
	_ =	sdelay $0x3  }
0x4b7: {  	(erf) = vrcp.f32 v6;
	_ =	sdelay $0x2  }
0x4b8: {  	s0 =	sshra.s32 s1, $0x2;
	s1 =	smov.u32 s16  }
0x4b9: {  	v6 =	vld [tilespmem:s0+$0x18C80]  }
0x4ba: {  	v8 =	vld [tilespmem:s0+$0x18C90]  }
0x4bb: {  	v9 =	vld [tilespmem:s0+$0x18CA0];
	_ =	sdelay $0x1  }
0x4bc: {  	v10 =	vld [tilespmem:s0+$0x18CB0]  }
0x4bd: {  	v11 =	vpop (erf)  }
0x4be: {  	v7 =	vmul.f32 v11, v7;
	v11 =	vunpack.i.u.bf16.f32 v6;
	v6 =	vunpack.i.l.bf16.f32 v6  }
0x4bf: {  	v12 =	vunpack.i.u.bf16.f32 v8;
	v8 =	vunpack.i.l.bf16.f32 v8;
	v13 =	vunpack.i.u.bf16.f32 v9  }
0x4c0: {  	v9 =	vunpack.i.l.bf16.f32 v9;
	v6 =	vmul.f32 v6, v7;
	v11 =	vmul.f32 v11, v7  }
0x4c1: {  	v8 =	vmul.f32 v8, v7;
	v12 =	vmul.f32 v12, v7;
	v14 =	vunpack.i.u.bf16.f32 v10  }
0x4c2: {  	v10 =	vunpack.i.l.bf16.f32 v10;
	[tilespmem:s0+$0x1BC80] =	vst v6;
	v6 =	vmul.f32 v9, v7;
	v9 =	vmul.f32 v13, v7  }
0x4c3: {  	v10 =	vmul.f32 v10, v7;
	v7 =	vmul.f32 v14, v7;
	[tilespmem:s0+$0x1DC80] =	vst v11  }
0x4c4: {  	[tilespmem:s0+$0x1BC90] =	vst v8  }
0x4c5: {  	[tilespmem:s0+$0x1DC90] =	vst v12  }
.Ltmp10:
0x4c6: {  	[tilespmem:s0+$0x1BCA0] =	vst v6;
	(pc) =	sbr.rel @p0 .LBB2_23-.Ltmp10, $4  }
0x4c7: {  	[tilespmem:s0+$0x1DCA0] =	vst v9  }
0x4c8: {  	[tilespmem:s0+$0x1BCB0] =	vst v10  }
0x4c9: {  	s12 =	sadd.s32 $0x10, s12;
	[tilespmem:s0+$0x1DCB0] =	vst v7  }
0x4ca: {  	s16 =	sadd.s32 $0x100, s16;
	s11 =	sadd.s32 $0x10, s11;
	v6 =	vld [tilespmem:s12+$0x0]  }
0x4cb: {  	_ =	sdelay $0x3  }
0x4cc: {  	(erf) = vrcp.f32 v6;
	_ =	sdelay $0x4  }
0x4cd: {  	s0 =	sshra.s32 s1, $0x2;
	v6 =	vld [tilespmem:s11+$0x0]  }
0x4ce: {  	v7 =	vld [tilespmem:s0+$0x18C80];
	_ =	sdelay $0x1  }
0x4cf: {  	v8 =	vld [tilespmem:s0+$0x18C90]  }
0x4d0: {  	v9 =	vpop (erf)  }
0x4d1: {  	v10 =	vld [tilespmem:s0+$0x18CA0];
	v6 =	vmul.f32 v9, v6  }
0x4d2: {  	v11 =	vld [tilespmem:s0+$0x18CB0];
	v60 =	vunpack.i.l.bf16.f32 v7  }
0x4d3: {  	v7 =	vunpack.i.u.bf16.f32 v7;
	v9 =	vmul.f32 v60, v6  }
0x4d4: {  	v12 =	vunpack.i.l.bf16.f32 v8;
	v7 =	vmul.f32 v7, v6  }
0x4d5: {  	v8 =	vunpack.i.u.bf16.f32 v8;
	v12 =	vmul.f32 v12, v6;
	[tilespmem:s0+$0x1BC80] =	vst v9  }
0x4d6: {  	v61 =	vunpack.i.l.bf16.f32 v10;
	v8 =	vmul.f32 v8, v6;
	[tilespmem:s0+$0x1DC80] =	vst v7  }
0x4d7: {  	v62 =	vunpack.i.l.bf16.f32 v11;
	v9 =	vmul.f32 v61, v6;
	[tilespmem:s0+$0x1BC90] =	vst v12  }
0x4d8: {  	v7 =	vunpack.i.u.bf16.f32 v10;
	[tilespmem:s0+$0x1DC90] =	vst v8;
	v10 =	vmul.f32 v62, v6  }
0x4d9: {  	s10 =	sadd.s32 $0x1, s10;
	v63 =	vunpack.i.u.bf16.f32 v11;
	v7 =	vmul.f32 v7, v6;
	[tilespmem:s0+$0x1BCA0] =	vst v9  }
0x4da: {  	p0 =	sne.s32 s10, $0x28;
	v6 =	vmul.f32 v63, v6;
	[tilespmem:s0+$0x1BCB0] =	vst v10  }
.Ltmp11:
0x4db: {  	[tilespmem:s0+$0x1DCA0] =	vst v7;
	(pc) =	sbr.rel @p0 .LBB2_16-.Ltmp11, $4  }
0x4dc: {  	s16 =	simm.s32 $0x168C0;
	s18 =	simm.s32 $0x1BC80;
	[tilespmem:s0+$0x1DCB0] =	vst v6  }
0x4dd: {  	[spmem:s20] =	stream.indirect.scatter.add.f32 [tilespmem:s18], [sflag:$0x9], $0x40, s16, s4, $0xb8;
	[tilespmem:$0x1FC80] =	vst v63  }
0x4de: {  	s25 =	simm.s32 $0x168C0;
	s19 =	simm.s32 $0x1DC80  }
0x4df: {  	[spmem:s22] =	stream.indirect.scatter.add.f32 [tilespmem:s19], [sflag:$0x9], $0x40, s16, s4, $0xb8;
	[tilespmem:$0x1FC80] =	vst v63  }
0x4e0: {  	_ =	swait.ge [sflag:s7], $0x1000  }
0x4e1: {  	[sflag:s7] =	ssyncset.done $0x0  }
0x4e2: {  	[sflag:s7] =	ssyncadd.s32 $0xFFFFF000  }
0x4e3: {  	_ =	swait.ge [sflag:s7], $0x1000  }
0x4e4: {  	[sflag:s7] =	ssyncset.done $0x0  }
0x4e5: {  	[sflag:s7] =	ssyncadd.s32 $0xFFFFF000  }
0x4e6: {  	_ =	swait.ge [sflag:s15], $0x1000  }
0x4e7: {  	[sflag:s15] =	ssyncset.done $0x0  }
0x4e8: {  	[sflag:s15] =	ssyncadd.s32 $0xFFFFF000  }
0x4e9: {  	_ =	swait.ge [sflag:s15], $0x1000  }
0x4ea: {  	[sflag:s15] =	ssyncset.done $0x0  }
0x4eb: {  	[sflag:s15] =	ssyncadd.s32 $0xFFFFF000  }
0x4ec: {  	s0 =	stileid.u32;
	[bflag:$0x0] =	sbarrier.arrive $0xFFFF  }
0x4ed: {  	s10 =	simm.s32 $0xA;
	s0 =	sshll.u32 s0, $0x6;
	s20 =	rddreg [dreg:$0x1a]  }
0x4ee: {  	s1 =	sor.u32 $0x1C0A, s0;
	s9 =	rddreg [dreg:$0x6];
	s11 =	sshrl.u32 s20, $0x3  }
0x4ef: {  	[hbm:s9], [sflag:s1] =	dma.local [spmem:s11], $0x200  }
0x4f0: {  	_ =	swait.ge [sflag:s10], $0x200  }
0x4f1: {  	[sflag:s10] =	ssyncset.done $0x0;
	s22 =	rddreg [dreg:$0x1b]  }
0x4f2: {  	s16 =	rddreg [dreg:$0x7];
	[sflag:s10] =	ssyncadd.s32 $0xFFFFFE00;
	s12 =	sshrl.u32 s22, $0x3  }
0x4f3: {  	[hbm:s16], [sflag:s1] =	dma.local [spmem:s12], $0x200  }
0x4f4: {  	_ =	swait.ge [sflag:s10], $0x200  }
0x4f5: {  	[sflag:s10] =	ssyncset.done $0x0;
	s12 =	rddreg [dreg:$0x1d]  }
0x4f6: {  	s19 =	rddreg [dreg:$0x8];
	[sflag:s10] =	ssyncadd.s32 $0xFFFFFE00;
	s18 =	sshrl.u32 s12, $0x3  }
0x4f7: {  	[hbm:s19], [sflag:s1] =	dma.local [spmem:s18], $0x200  }
0x4f8: {  	_ =	swait.ge [sflag:s10], $0x200  }
0x4f9: {  	[sflag:s10] =	ssyncset.done $0x0;
	s11 =	rddreg [dreg:$0x1e]  }
0x4fa: {  	s16 =	rddreg [dreg:$0x9];
	[sflag:s10] =	ssyncadd.s32 $0xFFFFFE00;
	s9 =	sshrl.u32 s11, $0x3  }
0x4fb: {  	[hbm:s16], [sflag:s1] =	dma.local [spmem:s9], $0x200  }
0x4fc: {  	_ =	swait.ge [sflag:s10], $0x200  }
0x4fd: {  	s18 =	sld [smem:$0x7DA];
	_ =	sdelay $0x1  }
0x4fe: {  	[sflag:s10] =	ssyncset.done $0x0  }
0x4ff: {  	s19 =	rddreg [dreg:$0xa];
	[sflag:s10] =	ssyncadd.s32 $0xFFFFFE00;
	s0 =	sshrl.u32 s18, $0x3  }
0x500: {  	[hbm:s19], [sflag:s1] =	dma.local [spmem:s0], $0x200  }
0x501: {  	_ =	swait.ge [sflag:s10], $0x200  }
0x502: {  	s9 =	sld [smem:$0x7DB];
	_ =	sdelay $0x1  }
0x503: {  	[sflag:s10] =	ssyncset.done $0x0  }
0x504: {  	s16 =	rddreg [dreg:$0xb];
	[sflag:s10] =	ssyncadd.s32 $0xFFFFFE00;
	s0 =	sshrl.u32 s9, $0x3  }
0x505: {  	[hbm:s16], [sflag:s1] =	dma.local [spmem:s0], $0x200  }
0x506: {  	_ =	swait.ge [sflag:s10], $0x200  }
0x507: {  	s18 =	sld [smem:$0x7DD];
	_ =	sdelay $0x1  }
0x508: {  	[sflag:s10] =	ssyncset.done $0x0  }
0x509: {  	s19 =	rddreg [dreg:$0xc];
	[sflag:s10] =	ssyncadd.s32 $0xFFFFFE00;
	s0 =	sshrl.u32 s18, $0x3  }
0x50a: {  	[hbm:s19], [sflag:s1] =	dma.local [spmem:s0], $0x200  }
0x50b: {  	_ =	swait.ge [sflag:s10], $0x200  }
0x50c: {  	s9 =	sld [smem:$0x7DE];
	_ =	sdelay $0x1  }
0x50d: {  	[sflag:s10] =	ssyncset.done $0x0  }
0x50e: {  	s16 =	rddreg [dreg:$0xd];
	[sflag:s10] =	ssyncadd.s32 $0xFFFFFE00;
	s0 =	sshrl.u32 s9, $0x3  }
0x50f: {  	[hbm:s16], [sflag:s1] =	dma.local [spmem:s0], $0x200  }
0x510: {  	_ =	swait.ge [sflag:s10], $0x200  }
0x511: {  	s18 =	sld [smem:$0x7E0];
	_ =	sdelay $0x1  }
0x512: {  	[sflag:s10] =	ssyncset.done $0x0  }
0x513: {  	s19 =	rddreg [dreg:$0xe];
	[sflag:s10] =	ssyncadd.s32 $0xFFFFFE00;
	s0 =	sshrl.u32 s18, $0x3  }
0x514: {  	[hbm:s19], [sflag:s1] =	dma.local [spmem:s0], $0x200  }
0x515: {  	_ =	swait.ge [sflag:s10], $0x200  }
0x516: {  	s9 =	sld [smem:$0x7E1];
	_ =	sdelay $0x1  }
0x517: {  	[sflag:s10] =	ssyncset.done $0x0  }
0x518: {  	s16 =	rddreg [dreg:$0xf];
	[sflag:s10] =	ssyncadd.s32 $0xFFFFFE00;
	s0 =	sshrl.u32 s9, $0x3  }
0x519: {  	[hbm:s16], [sflag:s1] =	dma.local [spmem:s0], $0x200  }
0x51a: {  	_ =	swait.ge [sflag:s10], $0x200  }
0x51b: {  	s18 =	sld [smem:$0x7E3];
	_ =	sdelay $0x1  }
0x51c: {  	[sflag:s10] =	ssyncset.done $0x0  }
0x51d: {  	s19 =	rddreg [dreg:$0x10];
	[sflag:s10] =	ssyncadd.s32 $0xFFFFFE00;
	s0 =	sshrl.u32 s18, $0x3  }
0x51e: {  	[hbm:s19], [sflag:s1] =	dma.local [spmem:s0], $0x200  }
0x51f: {  	_ =	swait.ge [sflag:s10], $0x200  }
0x520: {  	s9 =	sld [smem:$0x7E4];
	_ =	sdelay $0x1  }
0x521: {  	[sflag:s10] =	ssyncset.done $0x0  }
0x522: {  	s16 =	rddreg [dreg:$0x11];
	[sflag:s10] =	ssyncadd.s32 $0xFFFFFE00;
	s0 =	sshrl.u32 s9, $0x3  }
0x523: {  	[hbm:s16], [sflag:s1] =	dma.local [spmem:s0], $0x200  }
0x524: {  	_ =	swait.ge [sflag:s10], $0x200  }
0x525: {  	s18 =	sld [smem:$0x7E6];
	_ =	sdelay $0x1  }
0x526: {  	[sflag:s10] =	ssyncset.done $0x0  }
0x527: {  	s19 =	rddreg [dreg:$0x12];
	[sflag:s10] =	ssyncadd.s32 $0xFFFFFE00;
	s0 =	sshrl.u32 s18, $0x3  }
0x528: {  	[hbm:s19], [sflag:s1] =	dma.local [spmem:s0], $0x200  }
0x529: {  	_ =	swait.ge [sflag:s10], $0x200  }
0x52a: {  	s9 =	sld [smem:$0x7E7];
	_ =	sdelay $0x1  }
0x52b: {  	[sflag:s10] =	ssyncset.done $0x0  }
0x52c: {  	s16 =	rddreg [dreg:$0x13];
	[sflag:s10] =	ssyncadd.s32 $0xFFFFFE00;
	s0 =	sshrl.u32 s9, $0x3  }
0x52d: {  	[hbm:s16], [sflag:s1] =	dma.local [spmem:s0], $0x200  }
0x52e: {  	_ =	swait.ge [sflag:s10], $0x200  }
0x52f: {  	s18 =	sld [smem:$0x7E9];
	_ =	sdelay $0x1  }
0x530: {  	[sflag:s10] =	ssyncset.done $0x0  }
0x531: {  	s19 =	rddreg [dreg:$0x14];
	[sflag:s10] =	ssyncadd.s32 $0xFFFFFE00;
	s0 =	sshrl.u32 s18, $0x3  }
0x532: {  	[hbm:s19], [sflag:s1] =	dma.local [spmem:s0], $0x200  }
0x533: {  	_ =	swait.ge [sflag:s10], $0x200  }
0x534: {  	s9 =	sld [smem:$0x7EA];
	_ =	sdelay $0x1  }
0x535: {  	[sflag:s10] =	ssyncset.done $0x0  }
0x536: {  	s16 =	rddreg [dreg:$0x15];
	[sflag:s10] =	ssyncadd.s32 $0xFFFFFE00;
	s0 =	sshrl.u32 s9, $0x3  }
0x537: {  	[hbm:s16], [sflag:s1] =	dma.local [spmem:s0], $0x200  }
0x538: {  	_ =	swait.ge [sflag:s10], $0x200  }
0x539: {  	s18 =	sld [smem:$0x7EC];
	_ =	sdelay $0x1  }
0x53a: {  	[sflag:s10] =	ssyncset.done $0x0  }
0x53b: {  	s19 =	rddreg [dreg:$0x16];
	[sflag:s10] =	ssyncadd.s32 $0xFFFFFE00;
	s0 =	sshrl.u32 s18, $0x3  }
0x53c: {  	[hbm:s19], [sflag:s1] =	dma.local [spmem:s0], $0x200  }
0x53d: {  	_ =	swait.ge [sflag:s10], $0x200  }
0x53e: {  	s9 =	sld [smem:$0x7ED];
	_ =	sdelay $0x1  }
0x53f: {  	[sflag:s10] =	ssyncset.done $0x0  }
0x540: {  	s16 =	rddreg [dreg:$0x17];
	[sflag:s10] =	ssyncadd.s32 $0xFFFFFE00;
	s0 =	sshrl.u32 s9, $0x3  }
0x541: {  	[hbm:s16], [sflag:s1] =	dma.local [spmem:s0], $0x200  }
0x542: {  	_ =	swait.ge [sflag:s10], $0x200  }
0x543: {  	s16 =	sld [smem:$0x7FC];
	_ =	sdelay $0x1  }
0x544: {  	[sflag:s10] =	ssyncset.done $0x0  }
0x545: {  	s19 =	rddreg [dreg:$0x18];
	[sflag:s10] =	ssyncadd.s32 $0xFFFFFE00;
	s18 =	sshrl.u32 s16, $0x3  }
0x546: {  	[hbm:s19], [sflag:s1] =	dma.local [spmem:s18], $0x200  }
0x547: {  	_ =	swait.ge [sflag:s10], $0x200  }
0x548: {  	s18 =	sld [smem:$0x7FD];
	_ =	sdelay $0x1  }
0x549: {  	[sflag:s10] =	ssyncset.done $0x0  }
0x54a: {  	s19 =	rddreg [dreg:$0x19];
	[sflag:s10] =	ssyncadd.s32 $0xFFFFFE00;
	s9 =	sshrl.u32 s18, $0x3  }
0x54b: {  	[hbm:s19], [sflag:s1] =	dma.local [spmem:s9], $0x200  }
0x54c: {  	_ =	swait.ge [sflag:s10], $0x200  }
0x54d: {  	s9 =	sld [smem:$0x7D9]  }
0x54e: {  	s19 =	sld [smem:$0x7F7];
	_ =	sdelay $0x1  }
0x54f: {  	s1 =	sadd.s32 $0x1, s9  }
0x550: {  	p0 =	sne.s32 s1, s19  }
.Ltmp12:
0x551: {  	_ = 	snop;
	(pc) =	sbr.rel @p0 .LBB2_1-.Ltmp12, $3  }
0x552: {  	_ =	sdelay $0x1  }
0x553: {  	[sflag:s10] =	ssyncset.done $0x0  }
0x554: {  	[sflag:s10] =	ssyncadd.s32 $0xFFFFFE00  }
0x555: {  	_ =	sfence.sel $0x180000  }
0x556: {  	[bflag:$0x0] =	sbarrier.arrive $0xFFFF  }
0x557: {  	_ =	strace $0x90000047  }
0x558: {  	s0 =	stileid.u32;
	[bflag:$0x2] =	sbarrier.arrive $0xFFFF  }
0x559: {  	p0 =	sne.s32 s0, $0x0;
	s0 =	rddreg [dreg:$0x5]  }
0x55a: {  	s0 =	sadd.s32 @!p0 $0x100000, s0  }
0x55b: {  	[sflag:s0] =	ssyncadd.tile.s32 @!p0 $0x1;
	_ =	shalt  }
.Lfunc_end2:
_tile_overlayer_lowered:
.L_overlay_start_2:
0x55c: {  	(tag) =	ssettag $0x2  }
0x55d: {  	s0 =	rddreg [dreg:$0x0];
	s2 =	stileid.u32  }
0x55e: {  	s1 =	rddreg [dreg:$0x1];
	p0 =	sne.s32 s2, $0x0  }
0x55f: {  	s3 =	rddreg [dreg:$0x2];
	[bflag:$0x3] =	sbarrier.arrive $0xFFFF;
	s2 =	simm.s32 @!p0 $0x1C0A  }
0x560: {  	[timem:s3], [sflag:s2] =	dma.local @!p0 [hbm:s0], s1  }
0x561: {  	s0 =	simm.s32 @!p0 $0xA  }
0x562: {  	_ =	swait.ge @!p0 [sflag:s0], s1  }
0x563: {  	s1 =	ssub.s32 @!p0 $0x0, s1;
	[sflag:s0] =	ssyncset.done @!p0 $0x0  }
0x564: {  	[sflag:s0] =	ssyncadd.s32 @!p0 s1  }
0x565: {  	[bflag:$0x3] =	sbarrier.arrive $0xFFFF  }
0x566: {  	_ =	shalt  }

</sc_bundles>
